<compile_context>
chip_gen: v7x
topology: tpu7x:2x2x1
jax: 0.10.2.dev20260603
libtpu: 0.0.44.dev20260713+nightly
codegen_flags: <defaults>
</compile_context>

<pallas_src>
import functools

import jax
import jax.numpy as jnp
import numpy as np
from jax import lax
from jax.experimental import pallas as pl
from jax.experimental.pallas import tpu as pltpu
from jax.experimental.pallas import tpu_sc as plsc

B = 16384
V = 100000
D = 64
NCOLS = 45
SECTIONS = [(0, 1), (1, 2), (2, 3), (3, 4), (4, 5), (5, 6), (6, 7), (7, 10),
            (10, 24), (26, 28), (28, 30), (24, 26), (30, 45)]
BN_EPS = 1e-5

NC, NS, L = 2, 16, 16
NW = NC * NS
BPW = B // NW
NB = 256
NCHUNK = BPW // NB
D4 = D // L

_COLS = np.array([j for (s, e) in SECTIONS for j in range(s, e)], np.int32)
_OFFS_BY_COL = np.zeros((NCOLS,), np.int32)
for _i, (_s, _e) in enumerate(SECTIONS):
    _OFFS_BY_COL[_s:_e] = _i * V

_mesh = plsc.VectorSubcoreMesh(core_axis_name="c", subcore_axis_name="s",
                               num_cores=NC, num_subcores=NS)


@functools.partial(
    pl.kernel,
    out_type=jax.ShapeDtypeStruct((B,), jnp.float32),
    mesh=_mesh,
    scratch_types=[
        pltpu.VMEM((NCOLS, NB), jnp.int32),
        pltpu.VMEM((NCOLS, NB), jnp.float32),
        pltpu.VMEM((4, NB), jnp.int32),
        pltpu.VMEM((4, NB), jnp.int32),
        pltpu.VMEM((4, NB, D), jnp.float32),
        pltpu.VMEM((4, NB), jnp.float32),
        pltpu.VMEM((NB * D,), jnp.float32),
        pltpu.VMEM((NB * L,), jnp.float32),
        pltpu.VMEM((NB,), jnp.float32),
        pltpu.VMEM((NCOLS * D,), jnp.float32),
        pltpu.VMEM((NCOLS,), jnp.int32),
        pltpu.VMEM((L,), jnp.float32),
        pltpu.VMEM((NB,), jnp.float32),
        pltpu.SemaphoreType.DMA,
        pltpu.SemaphoreType.DMA,
        pltpu.SemaphoreType.DMA,
        pltpu.SemaphoreType.DMA,
        pltpu.SemaphoreType.DMA,
        pltpu.SemaphoreType.DMA,
        pltpu.SemaphoreType.DMA,
        pltpu.SemaphoreType.DMA,
    ],
    compiler_params=pltpu.CompilerParams(needs_layout_passes=False,
                                         use_tc_tiling_on_sc=False),
)
def _deepfm_sc(xi_hbm, xv_hbm, so_hbm, fo_hbm, w_hbm, offs_hbm, cst_hbm,
               out_hbm,
               xi_c, xv_c, idx_q, fidx_q, rows_q, fov_q,
               S_v, C_v, F_v, w_v, offs_v, cst_v, out_v,
               sem_r0, sem_r1, sem_r2, sem_r3,
               sem_f0, sem_f1, sem_f2, sem_f3):
    wid = lax.axis_index("s") * NC + lax.axis_index("c")
    pltpu.sync_copy(w_hbm, w_v)
    pltpu.sync_copy(offs_hbm, offs_v)
    pltpu.sync_copy(cst_hbm, cst_v)
    iota = lax.iota(jnp.int32, L)
    zero16 = jnp.zeros((L,), jnp.float32)

    bufs = tuple(
        (idx_q.at[q], fidx_q.at[q], rows_q.at[q], fov_q.at[q], sr, sf)
        for q, (sr, sf) in enumerate(
            ((sem_r0, sem_f0), (sem_r1, sem_f1),
             (sem_r2, sem_f2), (sem_r3, sem_f3))))

    def build_issue(p, buf):
        idx_v, fidx_v, rows_v, fov_v, sem_r, sem_f = buf
        p16 = jnp.full((L,), p, jnp.int32)
        offp = plsc.load_gather(offs_v, [p16])

        @plsc.parallel_loop(0, NB // L)
        def _(t):
            l16 = t * L + iota
            xi16 = plsc.load_gather(xi_c, [p16, l16]) + offp
            fidx_v[pl.ds(t * L, L)] = xi16
            idx_v[pl.ds(t * L, L)] = xi16 * 2
        pltpu.async_copy(so_hbm.at[idx_v], rows_v, sem_r)
        pltpu.async_copy(fo_hbm.at[fidx_v], fov_v, sem_f)

    def compute(p, buf):
        idx_v, fidx_v, rows_v, fov_v, sem_r, sem_f = buf
        pltpu.make_async_copy(so_hbm.at[idx_v], rows_v, sem_r).wait()
        pltpu.make_async_copy(fo_hbm.at[fidx_v], fov_v, sem_f).wait()
        p16 = jnp.full((L,), p, jnp.int32)

        @plsc.parallel_loop(0, NB // L)
        def _(t):
            fo16 = fov_v[pl.ds(t * L, L)]
            xv16 = plsc.load_gather(xv_c, [p16, t * L + iota])
            plsc.addupdate(F_v.at[pl.ds(t * L, L)], fo16 * xv16)

        w0 = w_v[pl.ds(p * D + 0 * L, L)]
        w1 = w_v[pl.ds(p * D + 1 * L, L)]
        w2 = w_v[pl.ds(p * D + 2 * L, L)]
        w3 = w_v[pl.ds(p * D + 3 * L, L)]
        ws = (w0, w1, w2, w3)

        @plsc.parallel_loop(0, NB, unroll=4)
        def _(b):
            vb = plsc.load_gather(xv_c, [p16, jnp.full((L,), b, jnp.int32)])
            cacc = zero16
            for d4 in range(D4):
                r = rows_v[b, pl.ds(d4 * L, L)]
                e = r * vb
                plsc.addupdate(S_v.at[pl.ds(b * D + d4 * L, L)], e)
                cacc = cacc + e * (ws[d4] - 0.5 * e)
            plsc.addupdate(C_v.at[pl.ds(b * L, L)], cacc)

    def chunk_body(c, _):
        base = wid * BPW + c * NB
        pltpu.sync_copy(xi_hbm.at[:, pl.ds(base, NB)], xi_c)
        pltpu.sync_copy(xv_hbm.at[:, pl.ds(base, NB)], xv_c)

        @plsc.parallel_loop(0, NB * D // L)
        def _(t):
            S_v[pl.ds(t * L, L)] = zero16

        @plsc.parallel_loop(0, NB * L // L)
        def _(t):
            C_v[pl.ds(t * L, L)] = zero16

        @plsc.parallel_loop(0, NB // L)
        def _(t):
            F_v[pl.ds(t * L, L)] = zero16

        def quad_body(k, _):
            for q in range(4):
                build_issue(4 * k + q, bufs[q])
            for q in range(4):
                compute(4 * k + q, bufs[q])
            return 0
        lax.fori_loop(0, NCOLS // 4, quad_body, 0)
        build_issue(NCOLS - 1, bufs[0])
        compute(NCOLS - 1, bufs[0])

        def fin_body(t, _):
            l16 = t * L + iota
            a = zero16
            for d in range(D):
                sd = plsc.load_gather(S_v, [l16 * D + d])
                a = a + sd * sd
            csum = zero16
            for k in range(L):
                ck = plsc.load_gather(C_v, [l16 * L + k])
                csum = csum + ck
            f16 = F_v[pl.ds(t * L, L)]
            out_v[pl.ds(t * L, L)] = f16 + 0.5 * a + csum + cst_v[...]
            return 0
        lax.fori_loop(0, NB // L, fin_body, 0)
        pltpu.sync_copy(out_v, out_hbm.at[pl.ds(base, NB)])
        return 0
    lax.fori_loop(0, NCHUNK, chunk_body, 0)


def kernel(Xi, Xv, fo_tables, so_tables, W1, b1, gamma1, beta1,
           W2, b2, gamma2, beta2, bias):
    a1 = 1.0 / jnp.sqrt(jnp.float32(1.0) + jnp.float32(BN_EPS))
    g2 = a1 * gamma2
    u = W2 @ g2
    g = a1 * gamma1 * u
    w_fold = W1 @ g
    cst = b1 @ g + beta1 @ u + b2 @ g2 + jnp.sum(beta2) + bias[0]
    cst_vec = jnp.full((L,), cst, jnp.float32)

    w_cols = w_fold.reshape(NCOLS, D)[np.argsort(_COLS)].reshape(NCOLS * D)
    offs = jnp.asarray(_OFFS_BY_COL)
    pad_id = jnp.asarray(np.concatenate(
        [np.eye(D, dtype=np.float32), np.zeros((D, D), np.float32)], axis=1))
    so_flat = jnp.einsum('fvd,dc->fvc', so_tables,
                         pad_id).reshape(2 * len(SECTIONS) * V, D)
    fo_flat = fo_tables.reshape(len(SECTIONS) * V)
    return _deepfm_sc(Xi.T, Xv.T, so_flat, fo_flat, w_cols, offs, cst_vec)

# --- scband reference (transcript-rebuilt; emitter-appended) ---
"""Pipeline reference for scband-deep-fm-53180285059513 (READ-ONLY COPY).

The authoritative reference and input builder live on the scoring server;
editing this copy changes nothing except your own understanding.
"""

import jax, jax.numpy as jnp
import numpy as np

B = 16384
V = 100000
D = 64
NFIELDS = 13
NCOLS = 45
HID = [32, 32]
SECTIONS = [(0, 1), (1, 2), (2, 3), (3, 4), (4, 5), (5, 6), (6, 7), (7, 10), (10, 24), (26, 28), (28, 30), (24, 26), (30, 45)]
BN_EPS = 1e-5


def setup_inputs(seed: int = 0) -> dict:
    key = jax.random.key(seed)
    ks = jax.random.split(key, 12)
    Xi = jax.random.randint(ks[0], (B, NCOLS), 0, V, dtype=jnp.int32)
    Xv = jax.random.uniform(ks[1], (B, NCOLS), dtype=jnp.float32)
    fo_tables = jax.random.normal(ks[2], (NFIELDS, V, 1), dtype=jnp.float32) * 0.02
    so_tables = jax.random.normal(ks[3], (NFIELDS, V, D), dtype=jnp.float32) * 0.02
    d_in = NCOLS * D
    W1 = jax.random.normal(ks[4], (d_in, HID[0]), dtype=jnp.float32) * (1.0 / np.sqrt(d_in))
    b1 = jnp.zeros((HID[0],), dtype=jnp.float32)
    gamma1 = jnp.ones((HID[0],), dtype=jnp.float32)
    beta1 = jnp.zeros((HID[0],), dtype=jnp.float32)
    W2 = jax.random.normal(ks[5], (HID[0], HID[1]), dtype=jnp.float32) * (1.0 / np.sqrt(HID[0]))
    b2 = jnp.zeros((HID[1],), dtype=jnp.float32)
    gamma2 = jnp.ones((HID[1],), dtype=jnp.float32)
    beta2 = jnp.zeros((HID[1],), dtype=jnp.float32)
    bias = jax.random.normal(ks[6], (1,), dtype=jnp.float32)
    return {
        'Xi': Xi, 'Xv': Xv,
        'fo_tables': fo_tables, 'so_tables': so_tables,
        'W1': W1, 'b1': b1, 'gamma1': gamma1, 'beta1': beta1,
        'W2': W2, 'b2': b2, 'gamma2': gamma2, 'beta2': beta2,
        'bias': bias,
    }


def _batchnorm_eval(x, gamma, beta):
    # eval-mode BN with default running stats (mean=0, var=1)
    return (x - 0.0) / jnp.sqrt(1.0 + BN_EPS) * gamma + beta


def reference(Xi, Xv, fo_tables, so_tables, W1, b1, gamma1, beta1, W2, b2, gamma2, beta2, bias):
    first_arr = []
    second_arr = []
    for i, (s, e) in enumerate(SECTIONS):
        for j in range(s, e):
            idx = Xi[:, j]
            v = Xv[:, j][:, None]
            f = jnp.take(fo_tables[i], idx, axis=0)  # [B, 1]
            first_arr.append(f * v)
            so = jnp.take(so_tables[i], idx, axis=0)  # [B, D]
            second_arr.append(so * v)
    fm_first_order = jnp.concatenate(first_arr, axis=1)  # [B, 45]
    fm_sum_second = jnp.sum(jnp.stack(second_arr, axis=0), axis=0)  # [B, D]
    fm_sum_second_sq = fm_sum_second * fm_sum_second
    fm_second_sq_sum = jnp.sum(jnp.stack([t * t for t in second_arr], axis=0), axis=0)
    fm_second_order = (fm_sum_second_sq - fm_second_sq_sum) * 0.5  # [B, D]
    deep_emb = jnp.concatenate(second_arr, axis=1)  # [B, 45*D]
    h = deep_emb @ W1 + b1
    h = _batchnorm_eval(h, gamma1, beta1)
    h = h @ W2 + b2
    h = _batchnorm_eval(h, gamma2, beta2)
    total = jnp.sum(fm_first_order, axis=1) + jnp.sum(fm_second_order, axis=1) + jnp.sum(h, axis=1) + bias
    return total

if __name__ == "__main__":
    import jax
    _d = setup_inputs()
    print(jax.jit(kernel)(*tuple(_d.values())))

</pallas_src>

<mosaic_0001>
#map = affine_map<(d0, d1) -> (0, 0)>
#map1 = affine_map<(d0, d1) -> (0)>
module attributes {stable_mosaic.version = 14 : i64} {
  func.func @_deepfm_sc(%arg0: i32, %arg1: i32, %arg2: memref<45x16384xi32, #tpu.memory_space<hbm>>, %arg3: memref<45x16384xf32, #tpu.memory_space<hbm>>, %arg4: memref<2600000x64xf32, #tpu.memory_space<hbm>>, %arg5: memref<1300000xf32, #tpu.memory_space<hbm>>, %arg6: memref<2880xf32, #tpu.memory_space<hbm>>, %arg7: memref<45xi32, #tpu.memory_space<hbm>>, %arg8: memref<16xf32, #tpu.memory_space<hbm>>, %arg9: memref<16384xf32, #tpu.memory_space<hbm>>, %arg10: memref<45x256xi32, #tpu.memory_space<vmem>>, %arg11: memref<45x256xf32, #tpu.memory_space<vmem>>, %arg12: memref<4x256xi32, #tpu.memory_space<vmem>>, %arg13: memref<4x256xi32, #tpu.memory_space<vmem>>, %arg14: memref<4x256x64xf32, #tpu.memory_space<vmem>>, %arg15: memref<4x256xf32, #tpu.memory_space<vmem>>, %arg16: memref<16384xf32, #tpu.memory_space<vmem>>, %arg17: memref<4096xf32, #tpu.memory_space<vmem>>, %arg18: memref<256xf32, #tpu.memory_space<vmem>>, %arg19: memref<2880xf32, #tpu.memory_space<vmem>>, %arg20: memref<45xi32, #tpu.memory_space<vmem>>, %arg21: memref<16xf32, #tpu.memory_space<vmem>>, %arg22: memref<256xf32, #tpu.memory_space<vmem>>, %arg23: memref<!tpu.dma_semaphore, #tpu.memory_space<semaphore_mem>>, %arg24: memref<!tpu.dma_semaphore, #tpu.memory_space<semaphore_mem>>, %arg25: memref<!tpu.dma_semaphore, #tpu.memory_space<semaphore_mem>>, %arg26: memref<!tpu.dma_semaphore, #tpu.memory_space<semaphore_mem>>, %arg27: memref<!tpu.dma_semaphore, #tpu.memory_space<semaphore_mem>>, %arg28: memref<!tpu.dma_semaphore, #tpu.memory_space<semaphore_mem>>, %arg29: memref<!tpu.dma_semaphore, #tpu.memory_space<semaphore_mem>>, %arg30: memref<!tpu.dma_semaphore, #tpu.memory_space<semaphore_mem>>) attributes {dimension_semantics = [#tpu.dimension_semantics<core_parallel>, #tpu.dimension_semantics<subcore_parallel>], iteration_bounds = array<i64: 2, 16>, scalar_prefetch = 0 : i64, scratch_operands = 21 : i64, tpu.core_type = #tpu.core_type<sc_vector_subcore>, window_params = [{transform_indices = #map}, {transform_indices = #map}, {transform_indices = #map}, {transform_indices = #map1}, {transform_indices = #map1}, {transform_indices = #map1}, {transform_indices = #map1}, {transform_indices = #map1}]} {
    %mul3A = arith.constant 2 : i32
    %mul3A_0 = arith.muli %arg1, %mul3A : i32
    %add3A = arith.addi %mul3A_0, %arg0 : i32
    "tpu.region"() ({
      %run_scoped3A = tpu.sem_alloc : memref<!tpu.dma_semaphore, #tpu.memory_space<semaphore_mem>>
      tpu.enqueue_dma source(%arg6 : memref<2880xf32, #tpu.memory_space<hbm>>) target(%arg19 : memref<2880xf32, #tpu.memory_space<vmem>>) target_semaphore(%run_scoped3A : memref<!tpu.dma_semaphore, #tpu.memory_space<semaphore_mem>>)
      tpu.wait_dma2 semaphore(%run_scoped3A : memref<!tpu.dma_semaphore, #tpu.memory_space<semaphore_mem>>) src(%arg6 : memref<2880xf32, #tpu.memory_space<hbm>>) dst(%arg19 : memref<2880xf32, #tpu.memory_space<vmem>>)
      tpu.yield
    }) : () -> ()
    "tpu.region"() ({
      %run_scoped3A = tpu.sem_alloc : memref<!tpu.dma_semaphore, #tpu.memory_space<semaphore_mem>>
      tpu.enqueue_dma source(%arg7 : memref<45xi32, #tpu.memory_space<hbm>>) target(%arg20 : memref<45xi32, #tpu.memory_space<vmem>>) target_semaphore(%run_scoped3A : memref<!tpu.dma_semaphore, #tpu.memory_space<semaphore_mem>>)
      tpu.wait_dma2 semaphore(%run_scoped3A : memref<!tpu.dma_semaphore, #tpu.memory_space<semaphore_mem>>) src(%arg7 : memref<45xi32, #tpu.memory_space<hbm>>) dst(%arg20 : memref<45xi32, #tpu.memory_space<vmem>>)
      tpu.yield
    }) : () -> ()
    "tpu.region"() ({
      %run_scoped3A = tpu.sem_alloc : memref<!tpu.dma_semaphore, #tpu.memory_space<semaphore_mem>>
      tpu.enqueue_dma source(%arg8 : memref<16xf32, #tpu.memory_space<hbm>>) target(%arg21 : memref<16xf32, #tpu.memory_space<vmem>>) target_semaphore(%run_scoped3A : memref<!tpu.dma_semaphore, #tpu.memory_space<semaphore_mem>>)
      tpu.wait_dma2 semaphore(%run_scoped3A : memref<!tpu.dma_semaphore, #tpu.memory_space<semaphore_mem>>) src(%arg8 : memref<16xf32, #tpu.memory_space<hbm>>) dst(%arg21 : memref<16xf32, #tpu.memory_space<vmem>>)
      tpu.yield
    }) : () -> ()
    %iota3A = tpu.iota {dimensions = array<i32: 0>} : vector<16xi32>
    %broadcast_in_dim3A = arith.constant 0.000000e+00 : f32
    %broadcast_in_dim3A_1 = vector.broadcast %broadcast_in_dim3A : f32 to vector<16xf32>
    %scan3A = arith.constant 0 : i32
    %scan3A_2 = arith.constant 0 : i32
    %scan3A_3 = arith.constant 0 : i32
    %scan3A_4 = arith.constant 0 : i32
    %scan3A_5 = arith.constant 1 : i32
    %scan3A_6 = arith.constant 1 : i32
    %scan3A_7 = arith.constant 1 : i32
    %scan3A_8 = arith.constant 1 : i32
    %scan3A_9 = arith.constant 2 : i32
    %scan3A_10 = arith.constant 2 : i32
    %scan3A_11 = arith.constant 2 : i32
    %scan3A_12 = arith.constant 2 : i32
    %scan3A_13 = arith.constant 3 : i32
    %scan3A_14 = arith.constant 3 : i32
    %scan3A_15 = arith.constant 3 : i32
    %scan3A_16 = arith.constant 3 : i32
    %scan3A_17 = arith.constant 0 : i32
    %scan3A_18 = arith.constant 0 : i32
    %scan3A_19 = arith.constant 2 : i32
    %scan3A_20 = arith.addi %scan3A_18, %scan3A_19 : i32
    %scan3A_21 = arith.constant 1 : i32
    %scan3A_22 = scf.for %scan3A_24 = %scan3A_18 to %scan3A_20 step %scan3A_21 iter_args(%scan3A_25 = %scan3A_17) -> (i32)  : i32 {
      %mul3A_26 = arith.constant 512 : i32
      %mul3A_27 = arith.muli %add3A, %mul3A_26 : i32
      %mul3A_28 = arith.constant 256 : i32
      %mul3A_29 = arith.muli %scan3A_24, %mul3A_28 : i32
      %add3A_30 = arith.addi %mul3A_27, %mul3A_29 : i32
      "tpu.region"() ({
        %run_scoped3A = tpu.sem_alloc : memref<!tpu.dma_semaphore, #tpu.memory_space<semaphore_mem>>
        %dma_start3A_108 = arith.constant 0 : i32
        %dma_start3A_109 = tpu.memref_slice %arg2[%dma_start3A_108, %add3A_30] : memref<45x16384xi32, #tpu.memory_space<hbm>> -> memref<45x256xi32, #tpu.memory_space<hbm>>
        %dma_start3A_110 = arith.constant 0 : i32
        %dma_start3A_111 = tpu.memref_slice %arg2[%dma_start3A_110, %add3A_30] : memref<45x16384xi32, #tpu.memory_space<hbm>> -> memref<45x256xi32, #tpu.memory_space<hbm>>
        tpu.enqueue_dma source(%dma_start3A_111 : memref<45x256xi32, #tpu.memory_space<hbm>>) target(%arg10 : memref<45x256xi32, #tpu.memory_space<vmem>>) target_semaphore(%run_scoped3A : memref<!tpu.dma_semaphore, #tpu.memory_space<semaphore_mem>>)
        %dma_wait3A_112 = arith.constant 0 : i32
        %dma_wait3A_113 = tpu.memref_slice %arg2[%dma_wait3A_112, %add3A_30] : memref<45x16384xi32, #tpu.memory_space<hbm>> -> memref<45x256xi32, #tpu.memory_space<hbm>>
        %dma_wait3A_114 = arith.constant 0 : i32
        %dma_wait3A_115 = tpu.memref_slice %arg2[%dma_wait3A_114, %add3A_30] : memref<45x16384xi32, #tpu.memory_space<hbm>> -> memref<45x256xi32, #tpu.memory_space<hbm>>
        tpu.wait_dma2 semaphore(%run_scoped3A : memref<!tpu.dma_semaphore, #tpu.memory_space<semaphore_mem>>) src(%dma_wait3A_115 : memref<45x256xi32, #tpu.memory_space<hbm>>) dst(%arg10 : memref<45x256xi32, #tpu.memory_space<vmem>>)
        tpu.yield
      }) : () -> ()
      "tpu.region"() ({
        %run_scoped3A = tpu.sem_alloc : memref<!tpu.dma_semaphore, #tpu.memory_space<semaphore_mem>>
        %dma_start3A_108 = arith.constant 0 : i32
        %dma_start3A_109 = tpu.memref_slice %arg3[%dma_start3A_108, %add3A_30] : memref<45x16384xf32, #tpu.memory_space<hbm>> -> memref<45x256xf32, #tpu.memory_space<hbm>>
        %dma_start3A_110 = arith.constant 0 : i32
        %dma_start3A_111 = tpu.memref_slice %arg3[%dma_start3A_110, %add3A_30] : memref<45x16384xf32, #tpu.memory_space<hbm>> -> memref<45x256xf32, #tpu.memory_space<hbm>>
        tpu.enqueue_dma source(%dma_start3A_111 : memref<45x256xf32, #tpu.memory_space<hbm>>) target(%arg11 : memref<45x256xf32, #tpu.memory_space<vmem>>) target_semaphore(%run_scoped3A : memref<!tpu.dma_semaphore, #tpu.memory_space<semaphore_mem>>)
        %dma_wait3A_112 = arith.constant 0 : i32
        %dma_wait3A_113 = tpu.memref_slice %arg3[%dma_wait3A_112, %add3A_30] : memref<45x16384xf32, #tpu.memory_space<hbm>> -> memref<45x256xf32, #tpu.memory_space<hbm>>
        %dma_wait3A_114 = arith.constant 0 : i32
        %dma_wait3A_115 = tpu.memref_slice %arg3[%dma_wait3A_114, %add3A_30] : memref<45x16384xf32, #tpu.memory_space<hbm>> -> memref<45x256xf32, #tpu.memory_space<hbm>>
        tpu.wait_dma2 semaphore(%run_scoped3A : memref<!tpu.dma_semaphore, #tpu.memory_space<semaphore_mem>>) src(%dma_wait3A_115 : memref<45x256xf32, #tpu.memory_space<hbm>>) dst(%arg11 : memref<45x256xf32, #tpu.memory_space<vmem>>)
        tpu.yield
      }) : () -> ()
      %parallel_loop3A = arith.constant 0 : i32
      %parallel_loop3A_31 = arith.constant 1024 : i32
      %parallel_loop3A_32 = arith.constant 1 : i32
      scf.for %parallel_loop3A_108 = %parallel_loop3A to %parallel_loop3A_31 step %parallel_loop3A_32  : i32 {
        %parallel_loop3A_109 = arith.constant 16 : i32
        %parallel_loop3A_110 = arith.muli %parallel_loop3A_108, %parallel_loop3A_109 : i32
        %parallel_loop3A_111 = arith.index_cast %parallel_loop3A_110 : i32 to index
        %parallel_loop3A_112 = tpu.vector_load %arg16[%parallel_loop3A_111] {strides = array<i32>} : memref<16384xf32, #tpu.memory_space<vmem>>, vector<16xf32>,
        tpu.vector_store %arg16[%parallel_loop3A_111], %broadcast_in_dim3A_1 {strides = array<i32>} : memref<16384xf32, #tpu.memory_space<vmem>>, vector<16xf32>,
      } {sc.loop_unroll_factor = 1 : i64, sc.parallel_access}
      %parallel_loop3A_33 = arith.constant 0 : i32
      %parallel_loop3A_34 = arith.constant 256 : i32
      %parallel_loop3A_35 = arith.constant 1 : i32
      scf.for %parallel_loop3A_108 = %parallel_loop3A_33 to %parallel_loop3A_34 step %parallel_loop3A_35  : i32 {
        %parallel_loop3A_109 = arith.constant 16 : i32
        %parallel_loop3A_110 = arith.muli %parallel_loop3A_108, %parallel_loop3A_109 : i32
        %parallel_loop3A_111 = arith.index_cast %parallel_loop3A_110 : i32 to index
        %parallel_loop3A_112 = tpu.vector_load %arg17[%parallel_loop3A_111] {strides = array<i32>} : memref<4096xf32, #tpu.memory_space<vmem>>, vector<16xf32>,
        tpu.vector_store %arg17[%parallel_loop3A_111], %broadcast_in_dim3A_1 {strides = array<i32>} : memref<4096xf32, #tpu.memory_space<vmem>>, vector<16xf32>,
      } {sc.loop_unroll_factor = 1 : i64, sc.parallel_access}
      %parallel_loop3A_36 = arith.constant 0 : i32
      %parallel_loop3A_37 = arith.constant 16 : i32
      %parallel_loop3A_38 = arith.constant 1 : i32
      scf.for %parallel_loop3A_108 = %parallel_loop3A_36 to %parallel_loop3A_37 step %parallel_loop3A_38  : i32 {
        %parallel_loop3A_109 = arith.constant 16 : i32
        %parallel_loop3A_110 = arith.muli %parallel_loop3A_108, %parallel_loop3A_109 : i32
        %parallel_loop3A_111 = arith.index_cast %parallel_loop3A_110 : i32 to index
        %parallel_loop3A_112 = tpu.vector_load %arg18[%parallel_loop3A_111] {strides = array<i32>} : memref<256xf32, #tpu.memory_space<vmem>>, vector<16xf32>,
        tpu.vector_store %arg18[%parallel_loop3A_111], %broadcast_in_dim3A_1 {strides = array<i32>} : memref<256xf32, #tpu.memory_space<vmem>>, vector<16xf32>,
      } {sc.loop_unroll_factor = 1 : i64, sc.parallel_access}
      %scan3A_39 = arith.constant 0 : i32
      %scan3A_40 = arith.constant 0 : i32
      %scan3A_41 = arith.constant 11 : i32
      %scan3A_42 = arith.addi %scan3A_40, %scan3A_41 : i32
      %scan3A_43 = arith.constant 1 : i32
      %scan3A_44 = scf.for %scan3A_108 = %scan3A_40 to %scan3A_42 step %scan3A_43 iter_args(%scan3A_109 = %scan3A_39) -> (i32)  : i32 {
        %mul3A_110 = arith.constant 4 : i32
        %mul3A_111 = arith.muli %mul3A_110, %scan3A_108 : i32
        %add3A_112 = arith.constant 0 : i32
        %add3A_113 = arith.addi %mul3A_111, %add3A_112 : i32
        %broadcast_in_dim3A_114 = vector.broadcast %add3A_113 : i32 to vector<16xi32>
        %gather3A_115 = tpu.vector_load_idx %arg20[%broadcast_in_dim3A_114] : memref<45xi32, #tpu.memory_space<vmem>>[vector<16xi32>], vector<16xi32>,
        %parallel_loop3A_116 = arith.constant 0 : i32
        %parallel_loop3A_117 = arith.constant 16 : i32
        %parallel_loop3A_118 = arith.constant 1 : i32
        scf.for %parallel_loop3A_431 = %parallel_loop3A_116 to %parallel_loop3A_117 step %parallel_loop3A_118  : i32 {
          %parallel_loop3A_432 = arith.constant 16 : i32
          %parallel_loop3A_433 = arith.muli %parallel_loop3A_431, %parallel_loop3A_432 : i32
          %parallel_loop3A_434 = vector.broadcast %parallel_loop3A_433 : i32 to vector<16xi32>
          %parallel_loop3A_435 = arith.addi %parallel_loop3A_434, %iota3A : vector<16xi32>
          %parallel_loop3A_436 = tpu.vector_load_idx %arg10[%broadcast_in_dim3A_114, %parallel_loop3A_435] : memref<45x256xi32, #tpu.memory_space<vmem>>[vector<16xi32>, vector<16xi32>], vector<16xi32>,
          %parallel_loop3A_437 = arith.addi %parallel_loop3A_436, %gather3A_115 : vector<16xi32>
          %parallel_loop3A_438 = arith.constant 16 : i32
          %parallel_loop3A_439 = arith.muli %parallel_loop3A_431, %parallel_loop3A_438 : i32
          %parallel_loop3A_440 = arith.constant 0 : i32
          %parallel_loop3A_441 = tpu.memref_slice %arg13[%scan3A, %parallel_loop3A_440] : memref<4x256xi32, #tpu.memory_space<vmem>> -> memref<1x256xi32, #tpu.memory_space<vmem>>
          %parallel_loop3A_442 = tpu.memref_squeeze %parallel_loop3A_441 : memref<1x256xi32, #tpu.memory_space<vmem>> -> memref<256xi32, #tpu.memory_space<vmem>>
          %parallel_loop3A_443 = arith.index_cast %parallel_loop3A_439 : i32 to index
          %parallel_loop3A_444 = tpu.vector_load %parallel_loop3A_442[%parallel_loop3A_443] {strides = array<i32>} : memref<256xi32, #tpu.memory_space<vmem>>, vector<16xi32>,
          tpu.vector_store %parallel_loop3A_442[%parallel_loop3A_443], %parallel_loop3A_437 {strides = array<i32>} : memref<256xi32, #tpu.memory_space<vmem>>, vector<16xi32>,
          %parallel_loop3A_445 = arith.constant 2 : i32
          %parallel_loop3A_446 = vector.broadcast %parallel_loop3A_445 : i32 to vector<16xi32>
          %parallel_loop3A_447 = arith.muli %parallel_loop3A_437, %parallel_loop3A_446 : vector<16xi32>
          %parallel_loop3A_448 = arith.constant 16 : i32
          %parallel_loop3A_449 = arith.muli %parallel_loop3A_431, %parallel_loop3A_448 : i32
          %parallel_loop3A_450 = arith.constant 0 : i32
          %parallel_loop3A_451 = tpu.memref_slice %arg12[%scan3A_2, %parallel_loop3A_450] : memref<4x256xi32, #tpu.memory_space<vmem>> -> memref<1x256xi32, #tpu.memory_space<vmem>>
          %parallel_loop3A_452 = tpu.memref_squeeze %parallel_loop3A_451 : memref<1x256xi32, #tpu.memory_space<vmem>> -> memref<256xi32, #tpu.memory_space<vmem>>
          %parallel_loop3A_453 = arith.index_cast %parallel_loop3A_449 : i32 to index
          %parallel_loop3A_454 = tpu.vector_load %parallel_loop3A_452[%parallel_loop3A_453] {strides = array<i32>} : memref<256xi32, #tpu.memory_space<vmem>>, vector<16xi32>,
          tpu.vector_store %parallel_loop3A_452[%parallel_loop3A_453], %parallel_loop3A_447 {strides = array<i32>} : memref<256xi32, #tpu.memory_space<vmem>>, vector<16xi32>,
        } {sc.loop_unroll_factor = 1 : i64, sc.parallel_access}
        %dma_start3A_119 = arith.constant 0 : i32
        %dma_start3A_120 = arith.constant 0 : i32
        %dma_start3A_121 = tpu.memref_slice %arg14[%scan3A_3, %dma_start3A_119, %dma_start3A_120] : memref<4x256x64xf32, #tpu.memory_space<vmem>> -> memref<1x256x64xf32, #tpu.memory_space<vmem>>
        %dma_start3A_122 = tpu.memref_squeeze %dma_start3A_121 : memref<1x256x64xf32, #tpu.memory_space<vmem>> -> memref<256x64xf32, #tpu.memory_space<vmem>>
        %dma_start3A_123 = arith.constant 0 : i32
        %dma_start3A_124 = tpu.memref_slice %arg12[%scan3A_2, %dma_start3A_123] : memref<4x256xi32, #tpu.memory_space<vmem>> -> memref<1x256xi32, #tpu.memory_space<vmem>>
        %dma_start3A_125 = tpu.memref_squeeze %dma_start3A_124 : memref<1x256xi32, #tpu.memory_space<vmem>> -> memref<256xi32, #tpu.memory_space<vmem>>
        %dma_start3A_126 = arith.constant 0 : i32
        %dma_start3A_127 = arith.constant 0 : i32
        %dma_start3A_128 = tpu.memref_slice %arg4[%dma_start3A_126, %dma_start3A_127] : memref<2600000x64xf32, #tpu.memory_space<hbm>> -> memref<2600000x64xf32, #tpu.memory_space<hbm>>
        tpu.enqueue_indirect_dma source(%dma_start3A_128 : memref<2600000x64xf32, #tpu.memory_space<hbm>>) target(%dma_start3A_122 : memref<256x64xf32, #tpu.memory_space<vmem>>) offsets(%dma_start3A_125 : memref<256xi32, #tpu.memory_space<vmem>>) semaphore(%arg23 : memref<!tpu.dma_semaphore, #tpu.memory_space<semaphore_mem>>)
        %dma_start3A_129 = arith.constant 0 : i32
        %dma_start3A_130 = tpu.memref_slice %arg15[%scan3A_4, %dma_start3A_129] : memref<4x256xf32, #tpu.memory_space<vmem>> -> memref<1x256xf32, #tpu.memory_space<vmem>>
        %dma_start3A_131 = tpu.memref_squeeze %dma_start3A_130 : memref<1x256xf32, #tpu.memory_space<vmem>> -> memref<256xf32, #tpu.memory_space<vmem>>
        %dma_start3A_132 = arith.constant 0 : i32
        %dma_start3A_133 = tpu.memref_slice %arg13[%scan3A, %dma_start3A_132] : memref<4x256xi32, #tpu.memory_space<vmem>> -> memref<1x256xi32, #tpu.memory_space<vmem>>
        %dma_start3A_134 = tpu.memref_squeeze %dma_start3A_133 : memref<1x256xi32, #tpu.memory_space<vmem>> -> memref<256xi32, #tpu.memory_space<vmem>>
        %dma_start3A_135 = arith.constant 0 : i32
        %dma_start3A_136 = tpu.memref_slice %arg5[%dma_start3A_135] : memref<1300000xf32, #tpu.memory_space<hbm>> -> memref<1300000xf32, #tpu.memory_space<hbm>>
        tpu.enqueue_indirect_dma source(%dma_start3A_136 : memref<1300000xf32, #tpu.memory_space<hbm>>) target(%dma_start3A_131 : memref<256xf32, #tpu.memory_space<vmem>>) offsets(%dma_start3A_134 : memref<256xi32, #tpu.memory_space<vmem>>) semaphore(%arg27 : memref<!tpu.dma_semaphore, #tpu.memory_space<semaphore_mem>>)
        %mul3A_137 = arith.constant 4 : i32
        %mul3A_138 = arith.muli %mul3A_137, %scan3A_108 : i32
        %add3A_139 = arith.constant 1 : i32
        %add3A_140 = arith.addi %mul3A_138, %add3A_139 : i32
        %broadcast_in_dim3A_141 = vector.broadcast %add3A_140 : i32 to vector<16xi32>
        %gather3A_142 = tpu.vector_load_idx %arg20[%broadcast_in_dim3A_141] : memref<45xi32, #tpu.memory_space<vmem>>[vector<16xi32>], vector<16xi32>,
        %parallel_loop3A_143 = arith.constant 0 : i32
        %parallel_loop3A_144 = arith.constant 16 : i32
        %parallel_loop3A_145 = arith.constant 1 : i32
        scf.for %parallel_loop3A_431 = %parallel_loop3A_143 to %parallel_loop3A_144 step %parallel_loop3A_145  : i32 {
          %parallel_loop3A_432 = arith.constant 16 : i32
          %parallel_loop3A_433 = arith.muli %parallel_loop3A_431, %parallel_loop3A_432 : i32
          %parallel_loop3A_434 = vector.broadcast %parallel_loop3A_433 : i32 to vector<16xi32>
          %parallel_loop3A_435 = arith.addi %parallel_loop3A_434, %iota3A : vector<16xi32>
          %parallel_loop3A_436 = tpu.vector_load_idx %arg10[%broadcast_in_dim3A_141, %parallel_loop3A_435] : memref<45x256xi32, #tpu.memory_space<vmem>>[vector<16xi32>, vector<16xi32>], vector<16xi32>,
          %parallel_loop3A_437 = arith.addi %parallel_loop3A_436, %gather3A_142 : vector<16xi32>
          %parallel_loop3A_438 = arith.constant 16 : i32
          %parallel_loop3A_439 = arith.muli %parallel_loop3A_431, %parallel_loop3A_438 : i32
          %parallel_loop3A_440 = arith.constant 0 : i32
          %parallel_loop3A_441 = tpu.memref_slice %arg13[%scan3A_5, %parallel_loop3A_440] : memref<4x256xi32, #tpu.memory_space<vmem>> -> memref<1x256xi32, #tpu.memory_space<vmem>>
          %parallel_loop3A_442 = tpu.memref_squeeze %parallel_loop3A_441 : memref<1x256xi32, #tpu.memory_space<vmem>> -> memref<256xi32, #tpu.memory_space<vmem>>
          %parallel_loop3A_443 = arith.index_cast %parallel_loop3A_439 : i32 to index
          %parallel_loop3A_444 = tpu.vector_load %parallel_loop3A_442[%parallel_loop3A_443] {strides = array<i32>} : memref<256xi32, #tpu.memory_space<vmem>>, vector<16xi32>,
          tpu.vector_store %parallel_loop3A_442[%parallel_loop3A_443], %parallel_loop3A_437 {strides = array<i32>} : memref<256xi32, #tpu.memory_space<vmem>>, vector<16xi32>,
          %parallel_loop3A_445 = arith.constant 2 : i32
          %parallel_loop3A_446 = vector.broadcast %parallel_loop3A_445 : i32 to vector<16xi32>
          %parallel_loop3A_447 = arith.muli %parallel_loop3A_437, %parallel_loop3A_446 : vector<16xi32>
          %parallel_loop3A_448 = arith.constant 16 : i32
          %parallel_loop3A_449 = arith.muli %parallel_loop3A_431, %parallel_loop3A_448 : i32
          %parallel_loop3A_450 = arith.constant 0 : i32
          %parallel_loop3A_451 = tpu.memref_slice %arg12[%scan3A_6, %parallel_loop3A_450] : memref<4x256xi32, #tpu.memory_space<vmem>> -> memref<1x256xi32, #tpu.memory_space<vmem>>
          %parallel_loop3A_452 = tpu.memref_squeeze %parallel_loop3A_451 : memref<1x256xi32, #tpu.memory_space<vmem>> -> memref<256xi32, #tpu.memory_space<vmem>>
          %parallel_loop3A_453 = arith.index_cast %parallel_loop3A_449 : i32 to index
          %parallel_loop3A_454 = tpu.vector_load %parallel_loop3A_452[%parallel_loop3A_453] {strides = array<i32>} : memref<256xi32, #tpu.memory_space<vmem>>, vector<16xi32>,
          tpu.vector_store %parallel_loop3A_452[%parallel_loop3A_453], %parallel_loop3A_447 {strides = array<i32>} : memref<256xi32, #tpu.memory_space<vmem>>, vector<16xi32>,
        } {sc.loop_unroll_factor = 1 : i64, sc.parallel_access}
        %dma_start3A_146 = arith.constant 0 : i32
        %dma_start3A_147 = arith.constant 0 : i32
        %dma_start3A_148 = tpu.memref_slice %arg14[%scan3A_7, %dma_start3A_146, %dma_start3A_147] : memref<4x256x64xf32, #tpu.memory_space<vmem>> -> memref<1x256x64xf32, #tpu.memory_space<vmem>>
        %dma_start3A_149 = tpu.memref_squeeze %dma_start3A_148 : memref<1x256x64xf32, #tpu.memory_space<vmem>> -> memref<256x64xf32, #tpu.memory_space<vmem>>
        %dma_start3A_150 = arith.constant 0 : i32
        %dma_start3A_151 = tpu.memref_slice %arg12[%scan3A_6, %dma_start3A_150] : memref<4x256xi32, #tpu.memory_space<vmem>> -> memref<1x256xi32, #tpu.memory_space<vmem>>
        %dma_start3A_152 = tpu.memref_squeeze %dma_start3A_151 : memref<1x256xi32, #tpu.memory_space<vmem>> -> memref<256xi32, #tpu.memory_space<vmem>>
        %dma_start3A_153 = arith.constant 0 : i32
        %dma_start3A_154 = arith.constant 0 : i32
        %dma_start3A_155 = tpu.memref_slice %arg4[%dma_start3A_153, %dma_start3A_154] : memref<2600000x64xf32, #tpu.memory_space<hbm>> -> memref<2600000x64xf32, #tpu.memory_space<hbm>>
        tpu.enqueue_indirect_dma source(%dma_start3A_155 : memref<2600000x64xf32, #tpu.memory_space<hbm>>) target(%dma_start3A_149 : memref<256x64xf32, #tpu.memory_space<vmem>>) offsets(%dma_start3A_152 : memref<256xi32, #tpu.memory_space<vmem>>) semaphore(%arg24 : memref<!tpu.dma_semaphore, #tpu.memory_space<semaphore_mem>>)
        %dma_start3A_156 = arith.constant 0 : i32
        %dma_start3A_157 = tpu.memref_slice %arg15[%scan3A_8, %dma_start3A_156] : memref<4x256xf32, #tpu.memory_space<vmem>> -> memref<1x256xf32, #tpu.memory_space<vmem>>
        %dma_start3A_158 = tpu.memref_squeeze %dma_start3A_157 : memref<1x256xf32, #tpu.memory_space<vmem>> -> memref<256xf32, #tpu.memory_space<vmem>>
        %dma_start3A_159 = arith.constant 0 : i32
        %dma_start3A_160 = tpu.memref_slice %arg13[%scan3A_5, %dma_start3A_159] : memref<4x256xi32, #tpu.memory_space<vmem>> -> memref<1x256xi32, #tpu.memory_space<vmem>>
        %dma_start3A_161 = tpu.memref_squeeze %dma_start3A_160 : memref<1x256xi32, #tpu.memory_space<vmem>> -> memref<256xi32, #tpu.memory_space<vmem>>
        %dma_start3A_162 = arith.constant 0 : i32
        %dma_start3A_163 = tpu.memref_slice %arg5[%dma_start3A_162] : memref<1300000xf32, #tpu.memory_space<hbm>> -> memref<1300000xf32, #tpu.memory_space<hbm>>
        tpu.enqueue_indirect_dma source(%dma_start3A_163 : memref<1300000xf32, #tpu.memory_space<hbm>>) target(%dma_start3A_158 : memref<256xf32, #tpu.memory_space<vmem>>) offsets(%dma_start3A_161 : memref<256xi32, #tpu.memory_space<vmem>>) semaphore(%arg28 : memref<!tpu.dma_semaphore, #tpu.memory_space<semaphore_mem>>)
        %mul3A_164 = arith.constant 4 : i32
        %mul3A_165 = arith.muli %mul3A_164, %scan3A_108 : i32
        %add3A_166 = arith.constant 2 : i32
        %add3A_167 = arith.addi %mul3A_165, %add3A_166 : i32
        %broadcast_in_dim3A_168 = vector.broadcast %add3A_167 : i32 to vector<16xi32>
        %gather3A_169 = tpu.vector_load_idx %arg20[%broadcast_in_dim3A_168] : memref<45xi32, #tpu.memory_space<vmem>>[vector<16xi32>], vector<16xi32>,
        %parallel_loop3A_170 = arith.constant 0 : i32
        %parallel_loop3A_171 = arith.constant 16 : i32
        %parallel_loop3A_172 = arith.constant 1 : i32
        scf.for %parallel_loop3A_431 = %parallel_loop3A_170 to %parallel_loop3A_171 step %parallel_loop3A_172  : i32 {
          %parallel_loop3A_432 = arith.constant 16 : i32
          %parallel_loop3A_433 = arith.muli %parallel_loop3A_431, %parallel_loop3A_432 : i32
          %parallel_loop3A_434 = vector.broadcast %parallel_loop3A_433 : i32 to vector<16xi32>
          %parallel_loop3A_435 = arith.addi %parallel_loop3A_434, %iota3A : vector<16xi32>
          %parallel_loop3A_436 = tpu.vector_load_idx %arg10[%broadcast_in_dim3A_168, %parallel_loop3A_435] : memref<45x256xi32, #tpu.memory_space<vmem>>[vector<16xi32>, vector<16xi32>], vector<16xi32>,
          %parallel_loop3A_437 = arith.addi %parallel_loop3A_436, %gather3A_169 : vector<16xi32>
          %parallel_loop3A_438 = arith.constant 16 : i32
          %parallel_loop3A_439 = arith.muli %parallel_loop3A_431, %parallel_loop3A_438 : i32
          %parallel_loop3A_440 = arith.constant 0 : i32
          %parallel_loop3A_441 = tpu.memref_slice %arg13[%scan3A_9, %parallel_loop3A_440] : memref<4x256xi32, #tpu.memory_space<vmem>> -> memref<1x256xi32, #tpu.memory_space<vmem>>
          %parallel_loop3A_442 = tpu.memref_squeeze %parallel_loop3A_441 : memref<1x256xi32, #tpu.memory_space<vmem>> -> memref<256xi32, #tpu.memory_space<vmem>>
          %parallel_loop3A_443 = arith.index_cast %parallel_loop3A_439 : i32 to index
          %parallel_loop3A_444 = tpu.vector_load %parallel_loop3A_442[%parallel_loop3A_443] {strides = array<i32>} : memref<256xi32, #tpu.memory_space<vmem>>, vector<16xi32>,
          tpu.vector_store %parallel_loop3A_442[%parallel_loop3A_443], %parallel_loop3A_437 {strides = array<i32>} : memref<256xi32, #tpu.memory_space<vmem>>, vector<16xi32>,
          %parallel_loop3A_445 = arith.constant 2 : i32
          %parallel_loop3A_446 = vector.broadcast %parallel_loop3A_445 : i32 to vector<16xi32>
          %parallel_loop3A_447 = arith.muli %parallel_loop3A_437, %parallel_loop3A_446 : vector<16xi32>
          %parallel_loop3A_448 = arith.constant 16 : i32
          %parallel_loop3A_449 = arith.muli %parallel_loop3A_431, %parallel_loop3A_448 : i32
          %parallel_loop3A_450 = arith.constant 0 : i32
          %parallel_loop3A_451 = tpu.memref_slice %arg12[%scan3A_10, %parallel_loop3A_450] : memref<4x256xi32, #tpu.memory_space<vmem>> -> memref<1x256xi32, #tpu.memory_space<vmem>>
          %parallel_loop3A_452 = tpu.memref_squeeze %parallel_loop3A_451 : memref<1x256xi32, #tpu.memory_space<vmem>> -> memref<256xi32, #tpu.memory_space<vmem>>
          %parallel_loop3A_453 = arith.index_cast %parallel_loop3A_449 : i32 to index
          %parallel_loop3A_454 = tpu.vector_load %parallel_loop3A_452[%parallel_loop3A_453] {strides = array<i32>} : memref<256xi32, #tpu.memory_space<vmem>>, vector<16xi32>,
          tpu.vector_store %parallel_loop3A_452[%parallel_loop3A_453], %parallel_loop3A_447 {strides = array<i32>} : memref<256xi32, #tpu.memory_space<vmem>>, vector<16xi32>,
        } {sc.loop_unroll_factor = 1 : i64, sc.parallel_access}
        %dma_start3A_173 = arith.constant 0 : i32
        %dma_start3A_174 = arith.constant 0 : i32
        %dma_start3A_175 = tpu.memref_slice %arg14[%scan3A_11, %dma_start3A_173, %dma_start3A_174] : memref<4x256x64xf32, #tpu.memory_space<vmem>> -> memref<1x256x64xf32, #tpu.memory_space<vmem>>
        %dma_start3A_176 = tpu.memref_squeeze %dma_start3A_175 : memref<1x256x64xf32, #tpu.memory_space<vmem>> -> memref<256x64xf32, #tpu.memory_space<vmem>>
        %dma_start3A_177 = arith.constant 0 : i32
        %dma_start3A_178 = tpu.memref_slice %arg12[%scan3A_10, %dma_start3A_177] : memref<4x256xi32, #tpu.memory_space<vmem>> -> memref<1x256xi32, #tpu.memory_space<vmem>>
        %dma_start3A_179 = tpu.memref_squeeze %dma_start3A_178 : memref<1x256xi32, #tpu.memory_space<vmem>> -> memref<256xi32, #tpu.memory_space<vmem>>
        %dma_start3A_180 = arith.constant 0 : i32
        %dma_start3A_181 = arith.constant 0 : i32
        %dma_start3A_182 = tpu.memref_slice %arg4[%dma_start3A_180, %dma_start3A_181] : memref<2600000x64xf32, #tpu.memory_space<hbm>> -> memref<2600000x64xf32, #tpu.memory_space<hbm>>
        tpu.enqueue_indirect_dma source(%dma_start3A_182 : memref<2600000x64xf32, #tpu.memory_space<hbm>>) target(%dma_start3A_176 : memref<256x64xf32, #tpu.memory_space<vmem>>) offsets(%dma_start3A_179 : memref<256xi32, #tpu.memory_space<vmem>>) semaphore(%arg25 : memref<!tpu.dma_semaphore, #tpu.memory_space<semaphore_mem>>)
        %dma_start3A_183 = arith.constant 0 : i32
        %dma_start3A_184 = tpu.memref_slice %arg15[%scan3A_12, %dma_start3A_183] : memref<4x256xf32, #tpu.memory_space<vmem>> -> memref<1x256xf32, #tpu.memory_space<vmem>>
        %dma_start3A_185 = tpu.memref_squeeze %dma_start3A_184 : memref<1x256xf32, #tpu.memory_space<vmem>> -> memref<256xf32, #tpu.memory_space<vmem>>
        %dma_start3A_186 = arith.constant 0 : i32
        %dma_start3A_187 = tpu.memref_slice %arg13[%scan3A_9, %dma_start3A_186] : memref<4x256xi32, #tpu.memory_space<vmem>> -> memref<1x256xi32, #tpu.memory_space<vmem>>
        %dma_start3A_188 = tpu.memref_squeeze %dma_start3A_187 : memref<1x256xi32, #tpu.memory_space<vmem>> -> memref<256xi32, #tpu.memory_space<vmem>>
        %dma_start3A_189 = arith.constant 0 : i32
        %dma_start3A_190 = tpu.memref_slice %arg5[%dma_start3A_189] : memref<1300000xf32, #tpu.memory_space<hbm>> -> memref<1300000xf32, #tpu.memory_space<hbm>>
        tpu.enqueue_indirect_dma source(%dma_start3A_190 : memref<1300000xf32, #tpu.memory_space<hbm>>) target(%dma_start3A_185 : memref<256xf32, #tpu.memory_space<vmem>>) offsets(%dma_start3A_188 : memref<256xi32, #tpu.memory_space<vmem>>) semaphore(%arg29 : memref<!tpu.dma_semaphore, #tpu.memory_space<semaphore_mem>>)
        %mul3A_191 = arith.constant 4 : i32
        %mul3A_192 = arith.muli %mul3A_191, %scan3A_108 : i32
        %add3A_193 = arith.constant 3 : i32
        %add3A_194 = arith.addi %mul3A_192, %add3A_193 : i32
        %broadcast_in_dim3A_195 = vector.broadcast %add3A_194 : i32 to vector<16xi32>
        %gather3A_196 = tpu.vector_load_idx %arg20[%broadcast_in_dim3A_195] : memref<45xi32, #tpu.memory_space<vmem>>[vector<16xi32>], vector<16xi32>,
        %parallel_loop3A_197 = arith.constant 0 : i32
        %parallel_loop3A_198 = arith.constant 16 : i32
        %parallel_loop3A_199 = arith.constant 1 : i32
        scf.for %parallel_loop3A_431 = %parallel_loop3A_197 to %parallel_loop3A_198 step %parallel_loop3A_199  : i32 {
          %parallel_loop3A_432 = arith.constant 16 : i32
          %parallel_loop3A_433 = arith.muli %parallel_loop3A_431, %parallel_loop3A_432 : i32
          %parallel_loop3A_434 = vector.broadcast %parallel_loop3A_433 : i32 to vector<16xi32>
          %parallel_loop3A_435 = arith.addi %parallel_loop3A_434, %iota3A : vector<16xi32>
          %parallel_loop3A_436 = tpu.vector_load_idx %arg10[%broadcast_in_dim3A_195, %parallel_loop3A_435] : memref<45x256xi32, #tpu.memory_space<vmem>>[vector<16xi32>, vector<16xi32>], vector<16xi32>,
          %parallel_loop3A_437 = arith.addi %parallel_loop3A_436, %gather3A_196 : vector<16xi32>
          %parallel_loop3A_438 = arith.constant 16 : i32
          %parallel_loop3A_439 = arith.muli %parallel_loop3A_431, %parallel_loop3A_438 : i32
          %parallel_loop3A_440 = arith.constant 0 : i32
          %parallel_loop3A_441 = tpu.memref_slice %arg13[%scan3A_13, %parallel_loop3A_440] : memref<4x256xi32, #tpu.memory_space<vmem>> -> memref<1x256xi32, #tpu.memory_space<vmem>>
          %parallel_loop3A_442 = tpu.memref_squeeze %parallel_loop3A_441 : memref<1x256xi32, #tpu.memory_space<vmem>> -> memref<256xi32, #tpu.memory_space<vmem>>
          %parallel_loop3A_443 = arith.index_cast %parallel_loop3A_439 : i32 to index
          %parallel_loop3A_444 = tpu.vector_load %parallel_loop3A_442[%parallel_loop3A_443] {strides = array<i32>} : memref<256xi32, #tpu.memory_space<vmem>>, vector<16xi32>,
          tpu.vector_store %parallel_loop3A_442[%parallel_loop3A_443], %parallel_loop3A_437 {strides = array<i32>} : memref<256xi32, #tpu.memory_space<vmem>>, vector<16xi32>,
          %parallel_loop3A_445 = arith.constant 2 : i32
          %parallel_loop3A_446 = vector.broadcast %parallel_loop3A_445 : i32 to vector<16xi32>
          %parallel_loop3A_447 = arith.muli %parallel_loop3A_437, %parallel_loop3A_446 : vector<16xi32>
          %parallel_loop3A_448 = arith.constant 16 : i32
          %parallel_loop3A_449 = arith.muli %parallel_loop3A_431, %parallel_loop3A_448 : i32
          %parallel_loop3A_450 = arith.constant 0 : i32
          %parallel_loop3A_451 = tpu.memref_slice %arg12[%scan3A_14, %parallel_loop3A_450] : memref<4x256xi32, #tpu.memory_space<vmem>> -> memref<1x256xi32, #tpu.memory_space<vmem>>
          %parallel_loop3A_452 = tpu.memref_squeeze %parallel_loop3A_451 : memref<1x256xi32, #tpu.memory_space<vmem>> -> memref<256xi32, #tpu.memory_space<vmem>>
          %parallel_loop3A_453 = arith.index_cast %parallel_loop3A_449 : i32 to index
          %parallel_loop3A_454 = tpu.vector_load %parallel_loop3A_452[%parallel_loop3A_453] {strides = array<i32>} : memref<256xi32, #tpu.memory_space<vmem>>, vector<16xi32>,
          tpu.vector_store %parallel_loop3A_452[%parallel_loop3A_453], %parallel_loop3A_447 {strides = array<i32>} : memref<256xi32, #tpu.memory_space<vmem>>, vector<16xi32>,
        } {sc.loop_unroll_factor = 1 : i64, sc.parallel_access}
        %dma_start3A_200 = arith.constant 0 : i32
        %dma_start3A_201 = arith.constant 0 : i32
        %dma_start3A_202 = tpu.memref_slice %arg14[%scan3A_15, %dma_start3A_200, %dma_start3A_201] : memref<4x256x64xf32, #tpu.memory_space<vmem>> -> memref<1x256x64xf32, #tpu.memory_space<vmem>>
        %dma_start3A_203 = tpu.memref_squeeze %dma_start3A_202 : memref<1x256x64xf32, #tpu.memory_space<vmem>> -> memref<256x64xf32, #tpu.memory_space<vmem>>
        %dma_start3A_204 = arith.constant 0 : i32
        %dma_start3A_205 = tpu.memref_slice %arg12[%scan3A_14, %dma_start3A_204] : memref<4x256xi32, #tpu.memory_space<vmem>> -> memref<1x256xi32, #tpu.memory_space<vmem>>
        %dma_start3A_206 = tpu.memref_squeeze %dma_start3A_205 : memref<1x256xi32, #tpu.memory_space<vmem>> -> memref<256xi32, #tpu.memory_space<vmem>>
        %dma_start3A_207 = arith.constant 0 : i32
        %dma_start3A_208 = arith.constant 0 : i32
        %dma_start3A_209 = tpu.memref_slice %arg4[%dma_start3A_207, %dma_start3A_208] : memref<2600000x64xf32, #tpu.memory_space<hbm>> -> memref<2600000x64xf32, #tpu.memory_space<hbm>>
        tpu.enqueue_indirect_dma source(%dma_start3A_209 : memref<2600000x64xf32, #tpu.memory_space<hbm>>) target(%dma_start3A_203 : memref<256x64xf32, #tpu.memory_space<vmem>>) offsets(%dma_start3A_206 : memref<256xi32, #tpu.memory_space<vmem>>) semaphore(%arg26 : memref<!tpu.dma_semaphore, #tpu.memory_space<semaphore_mem>>)
        %dma_start3A_210 = arith.constant 0 : i32
        %dma_start3A_211 = tpu.memref_slice %arg15[%scan3A_16, %dma_start3A_210] : memref<4x256xf32, #tpu.memory_space<vmem>> -> memref<1x256xf32, #tpu.memory_space<vmem>>
        %dma_start3A_212 = tpu.memref_squeeze %dma_start3A_211 : memref<1x256xf32, #tpu.memory_space<vmem>> -> memref<256xf32, #tpu.memory_space<vmem>>
        %dma_start3A_213 = arith.constant 0 : i32
        %dma_start3A_214 = tpu.memref_slice %arg13[%scan3A_13, %dma_start3A_213] : memref<4x256xi32, #tpu.memory_space<vmem>> -> memref<1x256xi32, #tpu.memory_space<vmem>>
        %dma_start3A_215 = tpu.memref_squeeze %dma_start3A_214 : memref<1x256xi32, #tpu.memory_space<vmem>> -> memref<256xi32, #tpu.memory_space<vmem>>
        %dma_start3A_216 = arith.constant 0 : i32
        %dma_start3A_217 = tpu.memref_slice %arg5[%dma_start3A_216] : memref<1300000xf32, #tpu.memory_space<hbm>> -> memref<1300000xf32, #tpu.memory_space<hbm>>
        tpu.enqueue_indirect_dma source(%dma_start3A_217 : memref<1300000xf32, #tpu.memory_space<hbm>>) target(%dma_start3A_212 : memref<256xf32, #tpu.memory_space<vmem>>) offsets(%dma_start3A_215 : memref<256xi32, #tpu.memory_space<vmem>>) semaphore(%arg30 : memref<!tpu.dma_semaphore, #tpu.memory_space<semaphore_mem>>)
        %mul3A_218 = arith.constant 4 : i32
        %mul3A_219 = arith.muli %mul3A_218, %scan3A_108 : i32
        %add3A_220 = arith.constant 0 : i32
        %add3A_221 = arith.addi %mul3A_219, %add3A_220 : i32
        %dma_wait3A_222 = arith.constant 0 : i32
        %dma_wait3A_223 = arith.constant 0 : i32
        %dma_wait3A_224 = tpu.memref_slice %arg14[%scan3A_3, %dma_wait3A_222, %dma_wait3A_223] : memref<4x256x64xf32, #tpu.memory_space<vmem>> -> memref<1x256x64xf32, #tpu.memory_space<vmem>>
        %dma_wait3A_225 = tpu.memref_squeeze %dma_wait3A_224 : memref<1x256x64xf32, #tpu.memory_space<vmem>> -> memref<256x64xf32, #tpu.memory_space<vmem>>
        %dma_wait3A_226 = arith.constant 0 : i32
        %dma_wait3A_227 = tpu.memref_slice %arg12[%scan3A_2, %dma_wait3A_226] : memref<4x256xi32, #tpu.memory_space<vmem>> -> memref<1x256xi32, #tpu.memory_space<vmem>>
        %dma_wait3A_228 = tpu.memref_squeeze %dma_wait3A_227 : memref<1x256xi32, #tpu.memory_space<vmem>> -> memref<256xi32, #tpu.memory_space<vmem>>
        %dma_wait3A_229 = arith.constant 0 : i32
        %dma_wait3A_230 = arith.constant 0 : i32
        %dma_wait3A_231 = tpu.memref_slice %arg4[%dma_wait3A_229, %dma_wait3A_230] : memref<2600000x64xf32, #tpu.memory_space<hbm>> -> memref<2600000x64xf32, #tpu.memory_space<hbm>>
        tpu.wait_indirect_dma semaphore(%arg23 : memref<!tpu.dma_semaphore, #tpu.memory_space<semaphore_mem>>) src(%dma_wait3A_231 : memref<2600000x64xf32, #tpu.memory_space<hbm>>) dst(%dma_wait3A_225 : memref<256x64xf32, #tpu.memory_space<vmem>>)
        %dma_wait3A_232 = arith.constant 0 : i32
        %dma_wait3A_233 = tpu.memref_slice %arg15[%scan3A_4, %dma_wait3A_232] : memref<4x256xf32, #tpu.memory_space<vmem>> -> memref<1x256xf32, #tpu.memory_space<vmem>>
        %dma_wait3A_234 = tpu.memref_squeeze %dma_wait3A_233 : memref<1x256xf32, #tpu.memory_space<vmem>> -> memref<256xf32, #tpu.memory_space<vmem>>
        %dma_wait3A_235 = arith.constant 0 : i32
        %dma_wait3A_236 = tpu.memref_slice %arg13[%scan3A, %dma_wait3A_235] : memref<4x256xi32, #tpu.memory_space<vmem>> -> memref<1x256xi32, #tpu.memory_space<vmem>>
        %dma_wait3A_237 = tpu.memref_squeeze %dma_wait3A_236 : memref<1x256xi32, #tpu.memory_space<vmem>> -> memref<256xi32, #tpu.memory_space<vmem>>
        %dma_wait3A_238 = arith.constant 0 : i32
        %dma_wait3A_239 = tpu.memref_slice %arg5[%dma_wait3A_238] : memref<1300000xf32, #tpu.memory_space<hbm>> -> memref<1300000xf32, #tpu.memory_space<hbm>>
        tpu.wait_indirect_dma semaphore(%arg27 : memref<!tpu.dma_semaphore, #tpu.memory_space<semaphore_mem>>) src(%dma_wait3A_239 : memref<1300000xf32, #tpu.memory_space<hbm>>) dst(%dma_wait3A_234 : memref<256xf32, #tpu.memory_space<vmem>>)
        %broadcast_in_dim3A_240 = vector.broadcast %add3A_221 : i32 to vector<16xi32>
        %parallel_loop3A_241 = arith.constant 0 : i32
        %parallel_loop3A_242 = arith.constant 16 : i32
        %parallel_loop3A_243 = arith.constant 1 : i32
        scf.for %parallel_loop3A_431 = %parallel_loop3A_241 to %parallel_loop3A_242 step %parallel_loop3A_243  : i32 {
          %parallel_loop3A_432 = arith.constant 16 : i32
          %parallel_loop3A_433 = arith.muli %parallel_loop3A_431, %parallel_loop3A_432 : i32
          %parallel_loop3A_434 = arith.constant 0 : i32
          %parallel_loop3A_435 = tpu.memref_slice %arg15[%scan3A_4, %parallel_loop3A_434] : memref<4x256xf32, #tpu.memory_space<vmem>> -> memref<1x256xf32, #tpu.memory_space<vmem>>
          %parallel_loop3A_436 = tpu.memref_squeeze %parallel_loop3A_435 : memref<1x256xf32, #tpu.memory_space<vmem>> -> memref<256xf32, #tpu.memory_space<vmem>>
          %parallel_loop3A_437 = arith.index_cast %parallel_loop3A_433 : i32 to index
          %parallel_loop3A_438 = tpu.vector_load %parallel_loop3A_436[%parallel_loop3A_437] {strides = array<i32>} : memref<256xf32, #tpu.memory_space<vmem>>, vector<16xf32>,
          %parallel_loop3A_439 = arith.constant 16 : i32
          %parallel_loop3A_440 = arith.muli %parallel_loop3A_431, %parallel_loop3A_439 : i32
          %parallel_loop3A_441 = vector.broadcast %parallel_loop3A_440 : i32 to vector<16xi32>
          %parallel_loop3A_442 = arith.addi %parallel_loop3A_441, %iota3A : vector<16xi32>
          %parallel_loop3A_443 = tpu.vector_load_idx %arg11[%broadcast_in_dim3A_240, %parallel_loop3A_442] : memref<45x256xf32, #tpu.memory_space<vmem>>[vector<16xi32>, vector<16xi32>], vector<16xf32>,
          %parallel_loop3A_444 = arith.constant 16 : i32
          %parallel_loop3A_445 = arith.muli %parallel_loop3A_431, %parallel_loop3A_444 : i32
          %parallel_loop3A_446 = arith.mulf %parallel_loop3A_438, %parallel_loop3A_443 : vector<16xf32>
          %parallel_loop3A_447 = arith.index_cast %parallel_loop3A_445 : i32 to index
          %parallel_loop3A_448 = tpu.vector_load %arg18[%parallel_loop3A_447] {strides = array<i32>} : memref<256xf32, #tpu.memory_space<vmem>>, vector<16xf32>,
          tpu.vector_store %arg18[%parallel_loop3A_447], %parallel_loop3A_446 {add = true, strides = array<i32>} : memref<256xf32, #tpu.memory_space<vmem>>, vector<16xf32>,
        } {sc.loop_unroll_factor = 1 : i64, sc.parallel_access}
        %mul3A_244 = arith.constant 64 : i32
        %mul3A_245 = arith.muli %add3A_221, %mul3A_244 : i32
        %add3A_246 = arith.constant 0 : i32
        %add3A_247 = arith.addi %mul3A_245, %add3A_246 : i32
        %get3A_248 = arith.index_cast %add3A_247 : i32 to index
        %get3A_249 = tpu.vector_load %arg19[%get3A_248] {strides = array<i32>} : memref<2880xf32, #tpu.memory_space<vmem>>, vector<16xf32>,
        %mul3A_250 = arith.constant 64 : i32
        %mul3A_251 = arith.muli %add3A_221, %mul3A_250 : i32
        %add3A_252 = arith.constant 16 : i32
        %add3A_253 = arith.addi %mul3A_251, %add3A_252 : i32
        %get3A_254 = arith.index_cast %add3A_253 : i32 to index
        %get3A_255 = tpu.vector_load %arg19[%get3A_254] {strides = array<i32>} : memref<2880xf32, #tpu.memory_space<vmem>>, vector<16xf32>,
        %mul3A_256 = arith.constant 64 : i32
        %mul3A_257 = arith.muli %add3A_221, %mul3A_256 : i32
        %add3A_258 = arith.constant 32 : i32
        %add3A_259 = arith.addi %mul3A_257, %add3A_258 : i32
        %get3A_260 = arith.index_cast %add3A_259 : i32 to index
        %get3A_261 = tpu.vector_load %arg19[%get3A_260] {strides = array<i32>} : memref<2880xf32, #tpu.memory_space<vmem>>, vector<16xf32>,
        %mul3A_262 = arith.constant 64 : i32
        %mul3A_263 = arith.muli %add3A_221, %mul3A_262 : i32
        %add3A_264 = arith.constant 48 : i32
        %add3A_265 = arith.addi %mul3A_263, %add3A_264 : i32
        %get3A_266 = arith.index_cast %add3A_265 : i32 to index
        %get3A_267 = tpu.vector_load %arg19[%get3A_266] {strides = array<i32>} : memref<2880xf32, #tpu.memory_space<vmem>>, vector<16xf32>,
        %parallel_loop3A_268 = arith.constant 0 : i32
        %parallel_loop3A_269 = arith.constant 256 : i32
        %parallel_loop3A_270 = arith.constant 1 : i32
        scf.for %parallel_loop3A_431 = %parallel_loop3A_268 to %parallel_loop3A_269 step %parallel_loop3A_270  : i32 {
          %parallel_loop3A_432 = vector.broadcast %parallel_loop3A_431 : i32 to vector<16xi32>
          %parallel_loop3A_433 = tpu.vector_load_idx %arg11[%broadcast_in_dim3A_240, %parallel_loop3A_432] : memref<45x256xf32, #tpu.memory_space<vmem>>[vector<16xi32>, vector<16xi32>], vector<16xf32>,
          %parallel_loop3A_434 = arith.constant 0 : i32
          %parallel_loop3A_435 = arith.constant 0 : i32
          %parallel_loop3A_436 = tpu.memref_slice %arg14[%scan3A_3, %parallel_loop3A_434, %parallel_loop3A_435] : memref<4x256x64xf32, #tpu.memory_space<vmem>> -> memref<1x256x64xf32, #tpu.memory_space<vmem>>
          %parallel_loop3A_437 = tpu.memref_squeeze %parallel_loop3A_436 : memref<1x256x64xf32, #tpu.memory_space<vmem>> -> memref<256x64xf32, #tpu.memory_space<vmem>>
          %parallel_loop3A_438 = arith.index_cast %parallel_loop3A_431 : i32 to index
          %parallel_loop3A_439 = arith.constant 0 : index
          %parallel_loop3A_440 = tpu.vector_load %parallel_loop3A_437[%parallel_loop3A_438, %parallel_loop3A_439] {strides = array<i32>} : memref<256x64xf32, #tpu.memory_space<vmem>>, vector<16xf32>,
          %parallel_loop3A_441 = arith.mulf %parallel_loop3A_440, %parallel_loop3A_433 : vector<16xf32>
          %parallel_loop3A_442 = arith.constant 64 : i32
          %parallel_loop3A_443 = arith.muli %parallel_loop3A_431, %parallel_loop3A_442 : i32
          %parallel_loop3A_444 = arith.constant 0 : i32
          %parallel_loop3A_445 = arith.addi %parallel_loop3A_443, %parallel_loop3A_444 : i32
          %parallel_loop3A_446 = arith.index_cast %parallel_loop3A_445 : i32 to index
          %parallel_loop3A_447 = tpu.vector_load %arg16[%parallel_loop3A_446] {strides = array<i32>} : memref<16384xf32, #tpu.memory_space<vmem>>, vector<16xf32>,
          tpu.vector_store %arg16[%parallel_loop3A_446], %parallel_loop3A_441 {add = true, strides = array<i32>} : memref<16384xf32, #tpu.memory_space<vmem>>, vector<16xf32>,
          %parallel_loop3A_448 = arith.constant 5.000000e-01 : f32
          %parallel_loop3A_449 = vector.broadcast %parallel_loop3A_448 : f32 to vector<16xf32>
          %parallel_loop3A_450 = arith.mulf %parallel_loop3A_449, %parallel_loop3A_441 : vector<16xf32>
          %parallel_loop3A_451 = arith.subf %get3A_249, %parallel_loop3A_450 : vector<16xf32>
          %parallel_loop3A_452 = arith.mulf %parallel_loop3A_441, %parallel_loop3A_451 : vector<16xf32>
          %parallel_loop3A_453 = arith.addf %broadcast_in_dim3A_1, %parallel_loop3A_452 : vector<16xf32>
          %parallel_loop3A_454 = arith.constant 0 : i32
          %parallel_loop3A_455 = arith.constant 0 : i32
          %parallel_loop3A_456 = tpu.memref_slice %arg14[%scan3A_3, %parallel_loop3A_454, %parallel_loop3A_455] : memref<4x256x64xf32, #tpu.memory_space<vmem>> -> memref<1x256x64xf32, #tpu.memory_space<vmem>>
          %parallel_loop3A_457 = tpu.memref_squeeze %parallel_loop3A_456 : memref<1x256x64xf32, #tpu.memory_space<vmem>> -> memref<256x64xf32, #tpu.memory_space<vmem>>
          %parallel_loop3A_458 = arith.index_cast %parallel_loop3A_431 : i32 to index
          %parallel_loop3A_459 = arith.constant 16 : index
          %parallel_loop3A_460 = tpu.vector_load %parallel_loop3A_457[%parallel_loop3A_458, %parallel_loop3A_459] {strides = array<i32>} : memref<256x64xf32, #tpu.memory_space<vmem>>, vector<16xf32>,
          %parallel_loop3A_461 = arith.mulf %parallel_loop3A_460, %parallel_loop3A_433 : vector<16xf32>
          %parallel_loop3A_462 = arith.constant 64 : i32
          %parallel_loop3A_463 = arith.muli %parallel_loop3A_431, %parallel_loop3A_462 : i32
          %parallel_loop3A_464 = arith.constant 16 : i32
          %parallel_loop3A_465 = arith.addi %parallel_loop3A_463, %parallel_loop3A_464 : i32
          %parallel_loop3A_466 = arith.index_cast %parallel_loop3A_465 : i32 to index
          %parallel_loop3A_467 = tpu.vector_load %arg16[%parallel_loop3A_466] {strides = array<i32>} : memref<16384xf32, #tpu.memory_space<vmem>>, vector<16xf32>,
          tpu.vector_store %arg16[%parallel_loop3A_466], %parallel_loop3A_461 {add = true, strides = array<i32>} : memref<16384xf32, #tpu.memory_space<vmem>>, vector<16xf32>,
          %parallel_loop3A_468 = arith.constant 5.000000e-01 : f32
          %parallel_loop3A_469 = vector.broadcast %parallel_loop3A_468 : f32 to vector<16xf32>
          %parallel_loop3A_470 = arith.mulf %parallel_loop3A_469, %parallel_loop3A_461 : vector<16xf32>
          %parallel_loop3A_471 = arith.subf %get3A_255, %parallel_loop3A_470 : vector<16xf32>
          %parallel_loop3A_472 = arith.mulf %parallel_loop3A_461, %parallel_loop3A_471 : vector<16xf32>
          %parallel_loop3A_473 = arith.addf %parallel_loop3A_453, %parallel_loop3A_472 : vector<16xf32>
          %parallel_loop3A_474 = arith.constant 0 : i32
          %parallel_loop3A_475 = arith.constant 0 : i32
          %parallel_loop3A_476 = tpu.memref_slice %arg14[%scan3A_3, %parallel_loop3A_474, %parallel_loop3A_475] : memref<4x256x64xf32, #tpu.memory_space<vmem>> -> memref<1x256x64xf32, #tpu.memory_space<vmem>>
          %parallel_loop3A_477 = tpu.memref_squeeze %parallel_loop3A_476 : memref<1x256x64xf32, #tpu.memory_space<vmem>> -> memref<256x64xf32, #tpu.memory_space<vmem>>
          %parallel_loop3A_478 = arith.index_cast %parallel_loop3A_431 : i32 to index
          %parallel_loop3A_479 = arith.constant 32 : index
          %parallel_loop3A_480 = tpu.vector_load %parallel_loop3A_477[%parallel_loop3A_478, %parallel_loop3A_479] {strides = array<i32>} : memref<256x64xf32, #tpu.memory_space<vmem>>, vector<16xf32>,
          %parallel_loop3A_481 = arith.mulf %parallel_loop3A_480, %parallel_loop3A_433 : vector<16xf32>
          %parallel_loop3A_482 = arith.constant 64 : i32
          %parallel_loop3A_483 = arith.muli %parallel_loop3A_431, %parallel_loop3A_482 : i32
          %parallel_loop3A_484 = arith.constant 32 : i32
          %parallel_loop3A_485 = arith.addi %parallel_loop3A_483, %parallel_loop3A_484 : i32
          %parallel_loop3A_486 = arith.index_cast %parallel_loop3A_485 : i32 to index
          %parallel_loop3A_487 = tpu.vector_load %arg16[%parallel_loop3A_486] {strides = array<i32>} : memref<16384xf32, #tpu.memory_space<vmem>>, vector<16xf32>,
          tpu.vector_store %arg16[%parallel_loop3A_486], %parallel_loop3A_481 {add = true, strides = array<i32>} : memref<16384xf32, #tpu.memory_space<vmem>>, vector<16xf32>,
          %parallel_loop3A_488 = arith.constant 5.000000e-01 : f32
          %parallel_loop3A_489 = vector.broadcast %parallel_loop3A_488 : f32 to vector<16xf32>
          %parallel_loop3A_490 = arith.mulf %parallel_loop3A_489, %parallel_loop3A_481 : vector<16xf32>
          %parallel_loop3A_491 = arith.subf %get3A_261, %parallel_loop3A_490 : vector<16xf32>
          %parallel_loop3A_492 = arith.mulf %parallel_loop3A_481, %parallel_loop3A_491 : vector<16xf32>
          %parallel_loop3A_493 = arith.addf %parallel_loop3A_473, %parallel_loop3A_492 : vector<16xf32>
          %parallel_loop3A_494 = arith.constant 0 : i32
          %parallel_loop3A_495 = arith.constant 0 : i32
          %parallel_loop3A_496 = tpu.memref_slice %arg14[%scan3A_3, %parallel_loop3A_494, %parallel_loop3A_495] : memref<4x256x64xf32, #tpu.memory_space<vmem>> -> memref<1x256x64xf32, #tpu.memory_space<vmem>>
          %parallel_loop3A_497 = tpu.memref_squeeze %parallel_loop3A_496 : memref<1x256x64xf32, #tpu.memory_space<vmem>> -> memref<256x64xf32, #tpu.memory_space<vmem>>
          %parallel_loop3A_498 = arith.index_cast %parallel_loop3A_431 : i32 to index
          %parallel_loop3A_499 = arith.constant 48 : index
          %parallel_loop3A_500 = tpu.vector_load %parallel_loop3A_497[%parallel_loop3A_498, %parallel_loop3A_499] {strides = array<i32>} : memref<256x64xf32, #tpu.memory_space<vmem>>, vector<16xf32>,
          %parallel_loop3A_501 = arith.mulf %parallel_loop3A_500, %parallel_loop3A_433 : vector<16xf32>
          %parallel_loop3A_502 = arith.constant 64 : i32
          %parallel_loop3A_503 = arith.muli %parallel_loop3A_431, %parallel_loop3A_502 : i32
          %parallel_loop3A_504 = arith.constant 48 : i32
          %parallel_loop3A_505 = arith.addi %parallel_loop3A_503, %parallel_loop3A_504 : i32
          %parallel_loop3A_506 = arith.index_cast %parallel_loop3A_505 : i32 to index
          %parallel_loop3A_507 = tpu.vector_load %arg16[%parallel_loop3A_506] {strides = array<i32>} : memref<16384xf32, #tpu.memory_space<vmem>>, vector<16xf32>,
          tpu.vector_store %arg16[%parallel_loop3A_506], %parallel_loop3A_501 {add = true, strides = array<i32>} : memref<16384xf32, #tpu.memory_space<vmem>>, vector<16xf32>,
          %parallel_loop3A_508 = arith.constant 5.000000e-01 : f32
          %parallel_loop3A_509 = vector.broadcast %parallel_loop3A_508 : f32 to vector<16xf32>
          %parallel_loop3A_510 = arith.mulf %parallel_loop3A_509, %parallel_loop3A_501 : vector<16xf32>
          %parallel_loop3A_511 = arith.subf %get3A_267, %parallel_loop3A_510 : vector<16xf32>
          %parallel_loop3A_512 = arith.mulf %parallel_loop3A_501, %parallel_loop3A_511 : vector<16xf32>
          %parallel_loop3A_513 = arith.addf %parallel_loop3A_493, %parallel_loop3A_512 : vector<16xf32>
          %parallel_loop3A_514 = arith.constant 16 : i32
          %parallel_loop3A_515 = arith.muli %parallel_loop3A_431, %parallel_loop3A_514 : i32
          %parallel_loop3A_516 = arith.index_cast %parallel_loop3A_515 : i32 to index
          %parallel_loop3A_517 = tpu.vector_load %arg17[%parallel_loop3A_516] {strides = array<i32>} : memref<4096xf32, #tpu.memory_space<vmem>>, vector<16xf32>,
          tpu.vector_store %arg17[%parallel_loop3A_516], %parallel_loop3A_513 {add = true, strides = array<i32>} : memref<4096xf32, #tpu.memory_space<vmem>>, vector<16xf32>,
        } {sc.loop_unroll_factor = 4 : i64, sc.parallel_access}
        %mul3A_271 = arith.constant 4 : i32
        %mul3A_272 = arith.muli %mul3A_271, %scan3A_108 : i32
        %add3A_273 = arith.constant 1 : i32
        %add3A_274 = arith.addi %mul3A_272, %add3A_273 : i32
        %dma_wait3A_275 = arith.constant 0 : i32
        %dma_wait3A_276 = arith.constant 0 : i32
        %dma_wait3A_277 = tpu.memref_slice %arg14[%scan3A_7, %dma_wait3A_275, %dma_wait3A_276] : memref<4x256x64xf32, #tpu.memory_space<vmem>> -> memref<1x256x64xf32, #tpu.memory_space<vmem>>
        %dma_wait3A_278 = tpu.memref_squeeze %dma_wait3A_277 : memref<1x256x64xf32, #tpu.memory_space<vmem>> -> memref<256x64xf32, #tpu.memory_space<vmem>>
        %dma_wait3A_279 = arith.constant 0 : i32
        %dma_wait3A_280 = tpu.memref_slice %arg12[%scan3A_6, %dma_wait3A_279] : memref<4x256xi32, #tpu.memory_space<vmem>> -> memref<1x256xi32, #tpu.memory_space<vmem>>
        %dma_wait3A_281 = tpu.memref_squeeze %dma_wait3A_280 : memref<1x256xi32, #tpu.memory_space<vmem>> -> memref<256xi32, #tpu.memory_space<vmem>>
        %dma_wait3A_282 = arith.constant 0 : i32
        %dma_wait3A_283 = arith.constant 0 : i32
        %dma_wait3A_284 = tpu.memref_slice %arg4[%dma_wait3A_282, %dma_wait3A_283] : memref<2600000x64xf32, #tpu.memory_space<hbm>> -> memref<2600000x64xf32, #tpu.memory_space<hbm>>
        tpu.wait_indirect_dma semaphore(%arg24 : memref<!tpu.dma_semaphore, #tpu.memory_space<semaphore_mem>>) src(%dma_wait3A_284 : memref<2600000x64xf32, #tpu.memory_space<hbm>>) dst(%dma_wait3A_278 : memref<256x64xf32, #tpu.memory_space<vmem>>)
        %dma_wait3A_285 = arith.constant 0 : i32
        %dma_wait3A_286 = tpu.memref_slice %arg15[%scan3A_8, %dma_wait3A_285] : memref<4x256xf32, #tpu.memory_space<vmem>> -> memref<1x256xf32, #tpu.memory_space<vmem>>
        %dma_wait3A_287 = tpu.memref_squeeze %dma_wait3A_286 : memref<1x256xf32, #tpu.memory_space<vmem>> -> memref<256xf32, #tpu.memory_space<vmem>>
        %dma_wait3A_288 = arith.constant 0 : i32
        %dma_wait3A_289 = tpu.memref_slice %arg13[%scan3A_5, %dma_wait3A_288] : memref<4x256xi32, #tpu.memory_space<vmem>> -> memref<1x256xi32, #tpu.memory_space<vmem>>
        %dma_wait3A_290 = tpu.memref_squeeze %dma_wait3A_289 : memref<1x256xi32, #tpu.memory_space<vmem>> -> memref<256xi32, #tpu.memory_space<vmem>>
        %dma_wait3A_291 = arith.constant 0 : i32
        %dma_wait3A_292 = tpu.memref_slice %arg5[%dma_wait3A_291] : memref<1300000xf32, #tpu.memory_space<hbm>> -> memref<1300000xf32, #tpu.memory_space<hbm>>
        tpu.wait_indirect_dma semaphore(%arg28 : memref<!tpu.dma_semaphore, #tpu.memory_space<semaphore_mem>>) src(%dma_wait3A_292 : memref<1300000xf32, #tpu.memory_space<hbm>>) dst(%dma_wait3A_287 : memref<256xf32, #tpu.memory_space<vmem>>)
        %broadcast_in_dim3A_293 = vector.broadcast %add3A_274 : i32 to vector<16xi32>
        %parallel_loop3A_294 = arith.constant 0 : i32
        %parallel_loop3A_295 = arith.constant 16 : i32
        %parallel_loop3A_296 = arith.constant 1 : i32
        scf.for %parallel_loop3A_431 = %parallel_loop3A_294 to %parallel_loop3A_295 step %parallel_loop3A_296  : i32 {
          %parallel_loop3A_432 = arith.constant 16 : i32
          %parallel_loop3A_433 = arith.muli %parallel_loop3A_431, %parallel_loop3A_432 : i32
          %parallel_loop3A_434 = arith.constant 0 : i32
          %parallel_loop3A_435 = tpu.memref_slice %arg15[%scan3A_8, %parallel_loop3A_434] : memref<4x256xf32, #tpu.memory_space<vmem>> -> memref<1x256xf32, #tpu.memory_space<vmem>>
          %parallel_loop3A_436 = tpu.memref_squeeze %parallel_loop3A_435 : memref<1x256xf32, #tpu.memory_space<vmem>> -> memref<256xf32, #tpu.memory_space<vmem>>
          %parallel_loop3A_437 = arith.index_cast %parallel_loop3A_433 : i32 to index
          %parallel_loop3A_438 = tpu.vector_load %parallel_loop3A_436[%parallel_loop3A_437] {strides = array<i32>} : memref<256xf32, #tpu.memory_space<vmem>>, vector<16xf32>,
          %parallel_loop3A_439 = arith.constant 16 : i32
          %parallel_loop3A_440 = arith.muli %parallel_loop3A_431, %parallel_loop3A_439 : i32
          %parallel_loop3A_441 = vector.broadcast %parallel_loop3A_440 : i32 to vector<16xi32>
          %parallel_loop3A_442 = arith.addi %parallel_loop3A_441, %iota3A : vector<16xi32>
          %parallel_loop3A_443 = tpu.vector_load_idx %arg11[%broadcast_in_dim3A_293, %parallel_loop3A_442] : memref<45x256xf32, #tpu.memory_space<vmem>>[vector<16xi32>, vector<16xi32>], vector<16xf32>,
          %parallel_loop3A_444 = arith.constant 16 : i32
          %parallel_loop3A_445 = arith.muli %parallel_loop3A_431, %parallel_loop3A_444 : i32
          %parallel_loop3A_446 = arith.mulf %parallel_loop3A_438, %parallel_loop3A_443 : vector<16xf32>
          %parallel_loop3A_447 = arith.index_cast %parallel_loop3A_445 : i32 to index
          %parallel_loop3A_448 = tpu.vector_load %arg18[%parallel_loop3A_447] {strides = array<i32>} : memref<256xf32, #tpu.memory_space<vmem>>, vector<16xf32>,
          tpu.vector_store %arg18[%parallel_loop3A_447], %parallel_loop3A_446 {add = true, strides = array<i32>} : memref<256xf32, #tpu.memory_space<vmem>>, vector<16xf32>,
        } {sc.loop_unroll_factor = 1 : i64, sc.parallel_access}
        %mul3A_297 = arith.constant 64 : i32
        %mul3A_298 = arith.muli %add3A_274, %mul3A_297 : i32
        %add3A_299 = arith.constant 0 : i32
        %add3A_300 = arith.addi %mul3A_298, %add3A_299 : i32
        %get3A_301 = arith.index_cast %add3A_300 : i32 to index
        %get3A_302 = tpu.vector_load %arg19[%get3A_301] {strides = array<i32>} : memref<2880xf32, #tpu.memory_space<vmem>>, vector<16xf32>,
        %mul3A_303 = arith.constant 64 : i32
        %mul3A_304 = arith.muli %add3A_274, %mul3A_303 : i32
        %add3A_305 = arith.constant 16 : i32
        %add3A_306 = arith.addi %mul3A_304, %add3A_305 : i32
        %get3A_307 = arith.index_cast %add3A_306 : i32 to index
        %get3A_308 = tpu.vector_load %arg19[%get3A_307] {strides = array<i32>} : memref<2880xf32, #tpu.memory_space<vmem>>, vector<16xf32>,
        %mul3A_309 = arith.constant 64 : i32
        %mul3A_310 = arith.muli %add3A_274, %mul3A_309 : i32
        %add3A_311 = arith.constant 32 : i32
        %add3A_312 = arith.addi %mul3A_310, %add3A_311 : i32
        %get3A_313 = arith.index_cast %add3A_312 : i32 to index
        %get3A_314 = tpu.vector_load %arg19[%get3A_313] {strides = array<i32>} : memref<2880xf32, #tpu.memory_space<vmem>>, vector<16xf32>,
        %mul3A_315 = arith.constant 64 : i32
        %mul3A_316 = arith.muli %add3A_274, %mul3A_315 : i32
        %add3A_317 = arith.constant 48 : i32
        %add3A_318 = arith.addi %mul3A_316, %add3A_317 : i32
        %get3A_319 = arith.index_cast %add3A_318 : i32 to index
        %get3A_320 = tpu.vector_load %arg19[%get3A_319] {strides = array<i32>} : memref<2880xf32, #tpu.memory_space<vmem>>, vector<16xf32>,
        %parallel_loop3A_321 = arith.constant 0 : i32
        %parallel_loop3A_322 = arith.constant 256 : i32
        %parallel_loop3A_323 = arith.constant 1 : i32
        scf.for %parallel_loop3A_431 = %parallel_loop3A_321 to %parallel_loop3A_322 step %parallel_loop3A_323  : i32 {
          %parallel_loop3A_432 = vector.broadcast %parallel_loop3A_431 : i32 to vector<16xi32>
          %parallel_loop3A_433 = tpu.vector_load_idx %arg11[%broadcast_in_dim3A_293, %parallel_loop3A_432] : memref<45x256xf32, #tpu.memory_space<vmem>>[vector<16xi32>, vector<16xi32>], vector<16xf32>,
          %parallel_loop3A_434 = arith.constant 0 : i32
          %parallel_loop3A_435 = arith.constant 0 : i32
          %parallel_loop3A_436 = tpu.memref_slice %arg14[%scan3A_7, %parallel_loop3A_434, %parallel_loop3A_435] : memref<4x256x64xf32, #tpu.memory_space<vmem>> -> memref<1x256x64xf32, #tpu.memory_space<vmem>>
          %parallel_loop3A_437 = tpu.memref_squeeze %parallel_loop3A_436 : memref<1x256x64xf32, #tpu.memory_space<vmem>> -> memref<256x64xf32, #tpu.memory_space<vmem>>
          %parallel_loop3A_438 = arith.index_cast %parallel_loop3A_431 : i32 to index
          %parallel_loop3A_439 = arith.constant 0 : index
          %parallel_loop3A_440 = tpu.vector_load %parallel_loop3A_437[%parallel_loop3A_438, %parallel_loop3A_439] {strides = array<i32>} : memref<256x64xf32, #tpu.memory_space<vmem>>, vector<16xf32>,
          %parallel_loop3A_441 = arith.mulf %parallel_loop3A_440, %parallel_loop3A_433 : vector<16xf32>
          %parallel_loop3A_442 = arith.constant 64 : i32
          %parallel_loop3A_443 = arith.muli %parallel_loop3A_431, %parallel_loop3A_442 : i32
          %parallel_loop3A_444 = arith.constant 0 : i32
          %parallel_loop3A_445 = arith.addi %parallel_loop3A_443, %parallel_loop3A_444 : i32
          %parallel_loop3A_446 = arith.index_cast %parallel_loop3A_445 : i32 to index
          %parallel_loop3A_447 = tpu.vector_load %arg16[%parallel_loop3A_446] {strides = array<i32>} : memref<16384xf32, #tpu.memory_space<vmem>>, vector<16xf32>,
          tpu.vector_store %arg16[%parallel_loop3A_446], %parallel_loop3A_441 {add = true, strides = array<i32>} : memref<16384xf32, #tpu.memory_space<vmem>>, vector<16xf32>,
          %parallel_loop3A_448 = arith.constant 5.000000e-01 : f32
          %parallel_loop3A_449 = vector.broadcast %parallel_loop3A_448 : f32 to vector<16xf32>
          %parallel_loop3A_450 = arith.mulf %parallel_loop3A_449, %parallel_loop3A_441 : vector<16xf32>
          %parallel_loop3A_451 = arith.subf %get3A_302, %parallel_loop3A_450 : vector<16xf32>
          %parallel_loop3A_452 = arith.mulf %parallel_loop3A_441, %parallel_loop3A_451 : vector<16xf32>
          %parallel_loop3A_453 = arith.addf %broadcast_in_dim3A_1, %parallel_loop3A_452 : vector<16xf32>
          %parallel_loop3A_454 = arith.constant 0 : i32
          %parallel_loop3A_455 = arith.constant 0 : i32
          %parallel_loop3A_456 = tpu.memref_slice %arg14[%scan3A_7, %parallel_loop3A_454, %parallel_loop3A_455] : memref<4x256x64xf32, #tpu.memory_space<vmem>> -> memref<1x256x64xf32, #tpu.memory_space<vmem>>
          %parallel_loop3A_457 = tpu.memref_squeeze %parallel_loop3A_456 : memref<1x256x64xf32, #tpu.memory_space<vmem>> -> memref<256x64xf32, #tpu.memory_space<vmem>>
          %parallel_loop3A_458 = arith.index_cast %parallel_loop3A_431 : i32 to index
          %parallel_loop3A_459 = arith.constant 16 : index
          %parallel_loop3A_460 = tpu.vector_load %parallel_loop3A_457[%parallel_loop3A_458, %parallel_loop3A_459] {strides = array<i32>} : memref<256x64xf32, #tpu.memory_space<vmem>>, vector<16xf32>,
          %parallel_loop3A_461 = arith.mulf %parallel_loop3A_460, %parallel_loop3A_433 : vector<16xf32>
          %parallel_loop3A_462 = arith.constant 64 : i32
          %parallel_loop3A_463 = arith.muli %parallel_loop3A_431, %parallel_loop3A_462 : i32
          %parallel_loop3A_464 = arith.constant 16 : i32
          %parallel_loop3A_465 = arith.addi %parallel_loop3A_463, %parallel_loop3A_464 : i32
          %parallel_loop3A_466 = arith.index_cast %parallel_loop3A_465 : i32 to index
          %parallel_loop3A_467 = tpu.vector_load %arg16[%parallel_loop3A_466] {strides = array<i32>} : memref<16384xf32, #tpu.memory_space<vmem>>, vector<16xf32>,
          tpu.vector_store %arg16[%parallel_loop3A_466], %parallel_loop3A_461 {add = true, strides = array<i32>} : memref<16384xf32, #tpu.memory_space<vmem>>, vector<16xf32>,
          %parallel_loop3A_468 = arith.constant 5.000000e-01 : f32
          %parallel_loop3A_469 = vector.broadcast %parallel_loop3A_468 : f32 to vector<16xf32>
          %parallel_loop3A_470 = arith.mulf %parallel_loop3A_469, %parallel_loop3A_461 : vector<16xf32>
          %parallel_loop3A_471 = arith.subf %get3A_308, %parallel_loop3A_470 : vector<16xf32>
          %parallel_loop3A_472 = arith.mulf %parallel_loop3A_461, %parallel_loop3A_471 : vector<16xf32>
          %parallel_loop3A_473 = arith.addf %parallel_loop3A_453, %parallel_loop3A_472 : vector<16xf32>
          %parallel_loop3A_474 = arith.constant 0 : i32
          %parallel_loop3A_475 = arith.constant 0 : i32
          %parallel_loop3A_476 = tpu.memref_slice %arg14[%scan3A_7, %parallel_loop3A_474, %parallel_loop3A_475] : memref<4x256x64xf32, #tpu.memory_space<vmem>> -> memref<1x256x64xf32, #tpu.memory_space<vmem>>
          %parallel_loop3A_477 = tpu.memref_squeeze %parallel_loop3A_476 : memref<1x256x64xf32, #tpu.memory_space<vmem>> -> memref<256x64xf32, #tpu.memory_space<vmem>>
          %parallel_loop3A_478 = arith.index_cast %parallel_loop3A_431 : i32 to index
          %parallel_loop3A_479 = arith.constant 32 : index
          %parallel_loop3A_480 = tpu.vector_load %parallel_loop3A_477[%parallel_loop3A_478, %parallel_loop3A_479] {strides = array<i32>} : memref<256x64xf32, #tpu.memory_space<vmem>>, vector<16xf32>,
          %parallel_loop3A_481 = arith.mulf %parallel_loop3A_480, %parallel_loop3A_433 : vector<16xf32>
          %parallel_loop3A_482 = arith.constant 64 : i32
          %parallel_loop3A_483 = arith.muli %parallel_loop3A_431, %parallel_loop3A_482 : i32
          %parallel_loop3A_484 = arith.constant 32 : i32
          %parallel_loop3A_485 = arith.addi %parallel_loop3A_483, %parallel_loop3A_484 : i32
          %parallel_loop3A_486 = arith.index_cast %parallel_loop3A_485 : i32 to index
          %parallel_loop3A_487 = tpu.vector_load %arg16[%parallel_loop3A_486] {strides = array<i32>} : memref<16384xf32, #tpu.memory_space<vmem>>, vector<16xf32>,
          tpu.vector_store %arg16[%parallel_loop3A_486], %parallel_loop3A_481 {add = true, strides = array<i32>} : memref<16384xf32, #tpu.memory_space<vmem>>, vector<16xf32>,
          %parallel_loop3A_488 = arith.constant 5.000000e-01 : f32
          %parallel_loop3A_489 = vector.broadcast %parallel_loop3A_488 : f32 to vector<16xf32>
          %parallel_loop3A_490 = arith.mulf %parallel_loop3A_489, %parallel_loop3A_481 : vector<16xf32>
          %parallel_loop3A_491 = arith.subf %get3A_314, %parallel_loop3A_490 : vector<16xf32>
          %parallel_loop3A_492 = arith.mulf %parallel_loop3A_481, %parallel_loop3A_491 : vector<16xf32>
          %parallel_loop3A_493 = arith.addf %parallel_loop3A_473, %parallel_loop3A_492 : vector<16xf32>
          %parallel_loop3A_494 = arith.constant 0 : i32
          %parallel_loop3A_495 = arith.constant 0 : i32
          %parallel_loop3A_496 = tpu.memref_slice %arg14[%scan3A_7, %parallel_loop3A_494, %parallel_loop3A_495] : memref<4x256x64xf32, #tpu.memory_space<vmem>> -> memref<1x256x64xf32, #tpu.memory_space<vmem>>
          %parallel_loop3A_497 = tpu.memref_squeeze %parallel_loop3A_496 : memref<1x256x64xf32, #tpu.memory_space<vmem>> -> memref<256x64xf32, #tpu.memory_space<vmem>>
          %parallel_loop3A_498 = arith.index_cast %parallel_loop3A_431 : i32 to index
          %parallel_loop3A_499 = arith.constant 48 : index
          %parallel_loop3A_500 = tpu.vector_load %parallel_loop3A_497[%parallel_loop3A_498, %parallel_loop3A_499] {strides = array<i32>} : memref<256x64xf32, #tpu.memory_space<vmem>>, vector<16xf32>,
          %parallel_loop3A_501 = arith.mulf %parallel_loop3A_500, %parallel_loop3A_433 : vector<16xf32>
          %parallel_loop3A_502 = arith.constant 64 : i32
          %parallel_loop3A_503 = arith.muli %parallel_loop3A_431, %parallel_loop3A_502 : i32
          %parallel_loop3A_504 = arith.constant 48 : i32
          %parallel_loop3A_505 = arith.addi %parallel_loop3A_503, %parallel_loop3A_504 : i32
          %parallel_loop3A_506 = arith.index_cast %parallel_loop3A_505 : i32 to index
          %parallel_loop3A_507 = tpu.vector_load %arg16[%parallel_loop3A_506] {strides = array<i32>} : memref<16384xf32, #tpu.memory_space<vmem>>, vector<16xf32>,
          tpu.vector_store %arg16[%parallel_loop3A_506], %parallel_loop3A_501 {add = true, strides = array<i32>} : memref<16384xf32, #tpu.memory_space<vmem>>, vector<16xf32>,
          %parallel_loop3A_508 = arith.constant 5.000000e-01 : f32
          %parallel_loop3A_509 = vector.broadcast %parallel_loop3A_508 : f32 to vector<16xf32>
          %parallel_loop3A_510 = arith.mulf %parallel_loop3A_509, %parallel_loop3A_501 : vector<16xf32>
          %parallel_loop3A_511 = arith.subf %get3A_320, %parallel_loop3A_510 : vector<16xf32>
          %parallel_loop3A_512 = arith.mulf %parallel_loop3A_501, %parallel_loop3A_511 : vector<16xf32>
          %parallel_loop3A_513 = arith.addf %parallel_loop3A_493, %parallel_loop3A_512 : vector<16xf32>
          %parallel_loop3A_514 = arith.constant 16 : i32
          %parallel_loop3A_515 = arith.muli %parallel_loop3A_431, %parallel_loop3A_514 : i32
          %parallel_loop3A_516 = arith.index_cast %parallel_loop3A_515 : i32 to index
          %parallel_loop3A_517 = tpu.vector_load %arg17[%parallel_loop3A_516] {strides = array<i32>} : memref<4096xf32, #tpu.memory_space<vmem>>, vector<16xf32>,
          tpu.vector_store %arg17[%parallel_loop3A_516], %parallel_loop3A_513 {add = true, strides = array<i32>} : memref<4096xf32, #tpu.memory_space<vmem>>, vector<16xf32>,
        } {sc.loop_unroll_factor = 4 : i64, sc.parallel_access}
        %mul3A_324 = arith.constant 4 : i32
        %mul3A_325 = arith.muli %mul3A_324, %scan3A_108 : i32
        %add3A_326 = arith.constant 2 : i32
        %add3A_327 = arith.addi %mul3A_325, %add3A_326 : i32
        %dma_wait3A_328 = arith.constant 0 : i32
        %dma_wait3A_329 = arith.constant 0 : i32
        %dma_wait3A_330 = tpu.memref_slice %arg14[%scan3A_11, %dma_wait3A_328, %dma_wait3A_329] : memref<4x256x64xf32, #tpu.memory_space<vmem>> -> memref<1x256x64xf32, #tpu.memory_space<vmem>>
        %dma_wait3A_331 = tpu.memref_squeeze %dma_wait3A_330 : memref<1x256x64xf32, #tpu.memory_space<vmem>> -> memref<256x64xf32, #tpu.memory_space<vmem>>
        %dma_wait3A_332 = arith.constant 0 : i32
        %dma_wait3A_333 = tpu.memref_slice %arg12[%scan3A_10, %dma_wait3A_332] : memref<4x256xi32, #tpu.memory_space<vmem>> -> memref<1x256xi32, #tpu.memory_space<vmem>>
        %dma_wait3A_334 = tpu.memref_squeeze %dma_wait3A_333 : memref<1x256xi32, #tpu.memory_space<vmem>> -> memref<256xi32, #tpu.memory_space<vmem>>
        %dma_wait3A_335 = arith.constant 0 : i32
        %dma_wait3A_336 = arith.constant 0 : i32
        %dma_wait3A_337 = tpu.memref_slice %arg4[%dma_wait3A_335, %dma_wait3A_336] : memref<2600000x64xf32, #tpu.memory_space<hbm>> -> memref<2600000x64xf32, #tpu.memory_space<hbm>>
        tpu.wait_indirect_dma semaphore(%arg25 : memref<!tpu.dma_semaphore, #tpu.memory_space<semaphore_mem>>) src(%dma_wait3A_337 : memref<2600000x64xf32, #tpu.memory_space<hbm>>) dst(%dma_wait3A_331 : memref<256x64xf32, #tpu.memory_space<vmem>>)
        %dma_wait3A_338 = arith.constant 0 : i32
        %dma_wait3A_339 = tpu.memref_slice %arg15[%scan3A_12, %dma_wait3A_338] : memref<4x256xf32, #tpu.memory_space<vmem>> -> memref<1x256xf32, #tpu.memory_space<vmem>>
        %dma_wait3A_340 = tpu.memref_squeeze %dma_wait3A_339 : memref<1x256xf32, #tpu.memory_space<vmem>> -> memref<256xf32, #tpu.memory_space<vmem>>
        %dma_wait3A_341 = arith.constant 0 : i32
        %dma_wait3A_342 = tpu.memref_slice %arg13[%scan3A_9, %dma_wait3A_341] : memref<4x256xi32, #tpu.memory_space<vmem>> -> memref<1x256xi32, #tpu.memory_space<vmem>>
        %dma_wait3A_343 = tpu.memref_squeeze %dma_wait3A_342 : memref<1x256xi32, #tpu.memory_space<vmem>> -> memref<256xi32, #tpu.memory_space<vmem>>
        %dma_wait3A_344 = arith.constant 0 : i32
        %dma_wait3A_345 = tpu.memref_slice %arg5[%dma_wait3A_344] : memref<1300000xf32, #tpu.memory_space<hbm>> -> memref<1300000xf32, #tpu.memory_space<hbm>>
        tpu.wait_indirect_dma semaphore(%arg29 : memref<!tpu.dma_semaphore, #tpu.memory_space<semaphore_mem>>) src(%dma_wait3A_345 : memref<1300000xf32, #tpu.memory_space<hbm>>) dst(%dma_wait3A_340 : memref<256xf32, #tpu.memory_space<vmem>>)
        %broadcast_in_dim3A_346 = vector.broadcast %add3A_327 : i32 to vector<16xi32>
        %parallel_loop3A_347 = arith.constant 0 : i32
        %parallel_loop3A_348 = arith.constant 16 : i32
        %parallel_loop3A_349 = arith.constant 1 : i32
        scf.for %parallel_loop3A_431 = %parallel_loop3A_347 to %parallel_loop3A_348 step %parallel_loop3A_349  : i32 {
          %parallel_loop3A_432 = arith.constant 16 : i32
          %parallel_loop3A_433 = arith.muli %parallel_loop3A_431, %parallel_loop3A_432 : i32
          %parallel_loop3A_434 = arith.constant 0 : i32
          %parallel_loop3A_435 = tpu.memref_slice %arg15[%scan3A_12, %parallel_loop3A_434] : memref<4x256xf32, #tpu.memory_space<vmem>> -> memref<1x256xf32, #tpu.memory_space<vmem>>
          %parallel_loop3A_436 = tpu.memref_squeeze %parallel_loop3A_435 : memref<1x256xf32, #tpu.memory_space<vmem>> -> memref<256xf32, #tpu.memory_space<vmem>>
          %parallel_loop3A_437 = arith.index_cast %parallel_loop3A_433 : i32 to index
          %parallel_loop3A_438 = tpu.vector_load %parallel_loop3A_436[%parallel_loop3A_437] {strides = array<i32>} : memref<256xf32, #tpu.memory_space<vmem>>, vector<16xf32>,
          %parallel_loop3A_439 = arith.constant 16 : i32
          %parallel_loop3A_440 = arith.muli %parallel_loop3A_431, %parallel_loop3A_439 : i32
          %parallel_loop3A_441 = vector.broadcast %parallel_loop3A_440 : i32 to vector<16xi32>
          %parallel_loop3A_442 = arith.addi %parallel_loop3A_441, %iota3A : vector<16xi32>
          %parallel_loop3A_443 = tpu.vector_load_idx %arg11[%broadcast_in_dim3A_346, %parallel_loop3A_442] : memref<45x256xf32, #tpu.memory_space<vmem>>[vector<16xi32>, vector<16xi32>], vector<16xf32>,
          %parallel_loop3A_444 = arith.constant 16 : i32
          %parallel_loop3A_445 = arith.muli %parallel_loop3A_431, %parallel_loop3A_444 : i32
          %parallel_loop3A_446 = arith.mulf %parallel_loop3A_438, %parallel_loop3A_443 : vector<16xf32>
          %parallel_loop3A_447 = arith.index_cast %parallel_loop3A_445 : i32 to index
          %parallel_loop3A_448 = tpu.vector_load %arg18[%parallel_loop3A_447] {strides = array<i32>} : memref<256xf32, #tpu.memory_space<vmem>>, vector<16xf32>,
          tpu.vector_store %arg18[%parallel_loop3A_447], %parallel_loop3A_446 {add = true, strides = array<i32>} : memref<256xf32, #tpu.memory_space<vmem>>, vector<16xf32>,
        } {sc.loop_unroll_factor = 1 : i64, sc.parallel_access}
        %mul3A_350 = arith.constant 64 : i32
        %mul3A_351 = arith.muli %add3A_327, %mul3A_350 : i32
        %add3A_352 = arith.constant 0 : i32
        %add3A_353 = arith.addi %mul3A_351, %add3A_352 : i32
        %get3A_354 = arith.index_cast %add3A_353 : i32 to index
        %get3A_355 = tpu.vector_load %arg19[%get3A_354] {strides = array<i32>} : memref<2880xf32, #tpu.memory_space<vmem>>, vector<16xf32>,
        %mul3A_356 = arith.constant 64 : i32
        %mul3A_357 = arith.muli %add3A_327, %mul3A_356 : i32
        %add3A_358 = arith.constant 16 : i32
        %add3A_359 = arith.addi %mul3A_357, %add3A_358 : i32
        %get3A_360 = arith.index_cast %add3A_359 : i32 to index
        %get3A_361 = tpu.vector_load %arg19[%get3A_360] {strides = array<i32>} : memref<2880xf32, #tpu.memory_space<vmem>>, vector<16xf32>,
        %mul3A_362 = arith.constant 64 : i32
        %mul3A_363 = arith.muli %add3A_327, %mul3A_362 : i32
        %add3A_364 = arith.constant 32 : i32
        %add3A_365 = arith.addi %mul3A_363, %add3A_364 : i32
        %get3A_366 = arith.index_cast %add3A_365 : i32 to index
        %get3A_367 = tpu.vector_load %arg19[%get3A_366] {strides = array<i32>} : memref<2880xf32, #tpu.memory_space<vmem>>, vector<16xf32>,
        %mul3A_368 = arith.constant 64 : i32
        %mul3A_369 = arith.muli %add3A_327, %mul3A_368 : i32
        %add3A_370 = arith.constant 48 : i32
        %add3A_371 = arith.addi %mul3A_369, %add3A_370 : i32
        %get3A_372 = arith.index_cast %add3A_371 : i32 to index
        %get3A_373 = tpu.vector_load %arg19[%get3A_372] {strides = array<i32>} : memref<2880xf32, #tpu.memory_space<vmem>>, vector<16xf32>,
        %parallel_loop3A_374 = arith.constant 0 : i32
        %parallel_loop3A_375 = arith.constant 256 : i32
        %parallel_loop3A_376 = arith.constant 1 : i32
        scf.for %parallel_loop3A_431 = %parallel_loop3A_374 to %parallel_loop3A_375 step %parallel_loop3A_376  : i32 {
          %parallel_loop3A_432 = vector.broadcast %parallel_loop3A_431 : i32 to vector<16xi32>
          %parallel_loop3A_433 = tpu.vector_load_idx %arg11[%broadcast_in_dim3A_346, %parallel_loop3A_432] : memref<45x256xf32, #tpu.memory_space<vmem>>[vector<16xi32>, vector<16xi32>], vector<16xf32>,
          %parallel_loop3A_434 = arith.constant 0 : i32
          %parallel_loop3A_435 = arith.constant 0 : i32
          %parallel_loop3A_436 = tpu.memref_slice %arg14[%scan3A_11, %parallel_loop3A_434, %parallel_loop3A_435] : memref<4x256x64xf32, #tpu.memory_space<vmem>> -> memref<1x256x64xf32, #tpu.memory_space<vmem>>
          %parallel_loop3A_437 = tpu.memref_squeeze %parallel_loop3A_436 : memref<1x256x64xf32, #tpu.memory_space<vmem>> -> memref<256x64xf32, #tpu.memory_space<vmem>>
          %parallel_loop3A_438 = arith.index_cast %parallel_loop3A_431 : i32 to index
          %parallel_loop3A_439 = arith.constant 0 : index
          %parallel_loop3A_440 = tpu.vector_load %parallel_loop3A_437[%parallel_loop3A_438, %parallel_loop3A_439] {strides = array<i32>} : memref<256x64xf32, #tpu.memory_space<vmem>>, vector<16xf32>,
          %parallel_loop3A_441 = arith.mulf %parallel_loop3A_440, %parallel_loop3A_433 : vector<16xf32>
          %parallel_loop3A_442 = arith.constant 64 : i32
          %parallel_loop3A_443 = arith.muli %parallel_loop3A_431, %parallel_loop3A_442 : i32
          %parallel_loop3A_444 = arith.constant 0 : i32
          %parallel_loop3A_445 = arith.addi %parallel_loop3A_443, %parallel_loop3A_444 : i32
          %parallel_loop3A_446 = arith.index_cast %parallel_loop3A_445 : i32 to index
          %parallel_loop3A_447 = tpu.vector_load %arg16[%parallel_loop3A_446] {strides = array<i32>} : memref<16384xf32, #tpu.memory_space<vmem>>, vector<16xf32>,
          tpu.vector_store %arg16[%parallel_loop3A_446], %parallel_loop3A_441 {add = true, strides = array<i32>} : memref<16384xf32, #tpu.memory_space<vmem>>, vector<16xf32>,
          %parallel_loop3A_448 = arith.constant 5.000000e-01 : f32
          %parallel_loop3A_449 = vector.broadcast %parallel_loop3A_448 : f32 to vector<16xf32>
          %parallel_loop3A_450 = arith.mulf %parallel_loop3A_449, %parallel_loop3A_441 : vector<16xf32>
          %parallel_loop3A_451 = arith.subf %get3A_355, %parallel_loop3A_450 : vector<16xf32>
          %parallel_loop3A_452 = arith.mulf %parallel_loop3A_441, %parallel_loop3A_451 : vector<16xf32>
          %parallel_loop3A_453 = arith.addf %broadcast_in_dim3A_1, %parallel_loop3A_452 : vector<16xf32>
          %parallel_loop3A_454 = arith.constant 0 : i32
          %parallel_loop3A_455 = arith.constant 0 : i32
          %parallel_loop3A_456 = tpu.memref_slice %arg14[%scan3A_11, %parallel_loop3A_454, %parallel_loop3A_455] : memref<4x256x64xf32, #tpu.memory_space<vmem>> -> memref<1x256x64xf32, #tpu.memory_space<vmem>>
          %parallel_loop3A_457 = tpu.memref_squeeze %parallel_loop3A_456 : memref<1x256x64xf32, #tpu.memory_space<vmem>> -> memref<256x64xf32, #tpu.memory_space<vmem>>
          %parallel_loop3A_458 = arith.index_cast %parallel_loop3A_431 : i32 to index
          %parallel_loop3A_459 = arith.constant 16 : index
          %parallel_loop3A_460 = tpu.vector_load %parallel_loop3A_457[%parallel_loop3A_458, %parallel_loop3A_459] {strides = array<i32>} : memref<256x64xf32, #tpu.memory_space<vmem>>, vector<16xf32>,
          %parallel_loop3A_461 = arith.mulf %parallel_loop3A_460, %parallel_loop3A_433 : vector<16xf32>
          %parallel_loop3A_462 = arith.constant 64 : i32
          %parallel_loop3A_463 = arith.muli %parallel_loop3A_431, %parallel_loop3A_462 : i32
          %parallel_loop3A_464 = arith.constant 16 : i32
          %parallel_loop3A_465 = arith.addi %parallel_loop3A_463, %parallel_loop3A_464 : i32
          %parallel_loop3A_466 = arith.index_cast %parallel_loop3A_465 : i32 to index
          %parallel_loop3A_467 = tpu.vector_load %arg16[%parallel_loop3A_466] {strides = array<i32>} : memref<16384xf32, #tpu.memory_space<vmem>>, vector<16xf32>,
          tpu.vector_store %arg16[%parallel_loop3A_466], %parallel_loop3A_461 {add = true, strides = array<i32>} : memref<16384xf32, #tpu.memory_space<vmem>>, vector<16xf32>,
          %parallel_loop3A_468 = arith.constant 5.000000e-01 : f32
          %parallel_loop3A_469 = vector.broadcast %parallel_loop3A_468 : f32 to vector<16xf32>
          %parallel_loop3A_470 = arith.mulf %parallel_loop3A_469, %parallel_loop3A_461 : vector<16xf32>
          %parallel_loop3A_471 = arith.subf %get3A_361, %parallel_loop3A_470 : vector<16xf32>
          %parallel_loop3A_472 = arith.mulf %parallel_loop3A_461, %parallel_loop3A_471 : vector<16xf32>
          %parallel_loop3A_473 = arith.addf %parallel_loop3A_453, %parallel_loop3A_472 : vector<16xf32>
          %parallel_loop3A_474 = arith.constant 0 : i32
          %parallel_loop3A_475 = arith.constant 0 : i32
          %parallel_loop3A_476 = tpu.memref_slice %arg14[%scan3A_11, %parallel_loop3A_474, %parallel_loop3A_475] : memref<4x256x64xf32, #tpu.memory_space<vmem>> -> memref<1x256x64xf32, #tpu.memory_space<vmem>>
          %parallel_loop3A_477 = tpu.memref_squeeze %parallel_loop3A_476 : memref<1x256x64xf32, #tpu.memory_space<vmem>> -> memref<256x64xf32, #tpu.memory_space<vmem>>
          %parallel_loop3A_478 = arith.index_cast %parallel_loop3A_431 : i32 to index
          %parallel_loop3A_479 = arith.constant 32 : index
          %parallel_loop3A_480 = tpu.vector_load %parallel_loop3A_477[%parallel_loop3A_478, %parallel_loop3A_479] {strides = array<i32>} : memref<256x64xf32, #tpu.memory_space<vmem>>, vector<16xf32>,
          %parallel_loop3A_481 = arith.mulf %parallel_loop3A_480, %parallel_loop3A_433 : vector<16xf32>
          %parallel_loop3A_482 = arith.constant 64 : i32
          %parallel_loop3A_483 = arith.muli %parallel_loop3A_431, %parallel_loop3A_482 : i32
          %parallel_loop3A_484 = arith.constant 32 : i32
          %parallel_loop3A_485 = arith.addi %parallel_loop3A_483, %parallel_loop3A_484 : i32
          %parallel_loop3A_486 = arith.index_cast %parallel_loop3A_485 : i32 to index
          %parallel_loop3A_487 = tpu.vector_load %arg16[%parallel_loop3A_486] {strides = array<i32>} : memref<16384xf32, #tpu.memory_space<vmem>>, vector<16xf32>,
          tpu.vector_store %arg16[%parallel_loop3A_486], %parallel_loop3A_481 {add = true, strides = array<i32>} : memref<16384xf32, #tpu.memory_space<vmem>>, vector<16xf32>,
          %parallel_loop3A_488 = arith.constant 5.000000e-01 : f32
          %parallel_loop3A_489 = vector.broadcast %parallel_loop3A_488 : f32 to vector<16xf32>
          %parallel_loop3A_490 = arith.mulf %parallel_loop3A_489, %parallel_loop3A_481 : vector<16xf32>
          %parallel_loop3A_491 = arith.subf %get3A_367, %parallel_loop3A_490 : vector<16xf32>
          %parallel_loop3A_492 = arith.mulf %parallel_loop3A_481, %parallel_loop3A_491 : vector<16xf32>
          %parallel_loop3A_493 = arith.addf %parallel_loop3A_473, %parallel_loop3A_492 : vector<16xf32>
          %parallel_loop3A_494 = arith.constant 0 : i32
          %parallel_loop3A_495 = arith.constant 0 : i32
          %parallel_loop3A_496 = tpu.memref_slice %arg14[%scan3A_11, %parallel_loop3A_494, %parallel_loop3A_495] : memref<4x256x64xf32, #tpu.memory_space<vmem>> -> memref<1x256x64xf32, #tpu.memory_space<vmem>>
          %parallel_loop3A_497 = tpu.memref_squeeze %parallel_loop3A_496 : memref<1x256x64xf32, #tpu.memory_space<vmem>> -> memref<256x64xf32, #tpu.memory_space<vmem>>
          %parallel_loop3A_498 = arith.index_cast %parallel_loop3A_431 : i32 to index
          %parallel_loop3A_499 = arith.constant 48 : index
          %parallel_loop3A_500 = tpu.vector_load %parallel_loop3A_497[%parallel_loop3A_498, %parallel_loop3A_499] {strides = array<i32>} : memref<256x64xf32, #tpu.memory_space<vmem>>, vector<16xf32>,
          %parallel_loop3A_501 = arith.mulf %parallel_loop3A_500, %parallel_loop3A_433 : vector<16xf32>
          %parallel_loop3A_502 = arith.constant 64 : i32
          %parallel_loop3A_503 = arith.muli %parallel_loop3A_431, %parallel_loop3A_502 : i32
          %parallel_loop3A_504 = arith.constant 48 : i32
          %parallel_loop3A_505 = arith.addi %parallel_loop3A_503, %parallel_loop3A_504 : i32
          %parallel_loop3A_506 = arith.index_cast %parallel_loop3A_505 : i32 to index
          %parallel_loop3A_507 = tpu.vector_load %arg16[%parallel_loop3A_506] {strides = array<i32>} : memref<16384xf32, #tpu.memory_space<vmem>>, vector<16xf32>,
          tpu.vector_store %arg16[%parallel_loop3A_506], %parallel_loop3A_501 {add = true, strides = array<i32>} : memref<16384xf32, #tpu.memory_space<vmem>>, vector<16xf32>,
          %parallel_loop3A_508 = arith.constant 5.000000e-01 : f32
          %parallel_loop3A_509 = vector.broadcast %parallel_loop3A_508 : f32 to vector<16xf32>
          %parallel_loop3A_510 = arith.mulf %parallel_loop3A_509, %parallel_loop3A_501 : vector<16xf32>
          %parallel_loop3A_511 = arith.subf %get3A_373, %parallel_loop3A_510 : vector<16xf32>
          %parallel_loop3A_512 = arith.mulf %parallel_loop3A_501, %parallel_loop3A_511 : vector<16xf32>
          %parallel_loop3A_513 = arith.addf %parallel_loop3A_493, %parallel_loop3A_512 : vector<16xf32>
          %parallel_loop3A_514 = arith.constant 16 : i32
          %parallel_loop3A_515 = arith.muli %parallel_loop3A_431, %parallel_loop3A_514 : i32
          %parallel_loop3A_516 = arith.index_cast %parallel_loop3A_515 : i32 to index
          %parallel_loop3A_517 = tpu.vector_load %arg17[%parallel_loop3A_516] {strides = array<i32>} : memref<4096xf32, #tpu.memory_space<vmem>>, vector<16xf32>,
          tpu.vector_store %arg17[%parallel_loop3A_516], %parallel_loop3A_513 {add = true, strides = array<i32>} : memref<4096xf32, #tpu.memory_space<vmem>>, vector<16xf32>,
        } {sc.loop_unroll_factor = 4 : i64, sc.parallel_access}
        %mul3A_377 = arith.constant 4 : i32
        %mul3A_378 = arith.muli %mul3A_377, %scan3A_108 : i32
        %add3A_379 = arith.constant 3 : i32
        %add3A_380 = arith.addi %mul3A_378, %add3A_379 : i32
        %dma_wait3A_381 = arith.constant 0 : i32
        %dma_wait3A_382 = arith.constant 0 : i32
        %dma_wait3A_383 = tpu.memref_slice %arg14[%scan3A_15, %dma_wait3A_381, %dma_wait3A_382] : memref<4x256x64xf32, #tpu.memory_space<vmem>> -> memref<1x256x64xf32, #tpu.memory_space<vmem>>
        %dma_wait3A_384 = tpu.memref_squeeze %dma_wait3A_383 : memref<1x256x64xf32, #tpu.memory_space<vmem>> -> memref<256x64xf32, #tpu.memory_space<vmem>>
        %dma_wait3A_385 = arith.constant 0 : i32
        %dma_wait3A_386 = tpu.memref_slice %arg12[%scan3A_14, %dma_wait3A_385] : memref<4x256xi32, #tpu.memory_space<vmem>> -> memref<1x256xi32, #tpu.memory_space<vmem>>
        %dma_wait3A_387 = tpu.memref_squeeze %dma_wait3A_386 : memref<1x256xi32, #tpu.memory_space<vmem>> -> memref<256xi32, #tpu.memory_space<vmem>>
        %dma_wait3A_388 = arith.constant 0 : i32
        %dma_wait3A_389 = arith.constant 0 : i32
        %dma_wait3A_390 = tpu.memref_slice %arg4[%dma_wait3A_388, %dma_wait3A_389] : memref<2600000x64xf32, #tpu.memory_space<hbm>> -> memref<2600000x64xf32, #tpu.memory_space<hbm>>
        tpu.wait_indirect_dma semaphore(%arg26 : memref<!tpu.dma_semaphore, #tpu.memory_space<semaphore_mem>>) src(%dma_wait3A_390 : memref<2600000x64xf32, #tpu.memory_space<hbm>>) dst(%dma_wait3A_384 : memref<256x64xf32, #tpu.memory_space<vmem>>)
        %dma_wait3A_391 = arith.constant 0 : i32
        %dma_wait3A_392 = tpu.memref_slice %arg15[%scan3A_16, %dma_wait3A_391] : memref<4x256xf32, #tpu.memory_space<vmem>> -> memref<1x256xf32, #tpu.memory_space<vmem>>
        %dma_wait3A_393 = tpu.memref_squeeze %dma_wait3A_392 : memref<1x256xf32, #tpu.memory_space<vmem>> -> memref<256xf32, #tpu.memory_space<vmem>>
        %dma_wait3A_394 = arith.constant 0 : i32
        %dma_wait3A_395 = tpu.memref_slice %arg13[%scan3A_13, %dma_wait3A_394] : memref<4x256xi32, #tpu.memory_space<vmem>> -> memref<1x256xi32, #tpu.memory_space<vmem>>
        %dma_wait3A_396 = tpu.memref_squeeze %dma_wait3A_395 : memref<1x256xi32, #tpu.memory_space<vmem>> -> memref<256xi32, #tpu.memory_space<vmem>>
        %dma_wait3A_397 = arith.constant 0 : i32
        %dma_wait3A_398 = tpu.memref_slice %arg5[%dma_wait3A_397] : memref<1300000xf32, #tpu.memory_space<hbm>> -> memref<1300000xf32, #tpu.memory_space<hbm>>
        tpu.wait_indirect_dma semaphore(%arg30 : memref<!tpu.dma_semaphore, #tpu.memory_space<semaphore_mem>>) src(%dma_wait3A_398 : memref<1300000xf32, #tpu.memory_space<hbm>>) dst(%dma_wait3A_393 : memref<256xf32, #tpu.memory_space<vmem>>)
        %broadcast_in_dim3A_399 = vector.broadcast %add3A_380 : i32 to vector<16xi32>
        %parallel_loop3A_400 = arith.constant 0 : i32
        %parallel_loop3A_401 = arith.constant 16 : i32
        %parallel_loop3A_402 = arith.constant 1 : i32
        scf.for %parallel_loop3A_431 = %parallel_loop3A_400 to %parallel_loop3A_401 step %parallel_loop3A_402  : i32 {
          %parallel_loop3A_432 = arith.constant 16 : i32
          %parallel_loop3A_433 = arith.muli %parallel_loop3A_431, %parallel_loop3A_432 : i32
          %parallel_loop3A_434 = arith.constant 0 : i32
          %parallel_loop3A_435 = tpu.memref_slice %arg15[%scan3A_16, %parallel_loop3A_434] : memref<4x256xf32, #tpu.memory_space<vmem>> -> memref<1x256xf32, #tpu.memory_space<vmem>>
          %parallel_loop3A_436 = tpu.memref_squeeze %parallel_loop3A_435 : memref<1x256xf32, #tpu.memory_space<vmem>> -> memref<256xf32, #tpu.memory_space<vmem>>
          %parallel_loop3A_437 = arith.index_cast %parallel_loop3A_433 : i32 to index
          %parallel_loop3A_438 = tpu.vector_load %parallel_loop3A_436[%parallel_loop3A_437] {strides = array<i32>} : memref<256xf32, #tpu.memory_space<vmem>>, vector<16xf32>,
          %parallel_loop3A_439 = arith.constant 16 : i32
          %parallel_loop3A_440 = arith.muli %parallel_loop3A_431, %parallel_loop3A_439 : i32
          %parallel_loop3A_441 = vector.broadcast %parallel_loop3A_440 : i32 to vector<16xi32>
          %parallel_loop3A_442 = arith.addi %parallel_loop3A_441, %iota3A : vector<16xi32>
          %parallel_loop3A_443 = tpu.vector_load_idx %arg11[%broadcast_in_dim3A_399, %parallel_loop3A_442] : memref<45x256xf32, #tpu.memory_space<vmem>>[vector<16xi32>, vector<16xi32>], vector<16xf32>,
          %parallel_loop3A_444 = arith.constant 16 : i32
          %parallel_loop3A_445 = arith.muli %parallel_loop3A_431, %parallel_loop3A_444 : i32
          %parallel_loop3A_446 = arith.mulf %parallel_loop3A_438, %parallel_loop3A_443 : vector<16xf32>
          %parallel_loop3A_447 = arith.index_cast %parallel_loop3A_445 : i32 to index
          %parallel_loop3A_448 = tpu.vector_load %arg18[%parallel_loop3A_447] {strides = array<i32>} : memref<256xf32, #tpu.memory_space<vmem>>, vector<16xf32>,
          tpu.vector_store %arg18[%parallel_loop3A_447], %parallel_loop3A_446 {add = true, strides = array<i32>} : memref<256xf32, #tpu.memory_space<vmem>>, vector<16xf32>,
        } {sc.loop_unroll_factor = 1 : i64, sc.parallel_access}
        %mul3A_403 = arith.constant 64 : i32
        %mul3A_404 = arith.muli %add3A_380, %mul3A_403 : i32
        %add3A_405 = arith.constant 0 : i32
        %add3A_406 = arith.addi %mul3A_404, %add3A_405 : i32
        %get3A_407 = arith.index_cast %add3A_406 : i32 to index
        %get3A_408 = tpu.vector_load %arg19[%get3A_407] {strides = array<i32>} : memref<2880xf32, #tpu.memory_space<vmem>>, vector<16xf32>,
        %mul3A_409 = arith.constant 64 : i32
        %mul3A_410 = arith.muli %add3A_380, %mul3A_409 : i32
        %add3A_411 = arith.constant 16 : i32
        %add3A_412 = arith.addi %mul3A_410, %add3A_411 : i32
        %get3A_413 = arith.index_cast %add3A_412 : i32 to index
        %get3A_414 = tpu.vector_load %arg19[%get3A_413] {strides = array<i32>} : memref<2880xf32, #tpu.memory_space<vmem>>, vector<16xf32>,
        %mul3A_415 = arith.constant 64 : i32
        %mul3A_416 = arith.muli %add3A_380, %mul3A_415 : i32
        %add3A_417 = arith.constant 32 : i32
        %add3A_418 = arith.addi %mul3A_416, %add3A_417 : i32
        %get3A_419 = arith.index_cast %add3A_418 : i32 to index
        %get3A_420 = tpu.vector_load %arg19[%get3A_419] {strides = array<i32>} : memref<2880xf32, #tpu.memory_space<vmem>>, vector<16xf32>,
        %mul3A_421 = arith.constant 64 : i32
        %mul3A_422 = arith.muli %add3A_380, %mul3A_421 : i32
        %add3A_423 = arith.constant 48 : i32
        %add3A_424 = arith.addi %mul3A_422, %add3A_423 : i32
        %get3A_425 = arith.index_cast %add3A_424 : i32 to index
        %get3A_426 = tpu.vector_load %arg19[%get3A_425] {strides = array<i32>} : memref<2880xf32, #tpu.memory_space<vmem>>, vector<16xf32>,
        %parallel_loop3A_427 = arith.constant 0 : i32
        %parallel_loop3A_428 = arith.constant 256 : i32
        %parallel_loop3A_429 = arith.constant 1 : i32
        scf.for %parallel_loop3A_431 = %parallel_loop3A_427 to %parallel_loop3A_428 step %parallel_loop3A_429  : i32 {
          %parallel_loop3A_432 = vector.broadcast %parallel_loop3A_431 : i32 to vector<16xi32>
          %parallel_loop3A_433 = tpu.vector_load_idx %arg11[%broadcast_in_dim3A_399, %parallel_loop3A_432] : memref<45x256xf32, #tpu.memory_space<vmem>>[vector<16xi32>, vector<16xi32>], vector<16xf32>,
          %parallel_loop3A_434 = arith.constant 0 : i32
          %parallel_loop3A_435 = arith.constant 0 : i32
          %parallel_loop3A_436 = tpu.memref_slice %arg14[%scan3A_15, %parallel_loop3A_434, %parallel_loop3A_435] : memref<4x256x64xf32, #tpu.memory_space<vmem>> -> memref<1x256x64xf32, #tpu.memory_space<vmem>>
          %parallel_loop3A_437 = tpu.memref_squeeze %parallel_loop3A_436 : memref<1x256x64xf32, #tpu.memory_space<vmem>> -> memref<256x64xf32, #tpu.memory_space<vmem>>
          %parallel_loop3A_438 = arith.index_cast %parallel_loop3A_431 : i32 to index
          %parallel_loop3A_439 = arith.constant 0 : index
          %parallel_loop3A_440 = tpu.vector_load %parallel_loop3A_437[%parallel_loop3A_438, %parallel_loop3A_439] {strides = array<i32>} : memref<256x64xf32, #tpu.memory_space<vmem>>, vector<16xf32>,
          %parallel_loop3A_441 = arith.mulf %parallel_loop3A_440, %parallel_loop3A_433 : vector<16xf32>
          %parallel_loop3A_442 = arith.constant 64 : i32
          %parallel_loop3A_443 = arith.muli %parallel_loop3A_431, %parallel_loop3A_442 : i32
          %parallel_loop3A_444 = arith.constant 0 : i32
          %parallel_loop3A_445 = arith.addi %parallel_loop3A_443, %parallel_loop3A_444 : i32
          %parallel_loop3A_446 = arith.index_cast %parallel_loop3A_445 : i32 to index
          %parallel_loop3A_447 = tpu.vector_load %arg16[%parallel_loop3A_446] {strides = array<i32>} : memref<16384xf32, #tpu.memory_space<vmem>>, vector<16xf32>,
          tpu.vector_store %arg16[%parallel_loop3A_446], %parallel_loop3A_441 {add = true, strides = array<i32>} : memref<16384xf32, #tpu.memory_space<vmem>>, vector<16xf32>,
          %parallel_loop3A_448 = arith.constant 5.000000e-01 : f32
          %parallel_loop3A_449 = vector.broadcast %parallel_loop3A_448 : f32 to vector<16xf32>
          %parallel_loop3A_450 = arith.mulf %parallel_loop3A_449, %parallel_loop3A_441 : vector<16xf32>
          %parallel_loop3A_451 = arith.subf %get3A_408, %parallel_loop3A_450 : vector<16xf32>
          %parallel_loop3A_452 = arith.mulf %parallel_loop3A_441, %parallel_loop3A_451 : vector<16xf32>
          %parallel_loop3A_453 = arith.addf %broadcast_in_dim3A_1, %parallel_loop3A_452 : vector<16xf32>
          %parallel_loop3A_454 = arith.constant 0 : i32
          %parallel_loop3A_455 = arith.constant 0 : i32
          %parallel_loop3A_456 = tpu.memref_slice %arg14[%scan3A_15, %parallel_loop3A_454, %parallel_loop3A_455] : memref<4x256x64xf32, #tpu.memory_space<vmem>> -> memref<1x256x64xf32, #tpu.memory_space<vmem>>
          %parallel_loop3A_457 = tpu.memref_squeeze %parallel_loop3A_456 : memref<1x256x64xf32, #tpu.memory_space<vmem>> -> memref<256x64xf32, #tpu.memory_space<vmem>>
          %parallel_loop3A_458 = arith.index_cast %parallel_loop3A_431 : i32 to index
          %parallel_loop3A_459 = arith.constant 16 : index
          %parallel_loop3A_460 = tpu.vector_load %parallel_loop3A_457[%parallel_loop3A_458, %parallel_loop3A_459] {strides = array<i32>} : memref<256x64xf32, #tpu.memory_space<vmem>>, vector<16xf32>,
          %parallel_loop3A_461 = arith.mulf %parallel_loop3A_460, %parallel_loop3A_433 : vector<16xf32>
          %parallel_loop3A_462 = arith.constant 64 : i32
          %parallel_loop3A_463 = arith.muli %parallel_loop3A_431, %parallel_loop3A_462 : i32
          %parallel_loop3A_464 = arith.constant 16 : i32
          %parallel_loop3A_465 = arith.addi %parallel_loop3A_463, %parallel_loop3A_464 : i32
          %parallel_loop3A_466 = arith.index_cast %parallel_loop3A_465 : i32 to index
          %parallel_loop3A_467 = tpu.vector_load %arg16[%parallel_loop3A_466] {strides = array<i32>} : memref<16384xf32, #tpu.memory_space<vmem>>, vector<16xf32>,
          tpu.vector_store %arg16[%parallel_loop3A_466], %parallel_loop3A_461 {add = true, strides = array<i32>} : memref<16384xf32, #tpu.memory_space<vmem>>, vector<16xf32>,
          %parallel_loop3A_468 = arith.constant 5.000000e-01 : f32
          %parallel_loop3A_469 = vector.broadcast %parallel_loop3A_468 : f32 to vector<16xf32>
          %parallel_loop3A_470 = arith.mulf %parallel_loop3A_469, %parallel_loop3A_461 : vector<16xf32>
          %parallel_loop3A_471 = arith.subf %get3A_414, %parallel_loop3A_470 : vector<16xf32>
          %parallel_loop3A_472 = arith.mulf %parallel_loop3A_461, %parallel_loop3A_471 : vector<16xf32>
          %parallel_loop3A_473 = arith.addf %parallel_loop3A_453, %parallel_loop3A_472 : vector<16xf32>
          %parallel_loop3A_474 = arith.constant 0 : i32
          %parallel_loop3A_475 = arith.constant 0 : i32
          %parallel_loop3A_476 = tpu.memref_slice %arg14[%scan3A_15, %parallel_loop3A_474, %parallel_loop3A_475] : memref<4x256x64xf32, #tpu.memory_space<vmem>> -> memref<1x256x64xf32, #tpu.memory_space<vmem>>
          %parallel_loop3A_477 = tpu.memref_squeeze %parallel_loop3A_476 : memref<1x256x64xf32, #tpu.memory_space<vmem>> -> memref<256x64xf32, #tpu.memory_space<vmem>>
          %parallel_loop3A_478 = arith.index_cast %parallel_loop3A_431 : i32 to index
          %parallel_loop3A_479 = arith.constant 32 : index
          %parallel_loop3A_480 = tpu.vector_load %parallel_loop3A_477[%parallel_loop3A_478, %parallel_loop3A_479] {strides = array<i32>} : memref<256x64xf32, #tpu.memory_space<vmem>>, vector<16xf32>,
          %parallel_loop3A_481 = arith.mulf %parallel_loop3A_480, %parallel_loop3A_433 : vector<16xf32>
          %parallel_loop3A_482 = arith.constant 64 : i32
          %parallel_loop3A_483 = arith.muli %parallel_loop3A_431, %parallel_loop3A_482 : i32
          %parallel_loop3A_484 = arith.constant 32 : i32
          %parallel_loop3A_485 = arith.addi %parallel_loop3A_483, %parallel_loop3A_484 : i32
          %parallel_loop3A_486 = arith.index_cast %parallel_loop3A_485 : i32 to index
          %parallel_loop3A_487 = tpu.vector_load %arg16[%parallel_loop3A_486] {strides = array<i32>} : memref<16384xf32, #tpu.memory_space<vmem>>, vector<16xf32>,
          tpu.vector_store %arg16[%parallel_loop3A_486], %parallel_loop3A_481 {add = true, strides = array<i32>} : memref<16384xf32, #tpu.memory_space<vmem>>, vector<16xf32>,
          %parallel_loop3A_488 = arith.constant 5.000000e-01 : f32
          %parallel_loop3A_489 = vector.broadcast %parallel_loop3A_488 : f32 to vector<16xf32>
          %parallel_loop3A_490 = arith.mulf %parallel_loop3A_489, %parallel_loop3A_481 : vector<16xf32>
          %parallel_loop3A_491 = arith.subf %get3A_420, %parallel_loop3A_490 : vector<16xf32>
          %parallel_loop3A_492 = arith.mulf %parallel_loop3A_481, %parallel_loop3A_491 : vector<16xf32>
          %parallel_loop3A_493 = arith.addf %parallel_loop3A_473, %parallel_loop3A_492 : vector<16xf32>
          %parallel_loop3A_494 = arith.constant 0 : i32
          %parallel_loop3A_495 = arith.constant 0 : i32
          %parallel_loop3A_496 = tpu.memref_slice %arg14[%scan3A_15, %parallel_loop3A_494, %parallel_loop3A_495] : memref<4x256x64xf32, #tpu.memory_space<vmem>> -> memref<1x256x64xf32, #tpu.memory_space<vmem>>
          %parallel_loop3A_497 = tpu.memref_squeeze %parallel_loop3A_496 : memref<1x256x64xf32, #tpu.memory_space<vmem>> -> memref<256x64xf32, #tpu.memory_space<vmem>>
          %parallel_loop3A_498 = arith.index_cast %parallel_loop3A_431 : i32 to index
          %parallel_loop3A_499 = arith.constant 48 : index
          %parallel_loop3A_500 = tpu.vector_load %parallel_loop3A_497[%parallel_loop3A_498, %parallel_loop3A_499] {strides = array<i32>} : memref<256x64xf32, #tpu.memory_space<vmem>>, vector<16xf32>,
          %parallel_loop3A_501 = arith.mulf %parallel_loop3A_500, %parallel_loop3A_433 : vector<16xf32>
          %parallel_loop3A_502 = arith.constant 64 : i32
          %parallel_loop3A_503 = arith.muli %parallel_loop3A_431, %parallel_loop3A_502 : i32
          %parallel_loop3A_504 = arith.constant 48 : i32
          %parallel_loop3A_505 = arith.addi %parallel_loop3A_503, %parallel_loop3A_504 : i32
          %parallel_loop3A_506 = arith.index_cast %parallel_loop3A_505 : i32 to index
          %parallel_loop3A_507 = tpu.vector_load %arg16[%parallel_loop3A_506] {strides = array<i32>} : memref<16384xf32, #tpu.memory_space<vmem>>, vector<16xf32>,
          tpu.vector_store %arg16[%parallel_loop3A_506], %parallel_loop3A_501 {add = true, strides = array<i32>} : memref<16384xf32, #tpu.memory_space<vmem>>, vector<16xf32>,
          %parallel_loop3A_508 = arith.constant 5.000000e-01 : f32
          %parallel_loop3A_509 = vector.broadcast %parallel_loop3A_508 : f32 to vector<16xf32>
          %parallel_loop3A_510 = arith.mulf %parallel_loop3A_509, %parallel_loop3A_501 : vector<16xf32>
          %parallel_loop3A_511 = arith.subf %get3A_426, %parallel_loop3A_510 : vector<16xf32>
          %parallel_loop3A_512 = arith.mulf %parallel_loop3A_501, %parallel_loop3A_511 : vector<16xf32>
          %parallel_loop3A_513 = arith.addf %parallel_loop3A_493, %parallel_loop3A_512 : vector<16xf32>
          %parallel_loop3A_514 = arith.constant 16 : i32
          %parallel_loop3A_515 = arith.muli %parallel_loop3A_431, %parallel_loop3A_514 : i32
          %parallel_loop3A_516 = arith.index_cast %parallel_loop3A_515 : i32 to index
          %parallel_loop3A_517 = tpu.vector_load %arg17[%parallel_loop3A_516] {strides = array<i32>} : memref<4096xf32, #tpu.memory_space<vmem>>, vector<16xf32>,
          tpu.vector_store %arg17[%parallel_loop3A_516], %parallel_loop3A_513 {add = true, strides = array<i32>} : memref<4096xf32, #tpu.memory_space<vmem>>, vector<16xf32>,
        } {sc.loop_unroll_factor = 4 : i64, sc.parallel_access}
        %scan3A_430 = arith.constant 0 : i32
        scf.yield %scan3A_430 : i32
      }
      %scan3A_45 = arith.constant 11 : i32
      %broadcast_in_dim3A_46 = arith.constant 44 : i32
      %broadcast_in_dim3A_47 = vector.broadcast %broadcast_in_dim3A_46 : i32 to vector<16xi32>
      %gather3A = tpu.vector_load_idx %arg20[%broadcast_in_dim3A_47] : memref<45xi32, #tpu.memory_space<vmem>>[vector<16xi32>], vector<16xi32>,
      %parallel_loop3A_48 = arith.constant 0 : i32
      %parallel_loop3A_49 = arith.constant 16 : i32
      %parallel_loop3A_50 = arith.constant 1 : i32
      scf.for %parallel_loop3A_108 = %parallel_loop3A_48 to %parallel_loop3A_49 step %parallel_loop3A_50  : i32 {
        %parallel_loop3A_109 = arith.constant 16 : i32
        %parallel_loop3A_110 = arith.muli %parallel_loop3A_108, %parallel_loop3A_109 : i32
        %parallel_loop3A_111 = vector.broadcast %parallel_loop3A_110 : i32 to vector<16xi32>
        %parallel_loop3A_112 = arith.addi %parallel_loop3A_111, %iota3A : vector<16xi32>
        %parallel_loop3A_113 = tpu.vector_load_idx %arg10[%broadcast_in_dim3A_47, %parallel_loop3A_112] : memref<45x256xi32, #tpu.memory_space<vmem>>[vector<16xi32>, vector<16xi32>], vector<16xi32>,
        %parallel_loop3A_114 = arith.addi %parallel_loop3A_113, %gather3A : vector<16xi32>
        %parallel_loop3A_115 = arith.constant 16 : i32
        %parallel_loop3A_116 = arith.muli %parallel_loop3A_108, %parallel_loop3A_115 : i32
        %parallel_loop3A_117 = arith.constant 0 : i32
        %parallel_loop3A_118 = tpu.memref_slice %arg13[%scan3A, %parallel_loop3A_117] : memref<4x256xi32, #tpu.memory_space<vmem>> -> memref<1x256xi32, #tpu.memory_space<vmem>>
        %parallel_loop3A_119 = tpu.memref_squeeze %parallel_loop3A_118 : memref<1x256xi32, #tpu.memory_space<vmem>> -> memref<256xi32, #tpu.memory_space<vmem>>
        %parallel_loop3A_120 = arith.index_cast %parallel_loop3A_116 : i32 to index
        %parallel_loop3A_121 = tpu.vector_load %parallel_loop3A_119[%parallel_loop3A_120] {strides = array<i32>} : memref<256xi32, #tpu.memory_space<vmem>>, vector<16xi32>,
        tpu.vector_store %parallel_loop3A_119[%parallel_loop3A_120], %parallel_loop3A_114 {strides = array<i32>} : memref<256xi32, #tpu.memory_space<vmem>>, vector<16xi32>,
        %parallel_loop3A_122 = arith.constant 2 : i32
        %parallel_loop3A_123 = vector.broadcast %parallel_loop3A_122 : i32 to vector<16xi32>
        %parallel_loop3A_124 = arith.muli %parallel_loop3A_114, %parallel_loop3A_123 : vector<16xi32>
        %parallel_loop3A_125 = arith.constant 16 : i32
        %parallel_loop3A_126 = arith.muli %parallel_loop3A_108, %parallel_loop3A_125 : i32
        %parallel_loop3A_127 = arith.constant 0 : i32
        %parallel_loop3A_128 = tpu.memref_slice %arg12[%scan3A_2, %parallel_loop3A_127] : memref<4x256xi32, #tpu.memory_space<vmem>> -> memref<1x256xi32, #tpu.memory_space<vmem>>
        %parallel_loop3A_129 = tpu.memref_squeeze %parallel_loop3A_128 : memref<1x256xi32, #tpu.memory_space<vmem>> -> memref<256xi32, #tpu.memory_space<vmem>>
        %parallel_loop3A_130 = arith.index_cast %parallel_loop3A_126 : i32 to index
        %parallel_loop3A_131 = tpu.vector_load %parallel_loop3A_129[%parallel_loop3A_130] {strides = array<i32>} : memref<256xi32, #tpu.memory_space<vmem>>, vector<16xi32>,
        tpu.vector_store %parallel_loop3A_129[%parallel_loop3A_130], %parallel_loop3A_124 {strides = array<i32>} : memref<256xi32, #tpu.memory_space<vmem>>, vector<16xi32>,
      } {sc.loop_unroll_factor = 1 : i64, sc.parallel_access}
      %dma_start3A = arith.constant 0 : i32
      %dma_start3A_51 = arith.constant 0 : i32
      %dma_start3A_52 = tpu.memref_slice %arg14[%scan3A_3, %dma_start3A, %dma_start3A_51] : memref<4x256x64xf32, #tpu.memory_space<vmem>> -> memref<1x256x64xf32, #tpu.memory_space<vmem>>
      %dma_start3A_53 = tpu.memref_squeeze %dma_start3A_52 : memref<1x256x64xf32, #tpu.memory_space<vmem>> -> memref<256x64xf32, #tpu.memory_space<vmem>>
      %dma_start3A_54 = arith.constant 0 : i32
      %dma_start3A_55 = tpu.memref_slice %arg12[%scan3A_2, %dma_start3A_54] : memref<4x256xi32, #tpu.memory_space<vmem>> -> memref<1x256xi32, #tpu.memory_space<vmem>>
      %dma_start3A_56 = tpu.memref_squeeze %dma_start3A_55 : memref<1x256xi32, #tpu.memory_space<vmem>> -> memref<256xi32, #tpu.memory_space<vmem>>
      %dma_start3A_57 = arith.constant 0 : i32
      %dma_start3A_58 = arith.constant 0 : i32
      %dma_start3A_59 = tpu.memref_slice %arg4[%dma_start3A_57, %dma_start3A_58] : memref<2600000x64xf32, #tpu.memory_space<hbm>> -> memref<2600000x64xf32, #tpu.memory_space<hbm>>
      tpu.enqueue_indirect_dma source(%dma_start3A_59 : memref<2600000x64xf32, #tpu.memory_space<hbm>>) target(%dma_start3A_53 : memref<256x64xf32, #tpu.memory_space<vmem>>) offsets(%dma_start3A_56 : memref<256xi32, #tpu.memory_space<vmem>>) semaphore(%arg23 : memref<!tpu.dma_semaphore, #tpu.memory_space<semaphore_mem>>)
      %dma_start3A_60 = arith.constant 0 : i32
      %dma_start3A_61 = tpu.memref_slice %arg15[%scan3A_4, %dma_start3A_60] : memref<4x256xf32, #tpu.memory_space<vmem>> -> memref<1x256xf32, #tpu.memory_space<vmem>>
      %dma_start3A_62 = tpu.memref_squeeze %dma_start3A_61 : memref<1x256xf32, #tpu.memory_space<vmem>> -> memref<256xf32, #tpu.memory_space<vmem>>
      %dma_start3A_63 = arith.constant 0 : i32
      %dma_start3A_64 = tpu.memref_slice %arg13[%scan3A, %dma_start3A_63] : memref<4x256xi32, #tpu.memory_space<vmem>> -> memref<1x256xi32, #tpu.memory_space<vmem>>
      %dma_start3A_65 = tpu.memref_squeeze %dma_start3A_64 : memref<1x256xi32, #tpu.memory_space<vmem>> -> memref<256xi32, #tpu.memory_space<vmem>>
      %dma_start3A_66 = arith.constant 0 : i32
      %dma_start3A_67 = tpu.memref_slice %arg5[%dma_start3A_66] : memref<1300000xf32, #tpu.memory_space<hbm>> -> memref<1300000xf32, #tpu.memory_space<hbm>>
      tpu.enqueue_indirect_dma source(%dma_start3A_67 : memref<1300000xf32, #tpu.memory_space<hbm>>) target(%dma_start3A_62 : memref<256xf32, #tpu.memory_space<vmem>>) offsets(%dma_start3A_65 : memref<256xi32, #tpu.memory_space<vmem>>) semaphore(%arg27 : memref<!tpu.dma_semaphore, #tpu.memory_space<semaphore_mem>>)
      %dma_wait3A = arith.constant 0 : i32
      %dma_wait3A_68 = arith.constant 0 : i32
      %dma_wait3A_69 = tpu.memref_slice %arg14[%scan3A_3, %dma_wait3A, %dma_wait3A_68] : memref<4x256x64xf32, #tpu.memory_space<vmem>> -> memref<1x256x64xf32, #tpu.memory_space<vmem>>
      %dma_wait3A_70 = tpu.memref_squeeze %dma_wait3A_69 : memref<1x256x64xf32, #tpu.memory_space<vmem>> -> memref<256x64xf32, #tpu.memory_space<vmem>>
      %dma_wait3A_71 = arith.constant 0 : i32
      %dma_wait3A_72 = tpu.memref_slice %arg12[%scan3A_2, %dma_wait3A_71] : memref<4x256xi32, #tpu.memory_space<vmem>> -> memref<1x256xi32, #tpu.memory_space<vmem>>
      %dma_wait3A_73 = tpu.memref_squeeze %dma_wait3A_72 : memref<1x256xi32, #tpu.memory_space<vmem>> -> memref<256xi32, #tpu.memory_space<vmem>>
      %dma_wait3A_74 = arith.constant 0 : i32
      %dma_wait3A_75 = arith.constant 0 : i32
      %dma_wait3A_76 = tpu.memref_slice %arg4[%dma_wait3A_74, %dma_wait3A_75] : memref<2600000x64xf32, #tpu.memory_space<hbm>> -> memref<2600000x64xf32, #tpu.memory_space<hbm>>
      tpu.wait_indirect_dma semaphore(%arg23 : memref<!tpu.dma_semaphore, #tpu.memory_space<semaphore_mem>>) src(%dma_wait3A_76 : memref<2600000x64xf32, #tpu.memory_space<hbm>>) dst(%dma_wait3A_70 : memref<256x64xf32, #tpu.memory_space<vmem>>)
      %dma_wait3A_77 = arith.constant 0 : i32
      %dma_wait3A_78 = tpu.memref_slice %arg15[%scan3A_4, %dma_wait3A_77] : memref<4x256xf32, #tpu.memory_space<vmem>> -> memref<1x256xf32, #tpu.memory_space<vmem>>
      %dma_wait3A_79 = tpu.memref_squeeze %dma_wait3A_78 : memref<1x256xf32, #tpu.memory_space<vmem>> -> memref<256xf32, #tpu.memory_space<vmem>>
      %dma_wait3A_80 = arith.constant 0 : i32
      %dma_wait3A_81 = tpu.memref_slice %arg13[%scan3A, %dma_wait3A_80] : memref<4x256xi32, #tpu.memory_space<vmem>> -> memref<1x256xi32, #tpu.memory_space<vmem>>
      %dma_wait3A_82 = tpu.memref_squeeze %dma_wait3A_81 : memref<1x256xi32, #tpu.memory_space<vmem>> -> memref<256xi32, #tpu.memory_space<vmem>>
      %dma_wait3A_83 = arith.constant 0 : i32
      %dma_wait3A_84 = tpu.memref_slice %arg5[%dma_wait3A_83] : memref<1300000xf32, #tpu.memory_space<hbm>> -> memref<1300000xf32, #tpu.memory_space<hbm>>
      tpu.wait_indirect_dma semaphore(%arg27 : memref<!tpu.dma_semaphore, #tpu.memory_space<semaphore_mem>>) src(%dma_wait3A_84 : memref<1300000xf32, #tpu.memory_space<hbm>>) dst(%dma_wait3A_79 : memref<256xf32, #tpu.memory_space<vmem>>)
      %broadcast_in_dim3A_85 = arith.constant 44 : i32
      %broadcast_in_dim3A_86 = vector.broadcast %broadcast_in_dim3A_85 : i32 to vector<16xi32>
      %parallel_loop3A_87 = arith.constant 0 : i32
      %parallel_loop3A_88 = arith.constant 16 : i32
      %parallel_loop3A_89 = arith.constant 1 : i32
      scf.for %parallel_loop3A_108 = %parallel_loop3A_87 to %parallel_loop3A_88 step %parallel_loop3A_89  : i32 {
        %parallel_loop3A_109 = arith.constant 16 : i32
        %parallel_loop3A_110 = arith.muli %parallel_loop3A_108, %parallel_loop3A_109 : i32
        %parallel_loop3A_111 = arith.constant 0 : i32
        %parallel_loop3A_112 = tpu.memref_slice %arg15[%scan3A_4, %parallel_loop3A_111] : memref<4x256xf32, #tpu.memory_space<vmem>> -> memref<1x256xf32, #tpu.memory_space<vmem>>
        %parallel_loop3A_113 = tpu.memref_squeeze %parallel_loop3A_112 : memref<1x256xf32, #tpu.memory_space<vmem>> -> memref<256xf32, #tpu.memory_space<vmem>>
        %parallel_loop3A_114 = arith.index_cast %parallel_loop3A_110 : i32 to index
        %parallel_loop3A_115 = tpu.vector_load %parallel_loop3A_113[%parallel_loop3A_114] {strides = array<i32>} : memref<256xf32, #tpu.memory_space<vmem>>, vector<16xf32>,
        %parallel_loop3A_116 = arith.constant 16 : i32
        %parallel_loop3A_117 = arith.muli %parallel_loop3A_108, %parallel_loop3A_116 : i32
        %parallel_loop3A_118 = vector.broadcast %parallel_loop3A_117 : i32 to vector<16xi32>
        %parallel_loop3A_119 = arith.addi %parallel_loop3A_118, %iota3A : vector<16xi32>
        %parallel_loop3A_120 = tpu.vector_load_idx %arg11[%broadcast_in_dim3A_86, %parallel_loop3A_119] : memref<45x256xf32, #tpu.memory_space<vmem>>[vector<16xi32>, vector<16xi32>], vector<16xf32>,
        %parallel_loop3A_121 = arith.constant 16 : i32
        %parallel_loop3A_122 = arith.muli %parallel_loop3A_108, %parallel_loop3A_121 : i32
        %parallel_loop3A_123 = arith.mulf %parallel_loop3A_115, %parallel_loop3A_120 : vector<16xf32>
        %parallel_loop3A_124 = arith.index_cast %parallel_loop3A_122 : i32 to index
        %parallel_loop3A_125 = tpu.vector_load %arg18[%parallel_loop3A_124] {strides = array<i32>} : memref<256xf32, #tpu.memory_space<vmem>>, vector<16xf32>,
        tpu.vector_store %arg18[%parallel_loop3A_124], %parallel_loop3A_123 {add = true, strides = array<i32>} : memref<256xf32, #tpu.memory_space<vmem>>, vector<16xf32>,
      } {sc.loop_unroll_factor = 1 : i64, sc.parallel_access}
      %get3A = arith.constant 2816 : index
      %get3A_90 = tpu.vector_load %arg19[%get3A] {strides = array<i32>} : memref<2880xf32, #tpu.memory_space<vmem>>, vector<16xf32>,
      %get3A_91 = arith.constant 2832 : index
      %get3A_92 = tpu.vector_load %arg19[%get3A_91] {strides = array<i32>} : memref<2880xf32, #tpu.memory_space<vmem>>, vector<16xf32>,
      %get3A_93 = arith.constant 2848 : index
      %get3A_94 = tpu.vector_load %arg19[%get3A_93] {strides = array<i32>} : memref<2880xf32, #tpu.memory_space<vmem>>, vector<16xf32>,
      %get3A_95 = arith.constant 2864 : index
      %get3A_96 = tpu.vector_load %arg19[%get3A_95] {strides = array<i32>} : memref<2880xf32, #tpu.memory_space<vmem>>, vector<16xf32>,
      %parallel_loop3A_97 = arith.constant 0 : i32
      %parallel_loop3A_98 = arith.constant 256 : i32
      %parallel_loop3A_99 = arith.constant 1 : i32
      scf.for %parallel_loop3A_108 = %parallel_loop3A_97 to %parallel_loop3A_98 step %parallel_loop3A_99  : i32 {
        %parallel_loop3A_109 = vector.broadcast %parallel_loop3A_108 : i32 to vector<16xi32>
        %parallel_loop3A_110 = tpu.vector_load_idx %arg11[%broadcast_in_dim3A_86, %parallel_loop3A_109] : memref<45x256xf32, #tpu.memory_space<vmem>>[vector<16xi32>, vector<16xi32>], vector<16xf32>,
        %parallel_loop3A_111 = arith.constant 0 : i32
        %parallel_loop3A_112 = arith.constant 0 : i32
        %parallel_loop3A_113 = tpu.memref_slice %arg14[%scan3A_3, %parallel_loop3A_111, %parallel_loop3A_112] : memref<4x256x64xf32, #tpu.memory_space<vmem>> -> memref<1x256x64xf32, #tpu.memory_space<vmem>>
        %parallel_loop3A_114 = tpu.memref_squeeze %parallel_loop3A_113 : memref<1x256x64xf32, #tpu.memory_space<vmem>> -> memref<256x64xf32, #tpu.memory_space<vmem>>
        %parallel_loop3A_115 = arith.index_cast %parallel_loop3A_108 : i32 to index
        %parallel_loop3A_116 = arith.constant 0 : index
        %parallel_loop3A_117 = tpu.vector_load %parallel_loop3A_114[%parallel_loop3A_115, %parallel_loop3A_116] {strides = array<i32>} : memref<256x64xf32, #tpu.memory_space<vmem>>, vector<16xf32>,
        %parallel_loop3A_118 = arith.mulf %parallel_loop3A_117, %parallel_loop3A_110 : vector<16xf32>
        %parallel_loop3A_119 = arith.constant 64 : i32
        %parallel_loop3A_120 = arith.muli %parallel_loop3A_108, %parallel_loop3A_119 : i32
        %parallel_loop3A_121 = arith.constant 0 : i32
        %parallel_loop3A_122 = arith.addi %parallel_loop3A_120, %parallel_loop3A_121 : i32
        %parallel_loop3A_123 = arith.index_cast %parallel_loop3A_122 : i32 to index
        %parallel_loop3A_124 = tpu.vector_load %arg16[%parallel_loop3A_123] {strides = array<i32>} : memref<16384xf32, #tpu.memory_space<vmem>>, vector<16xf32>,
        tpu.vector_store %arg16[%parallel_loop3A_123], %parallel_loop3A_118 {add = true, strides = array<i32>} : memref<16384xf32, #tpu.memory_space<vmem>>, vector<16xf32>,
        %parallel_loop3A_125 = arith.constant 5.000000e-01 : f32
        %parallel_loop3A_126 = vector.broadcast %parallel_loop3A_125 : f32 to vector<16xf32>
        %parallel_loop3A_127 = arith.mulf %parallel_loop3A_126, %parallel_loop3A_118 : vector<16xf32>
        %parallel_loop3A_128 = arith.subf %get3A_90, %parallel_loop3A_127 : vector<16xf32>
        %parallel_loop3A_129 = arith.mulf %parallel_loop3A_118, %parallel_loop3A_128 : vector<16xf32>
        %parallel_loop3A_130 = arith.addf %broadcast_in_dim3A_1, %parallel_loop3A_129 : vector<16xf32>
        %parallel_loop3A_131 = arith.constant 0 : i32
        %parallel_loop3A_132 = arith.constant 0 : i32
        %parallel_loop3A_133 = tpu.memref_slice %arg14[%scan3A_3, %parallel_loop3A_131, %parallel_loop3A_132] : memref<4x256x64xf32, #tpu.memory_space<vmem>> -> memref<1x256x64xf32, #tpu.memory_space<vmem>>
        %parallel_loop3A_134 = tpu.memref_squeeze %parallel_loop3A_133 : memref<1x256x64xf32, #tpu.memory_space<vmem>> -> memref<256x64xf32, #tpu.memory_space<vmem>>
        %parallel_loop3A_135 = arith.index_cast %parallel_loop3A_108 : i32 to index
        %parallel_loop3A_136 = arith.constant 16 : index
        %parallel_loop3A_137 = tpu.vector_load %parallel_loop3A_134[%parallel_loop3A_135, %parallel_loop3A_136] {strides = array<i32>} : memref<256x64xf32, #tpu.memory_space<vmem>>, vector<16xf32>,
        %parallel_loop3A_138 = arith.mulf %parallel_loop3A_137, %parallel_loop3A_110 : vector<16xf32>
        %parallel_loop3A_139 = arith.constant 64 : i32
        %parallel_loop3A_140 = arith.muli %parallel_loop3A_108, %parallel_loop3A_139 : i32
        %parallel_loop3A_141 = arith.constant 16 : i32
        %parallel_loop3A_142 = arith.addi %parallel_loop3A_140, %parallel_loop3A_141 : i32
        %parallel_loop3A_143 = arith.index_cast %parallel_loop3A_142 : i32 to index
        %parallel_loop3A_144 = tpu.vector_load %arg16[%parallel_loop3A_143] {strides = array<i32>} : memref<16384xf32, #tpu.memory_space<vmem>>, vector<16xf32>,
        tpu.vector_store %arg16[%parallel_loop3A_143], %parallel_loop3A_138 {add = true, strides = array<i32>} : memref<16384xf32, #tpu.memory_space<vmem>>, vector<16xf32>,
        %parallel_loop3A_145 = arith.constant 5.000000e-01 : f32
        %parallel_loop3A_146 = vector.broadcast %parallel_loop3A_145 : f32 to vector<16xf32>
        %parallel_loop3A_147 = arith.mulf %parallel_loop3A_146, %parallel_loop3A_138 : vector<16xf32>
        %parallel_loop3A_148 = arith.subf %get3A_92, %parallel_loop3A_147 : vector<16xf32>
        %parallel_loop3A_149 = arith.mulf %parallel_loop3A_138, %parallel_loop3A_148 : vector<16xf32>
        %parallel_loop3A_150 = arith.addf %parallel_loop3A_130, %parallel_loop3A_149 : vector<16xf32>
        %parallel_loop3A_151 = arith.constant 0 : i32
        %parallel_loop3A_152 = arith.constant 0 : i32
        %parallel_loop3A_153 = tpu.memref_slice %arg14[%scan3A_3, %parallel_loop3A_151, %parallel_loop3A_152] : memref<4x256x64xf32, #tpu.memory_space<vmem>> -> memref<1x256x64xf32, #tpu.memory_space<vmem>>
        %parallel_loop3A_154 = tpu.memref_squeeze %parallel_loop3A_153 : memref<1x256x64xf32, #tpu.memory_space<vmem>> -> memref<256x64xf32, #tpu.memory_space<vmem>>
        %parallel_loop3A_155 = arith.index_cast %parallel_loop3A_108 : i32 to index
        %parallel_loop3A_156 = arith.constant 32 : index
        %parallel_loop3A_157 = tpu.vector_load %parallel_loop3A_154[%parallel_loop3A_155, %parallel_loop3A_156] {strides = array<i32>} : memref<256x64xf32, #tpu.memory_space<vmem>>, vector<16xf32>,
        %parallel_loop3A_158 = arith.mulf %parallel_loop3A_157, %parallel_loop3A_110 : vector<16xf32>
        %parallel_loop3A_159 = arith.constant 64 : i32
        %parallel_loop3A_160 = arith.muli %parallel_loop3A_108, %parallel_loop3A_159 : i32
        %parallel_loop3A_161 = arith.constant 32 : i32
        %parallel_loop3A_162 = arith.addi %parallel_loop3A_160, %parallel_loop3A_161 : i32
        %parallel_loop3A_163 = arith.index_cast %parallel_loop3A_162 : i32 to index
        %parallel_loop3A_164 = tpu.vector_load %arg16[%parallel_loop3A_163] {strides = array<i32>} : memref<16384xf32, #tpu.memory_space<vmem>>, vector<16xf32>,
        tpu.vector_store %arg16[%parallel_loop3A_163], %parallel_loop3A_158 {add = true, strides = array<i32>} : memref<16384xf32, #tpu.memory_space<vmem>>, vector<16xf32>,
        %parallel_loop3A_165 = arith.constant 5.000000e-01 : f32
        %parallel_loop3A_166 = vector.broadcast %parallel_loop3A_165 : f32 to vector<16xf32>
        %parallel_loop3A_167 = arith.mulf %parallel_loop3A_166, %parallel_loop3A_158 : vector<16xf32>
        %parallel_loop3A_168 = arith.subf %get3A_94, %parallel_loop3A_167 : vector<16xf32>
        %parallel_loop3A_169 = arith.mulf %parallel_loop3A_158, %parallel_loop3A_168 : vector<16xf32>
        %parallel_loop3A_170 = arith.addf %parallel_loop3A_150, %parallel_loop3A_169 : vector<16xf32>
        %parallel_loop3A_171 = arith.constant 0 : i32
        %parallel_loop3A_172 = arith.constant 0 : i32
        %parallel_loop3A_173 = tpu.memref_slice %arg14[%scan3A_3, %parallel_loop3A_171, %parallel_loop3A_172] : memref<4x256x64xf32, #tpu.memory_space<vmem>> -> memref<1x256x64xf32, #tpu.memory_space<vmem>>
        %parallel_loop3A_174 = tpu.memref_squeeze %parallel_loop3A_173 : memref<1x256x64xf32, #tpu.memory_space<vmem>> -> memref<256x64xf32, #tpu.memory_space<vmem>>
        %parallel_loop3A_175 = arith.index_cast %parallel_loop3A_108 : i32 to index
        %parallel_loop3A_176 = arith.constant 48 : index
        %parallel_loop3A_177 = tpu.vector_load %parallel_loop3A_174[%parallel_loop3A_175, %parallel_loop3A_176] {strides = array<i32>} : memref<256x64xf32, #tpu.memory_space<vmem>>, vector<16xf32>,
        %parallel_loop3A_178 = arith.mulf %parallel_loop3A_177, %parallel_loop3A_110 : vector<16xf32>
        %parallel_loop3A_179 = arith.constant 64 : i32
        %parallel_loop3A_180 = arith.muli %parallel_loop3A_108, %parallel_loop3A_179 : i32
        %parallel_loop3A_181 = arith.constant 48 : i32
        %parallel_loop3A_182 = arith.addi %parallel_loop3A_180, %parallel_loop3A_181 : i32
        %parallel_loop3A_183 = arith.index_cast %parallel_loop3A_182 : i32 to index
        %parallel_loop3A_184 = tpu.vector_load %arg16[%parallel_loop3A_183] {strides = array<i32>} : memref<16384xf32, #tpu.memory_space<vmem>>, vector<16xf32>,
        tpu.vector_store %arg16[%parallel_loop3A_183], %parallel_loop3A_178 {add = true, strides = array<i32>} : memref<16384xf32, #tpu.memory_space<vmem>>, vector<16xf32>,
        %parallel_loop3A_185 = arith.constant 5.000000e-01 : f32
        %parallel_loop3A_186 = vector.broadcast %parallel_loop3A_185 : f32 to vector<16xf32>
        %parallel_loop3A_187 = arith.mulf %parallel_loop3A_186, %parallel_loop3A_178 : vector<16xf32>
        %parallel_loop3A_188 = arith.subf %get3A_96, %parallel_loop3A_187 : vector<16xf32>
        %parallel_loop3A_189 = arith.mulf %parallel_loop3A_178, %parallel_loop3A_188 : vector<16xf32>
        %parallel_loop3A_190 = arith.addf %parallel_loop3A_170, %parallel_loop3A_189 : vector<16xf32>
        %parallel_loop3A_191 = arith.constant 16 : i32
        %parallel_loop3A_192 = arith.muli %parallel_loop3A_108, %parallel_loop3A_191 : i32
        %parallel_loop3A_193 = arith.index_cast %parallel_loop3A_192 : i32 to index
        %parallel_loop3A_194 = tpu.vector_load %arg17[%parallel_loop3A_193] {strides = array<i32>} : memref<4096xf32, #tpu.memory_space<vmem>>, vector<16xf32>,
        tpu.vector_store %arg17[%parallel_loop3A_193], %parallel_loop3A_190 {add = true, strides = array<i32>} : memref<4096xf32, #tpu.memory_space<vmem>>, vector<16xf32>,
      } {sc.loop_unroll_factor = 4 : i64, sc.parallel_access}
      %scan3A_100 = arith.constant 0 : i32
      %scan3A_101 = arith.constant 0 : i32
      %scan3A_102 = arith.constant 16 : i32
      %scan3A_103 = arith.addi %scan3A_101, %scan3A_102 : i32
      %scan3A_104 = arith.constant 1 : i32
      %scan3A_105 = scf.for %scan3A_108 = %scan3A_101 to %scan3A_103 step %scan3A_104 iter_args(%scan3A_109 = %scan3A_100) -> (i32)  : i32 {
        %mul3A_110 = arith.constant 16 : i32
        %mul3A_111 = arith.muli %scan3A_108, %mul3A_110 : i32
        %add3A_112 = vector.broadcast %mul3A_111 : i32 to vector<16xi32>
        %add3A_113 = arith.addi %add3A_112, %iota3A : vector<16xi32>
        %mul3A_114 = arith.constant 64 : i32
        %mul3A_115 = vector.broadcast %mul3A_114 : i32 to vector<16xi32>
        %mul3A_116 = arith.muli %add3A_113, %mul3A_115 : vector<16xi32>
        %add3A_117 = arith.constant 0 : i32
        %add3A_118 = vector.broadcast %add3A_117 : i32 to vector<16xi32>
        %add3A_119 = arith.addi %mul3A_116, %add3A_118 : vector<16xi32>
        %gather3A_120 = tpu.vector_load_idx %arg16[%add3A_119] : memref<16384xf32, #tpu.memory_space<vmem>>[vector<16xi32>], vector<16xf32>,
        %mul3A_121 = arith.mulf %gather3A_120, %gather3A_120 : vector<16xf32>
        %add3A_122 = arith.addf %broadcast_in_dim3A_1, %mul3A_121 : vector<16xf32>
        %mul3A_123 = arith.constant 64 : i32
        %mul3A_124 = vector.broadcast %mul3A_123 : i32 to vector<16xi32>
        %mul3A_125 = arith.muli %add3A_113, %mul3A_124 : vector<16xi32>
        %add3A_126 = arith.constant 1 : i32
        %add3A_127 = vector.broadcast %add3A_126 : i32 to vector<16xi32>
        %add3A_128 = arith.addi %mul3A_125, %add3A_127 : vector<16xi32>
        %gather3A_129 = tpu.vector_load_idx %arg16[%add3A_128] : memref<16384xf32, #tpu.memory_space<vmem>>[vector<16xi32>], vector<16xf32>,
        %mul3A_130 = arith.mulf %gather3A_129, %gather3A_129 : vector<16xf32>
        %add3A_131 = arith.addf %add3A_122, %mul3A_130 : vector<16xf32>
        %mul3A_132 = arith.constant 64 : i32
        %mul3A_133 = vector.broadcast %mul3A_132 : i32 to vector<16xi32>
        %mul3A_134 = arith.muli %add3A_113, %mul3A_133 : vector<16xi32>
        %add3A_135 = arith.constant 2 : i32
        %add3A_136 = vector.broadcast %add3A_135 : i32 to vector<16xi32>
        %add3A_137 = arith.addi %mul3A_134, %add3A_136 : vector<16xi32>
        %gather3A_138 = tpu.vector_load_idx %arg16[%add3A_137] : memref<16384xf32, #tpu.memory_space<vmem>>[vector<16xi32>], vector<16xf32>,
        %mul3A_139 = arith.mulf %gather3A_138, %gather3A_138 : vector<16xf32>
        %add3A_140 = arith.addf %add3A_131, %mul3A_139 : vector<16xf32>
        %mul3A_141 = arith.constant 64 : i32
        %mul3A_142 = vector.broadcast %mul3A_141 : i32 to vector<16xi32>
        %mul3A_143 = arith.muli %add3A_113, %mul3A_142 : vector<16xi32>
        %add3A_144 = arith.constant 3 : i32
        %add3A_145 = vector.broadcast %add3A_144 : i32 to vector<16xi32>
        %add3A_146 = arith.addi %mul3A_143, %add3A_145 : vector<16xi32>
        %gather3A_147 = tpu.vector_load_idx %arg16[%add3A_146] : memref<16384xf32, #tpu.memory_space<vmem>>[vector<16xi32>], vector<16xf32>,
        %mul3A_148 = arith.mulf %gather3A_147, %gather3A_147 : vector<16xf32>
        %add3A_149 = arith.addf %add3A_140, %mul3A_148 : vector<16xf32>
        %mul3A_150 = arith.constant 64 : i32
        %mul3A_151 = vector.broadcast %mul3A_150 : i32 to vector<16xi32>
        %mul3A_152 = arith.muli %add3A_113, %mul3A_151 : vector<16xi32>
        %add3A_153 = arith.constant 4 : i32
        %add3A_154 = vector.broadcast %add3A_153 : i32 to vector<16xi32>
        %add3A_155 = arith.addi %mul3A_152, %add3A_154 : vector<16xi32>
        %gather3A_156 = tpu.vector_load_idx %arg16[%add3A_155] : memref<16384xf32, #tpu.memory_space<vmem>>[vector<16xi32>], vector<16xf32>,
        %mul3A_157 = arith.mulf %gather3A_156, %gather3A_156 : vector<16xf32>
        %add3A_158 = arith.addf %add3A_149, %mul3A_157 : vector<16xf32>
        %mul3A_159 = arith.constant 64 : i32
        %mul3A_160 = vector.broadcast %mul3A_159 : i32 to vector<16xi32>
        %mul3A_161 = arith.muli %add3A_113, %mul3A_160 : vector<16xi32>
        %add3A_162 = arith.constant 5 : i32
        %add3A_163 = vector.broadcast %add3A_162 : i32 to vector<16xi32>
        %add3A_164 = arith.addi %mul3A_161, %add3A_163 : vector<16xi32>
        %gather3A_165 = tpu.vector_load_idx %arg16[%add3A_164] : memref<16384xf32, #tpu.memory_space<vmem>>[vector<16xi32>], vector<16xf32>,
        %mul3A_166 = arith.mulf %gather3A_165, %gather3A_165 : vector<16xf32>
        %add3A_167 = arith.addf %add3A_158, %mul3A_166 : vector<16xf32>
        %mul3A_168 = arith.constant 64 : i32
        %mul3A_169 = vector.broadcast %mul3A_168 : i32 to vector<16xi32>
        %mul3A_170 = arith.muli %add3A_113, %mul3A_169 : vector<16xi32>
        %add3A_171 = arith.constant 6 : i32
        %add3A_172 = vector.broadcast %add3A_171 : i32 to vector<16xi32>
        %add3A_173 = arith.addi %mul3A_170, %add3A_172 : vector<16xi32>
        %gather3A_174 = tpu.vector_load_idx %arg16[%add3A_173] : memref<16384xf32, #tpu.memory_space<vmem>>[vector<16xi32>], vector<16xf32>,
        %mul3A_175 = arith.mulf %gather3A_174, %gather3A_174 : vector<16xf32>
        %add3A_176 = arith.addf %add3A_167, %mul3A_175 : vector<16xf32>
        %mul3A_177 = arith.constant 64 : i32
        %mul3A_178 = vector.broadcast %mul3A_177 : i32 to vector<16xi32>
        %mul3A_179 = arith.muli %add3A_113, %mul3A_178 : vector<16xi32>
        %add3A_180 = arith.constant 7 : i32
        %add3A_181 = vector.broadcast %add3A_180 : i32 to vector<16xi32>
        %add3A_182 = arith.addi %mul3A_179, %add3A_181 : vector<16xi32>
        %gather3A_183 = tpu.vector_load_idx %arg16[%add3A_182] : memref<16384xf32, #tpu.memory_space<vmem>>[vector<16xi32>], vector<16xf32>,
        %mul3A_184 = arith.mulf %gather3A_183, %gather3A_183 : vector<16xf32>
        %add3A_185 = arith.addf %add3A_176, %mul3A_184 : vector<16xf32>
        %mul3A_186 = arith.constant 64 : i32
        %mul3A_187 = vector.broadcast %mul3A_186 : i32 to vector<16xi32>
        %mul3A_188 = arith.muli %add3A_113, %mul3A_187 : vector<16xi32>
        %add3A_189 = arith.constant 8 : i32
        %add3A_190 = vector.broadcast %add3A_189 : i32 to vector<16xi32>
        %add3A_191 = arith.addi %mul3A_188, %add3A_190 : vector<16xi32>
        %gather3A_192 = tpu.vector_load_idx %arg16[%add3A_191] : memref<16384xf32, #tpu.memory_space<vmem>>[vector<16xi32>], vector<16xf32>,
        %mul3A_193 = arith.mulf %gather3A_192, %gather3A_192 : vector<16xf32>
        %add3A_194 = arith.addf %add3A_185, %mul3A_193 : vector<16xf32>
        %mul3A_195 = arith.constant 64 : i32
        %mul3A_196 = vector.broadcast %mul3A_195 : i32 to vector<16xi32>
        %mul3A_197 = arith.muli %add3A_113, %mul3A_196 : vector<16xi32>
        %add3A_198 = arith.constant 9 : i32
        %add3A_199 = vector.broadcast %add3A_198 : i32 to vector<16xi32>
        %add3A_200 = arith.addi %mul3A_197, %add3A_199 : vector<16xi32>
        %gather3A_201 = tpu.vector_load_idx %arg16[%add3A_200] : memref<16384xf32, #tpu.memory_space<vmem>>[vector<16xi32>], vector<16xf32>,
        %mul3A_202 = arith.mulf %gather3A_201, %gather3A_201 : vector<16xf32>
        %add3A_203 = arith.addf %add3A_194, %mul3A_202 : vector<16xf32>
        %mul3A_204 = arith.constant 64 : i32
        %mul3A_205 = vector.broadcast %mul3A_204 : i32 to vector<16xi32>
        %mul3A_206 = arith.muli %add3A_113, %mul3A_205 : vector<16xi32>
        %add3A_207 = arith.constant 10 : i32
        %add3A_208 = vector.broadcast %add3A_207 : i32 to vector<16xi32>
        %add3A_209 = arith.addi %mul3A_206, %add3A_208 : vector<16xi32>
        %gather3A_210 = tpu.vector_load_idx %arg16[%add3A_209] : memref<16384xf32, #tpu.memory_space<vmem>>[vector<16xi32>], vector<16xf32>,
        %mul3A_211 = arith.mulf %gather3A_210, %gather3A_210 : vector<16xf32>
        %add3A_212 = arith.addf %add3A_203, %mul3A_211 : vector<16xf32>
        %mul3A_213 = arith.constant 64 : i32
        %mul3A_214 = vector.broadcast %mul3A_213 : i32 to vector<16xi32>
        %mul3A_215 = arith.muli %add3A_113, %mul3A_214 : vector<16xi32>
        %add3A_216 = arith.constant 11 : i32
        %add3A_217 = vector.broadcast %add3A_216 : i32 to vector<16xi32>
        %add3A_218 = arith.addi %mul3A_215, %add3A_217 : vector<16xi32>
        %gather3A_219 = tpu.vector_load_idx %arg16[%add3A_218] : memref<16384xf32, #tpu.memory_space<vmem>>[vector<16xi32>], vector<16xf32>,
        %mul3A_220 = arith.mulf %gather3A_219, %gather3A_219 : vector<16xf32>
        %add3A_221 = arith.addf %add3A_212, %mul3A_220 : vector<16xf32>
        %mul3A_222 = arith.constant 64 : i32
        %mul3A_223 = vector.broadcast %mul3A_222 : i32 to vector<16xi32>
        %mul3A_224 = arith.muli %add3A_113, %mul3A_223 : vector<16xi32>
        %add3A_225 = arith.constant 12 : i32
        %add3A_226 = vector.broadcast %add3A_225 : i32 to vector<16xi32>
        %add3A_227 = arith.addi %mul3A_224, %add3A_226 : vector<16xi32>
        %gather3A_228 = tpu.vector_load_idx %arg16[%add3A_227] : memref<16384xf32, #tpu.memory_space<vmem>>[vector<16xi32>], vector<16xf32>,
        %mul3A_229 = arith.mulf %gather3A_228, %gather3A_228 : vector<16xf32>
        %add3A_230 = arith.addf %add3A_221, %mul3A_229 : vector<16xf32>
        %mul3A_231 = arith.constant 64 : i32
        %mul3A_232 = vector.broadcast %mul3A_231 : i32 to vector<16xi32>
        %mul3A_233 = arith.muli %add3A_113, %mul3A_232 : vector<16xi32>
        %add3A_234 = arith.constant 13 : i32
        %add3A_235 = vector.broadcast %add3A_234 : i32 to vector<16xi32>
        %add3A_236 = arith.addi %mul3A_233, %add3A_235 : vector<16xi32>
        %gather3A_237 = tpu.vector_load_idx %arg16[%add3A_236] : memref<16384xf32, #tpu.memory_space<vmem>>[vector<16xi32>], vector<16xf32>,
        %mul3A_238 = arith.mulf %gather3A_237, %gather3A_237 : vector<16xf32>
        %add3A_239 = arith.addf %add3A_230, %mul3A_238 : vector<16xf32>
        %mul3A_240 = arith.constant 64 : i32
        %mul3A_241 = vector.broadcast %mul3A_240 : i32 to vector<16xi32>
        %mul3A_242 = arith.muli %add3A_113, %mul3A_241 : vector<16xi32>
        %add3A_243 = arith.constant 14 : i32
        %add3A_244 = vector.broadcast %add3A_243 : i32 to vector<16xi32>
        %add3A_245 = arith.addi %mul3A_242, %add3A_244 : vector<16xi32>
        %gather3A_246 = tpu.vector_load_idx %arg16[%add3A_245] : memref<16384xf32, #tpu.memory_space<vmem>>[vector<16xi32>], vector<16xf32>,
        %mul3A_247 = arith.mulf %gather3A_246, %gather3A_246 : vector<16xf32>
        %add3A_248 = arith.addf %add3A_239, %mul3A_247 : vector<16xf32>
        %mul3A_249 = arith.constant 64 : i32
        %mul3A_250 = vector.broadcast %mul3A_249 : i32 to vector<16xi32>
        %mul3A_251 = arith.muli %add3A_113, %mul3A_250 : vector<16xi32>
        %add3A_252 = arith.constant 15 : i32
        %add3A_253 = vector.broadcast %add3A_252 : i32 to vector<16xi32>
        %add3A_254 = arith.addi %mul3A_251, %add3A_253 : vector<16xi32>
        %gather3A_255 = tpu.vector_load_idx %arg16[%add3A_254] : memref<16384xf32, #tpu.memory_space<vmem>>[vector<16xi32>], vector<16xf32>,
        %mul3A_256 = arith.mulf %gather3A_255, %gather3A_255 : vector<16xf32>
        %add3A_257 = arith.addf %add3A_248, %mul3A_256 : vector<16xf32>
        %mul3A_258 = arith.constant 64 : i32
        %mul3A_259 = vector.broadcast %mul3A_258 : i32 to vector<16xi32>
        %mul3A_260 = arith.muli %add3A_113, %mul3A_259 : vector<16xi32>
        %add3A_261 = arith.constant 16 : i32
        %add3A_262 = vector.broadcast %add3A_261 : i32 to vector<16xi32>
        %add3A_263 = arith.addi %mul3A_260, %add3A_262 : vector<16xi32>
        %gather3A_264 = tpu.vector_load_idx %arg16[%add3A_263] : memref<16384xf32, #tpu.memory_space<vmem>>[vector<16xi32>], vector<16xf32>,
        %mul3A_265 = arith.mulf %gather3A_264, %gather3A_264 : vector<16xf32>
        %add3A_266 = arith.addf %add3A_257, %mul3A_265 : vector<16xf32>
        %mul3A_267 = arith.constant 64 : i32
        %mul3A_268 = vector.broadcast %mul3A_267 : i32 to vector<16xi32>
        %mul3A_269 = arith.muli %add3A_113, %mul3A_268 : vector<16xi32>
        %add3A_270 = arith.constant 17 : i32
        %add3A_271 = vector.broadcast %add3A_270 : i32 to vector<16xi32>
        %add3A_272 = arith.addi %mul3A_269, %add3A_271 : vector<16xi32>
        %gather3A_273 = tpu.vector_load_idx %arg16[%add3A_272] : memref<16384xf32, #tpu.memory_space<vmem>>[vector<16xi32>], vector<16xf32>,
        %mul3A_274 = arith.mulf %gather3A_273, %gather3A_273 : vector<16xf32>
        %add3A_275 = arith.addf %add3A_266, %mul3A_274 : vector<16xf32>
        %mul3A_276 = arith.constant 64 : i32
        %mul3A_277 = vector.broadcast %mul3A_276 : i32 to vector<16xi32>
        %mul3A_278 = arith.muli %add3A_113, %mul3A_277 : vector<16xi32>
        %add3A_279 = arith.constant 18 : i32
        %add3A_280 = vector.broadcast %add3A_279 : i32 to vector<16xi32>
        %add3A_281 = arith.addi %mul3A_278, %add3A_280 : vector<16xi32>
        %gather3A_282 = tpu.vector_load_idx %arg16[%add3A_281] : memref<16384xf32, #tpu.memory_space<vmem>>[vector<16xi32>], vector<16xf32>,
        %mul3A_283 = arith.mulf %gather3A_282, %gather3A_282 : vector<16xf32>
        %add3A_284 = arith.addf %add3A_275, %mul3A_283 : vector<16xf32>
        %mul3A_285 = arith.constant 64 : i32
        %mul3A_286 = vector.broadcast %mul3A_285 : i32 to vector<16xi32>
        %mul3A_287 = arith.muli %add3A_113, %mul3A_286 : vector<16xi32>
        %add3A_288 = arith.constant 19 : i32
        %add3A_289 = vector.broadcast %add3A_288 : i32 to vector<16xi32>
        %add3A_290 = arith.addi %mul3A_287, %add3A_289 : vector<16xi32>
        %gather3A_291 = tpu.vector_load_idx %arg16[%add3A_290] : memref<16384xf32, #tpu.memory_space<vmem>>[vector<16xi32>], vector<16xf32>,
        %mul3A_292 = arith.mulf %gather3A_291, %gather3A_291 : vector<16xf32>
        %add3A_293 = arith.addf %add3A_284, %mul3A_292 : vector<16xf32>
        %mul3A_294 = arith.constant 64 : i32
        %mul3A_295 = vector.broadcast %mul3A_294 : i32 to vector<16xi32>
        %mul3A_296 = arith.muli %add3A_113, %mul3A_295 : vector<16xi32>
        %add3A_297 = arith.constant 20 : i32
        %add3A_298 = vector.broadcast %add3A_297 : i32 to vector<16xi32>
        %add3A_299 = arith.addi %mul3A_296, %add3A_298 : vector<16xi32>
        %gather3A_300 = tpu.vector_load_idx %arg16[%add3A_299] : memref<16384xf32, #tpu.memory_space<vmem>>[vector<16xi32>], vector<16xf32>,
        %mul3A_301 = arith.mulf %gather3A_300, %gather3A_300 : vector<16xf32>
        %add3A_302 = arith.addf %add3A_293, %mul3A_301 : vector<16xf32>
        %mul3A_303 = arith.constant 64 : i32
        %mul3A_304 = vector.broadcast %mul3A_303 : i32 to vector<16xi32>
        %mul3A_305 = arith.muli %add3A_113, %mul3A_304 : vector<16xi32>
        %add3A_306 = arith.constant 21 : i32
        %add3A_307 = vector.broadcast %add3A_306 : i32 to vector<16xi32>
        %add3A_308 = arith.addi %mul3A_305, %add3A_307 : vector<16xi32>
        %gather3A_309 = tpu.vector_load_idx %arg16[%add3A_308] : memref<16384xf32, #tpu.memory_space<vmem>>[vector<16xi32>], vector<16xf32>,
        %mul3A_310 = arith.mulf %gather3A_309, %gather3A_309 : vector<16xf32>
        %add3A_311 = arith.addf %add3A_302, %mul3A_310 : vector<16xf32>
        %mul3A_312 = arith.constant 64 : i32
        %mul3A_313 = vector.broadcast %mul3A_312 : i32 to vector<16xi32>
        %mul3A_314 = arith.muli %add3A_113, %mul3A_313 : vector<16xi32>
        %add3A_315 = arith.constant 22 : i32
        %add3A_316 = vector.broadcast %add3A_315 : i32 to vector<16xi32>
        %add3A_317 = arith.addi %mul3A_314, %add3A_316 : vector<16xi32>
        %gather3A_318 = tpu.vector_load_idx %arg16[%add3A_317] : memref<16384xf32, #tpu.memory_space<vmem>>[vector<16xi32>], vector<16xf32>,
        %mul3A_319 = arith.mulf %gather3A_318, %gather3A_318 : vector<16xf32>
        %add3A_320 = arith.addf %add3A_311, %mul3A_319 : vector<16xf32>
        %mul3A_321 = arith.constant 64 : i32
        %mul3A_322 = vector.broadcast %mul3A_321 : i32 to vector<16xi32>
        %mul3A_323 = arith.muli %add3A_113, %mul3A_322 : vector<16xi32>
        %add3A_324 = arith.constant 23 : i32
        %add3A_325 = vector.broadcast %add3A_324 : i32 to vector<16xi32>
        %add3A_326 = arith.addi %mul3A_323, %add3A_325 : vector<16xi32>
        %gather3A_327 = tpu.vector_load_idx %arg16[%add3A_326] : memref<16384xf32, #tpu.memory_space<vmem>>[vector<16xi32>], vector<16xf32>,
        %mul3A_328 = arith.mulf %gather3A_327, %gather3A_327 : vector<16xf32>
        %add3A_329 = arith.addf %add3A_320, %mul3A_328 : vector<16xf32>
        %mul3A_330 = arith.constant 64 : i32
        %mul3A_331 = vector.broadcast %mul3A_330 : i32 to vector<16xi32>
        %mul3A_332 = arith.muli %add3A_113, %mul3A_331 : vector<16xi32>
        %add3A_333 = arith.constant 24 : i32
        %add3A_334 = vector.broadcast %add3A_333 : i32 to vector<16xi32>
        %add3A_335 = arith.addi %mul3A_332, %add3A_334 : vector<16xi32>
        %gather3A_336 = tpu.vector_load_idx %arg16[%add3A_335] : memref<16384xf32, #tpu.memory_space<vmem>>[vector<16xi32>], vector<16xf32>,
        %mul3A_337 = arith.mulf %gather3A_336, %gather3A_336 : vector<16xf32>
        %add3A_338 = arith.addf %add3A_329, %mul3A_337 : vector<16xf32>
        %mul3A_339 = arith.constant 64 : i32
        %mul3A_340 = vector.broadcast %mul3A_339 : i32 to vector<16xi32>
        %mul3A_341 = arith.muli %add3A_113, %mul3A_340 : vector<16xi32>
        %add3A_342 = arith.constant 25 : i32
        %add3A_343 = vector.broadcast %add3A_342 : i32 to vector<16xi32>
        %add3A_344 = arith.addi %mul3A_341, %add3A_343 : vector<16xi32>
        %gather3A_345 = tpu.vector_load_idx %arg16[%add3A_344] : memref<16384xf32, #tpu.memory_space<vmem>>[vector<16xi32>], vector<16xf32>,
        %mul3A_346 = arith.mulf %gather3A_345, %gather3A_345 : vector<16xf32>
        %add3A_347 = arith.addf %add3A_338, %mul3A_346 : vector<16xf32>
        %mul3A_348 = arith.constant 64 : i32
        %mul3A_349 = vector.broadcast %mul3A_348 : i32 to vector<16xi32>
        %mul3A_350 = arith.muli %add3A_113, %mul3A_349 : vector<16xi32>
        %add3A_351 = arith.constant 26 : i32
        %add3A_352 = vector.broadcast %add3A_351 : i32 to vector<16xi32>
        %add3A_353 = arith.addi %mul3A_350, %add3A_352 : vector<16xi32>
        %gather3A_354 = tpu.vector_load_idx %arg16[%add3A_353] : memref<16384xf32, #tpu.memory_space<vmem>>[vector<16xi32>], vector<16xf32>,
        %mul3A_355 = arith.mulf %gather3A_354, %gather3A_354 : vector<16xf32>
        %add3A_356 = arith.addf %add3A_347, %mul3A_355 : vector<16xf32>
        %mul3A_357 = arith.constant 64 : i32
        %mul3A_358 = vector.broadcast %mul3A_357 : i32 to vector<16xi32>
        %mul3A_359 = arith.muli %add3A_113, %mul3A_358 : vector<16xi32>
        %add3A_360 = arith.constant 27 : i32
        %add3A_361 = vector.broadcast %add3A_360 : i32 to vector<16xi32>
        %add3A_362 = arith.addi %mul3A_359, %add3A_361 : vector<16xi32>
        %gather3A_363 = tpu.vector_load_idx %arg16[%add3A_362] : memref<16384xf32, #tpu.memory_space<vmem>>[vector<16xi32>], vector<16xf32>,
        %mul3A_364 = arith.mulf %gather3A_363, %gather3A_363 : vector<16xf32>
        %add3A_365 = arith.addf %add3A_356, %mul3A_364 : vector<16xf32>
        %mul3A_366 = arith.constant 64 : i32
        %mul3A_367 = vector.broadcast %mul3A_366 : i32 to vector<16xi32>
        %mul3A_368 = arith.muli %add3A_113, %mul3A_367 : vector<16xi32>
        %add3A_369 = arith.constant 28 : i32
        %add3A_370 = vector.broadcast %add3A_369 : i32 to vector<16xi32>
        %add3A_371 = arith.addi %mul3A_368, %add3A_370 : vector<16xi32>
        %gather3A_372 = tpu.vector_load_idx %arg16[%add3A_371] : memref<16384xf32, #tpu.memory_space<vmem>>[vector<16xi32>], vector<16xf32>,
        %mul3A_373 = arith.mulf %gather3A_372, %gather3A_372 : vector<16xf32>
        %add3A_374 = arith.addf %add3A_365, %mul3A_373 : vector<16xf32>
        %mul3A_375 = arith.constant 64 : i32
        %mul3A_376 = vector.broadcast %mul3A_375 : i32 to vector<16xi32>
        %mul3A_377 = arith.muli %add3A_113, %mul3A_376 : vector<16xi32>
        %add3A_378 = arith.constant 29 : i32
        %add3A_379 = vector.broadcast %add3A_378 : i32 to vector<16xi32>
        %add3A_380 = arith.addi %mul3A_377, %add3A_379 : vector<16xi32>
        %gather3A_381 = tpu.vector_load_idx %arg16[%add3A_380] : memref<16384xf32, #tpu.memory_space<vmem>>[vector<16xi32>], vector<16xf32>,
        %mul3A_382 = arith.mulf %gather3A_381, %gather3A_381 : vector<16xf32>
        %add3A_383 = arith.addf %add3A_374, %mul3A_382 : vector<16xf32>
        %mul3A_384 = arith.constant 64 : i32
        %mul3A_385 = vector.broadcast %mul3A_384 : i32 to vector<16xi32>
        %mul3A_386 = arith.muli %add3A_113, %mul3A_385 : vector<16xi32>
        %add3A_387 = arith.constant 30 : i32
        %add3A_388 = vector.broadcast %add3A_387 : i32 to vector<16xi32>
        %add3A_389 = arith.addi %mul3A_386, %add3A_388 : vector<16xi32>
        %gather3A_390 = tpu.vector_load_idx %arg16[%add3A_389] : memref<16384xf32, #tpu.memory_space<vmem>>[vector<16xi32>], vector<16xf32>,
        %mul3A_391 = arith.mulf %gather3A_390, %gather3A_390 : vector<16xf32>
        %add3A_392 = arith.addf %add3A_383, %mul3A_391 : vector<16xf32>
        %mul3A_393 = arith.constant 64 : i32
        %mul3A_394 = vector.broadcast %mul3A_393 : i32 to vector<16xi32>
        %mul3A_395 = arith.muli %add3A_113, %mul3A_394 : vector<16xi32>
        %add3A_396 = arith.constant 31 : i32
        %add3A_397 = vector.broadcast %add3A_396 : i32 to vector<16xi32>
        %add3A_398 = arith.addi %mul3A_395, %add3A_397 : vector<16xi32>
        %gather3A_399 = tpu.vector_load_idx %arg16[%add3A_398] : memref<16384xf32, #tpu.memory_space<vmem>>[vector<16xi32>], vector<16xf32>,
        %mul3A_400 = arith.mulf %gather3A_399, %gather3A_399 : vector<16xf32>
        %add3A_401 = arith.addf %add3A_392, %mul3A_400 : vector<16xf32>
        %mul3A_402 = arith.constant 64 : i32
        %mul3A_403 = vector.broadcast %mul3A_402 : i32 to vector<16xi32>
        %mul3A_404 = arith.muli %add3A_113, %mul3A_403 : vector<16xi32>
        %add3A_405 = arith.constant 32 : i32
        %add3A_406 = vector.broadcast %add3A_405 : i32 to vector<16xi32>
        %add3A_407 = arith.addi %mul3A_404, %add3A_406 : vector<16xi32>
        %gather3A_408 = tpu.vector_load_idx %arg16[%add3A_407] : memref<16384xf32, #tpu.memory_space<vmem>>[vector<16xi32>], vector<16xf32>,
        %mul3A_409 = arith.mulf %gather3A_408, %gather3A_408 : vector<16xf32>
        %add3A_410 = arith.addf %add3A_401, %mul3A_409 : vector<16xf32>
        %mul3A_411 = arith.constant 64 : i32
        %mul3A_412 = vector.broadcast %mul3A_411 : i32 to vector<16xi32>
        %mul3A_413 = arith.muli %add3A_113, %mul3A_412 : vector<16xi32>
        %add3A_414 = arith.constant 33 : i32
        %add3A_415 = vector.broadcast %add3A_414 : i32 to vector<16xi32>
        %add3A_416 = arith.addi %mul3A_413, %add3A_415 : vector<16xi32>
        %gather3A_417 = tpu.vector_load_idx %arg16[%add3A_416] : memref<16384xf32, #tpu.memory_space<vmem>>[vector<16xi32>], vector<16xf32>,
        %mul3A_418 = arith.mulf %gather3A_417, %gather3A_417 : vector<16xf32>
        %add3A_419 = arith.addf %add3A_410, %mul3A_418 : vector<16xf32>
        %mul3A_420 = arith.constant 64 : i32
        %mul3A_421 = vector.broadcast %mul3A_420 : i32 to vector<16xi32>
        %mul3A_422 = arith.muli %add3A_113, %mul3A_421 : vector<16xi32>
        %add3A_423 = arith.constant 34 : i32
        %add3A_424 = vector.broadcast %add3A_423 : i32 to vector<16xi32>
        %add3A_425 = arith.addi %mul3A_422, %add3A_424 : vector<16xi32>
        %gather3A_426 = tpu.vector_load_idx %arg16[%add3A_425] : memref<16384xf32, #tpu.memory_space<vmem>>[vector<16xi32>], vector<16xf32>,
        %mul3A_427 = arith.mulf %gather3A_426, %gather3A_426 : vector<16xf32>
        %add3A_428 = arith.addf %add3A_419, %mul3A_427 : vector<16xf32>
        %mul3A_429 = arith.constant 64 : i32
        %mul3A_430 = vector.broadcast %mul3A_429 : i32 to vector<16xi32>
        %mul3A_431 = arith.muli %add3A_113, %mul3A_430 : vector<16xi32>
        %add3A_432 = arith.constant 35 : i32
        %add3A_433 = vector.broadcast %add3A_432 : i32 to vector<16xi32>
        %add3A_434 = arith.addi %mul3A_431, %add3A_433 : vector<16xi32>
        %gather3A_435 = tpu.vector_load_idx %arg16[%add3A_434] : memref<16384xf32, #tpu.memory_space<vmem>>[vector<16xi32>], vector<16xf32>,
        %mul3A_436 = arith.mulf %gather3A_435, %gather3A_435 : vector<16xf32>
        %add3A_437 = arith.addf %add3A_428, %mul3A_436 : vector<16xf32>
        %mul3A_438 = arith.constant 64 : i32
        %mul3A_439 = vector.broadcast %mul3A_438 : i32 to vector<16xi32>
        %mul3A_440 = arith.muli %add3A_113, %mul3A_439 : vector<16xi32>
        %add3A_441 = arith.constant 36 : i32
        %add3A_442 = vector.broadcast %add3A_441 : i32 to vector<16xi32>
        %add3A_443 = arith.addi %mul3A_440, %add3A_442 : vector<16xi32>
        %gather3A_444 = tpu.vector_load_idx %arg16[%add3A_443] : memref<16384xf32, #tpu.memory_space<vmem>>[vector<16xi32>], vector<16xf32>,
        %mul3A_445 = arith.mulf %gather3A_444, %gather3A_444 : vector<16xf32>
        %add3A_446 = arith.addf %add3A_437, %mul3A_445 : vector<16xf32>
        %mul3A_447 = arith.constant 64 : i32
        %mul3A_448 = vector.broadcast %mul3A_447 : i32 to vector<16xi32>
        %mul3A_449 = arith.muli %add3A_113, %mul3A_448 : vector<16xi32>
        %add3A_450 = arith.constant 37 : i32
        %add3A_451 = vector.broadcast %add3A_450 : i32 to vector<16xi32>
        %add3A_452 = arith.addi %mul3A_449, %add3A_451 : vector<16xi32>
        %gather3A_453 = tpu.vector_load_idx %arg16[%add3A_452] : memref<16384xf32, #tpu.memory_space<vmem>>[vector<16xi32>], vector<16xf32>,
        %mul3A_454 = arith.mulf %gather3A_453, %gather3A_453 : vector<16xf32>
        %add3A_455 = arith.addf %add3A_446, %mul3A_454 : vector<16xf32>
        %mul3A_456 = arith.constant 64 : i32
        %mul3A_457 = vector.broadcast %mul3A_456 : i32 to vector<16xi32>
        %mul3A_458 = arith.muli %add3A_113, %mul3A_457 : vector<16xi32>
        %add3A_459 = arith.constant 38 : i32
        %add3A_460 = vector.broadcast %add3A_459 : i32 to vector<16xi32>
        %add3A_461 = arith.addi %mul3A_458, %add3A_460 : vector<16xi32>
        %gather3A_462 = tpu.vector_load_idx %arg16[%add3A_461] : memref<16384xf32, #tpu.memory_space<vmem>>[vector<16xi32>], vector<16xf32>,
        %mul3A_463 = arith.mulf %gather3A_462, %gather3A_462 : vector<16xf32>
        %add3A_464 = arith.addf %add3A_455, %mul3A_463 : vector<16xf32>
        %mul3A_465 = arith.constant 64 : i32
        %mul3A_466 = vector.broadcast %mul3A_465 : i32 to vector<16xi32>
        %mul3A_467 = arith.muli %add3A_113, %mul3A_466 : vector<16xi32>
        %add3A_468 = arith.constant 39 : i32
        %add3A_469 = vector.broadcast %add3A_468 : i32 to vector<16xi32>
        %add3A_470 = arith.addi %mul3A_467, %add3A_469 : vector<16xi32>
        %gather3A_471 = tpu.vector_load_idx %arg16[%add3A_470] : memref<16384xf32, #tpu.memory_space<vmem>>[vector<16xi32>], vector<16xf32>,
        %mul3A_472 = arith.mulf %gather3A_471, %gather3A_471 : vector<16xf32>
        %add3A_473 = arith.addf %add3A_464, %mul3A_472 : vector<16xf32>
        %mul3A_474 = arith.constant 64 : i32
        %mul3A_475 = vector.broadcast %mul3A_474 : i32 to vector<16xi32>
        %mul3A_476 = arith.muli %add3A_113, %mul3A_475 : vector<16xi32>
        %add3A_477 = arith.constant 40 : i32
        %add3A_478 = vector.broadcast %add3A_477 : i32 to vector<16xi32>
        %add3A_479 = arith.addi %mul3A_476, %add3A_478 : vector<16xi32>
        %gather3A_480 = tpu.vector_load_idx %arg16[%add3A_479] : memref<16384xf32, #tpu.memory_space<vmem>>[vector<16xi32>], vector<16xf32>,
        %mul3A_481 = arith.mulf %gather3A_480, %gather3A_480 : vector<16xf32>
        %add3A_482 = arith.addf %add3A_473, %mul3A_481 : vector<16xf32>
        %mul3A_483 = arith.constant 64 : i32
        %mul3A_484 = vector.broadcast %mul3A_483 : i32 to vector<16xi32>
        %mul3A_485 = arith.muli %add3A_113, %mul3A_484 : vector<16xi32>
        %add3A_486 = arith.constant 41 : i32
        %add3A_487 = vector.broadcast %add3A_486 : i32 to vector<16xi32>
        %add3A_488 = arith.addi %mul3A_485, %add3A_487 : vector<16xi32>
        %gather3A_489 = tpu.vector_load_idx %arg16[%add3A_488] : memref<16384xf32, #tpu.memory_space<vmem>>[vector<16xi32>], vector<16xf32>,
        %mul3A_490 = arith.mulf %gather3A_489, %gather3A_489 : vector<16xf32>
        %add3A_491 = arith.addf %add3A_482, %mul3A_490 : vector<16xf32>
        %mul3A_492 = arith.constant 64 : i32
        %mul3A_493 = vector.broadcast %mul3A_492 : i32 to vector<16xi32>
        %mul3A_494 = arith.muli %add3A_113, %mul3A_493 : vector<16xi32>
        %add3A_495 = arith.constant 42 : i32
        %add3A_496 = vector.broadcast %add3A_495 : i32 to vector<16xi32>
        %add3A_497 = arith.addi %mul3A_494, %add3A_496 : vector<16xi32>
        %gather3A_498 = tpu.vector_load_idx %arg16[%add3A_497] : memref<16384xf32, #tpu.memory_space<vmem>>[vector<16xi32>], vector<16xf32>,
        %mul3A_499 = arith.mulf %gather3A_498, %gather3A_498 : vector<16xf32>
        %add3A_500 = arith.addf %add3A_491, %mul3A_499 : vector<16xf32>
        %mul3A_501 = arith.constant 64 : i32
        %mul3A_502 = vector.broadcast %mul3A_501 : i32 to vector<16xi32>
        %mul3A_503 = arith.muli %add3A_113, %mul3A_502 : vector<16xi32>
        %add3A_504 = arith.constant 43 : i32
        %add3A_505 = vector.broadcast %add3A_504 : i32 to vector<16xi32>
        %add3A_506 = arith.addi %mul3A_503, %add3A_505 : vector<16xi32>
        %gather3A_507 = tpu.vector_load_idx %arg16[%add3A_506] : memref<16384xf32, #tpu.memory_space<vmem>>[vector<16xi32>], vector<16xf32>,
        %mul3A_508 = arith.mulf %gather3A_507, %gather3A_507 : vector<16xf32>
        %add3A_509 = arith.addf %add3A_500, %mul3A_508 : vector<16xf32>
        %mul3A_510 = arith.constant 64 : i32
        %mul3A_511 = vector.broadcast %mul3A_510 : i32 to vector<16xi32>
        %mul3A_512 = arith.muli %add3A_113, %mul3A_511 : vector<16xi32>
        %add3A_513 = arith.constant 44 : i32
        %add3A_514 = vector.broadcast %add3A_513 : i32 to vector<16xi32>
        %add3A_515 = arith.addi %mul3A_512, %add3A_514 : vector<16xi32>
        %gather3A_516 = tpu.vector_load_idx %arg16[%add3A_515] : memref<16384xf32, #tpu.memory_space<vmem>>[vector<16xi32>], vector<16xf32>,
        %mul3A_517 = arith.mulf %gather3A_516, %gather3A_516 : vector<16xf32>
        %add3A_518 = arith.addf %add3A_509, %mul3A_517 : vector<16xf32>
        %mul3A_519 = arith.constant 64 : i32
        %mul3A_520 = vector.broadcast %mul3A_519 : i32 to vector<16xi32>
        %mul3A_521 = arith.muli %add3A_113, %mul3A_520 : vector<16xi32>
        %add3A_522 = arith.constant 45 : i32
        %add3A_523 = vector.broadcast %add3A_522 : i32 to vector<16xi32>
        %add3A_524 = arith.addi %mul3A_521, %add3A_523 : vector<16xi32>
        %gather3A_525 = tpu.vector_load_idx %arg16[%add3A_524] : memref<16384xf32, #tpu.memory_space<vmem>>[vector<16xi32>], vector<16xf32>,
        %mul3A_526 = arith.mulf %gather3A_525, %gather3A_525 : vector<16xf32>
        %add3A_527 = arith.addf %add3A_518, %mul3A_526 : vector<16xf32>
        %mul3A_528 = arith.constant 64 : i32
        %mul3A_529 = vector.broadcast %mul3A_528 : i32 to vector<16xi32>
        %mul3A_530 = arith.muli %add3A_113, %mul3A_529 : vector<16xi32>
        %add3A_531 = arith.constant 46 : i32
        %add3A_532 = vector.broadcast %add3A_531 : i32 to vector<16xi32>
        %add3A_533 = arith.addi %mul3A_530, %add3A_532 : vector<16xi32>
        %gather3A_534 = tpu.vector_load_idx %arg16[%add3A_533] : memref<16384xf32, #tpu.memory_space<vmem>>[vector<16xi32>], vector<16xf32>,
        %mul3A_535 = arith.mulf %gather3A_534, %gather3A_534 : vector<16xf32>
        %add3A_536 = arith.addf %add3A_527, %mul3A_535 : vector<16xf32>
        %mul3A_537 = arith.constant 64 : i32
        %mul3A_538 = vector.broadcast %mul3A_537 : i32 to vector<16xi32>
        %mul3A_539 = arith.muli %add3A_113, %mul3A_538 : vector<16xi32>
        %add3A_540 = arith.constant 47 : i32
        %add3A_541 = vector.broadcast %add3A_540 : i32 to vector<16xi32>
        %add3A_542 = arith.addi %mul3A_539, %add3A_541 : vector<16xi32>
        %gather3A_543 = tpu.vector_load_idx %arg16[%add3A_542] : memref<16384xf32, #tpu.memory_space<vmem>>[vector<16xi32>], vector<16xf32>,
        %mul3A_544 = arith.mulf %gather3A_543, %gather3A_543 : vector<16xf32>
        %add3A_545 = arith.addf %add3A_536, %mul3A_544 : vector<16xf32>
        %mul3A_546 = arith.constant 64 : i32
        %mul3A_547 = vector.broadcast %mul3A_546 : i32 to vector<16xi32>
        %mul3A_548 = arith.muli %add3A_113, %mul3A_547 : vector<16xi32>
        %add3A_549 = arith.constant 48 : i32
        %add3A_550 = vector.broadcast %add3A_549 : i32 to vector<16xi32>
        %add3A_551 = arith.addi %mul3A_548, %add3A_550 : vector<16xi32>
        %gather3A_552 = tpu.vector_load_idx %arg16[%add3A_551] : memref<16384xf32, #tpu.memory_space<vmem>>[vector<16xi32>], vector<16xf32>,
        %mul3A_553 = arith.mulf %gather3A_552, %gather3A_552 : vector<16xf32>
        %add3A_554 = arith.addf %add3A_545, %mul3A_553 : vector<16xf32>
        %mul3A_555 = arith.constant 64 : i32
        %mul3A_556 = vector.broadcast %mul3A_555 : i32 to vector<16xi32>
        %mul3A_557 = arith.muli %add3A_113, %mul3A_556 : vector<16xi32>
        %add3A_558 = arith.constant 49 : i32
        %add3A_559 = vector.broadcast %add3A_558 : i32 to vector<16xi32>
        %add3A_560 = arith.addi %mul3A_557, %add3A_559 : vector<16xi32>
        %gather3A_561 = tpu.vector_load_idx %arg16[%add3A_560] : memref<16384xf32, #tpu.memory_space<vmem>>[vector<16xi32>], vector<16xf32>,
        %mul3A_562 = arith.mulf %gather3A_561, %gather3A_561 : vector<16xf32>
        %add3A_563 = arith.addf %add3A_554, %mul3A_562 : vector<16xf32>
        %mul3A_564 = arith.constant 64 : i32
        %mul3A_565 = vector.broadcast %mul3A_564 : i32 to vector<16xi32>
        %mul3A_566 = arith.muli %add3A_113, %mul3A_565 : vector<16xi32>
        %add3A_567 = arith.constant 50 : i32
        %add3A_568 = vector.broadcast %add3A_567 : i32 to vector<16xi32>
        %add3A_569 = arith.addi %mul3A_566, %add3A_568 : vector<16xi32>
        %gather3A_570 = tpu.vector_load_idx %arg16[%add3A_569] : memref<16384xf32, #tpu.memory_space<vmem>>[vector<16xi32>], vector<16xf32>,
        %mul3A_571 = arith.mulf %gather3A_570, %gather3A_570 : vector<16xf32>
        %add3A_572 = arith.addf %add3A_563, %mul3A_571 : vector<16xf32>
        %mul3A_573 = arith.constant 64 : i32
        %mul3A_574 = vector.broadcast %mul3A_573 : i32 to vector<16xi32>
        %mul3A_575 = arith.muli %add3A_113, %mul3A_574 : vector<16xi32>
        %add3A_576 = arith.constant 51 : i32
        %add3A_577 = vector.broadcast %add3A_576 : i32 to vector<16xi32>
        %add3A_578 = arith.addi %mul3A_575, %add3A_577 : vector<16xi32>
        %gather3A_579 = tpu.vector_load_idx %arg16[%add3A_578] : memref<16384xf32, #tpu.memory_space<vmem>>[vector<16xi32>], vector<16xf32>,
        %mul3A_580 = arith.mulf %gather3A_579, %gather3A_579 : vector<16xf32>
        %add3A_581 = arith.addf %add3A_572, %mul3A_580 : vector<16xf32>
        %mul3A_582 = arith.constant 64 : i32
        %mul3A_583 = vector.broadcast %mul3A_582 : i32 to vector<16xi32>
        %mul3A_584 = arith.muli %add3A_113, %mul3A_583 : vector<16xi32>
        %add3A_585 = arith.constant 52 : i32
        %add3A_586 = vector.broadcast %add3A_585 : i32 to vector<16xi32>
        %add3A_587 = arith.addi %mul3A_584, %add3A_586 : vector<16xi32>
        %gather3A_588 = tpu.vector_load_idx %arg16[%add3A_587] : memref<16384xf32, #tpu.memory_space<vmem>>[vector<16xi32>], vector<16xf32>,
        %mul3A_589 = arith.mulf %gather3A_588, %gather3A_588 : vector<16xf32>
        %add3A_590 = arith.addf %add3A_581, %mul3A_589 : vector<16xf32>
        %mul3A_591 = arith.constant 64 : i32
        %mul3A_592 = vector.broadcast %mul3A_591 : i32 to vector<16xi32>
        %mul3A_593 = arith.muli %add3A_113, %mul3A_592 : vector<16xi32>
        %add3A_594 = arith.constant 53 : i32
        %add3A_595 = vector.broadcast %add3A_594 : i32 to vector<16xi32>
        %add3A_596 = arith.addi %mul3A_593, %add3A_595 : vector<16xi32>
        %gather3A_597 = tpu.vector_load_idx %arg16[%add3A_596] : memref<16384xf32, #tpu.memory_space<vmem>>[vector<16xi32>], vector<16xf32>,
        %mul3A_598 = arith.mulf %gather3A_597, %gather3A_597 : vector<16xf32>
        %add3A_599 = arith.addf %add3A_590, %mul3A_598 : vector<16xf32>
        %mul3A_600 = arith.constant 64 : i32
        %mul3A_601 = vector.broadcast %mul3A_600 : i32 to vector<16xi32>
        %mul3A_602 = arith.muli %add3A_113, %mul3A_601 : vector<16xi32>
        %add3A_603 = arith.constant 54 : i32
        %add3A_604 = vector.broadcast %add3A_603 : i32 to vector<16xi32>
        %add3A_605 = arith.addi %mul3A_602, %add3A_604 : vector<16xi32>
        %gather3A_606 = tpu.vector_load_idx %arg16[%add3A_605] : memref<16384xf32, #tpu.memory_space<vmem>>[vector<16xi32>], vector<16xf32>,
        %mul3A_607 = arith.mulf %gather3A_606, %gather3A_606 : vector<16xf32>
        %add3A_608 = arith.addf %add3A_599, %mul3A_607 : vector<16xf32>
        %mul3A_609 = arith.constant 64 : i32
        %mul3A_610 = vector.broadcast %mul3A_609 : i32 to vector<16xi32>
        %mul3A_611 = arith.muli %add3A_113, %mul3A_610 : vector<16xi32>
        %add3A_612 = arith.constant 55 : i32
        %add3A_613 = vector.broadcast %add3A_612 : i32 to vector<16xi32>
        %add3A_614 = arith.addi %mul3A_611, %add3A_613 : vector<16xi32>
        %gather3A_615 = tpu.vector_load_idx %arg16[%add3A_614] : memref<16384xf32, #tpu.memory_space<vmem>>[vector<16xi32>], vector<16xf32>,
        %mul3A_616 = arith.mulf %gather3A_615, %gather3A_615 : vector<16xf32>
        %add3A_617 = arith.addf %add3A_608, %mul3A_616 : vector<16xf32>
        %mul3A_618 = arith.constant 64 : i32
        %mul3A_619 = vector.broadcast %mul3A_618 : i32 to vector<16xi32>
        %mul3A_620 = arith.muli %add3A_113, %mul3A_619 : vector<16xi32>
        %add3A_621 = arith.constant 56 : i32
        %add3A_622 = vector.broadcast %add3A_621 : i32 to vector<16xi32>
        %add3A_623 = arith.addi %mul3A_620, %add3A_622 : vector<16xi32>
        %gather3A_624 = tpu.vector_load_idx %arg16[%add3A_623] : memref<16384xf32, #tpu.memory_space<vmem>>[vector<16xi32>], vector<16xf32>,
        %mul3A_625 = arith.mulf %gather3A_624, %gather3A_624 : vector<16xf32>
        %add3A_626 = arith.addf %add3A_617, %mul3A_625 : vector<16xf32>
        %mul3A_627 = arith.constant 64 : i32
        %mul3A_628 = vector.broadcast %mul3A_627 : i32 to vector<16xi32>
        %mul3A_629 = arith.muli %add3A_113, %mul3A_628 : vector<16xi32>
        %add3A_630 = arith.constant 57 : i32
        %add3A_631 = vector.broadcast %add3A_630 : i32 to vector<16xi32>
        %add3A_632 = arith.addi %mul3A_629, %add3A_631 : vector<16xi32>
        %gather3A_633 = tpu.vector_load_idx %arg16[%add3A_632] : memref<16384xf32, #tpu.memory_space<vmem>>[vector<16xi32>], vector<16xf32>,
        %mul3A_634 = arith.mulf %gather3A_633, %gather3A_633 : vector<16xf32>
        %add3A_635 = arith.addf %add3A_626, %mul3A_634 : vector<16xf32>
        %mul3A_636 = arith.constant 64 : i32
        %mul3A_637 = vector.broadcast %mul3A_636 : i32 to vector<16xi32>
        %mul3A_638 = arith.muli %add3A_113, %mul3A_637 : vector<16xi32>
        %add3A_639 = arith.constant 58 : i32
        %add3A_640 = vector.broadcast %add3A_639 : i32 to vector<16xi32>
        %add3A_641 = arith.addi %mul3A_638, %add3A_640 : vector<16xi32>
        %gather3A_642 = tpu.vector_load_idx %arg16[%add3A_641] : memref<16384xf32, #tpu.memory_space<vmem>>[vector<16xi32>], vector<16xf32>,
        %mul3A_643 = arith.mulf %gather3A_642, %gather3A_642 : vector<16xf32>
        %add3A_644 = arith.addf %add3A_635, %mul3A_643 : vector<16xf32>
        %mul3A_645 = arith.constant 64 : i32
        %mul3A_646 = vector.broadcast %mul3A_645 : i32 to vector<16xi32>
        %mul3A_647 = arith.muli %add3A_113, %mul3A_646 : vector<16xi32>
        %add3A_648 = arith.constant 59 : i32
        %add3A_649 = vector.broadcast %add3A_648 : i32 to vector<16xi32>
        %add3A_650 = arith.addi %mul3A_647, %add3A_649 : vector<16xi32>
        %gather3A_651 = tpu.vector_load_idx %arg16[%add3A_650] : memref<16384xf32, #tpu.memory_space<vmem>>[vector<16xi32>], vector<16xf32>,
        %mul3A_652 = arith.mulf %gather3A_651, %gather3A_651 : vector<16xf32>
        %add3A_653 = arith.addf %add3A_644, %mul3A_652 : vector<16xf32>
        %mul3A_654 = arith.constant 64 : i32
        %mul3A_655 = vector.broadcast %mul3A_654 : i32 to vector<16xi32>
        %mul3A_656 = arith.muli %add3A_113, %mul3A_655 : vector<16xi32>
        %add3A_657 = arith.constant 60 : i32
        %add3A_658 = vector.broadcast %add3A_657 : i32 to vector<16xi32>
        %add3A_659 = arith.addi %mul3A_656, %add3A_658 : vector<16xi32>
        %gather3A_660 = tpu.vector_load_idx %arg16[%add3A_659] : memref<16384xf32, #tpu.memory_space<vmem>>[vector<16xi32>], vector<16xf32>,
        %mul3A_661 = arith.mulf %gather3A_660, %gather3A_660 : vector<16xf32>
        %add3A_662 = arith.addf %add3A_653, %mul3A_661 : vector<16xf32>
        %mul3A_663 = arith.constant 64 : i32
        %mul3A_664 = vector.broadcast %mul3A_663 : i32 to vector<16xi32>
        %mul3A_665 = arith.muli %add3A_113, %mul3A_664 : vector<16xi32>
        %add3A_666 = arith.constant 61 : i32
        %add3A_667 = vector.broadcast %add3A_666 : i32 to vector<16xi32>
        %add3A_668 = arith.addi %mul3A_665, %add3A_667 : vector<16xi32>
        %gather3A_669 = tpu.vector_load_idx %arg16[%add3A_668] : memref<16384xf32, #tpu.memory_space<vmem>>[vector<16xi32>], vector<16xf32>,
        %mul3A_670 = arith.mulf %gather3A_669, %gather3A_669 : vector<16xf32>
        %add3A_671 = arith.addf %add3A_662, %mul3A_670 : vector<16xf32>
        %mul3A_672 = arith.constant 64 : i32
        %mul3A_673 = vector.broadcast %mul3A_672 : i32 to vector<16xi32>
        %mul3A_674 = arith.muli %add3A_113, %mul3A_673 : vector<16xi32>
        %add3A_675 = arith.constant 62 : i32
        %add3A_676 = vector.broadcast %add3A_675 : i32 to vector<16xi32>
        %add3A_677 = arith.addi %mul3A_674, %add3A_676 : vector<16xi32>
        %gather3A_678 = tpu.vector_load_idx %arg16[%add3A_677] : memref<16384xf32, #tpu.memory_space<vmem>>[vector<16xi32>], vector<16xf32>,
        %mul3A_679 = arith.mulf %gather3A_678, %gather3A_678 : vector<16xf32>
        %add3A_680 = arith.addf %add3A_671, %mul3A_679 : vector<16xf32>
        %mul3A_681 = arith.constant 64 : i32
        %mul3A_682 = vector.broadcast %mul3A_681 : i32 to vector<16xi32>
        %mul3A_683 = arith.muli %add3A_113, %mul3A_682 : vector<16xi32>
        %add3A_684 = arith.constant 63 : i32
        %add3A_685 = vector.broadcast %add3A_684 : i32 to vector<16xi32>
        %add3A_686 = arith.addi %mul3A_683, %add3A_685 : vector<16xi32>
        %gather3A_687 = tpu.vector_load_idx %arg16[%add3A_686] : memref<16384xf32, #tpu.memory_space<vmem>>[vector<16xi32>], vector<16xf32>,
        %mul3A_688 = arith.mulf %gather3A_687, %gather3A_687 : vector<16xf32>
        %add3A_689 = arith.addf %add3A_680, %mul3A_688 : vector<16xf32>
        %mul3A_690 = arith.constant 16 : i32
        %mul3A_691 = vector.broadcast %mul3A_690 : i32 to vector<16xi32>
        %mul3A_692 = arith.muli %add3A_113, %mul3A_691 : vector<16xi32>
        %add3A_693 = arith.constant 0 : i32
        %add3A_694 = vector.broadcast %add3A_693 : i32 to vector<16xi32>
        %add3A_695 = arith.addi %mul3A_692, %add3A_694 : vector<16xi32>
        %gather3A_696 = tpu.vector_load_idx %arg17[%add3A_695] : memref<4096xf32, #tpu.memory_space<vmem>>[vector<16xi32>], vector<16xf32>,
        %add3A_697 = arith.addf %broadcast_in_dim3A_1, %gather3A_696 : vector<16xf32>
        %mul3A_698 = arith.constant 16 : i32
        %mul3A_699 = vector.broadcast %mul3A_698 : i32 to vector<16xi32>
        %mul3A_700 = arith.muli %add3A_113, %mul3A_699 : vector<16xi32>
        %add3A_701 = arith.constant 1 : i32
        %add3A_702 = vector.broadcast %add3A_701 : i32 to vector<16xi32>
        %add3A_703 = arith.addi %mul3A_700, %add3A_702 : vector<16xi32>
        %gather3A_704 = tpu.vector_load_idx %arg17[%add3A_703] : memref<4096xf32, #tpu.memory_space<vmem>>[vector<16xi32>], vector<16xf32>,
        %add3A_705 = arith.addf %add3A_697, %gather3A_704 : vector<16xf32>
        %mul3A_706 = arith.constant 16 : i32
        %mul3A_707 = vector.broadcast %mul3A_706 : i32 to vector<16xi32>
        %mul3A_708 = arith.muli %add3A_113, %mul3A_707 : vector<16xi32>
        %add3A_709 = arith.constant 2 : i32
        %add3A_710 = vector.broadcast %add3A_709 : i32 to vector<16xi32>
        %add3A_711 = arith.addi %mul3A_708, %add3A_710 : vector<16xi32>
        %gather3A_712 = tpu.vector_load_idx %arg17[%add3A_711] : memref<4096xf32, #tpu.memory_space<vmem>>[vector<16xi32>], vector<16xf32>,
        %add3A_713 = arith.addf %add3A_705, %gather3A_712 : vector<16xf32>
        %mul3A_714 = arith.constant 16 : i32
        %mul3A_715 = vector.broadcast %mul3A_714 : i32 to vector<16xi32>
        %mul3A_716 = arith.muli %add3A_113, %mul3A_715 : vector<16xi32>
        %add3A_717 = arith.constant 3 : i32
        %add3A_718 = vector.broadcast %add3A_717 : i32 to vector<16xi32>
        %add3A_719 = arith.addi %mul3A_716, %add3A_718 : vector<16xi32>
        %gather3A_720 = tpu.vector_load_idx %arg17[%add3A_719] : memref<4096xf32, #tpu.memory_space<vmem>>[vector<16xi32>], vector<16xf32>,
        %add3A_721 = arith.addf %add3A_713, %gather3A_720 : vector<16xf32>
        %mul3A_722 = arith.constant 16 : i32
        %mul3A_723 = vector.broadcast %mul3A_722 : i32 to vector<16xi32>
        %mul3A_724 = arith.muli %add3A_113, %mul3A_723 : vector<16xi32>
        %add3A_725 = arith.constant 4 : i32
        %add3A_726 = vector.broadcast %add3A_725 : i32 to vector<16xi32>
        %add3A_727 = arith.addi %mul3A_724, %add3A_726 : vector<16xi32>
        %gather3A_728 = tpu.vector_load_idx %arg17[%add3A_727] : memref<4096xf32, #tpu.memory_space<vmem>>[vector<16xi32>], vector<16xf32>,
        %add3A_729 = arith.addf %add3A_721, %gather3A_728 : vector<16xf32>
        %mul3A_730 = arith.constant 16 : i32
        %mul3A_731 = vector.broadcast %mul3A_730 : i32 to vector<16xi32>
        %mul3A_732 = arith.muli %add3A_113, %mul3A_731 : vector<16xi32>
        %add3A_733 = arith.constant 5 : i32
        %add3A_734 = vector.broadcast %add3A_733 : i32 to vector<16xi32>
        %add3A_735 = arith.addi %mul3A_732, %add3A_734 : vector<16xi32>
        %gather3A_736 = tpu.vector_load_idx %arg17[%add3A_735] : memref<4096xf32, #tpu.memory_space<vmem>>[vector<16xi32>], vector<16xf32>,
        %add3A_737 = arith.addf %add3A_729, %gather3A_736 : vector<16xf32>
        %mul3A_738 = arith.constant 16 : i32
        %mul3A_739 = vector.broadcast %mul3A_738 : i32 to vector<16xi32>
        %mul3A_740 = arith.muli %add3A_113, %mul3A_739 : vector<16xi32>
        %add3A_741 = arith.constant 6 : i32
        %add3A_742 = vector.broadcast %add3A_741 : i32 to vector<16xi32>
        %add3A_743 = arith.addi %mul3A_740, %add3A_742 : vector<16xi32>
        %gather3A_744 = tpu.vector_load_idx %arg17[%add3A_743] : memref<4096xf32, #tpu.memory_space<vmem>>[vector<16xi32>], vector<16xf32>,
        %add3A_745 = arith.addf %add3A_737, %gather3A_744 : vector<16xf32>
        %mul3A_746 = arith.constant 16 : i32
        %mul3A_747 = vector.broadcast %mul3A_746 : i32 to vector<16xi32>
        %mul3A_748 = arith.muli %add3A_113, %mul3A_747 : vector<16xi32>
        %add3A_749 = arith.constant 7 : i32
        %add3A_750 = vector.broadcast %add3A_749 : i32 to vector<16xi32>
        %add3A_751 = arith.addi %mul3A_748, %add3A_750 : vector<16xi32>
        %gather3A_752 = tpu.vector_load_idx %arg17[%add3A_751] : memref<4096xf32, #tpu.memory_space<vmem>>[vector<16xi32>], vector<16xf32>,
        %add3A_753 = arith.addf %add3A_745, %gather3A_752 : vector<16xf32>
        %mul3A_754 = arith.constant 16 : i32
        %mul3A_755 = vector.broadcast %mul3A_754 : i32 to vector<16xi32>
        %mul3A_756 = arith.muli %add3A_113, %mul3A_755 : vector<16xi32>
        %add3A_757 = arith.constant 8 : i32
        %add3A_758 = vector.broadcast %add3A_757 : i32 to vector<16xi32>
        %add3A_759 = arith.addi %mul3A_756, %add3A_758 : vector<16xi32>
        %gather3A_760 = tpu.vector_load_idx %arg17[%add3A_759] : memref<4096xf32, #tpu.memory_space<vmem>>[vector<16xi32>], vector<16xf32>,
        %add3A_761 = arith.addf %add3A_753, %gather3A_760 : vector<16xf32>
        %mul3A_762 = arith.constant 16 : i32
        %mul3A_763 = vector.broadcast %mul3A_762 : i32 to vector<16xi32>
        %mul3A_764 = arith.muli %add3A_113, %mul3A_763 : vector<16xi32>
        %add3A_765 = arith.constant 9 : i32
        %add3A_766 = vector.broadcast %add3A_765 : i32 to vector<16xi32>
        %add3A_767 = arith.addi %mul3A_764, %add3A_766 : vector<16xi32>
        %gather3A_768 = tpu.vector_load_idx %arg17[%add3A_767] : memref<4096xf32, #tpu.memory_space<vmem>>[vector<16xi32>], vector<16xf32>,
        %add3A_769 = arith.addf %add3A_761, %gather3A_768 : vector<16xf32>
        %mul3A_770 = arith.constant 16 : i32
        %mul3A_771 = vector.broadcast %mul3A_770 : i32 to vector<16xi32>
        %mul3A_772 = arith.muli %add3A_113, %mul3A_771 : vector<16xi32>
        %add3A_773 = arith.constant 10 : i32
        %add3A_774 = vector.broadcast %add3A_773 : i32 to vector<16xi32>
        %add3A_775 = arith.addi %mul3A_772, %add3A_774 : vector<16xi32>
        %gather3A_776 = tpu.vector_load_idx %arg17[%add3A_775] : memref<4096xf32, #tpu.memory_space<vmem>>[vector<16xi32>], vector<16xf32>,
        %add3A_777 = arith.addf %add3A_769, %gather3A_776 : vector<16xf32>
        %mul3A_778 = arith.constant 16 : i32
        %mul3A_779 = vector.broadcast %mul3A_778 : i32 to vector<16xi32>
        %mul3A_780 = arith.muli %add3A_113, %mul3A_779 : vector<16xi32>
        %add3A_781 = arith.constant 11 : i32
        %add3A_782 = vector.broadcast %add3A_781 : i32 to vector<16xi32>
        %add3A_783 = arith.addi %mul3A_780, %add3A_782 : vector<16xi32>
        %gather3A_784 = tpu.vector_load_idx %arg17[%add3A_783] : memref<4096xf32, #tpu.memory_space<vmem>>[vector<16xi32>], vector<16xf32>,
        %add3A_785 = arith.addf %add3A_777, %gather3A_784 : vector<16xf32>
        %mul3A_786 = arith.constant 16 : i32
        %mul3A_787 = vector.broadcast %mul3A_786 : i32 to vector<16xi32>
        %mul3A_788 = arith.muli %add3A_113, %mul3A_787 : vector<16xi32>
        %add3A_789 = arith.constant 12 : i32
        %add3A_790 = vector.broadcast %add3A_789 : i32 to vector<16xi32>
        %add3A_791 = arith.addi %mul3A_788, %add3A_790 : vector<16xi32>
        %gather3A_792 = tpu.vector_load_idx %arg17[%add3A_791] : memref<4096xf32, #tpu.memory_space<vmem>>[vector<16xi32>], vector<16xf32>,
        %add3A_793 = arith.addf %add3A_785, %gather3A_792 : vector<16xf32>
        %mul3A_794 = arith.constant 16 : i32
        %mul3A_795 = vector.broadcast %mul3A_794 : i32 to vector<16xi32>
        %mul3A_796 = arith.muli %add3A_113, %mul3A_795 : vector<16xi32>
        %add3A_797 = arith.constant 13 : i32
        %add3A_798 = vector.broadcast %add3A_797 : i32 to vector<16xi32>
        %add3A_799 = arith.addi %mul3A_796, %add3A_798 : vector<16xi32>
        %gather3A_800 = tpu.vector_load_idx %arg17[%add3A_799] : memref<4096xf32, #tpu.memory_space<vmem>>[vector<16xi32>], vector<16xf32>,
        %add3A_801 = arith.addf %add3A_793, %gather3A_800 : vector<16xf32>
        %mul3A_802 = arith.constant 16 : i32
        %mul3A_803 = vector.broadcast %mul3A_802 : i32 to vector<16xi32>
        %mul3A_804 = arith.muli %add3A_113, %mul3A_803 : vector<16xi32>
        %add3A_805 = arith.constant 14 : i32
        %add3A_806 = vector.broadcast %add3A_805 : i32 to vector<16xi32>
        %add3A_807 = arith.addi %mul3A_804, %add3A_806 : vector<16xi32>
        %gather3A_808 = tpu.vector_load_idx %arg17[%add3A_807] : memref<4096xf32, #tpu.memory_space<vmem>>[vector<16xi32>], vector<16xf32>,
        %add3A_809 = arith.addf %add3A_801, %gather3A_808 : vector<16xf32>
        %mul3A_810 = arith.constant 16 : i32
        %mul3A_811 = vector.broadcast %mul3A_810 : i32 to vector<16xi32>
        %mul3A_812 = arith.muli %add3A_113, %mul3A_811 : vector<16xi32>
        %add3A_813 = arith.constant 15 : i32
        %add3A_814 = vector.broadcast %add3A_813 : i32 to vector<16xi32>
        %add3A_815 = arith.addi %mul3A_812, %add3A_814 : vector<16xi32>
        %gather3A_816 = tpu.vector_load_idx %arg17[%add3A_815] : memref<4096xf32, #tpu.memory_space<vmem>>[vector<16xi32>], vector<16xf32>,
        %add3A_817 = arith.addf %add3A_809, %gather3A_816 : vector<16xf32>
        %mul3A_818 = arith.constant 16 : i32
        %mul3A_819 = arith.muli %scan3A_108, %mul3A_818 : i32
        %get3A_820 = arith.index_cast %mul3A_819 : i32 to index
        %get3A_821 = tpu.vector_load %arg18[%get3A_820] {strides = array<i32>} : memref<256xf32, #tpu.memory_space<vmem>>, vector<16xf32>,
        %mul3A_822 = arith.constant 5.000000e-01 : f32
        %mul3A_823 = vector.broadcast %mul3A_822 : f32 to vector<16xf32>
        %mul3A_824 = arith.mulf %mul3A_823, %add3A_689 : vector<16xf32>
        %add3A_825 = arith.addf %get3A_821, %mul3A_824 : vector<16xf32>
        %add3A_826 = arith.addf %add3A_825, %add3A_817 : vector<16xf32>
        %get3A_827 = arith.constant 0 : index
        %get3A_828 = tpu.vector_load %arg21[%get3A_827] {strides = array<i32>} : memref<16xf32, #tpu.memory_space<vmem>>, vector<16xf32>,
        %add3A_829 = arith.addf %add3A_826, %get3A_828 : vector<16xf32>
        %mul3A_830 = arith.constant 16 : i32
        %mul3A_831 = arith.muli %scan3A_108, %mul3A_830 : i32
        %swap3A = arith.index_cast %mul3A_831 : i32 to index
        %swap3A_832 = tpu.vector_load %arg22[%swap3A] {strides = array<i32>} : memref<256xf32, #tpu.memory_space<vmem>>, vector<16xf32>,
        tpu.vector_store %arg22[%swap3A], %add3A_829 {strides = array<i32>} : memref<256xf32, #tpu.memory_space<vmem>>, vector<16xf32>,
        %scan3A_833 = arith.constant 0 : i32
        scf.yield %scan3A_833 : i32
      }
      %scan3A_106 = arith.constant 16 : i32
      "tpu.region"() ({
        %run_scoped3A = tpu.sem_alloc : memref<!tpu.dma_semaphore, #tpu.memory_space<semaphore_mem>>
        %dma_start3A_108 = tpu.memref_slice %arg9[%add3A_30] : memref<16384xf32, #tpu.memory_space<hbm>> -> memref<256xf32, #tpu.memory_space<hbm>>
        %dma_start3A_109 = tpu.memref_slice %arg9[%add3A_30] : memref<16384xf32, #tpu.memory_space<hbm>> -> memref<256xf32, #tpu.memory_space<hbm>>
        tpu.enqueue_dma source(%arg22 : memref<256xf32, #tpu.memory_space<vmem>>) target(%dma_start3A_109 : memref<256xf32, #tpu.memory_space<hbm>>) target_semaphore(%run_scoped3A : memref<!tpu.dma_semaphore, #tpu.memory_space<semaphore_mem>>)
        %dma_wait3A_110 = tpu.memref_slice %arg9[%add3A_30] : memref<16384xf32, #tpu.memory_space<hbm>> -> memref<256xf32, #tpu.memory_space<hbm>>
        %dma_wait3A_111 = tpu.memref_slice %arg9[%add3A_30] : memref<16384xf32, #tpu.memory_space<hbm>> -> memref<256xf32, #tpu.memory_space<hbm>>
        tpu.wait_dma2 semaphore(%run_scoped3A : memref<!tpu.dma_semaphore, #tpu.memory_space<semaphore_mem>>) src(%arg22 : memref<256xf32, #tpu.memory_space<vmem>>) dst(%dma_wait3A_111 : memref<256xf32, #tpu.memory_space<hbm>>)
        tpu.yield
      }) : () -> ()
      %scan3A_107 = arith.constant 0 : i32
      scf.yield %scan3A_107 : i32
    }
    %scan3A_23 = arith.constant 2 : i32
    return
  }
}

</mosaic_0001>

<sc_bundles>
// kernel: kernel.3.cloned.1.call-start
scs
__scs_entry_jumppad:
0x0: {  	(pc) =	sbr.rel $0x88, $3  }
0x1: {  	(tag) =	ssettag $0x0;
	lr =	simm.s32 $0x1  }
0x2: {  	[smem:$0x3F94] =	sst lr;
	_ =	strace $0xD0000000  }
0x3: {  	_ = 	snop  }
0x4: {  	_ = 	snop  }
0x5: {  	_ = 	snop  }
0x6: {  	_ = 	snop  }
0x7: {  	_ = 	snop  }
__scs_overlays_trampoline_lowered:
0x8: {  	[smem:$0x3FA3] =	sst s0  }
0x9: {  	[smem:$0x3FA4] =	sst s1  }
0xa: {  	[smem:$0x3FA5] =	sst s2  }
0xb: {  	[smem:$0x3FA6] =	sst s3  }
0xc: {  	[smem:$0x3FA7] =	sst s4  }
0xd: {  	[smem:$0x3FA8] =	sst s5  }
0xe: {  	[smem:$0x3FA9] =	sst s6  }
0xf: {  	[smem:$0x3FAA] =	sst s7  }
0x10: {  	[smem:$0x3FAB] =	sst s8  }
0x11: {  	[smem:$0x3FAC] =	sst s9;
	s0 =	simm.s32 @!p0 $0x0  }
0x12: {  	s1 =	sld [smem:$0x3F92];
	s0 =	simm.s32 @p0 $0x1  }
0x13: {  	[smem:$0x3FAD] =	sst s0;
	s0 =	simm.s32 @!p1 $0x0  }
0x14: {  	s2 =	sld [smem:$0x3F91];
	s0 =	simm.s32 @p1 $0x1  }
0x15: {  	[smem:$0x3FAE] =	sst s0;
	s0 =	simm.s32 @!p2 $0x0  }
0x16: {  	s3 =	sld [smem:$0x3FDB];
	s0 =	simm.s32 @p2 $0x1  }
0x17: {  	s4 =	simm.s32 $0x1BF5;
	[smem:$0x3FB0] =	sst s0  }
0x18: {  	s0 =	sld [smem:$0x3F93];
	_ =	swait.ge [sflag:s4], $0x0  }
0x19: {  	s7 =	sld [smem:$0x3F94]  }
0x1a: {  	s8 =	sadd.s32 $0xFFFFE003, lr  }
0x1b: {  	s9 =	sadd.s32 $0xFFFFFEF7, lr;
	s5 =	simm.s32 $0xFFFFFFFF;
	p2 =	slt.u32 s8, $0xFFFFF086  }
0x1c: {  	p1 =	slt.u32 s9, $0xF7A;
	s5 =	simm.s32 @!p2 $0x0  }
0x1d: {  	s5 =	simm.s32 @p1 $0x1;
	p0 =	seq.s32 s7, s2  }
0x1e: {  	s7 =	smul.u32 @!p0 $0xF7A, s2;
	p2 =	seq.s32 @!p0 s5, $0x0  }
0x1f: {  	s9 =	smul.u32 $0xF7A, s1;
	s8 =	simm.s32 @!p0 $0x1BF5;
	p2 =	por !p2, p0  }
0x20: {  	[sflag:s8] =	ssyncset.s32 @!p0 $0xFFFFF086;
	s6 =	sadd.s32 @!p0 s3, s7;
	s7 =	simm.s32 @!p0 $0x108  }
0x21: {  	s3 =	sadd.s32 s3, s9;
	s6 =	sadd.s32 @!p0 $0x88, s6;
	s7 =	simm.s32 @p2 $0x1082  }
0x22: {  	[simem:s7], [sflag:s8] =	dma.local @!p0 [hbm:s6], $0xF7A  }
0x23: {  	s9 =	sor.u32 $0xD0000000, s2;
	s6 =	simm.s32 $0x108;
	_ =	swait.ge @!p0 [sflag:s8], $0x0  }
0x24: {  	s3 =	sadd.s32 $0x88, s3;
	s6 =	simm.s32 @!p1 $0x1082;
	[sflag:s4] =	ssyncset.s32 $0xFFFFF086  }
0x25: {  	[simem:s6], [sflag:s4] =	dma.local [hbm:s3], $0xF7A  }
0x26: {  	[smem:$0x3F94] =	sst s1;
	(tag) =	ssettag s2;
	_ =	strace s9  }
0x27: {  	s1 =	sld [smem:$0x3FA4]  }
0x28: {  	s2 =	sld [smem:$0x3FA5]  }
0x29: {  	s4 =	sld [smem:$0x3FA7]  }
0x2a: {  	p0 =	seq.s32 s5, $0x0;
	s5 =	sld [smem:$0x3FA8]  }
0x2b: {  	s6 =	sld [smem:$0x3FA9]  }
0x2c: {  	s7 =	sld [smem:$0x3FAA]  }
0x2d: {  	s3 =	simm.s32 $0x108;
	s8 =	sld [smem:$0x3FAB]  }
0x2e: {  	s3 =	simm.s32 @!p0 $0x1082;
	s9 =	sld [smem:$0x3FAC]  }
0x2f: {  	lr =	sadd.s32 s0, s3;
	s0 =	sld [smem:$0x3FA3]  }
0x30: {  	s3 =	sld [smem:$0x3FA6]  }
0x31: {  	[smem:$0x3FAF] =	sst s10  }
0x32: {  	s10 =	sld [smem:$0x3FAD];
	_ =	sdelay $0x3  }
0x33: {  	p0 =	seq.s32 s10, $0x1;
	s10 =	sld [smem:$0x3FAF];
	_ =	sdelay $0x3  }
0x34: {  	[smem:$0x3FAF] =	sst s10  }
0x35: {  	s10 =	sld [smem:$0x3FAE];
	_ =	sdelay $0x3  }
0x36: {  	p1 =	seq.s32 s10, $0x1;
	s10 =	sld [smem:$0x3FAF];
	_ =	sdelay $0x3  }
0x37: {  	[smem:$0x3FAF] =	sst s10  }
0x38: {  	s10 =	sld [smem:$0x3FB0]  }
0x39: {  	_ = 	snop;
	(pc) =	sbr.ind lr, $3  }
0x3a: {  	_ = 	snop  }
0x3b: {  	_ = 	snop  }
0x3c: {  	p2 =	seq.s32 s10, $0x1;
	s10 =	sld [smem:$0x3FAF]  }
0x3d: {  	_ =	shalt  }
0x3e: {  	_ =	shalt  }
0x3f: {  	_ =	shalt  }
0x40: {  	_ =	shalt  }
0x41: {  	_ =	shalt  }
0x42: {  	_ =	shalt  }
0x43: {  	_ =	shalt  }
0x44: {  	_ =	shalt  }
0x45: {  	_ =	shalt  }
0x46: {  	_ =	shalt  }
0x47: {  	_ =	shalt  }
0x48: {  	_ =	shalt  }
0x49: {  	_ =	shalt  }
0x4a: {  	_ =	shalt  }
0x4b: {  	_ =	shalt  }
0x4c: {  	_ =	shalt  }
0x4d: {  	_ =	shalt  }
0x4e: {  	_ =	shalt  }
0x4f: {  	_ =	shalt  }
0x50: {  	_ =	shalt  }
0x51: {  	_ =	shalt  }
0x52: {  	_ =	shalt  }
0x53: {  	_ =	shalt  }
0x54: {  	_ =	shalt  }
0x55: {  	_ =	shalt  }
0x56: {  	_ =	shalt  }
0x57: {  	_ =	shalt  }
0x58: {  	_ =	shalt  }
0x59: {  	_ =	shalt  }
0x5a: {  	_ =	shalt  }
0x5b: {  	_ =	shalt  }
0x5c: {  	_ =	shalt  }
0x5d: {  	_ =	shalt  }
0x5e: {  	_ =	shalt  }
0x5f: {  	_ =	shalt  }
0x60: {  	_ =	shalt  }
0x61: {  	_ =	shalt  }
0x62: {  	_ =	shalt  }
0x63: {  	_ =	shalt  }
0x64: {  	_ =	shalt  }
0x65: {  	_ =	shalt  }
0x66: {  	_ =	shalt  }
0x67: {  	_ =	shalt  }
0x68: {  	_ =	shalt  }
0x69: {  	_ =	shalt  }
0x6a: {  	_ =	shalt  }
0x6b: {  	_ =	shalt  }
0x6c: {  	_ =	shalt  }
0x6d: {  	_ =	shalt  }
0x6e: {  	_ =	shalt  }
0x6f: {  	_ =	shalt  }
0x70: {  	_ =	shalt  }
0x71: {  	_ =	shalt  }
0x72: {  	_ =	shalt  }
0x73: {  	_ =	shalt  }
0x74: {  	_ =	shalt  }
0x75: {  	_ =	shalt  }
0x76: {  	_ =	shalt  }
0x77: {  	_ =	shalt  }
0x78: {  	_ =	shalt  }
0x79: {  	_ =	shalt  }
0x7a: {  	_ =	shalt  }
0x7b: {  	_ =	shalt  }
0x7c: {  	_ =	shalt  }
0x7d: {  	_ =	shalt  }
0x7e: {  	_ =	shalt  }
0x7f: {  	_ =	shalt  }
0x80: {  	_ =	shalt  }
0x81: {  	_ =	shalt  }
0x82: {  	_ =	shalt  }
0x83: {  	_ =	shalt  }
0x84: {  	_ =	shalt  }
0x85: {  	_ =	shalt  }
0x86: {  	_ =	shalt  }
0x87: {  	_ =	shalt  }
.Lfunc_end0:
.L_simem_size_0:
called_computation_lowered:
.L_overlay_start_0:
0x88: {  	s2 =	sld [smem:$0x3FD9]  }
0x89: {  	s3 =	sld [smem:$0x3FFE];
	_ =	sdelay $0x1  }
0x8a: {  	s1 =	srdreg.scid  }
0x8b: {  	s0 =	sand.u32 $0x1, s1  }
0x8c: {  	s17 =	sshll.u32 s0, $0xA;
	s2 =	sadd.s32 s3, s2  }
0x8d: {  	s2 =	sadd.s32 s2, s17  }
0x8e: {  	[smem:$0x3FBB] =	sst s2  }
0x8f: {  	_ = 	snop  }
0x90: {  	s2 =	sld [smem:$0x3FD0];
	(tm) =	ssettm $0x1  }
0x91: {  	s18 =	sld [smem:$0x3FFB];
	_ =	sdelay $0x3  }
0x92: {  	_ =	strace s18  }
0x93: {  	s3 =	sld [smem:$0x3FFC];
	_ =	sdelay $0x3  }
0x94: {  	_ =	strace s3  }
0x95: {  	s3 =	sld [smem:$0x3FFD];
	_ =	sdelay $0x3  }
0x96: {  	_ =	strace s3  }
0x97: {  	_ =	strace $0x8FFFFFFF  }
0x98: {  	s19 =	sld [smem:$0x3FDB];
	_ =	sdelay $0x1  }
0x99: {  	s4 =	simm.s32 $_scs_section_size  }
0x9a: {  	s5 =	simm.s32 $_size__tile_overlayer_lowered;
	s6 =	simm.s32 $_tile_overlayer_lowered  }
0x9b: {  	s22 =	simm.s32 $0x1BFF;
	s21 =	sshll.u32 s6, $0x1;
	s3 =	sadd.s32 s4, s19  }
0x9c: {  	s7 =	simm.s32 $0x0;
	s20 =	sshll.u32 s5, $0x1;
	s5 =	sadd.s32 s21, s3  }
0x9d: {  	[timem:s7], [sflag:s22] =	dma.local [hbm:s5], s20  }
0x9e: {  	_ =	swait.ge [sflag:s22], s20  }
0x9f: {  	s4 =	ssub.s32 $0x0, s20;
	[sflag:s22] =	ssyncset.done $0x0  }
0xa0: {  	[sflag:s22] =	ssyncadd.s32 s4;
	_ =	sdelay $0x1  }
0xa1: {  	s23 =	simm.s32 $0x1B8B  }
0xa2: {  	_ =	swait.ge [sflag:s23], $0x1  }
0xa3: {  	[sflag:s23] =	ssyncset.done $0x0  }
0xa4: {  	s25 =	simm.s32 $0x1B8E;
	s24 =	sld [smem:$0x3FFE];
	[sflag:s23] =	ssyncadd.s32 $0xFFFFFFFF  }
0xa5: {  	s26 =	simm.s32 $execute0_lowered;
	[smem:$0x3FD2] =	sst s25  }
0xa6: {  	s5 =	sshll.u32 s26, $0x1;
	_ =	strace $0x80000046;
	[dreg:$0x1] =	wrdreg $0xFFFFFFFF  }
0xa7: {  	s28 =	simm.s32 $_size_execute0_lowered;
	s3 =	sadd.s32 s3, s5;
	[dreg:$0x0] =	wrdreg $0x0  }
0xa8: {  	s5 =	sshll.u32 s28, $0x1;
	[dreg:$0x2] =	wrdreg s3  }
0xa9: {  	[dreg:$0x3] =	wrdreg s5  }
0xaa: {  	[dreg:$0x4] =	wrdreg $0xC0  }
0xab: {  	_ =	task [dreg:s7], $0x5FFFF  }
0xac: {  	[dreg:$0x1] =	wrdreg $0xFFFFFFFF  }
0xad: {  	[dreg:$0x0] =	wrdreg $0x60  }
0xae: {  	[dreg:$0x2] =	wrdreg s24  }
0xaf: {  	[dreg:$0x3] =	wrdreg s2  }
0xb0: {  	[dreg:$0x4] =	wrdreg $0x9  }
0xb1: {  	_ =	task.clear_ibuf [dreg:s7], $0x5FFFF;
	_ =	strace $0x90000046  }
0xb2: {  	s29 =	simm.s32 $0x9;
	_ =	strace $0x80000048  }
0xb3: {  	_ =	swait.ge [sflag:s29], $0x1  }
0xb4: {  	[sflag:s29] =	ssyncadd.s32 $0xFFFFFFFF  }
0xb5: {  	_ =	strace $0x90000048  }
0xb6: {  	_ =	sfence  }
0xb7: {  	s30 =	sld [smem:$0x0];
	_ =	sdelay $0x2  }
0xb8: {  	s31 =	sshll.u32 s1, $0xD;
	s1 =	sshrl.u32 s1, $0x2  }
0xb9: {  	s3 =	sand.u32 $0x4000, s31;
	s1 =	sadd.s32 s1, s30  }
0xba: {  	s0 =	sor.u32 s3, s0;
	s1 =	sshll.u32 s1, $0x11  }
0xbb: {  	s0 =	sor.u32 s1, s0  }
0xbc: {  	s0 =	sadd.s32 $0x8F2B, s0  }
0xbd: {  	[sflag:s0] =	ssyncadd.remote.s32 $0x1  }
0xbe: {  	_ =	sfence.sel $0xFFFF  }
0xbf: {  	[dreg:$0x0] =	wrdreg $0xFFFFFFFF;
	(pc) =	sbr.abs _section_cstart, $3  }
0xc0: {  	[dreg:$0x1] =	wrdreg $0xFFFFFFFF  }
0xc1: {  	_ =	task.clear_ibuf [dreg:s7], $0x2FFFF;
	_ =	strace $0x9FFFFFFF  }
0xc2: {  	(tm) =	ssettm $0x7FFFFFFF  }
0xc3: {  	_ =	shalt  }
tec
execute0_lowered:
.L_overlay_start_1:
0x0: {  	(tag) =	ssettag $0x1  }
0x1: {  	s5 =	rddreg [dreg:$0x0]  }
0x2: {  	s3 =	simm.s32 $0x0;
	s29 =	srdreg.scid;
	s4 =	stileid.u32  }
0x3: {  	s13 =	simm.s32 $0x9;
	s15 =	simm.s32 $0x1C240;
	s17 =	simm.s32 $0x100  }
0x4: {  	s19 =	simm.s32 $0x2D00;
	s20 =	simm.s32 $0x5A00;
	s21 =	simm.s32 $0x6200  }
0x5: {  	s22 =	simm.s32 $0x5E00;
	s16 =	simm.s32 $0x6100;
	s9 =	simm.s32 $0x1  }
0x6: {  	s10 =	simm.s32 $0x5;
	s12 =	simm.s32 $0x2;
	s11 =	simm.s32 $0x4  }
0x7: {  	s18 =	simm.s32 $0x8;
	s14 =	simm.s32 $0x16600;
	s23 =	simm.s32 $0x1A600  }
0x8: {  	s6 =	simm.s32 $0x0;
	[smem:$0x7FF] =	sst s3;
	s0 =	sadd.s32 $0x800, s5  }
0x9: {  	s28 =	sadd.s32 $0x17000, s5;
	s7 =	sadd.s32 $0x55400, s5;
	s8 =	sadd.s32 $0x2D800, s5  }
0xa: {  	s1 =	sadd.s32 $0x600, s5;
	_ =	strace $0x80000047;
	[dreg:$0x3] =	wrdreg s0  }
0xb: {  	s4 =	sshll.u32 s4, $0x7;
	[dreg:$0x4] =	wrdreg s28;
	s0 =	sand.u32 $0x1, s29  }
0xc: {  	s5 =	sadd.s32 $0x200, s5;
	[dreg:$0x5] =	wrdreg s1;
	s30 =	ssub.s32 $0x2, s0  }
0xd: {  	[dreg:$0x6] =	wrdreg s5;
	s0 =	sshll.u32 s0, $0x6;
	s2 =	sshrl.u32 s30, $0x1  }
0xe: {  	v0 =	vlaneseq.u32;
	s5 =	simm.s32 $0x7;
	s0 =	sor.u32 s0, s4;
	s1 =	ssub.s32 s30, s2  }
0xf: {  	v1 =	vimm.f32 $0.0e+00;
	v3 =	vshrl.u32 v0, $0x3;
	s4 =	simm.s32 $0x3;
	[dreg:$0x7] =	wrdreg s0;
	s31 =	smax.u32 s1, $0x1  }
0x10: {  	v4 =	vimm.s32 $0x2C;
	v2 =	vand.u32 $0x7, v0;
	v3 =	vmul.u32 $0x8, v3;
	s2 =	simm.s32 $0x6;
	s1 =	simm.s32 $0x16500;
	[dreg:$0x8] =	wrdreg s31  }
.LBB2_1:
0x11: {  	[dreg:$0x9] =	wrdreg s6  }
0x12: {  	s0 =	rddreg [dreg:$0x5];
	s28 =	simm.s32 $0x1B700  }
0x13: {  	[tilespmem:s28], [sflag:$0x9] =	stream.linear.gather [hbm4b:s0+s3], $0xB40, $0x38;
	[tilespmem:$0x1C380] =	vst v63  }
0x14: {  	_ =	swait.ge [sflag:s13], $0xB40  }
0x15: {  	[sflag:s13] =	ssyncset.done $0x0  }
0x16: {  	[sflag:s13] =	ssyncadd.s32 $0xFFFFF4C0  }
0x17: {  	s29 =	rddreg [dreg:$0x0]  }
0x18: {  	[tilespmem:s15], [sflag:$0x9] =	stream.linear.gather [hbm4b:s29+s3], $0x30, $0x38;
	[tilespmem:$0x1C380] =	vst v63  }
0x19: {  	_ =	swait.ge [sflag:s13], $0x30  }
0x1a: {  	[sflag:s13] =	ssyncset.done $0x0  }
0x1b: {  	s31 =	simm.s32 $0x1C270;
	s30 =	rddreg [dreg:$0x6];
	[sflag:s13] =	ssyncadd.s32 $0xFFFFFFD0  }
0x1c: {  	[tilespmem:s31], [sflag:$0x9] =	stream.linear.gather [hbm4b:s30+s3], $0x10, $0x38;
	[tilespmem:$0x1C380] =	vst v63  }
0x1d: {  	_ =	swait.ge [sflag:s13], $0x10  }
0x1e: {  	[sflag:s13] =	ssyncset.done $0x0  }
0x1f: {  	p1 =	por $0x1, $0x1;
	s0 =	simm.s32 $0x0;
	[sflag:s13] =	ssyncadd.s32 $0xFFFFFFF0  }
.LBB2_2:
0x20: {  	s6 =	rddreg [dreg:$0x7]  }
0x21: {  	s29 =	rddreg [dreg:$0x3];
	s25 =	sor.u32 s6, s0  }
0x22: {  	s30 =	simm.s32 $0x0;
	s24 =	simm.s32 $0x4000;
	s0 =	sadd.s32 s29, s25  }
0x23: {  	[tilespmem:s30], [sflag:$0x9] =	stream.strided.gather [hbm4b:s0+s17], $0x2D00, s24, s17, $0x38;
	[tilespmem:$0x1C380] =	vst v63  }
0x24: {  	_ =	swait.ge [sflag:s13], $0x2D00  }
0x25: {  	[sflag:s13] =	ssyncset.done $0x0;
	s31 =	rddreg [dreg:$0x4]  }
0x26: {  	[dreg:$0xa] =	wrdreg s25;
	[sflag:s13] =	ssyncadd.s32 $0xFFFFD300;
	s0 =	sadd.s32 s31, s25  }
0x27: {  	[tilespmem:s19], [sflag:$0x9] =	stream.strided.gather [hbm4b:s0+s17], $0x2D00, s24, s17, $0x38;
	[tilespmem:$0x1C380] =	vst v63  }
0x28: {  	_ =	swait.ge [sflag:s13], $0x2D00  }
0x29: {  	p0 =	por p1, p1;
	[sflag:s13] =	ssyncset.done $0x0  }
0x2a: {  	s6 =	simm.s32 $0x0;
	s0 =	simm.s32 $0x40;
	[sflag:s13] =	ssyncadd.s32 $0xFFFFD300  }
.LBB2_3:
0x2b: {  	p1 =	sne.s32 s0, $0xFFC0;
	[tilespmem:s6+$0x16600] =	vst v1;
	s6 =	smov.u32 s0;
	s0 =	sadd.s32 $0x40, s0  }
.Ltmp0:
0x2c: {  	(pc) =	sbr.rel @p1 .LBB2_3-.Ltmp0, $2  }
0x2d: {  	_ =	sdelay $0x2  }
0x2e: {  	s6 =	sshra.s32 s6, $0x2  }
0x2f: {  	[tilespmem:s6+$0x16600] =	vst v1;
	s0 =	simm.s32 $0x40;
	s6 =	simm.s32 $0x0  }
.LBB2_5:
0x30: {  	p1 =	sne.s32 s0, $0x3FC0;
	[tilespmem:s6+$0x1A600] =	vst v1;
	s6 =	smov.u32 s0;
	s0 =	sadd.s32 $0x40, s0  }
.Ltmp1:
0x31: {  	(pc) =	sbr.rel @p1 .LBB2_5-.Ltmp1, $2  }
0x32: {  	_ =	sdelay $0x2  }
0x33: {  	s6 =	sshra.s32 s6, $0x2  }
0x34: {  	[tilespmem:s6+$0x1A600] =	vst v1;
	s24 =	simm.s32 $0x0;
	s0 =	simm.s32 $0x40;
	s6 =	simm.s32 $0x0  }
.LBB2_7:
0x35: {  	p1 =	sne.s32 s0, $0x3C0;
	[tilespmem:s6+$0x1B600] =	vst v1;
	s6 =	smov.u32 s0;
	s0 =	sadd.s32 $0x40, s0  }
.Ltmp2:
0x36: {  	(pc) =	sbr.rel @p1 .LBB2_7-.Ltmp2, $2  }
0x37: {  	_ =	sdelay $0x2  }
0x38: {  	s6 =	sshra.s32 s6, $0x2  }
0x39: {  	[tilespmem:s6+$0x1B600] =	vst v1  }
.LBB2_9:
0x3a: {  	s0 =	sshll.u32 s24, $0x2  }
0x3b: {  	v5 =	vmov s0  }
0x3c: {  	v11 =	vshll.u32 v5, $0x8  }
0x3d: {  	s6 =	simm.s32 $0x0;
	v12 =	vor.u32 v2, v11  }
0x3e: {  	v6 =	vadd.s32 s6, v12  }
0x3f: {  	v6 =	vadd.s32 v3, v6;
	_ =	sdelay $0x3  }
0x40: {  	s31 =	simm.s32 $0x10;
	v5 =	vld.idx.msk [tilespmem:v5+s15+$0x0], $0xffff  }
0x41: {  	v7 =	vadd.s32 s31, v12;
	v6 =	vld.idx.msk [tilespmem:v6+s3+$0x0], $0xffff  }
0x42: {  	v7 =	vadd.s32 v3, v7;
	_ =	sdelay $0x2  }
0x43: {  	s13 =	simm.s32 $0x20  }
0x44: {  	s25 =	simm.s32 $0x5E00;
	v8 =	vadd.s32 s13, v12;
	v6 =	vadd.s32 v5, v6  }
0x45: {  	s6 =	simm.s32 $0x5A00;
	[tilespmem:s25+$0x0] =	vst v6;
	v9 =	vshll.u32 v6, $0x1;
	v6 =	vld.idx.msk [tilespmem:v7+s3+$0x0], $0xffff;
	v7 =	vadd.s32 v3, v8  }
0x46: {  	s26 =	simm.s32 $0x30;
	[tilespmem:s6+$0x0] =	vst v9  }
.LBB2_10:
0x47: {  	p1 =	sne.s32 s26, $0xF0  }
.Ltmp3:
0x48: {  	_ = 	snop;
	(pc) =	sbr.rel @p1 .LBB2_10-.Ltmp3, $4  }
0x49: {  	_ = 	snop  }
0x4a: {  	v8 =	vadd.s32 s26, v12;
	s26 =	sadd.s32 $0x10, s26;
	s25 =	sadd.s32 $0x10, s25;
	v9 =	vadd.s32 v5, v6;
	v6 =	vld.idx.msk [tilespmem:v7+s3+$0x0], $0xffff  }
0x4b: {  	s6 =	sadd.s32 $0x10, s6;
	v7 =	vadd.s32 v3, v8;
	[tilespmem:s25+$0x0] =	vst v9;
	v8 =	vshll.u32 v9, $0x1  }
0x4c: {  	[tilespmem:s6+$0x0] =	vst v8  }
0x4d: {  	_ =	sdelay $0x3  }
0x4e: {  	v7 =	vld.idx.msk [tilespmem:v7+s3+$0x0], $0xffff;
	_ =	sdelay $0x1  }
0x4f: {  	s28 =	sor.u32 $0x1, s0  }
0x50: {  	s13 =	sadd.s32 $0x10, s25;
	v8 =	vmov s28;
	v6 =	vadd.s32 v5, v6  }
0x51: {  	s6 =	sadd.s32 $0x10, s6;
	v9 =	vshll.u32 v8, $0x8;
	[tilespmem:s13+$0x0] =	vst v6;
	v6 =	vshll.u32 v6, $0x1  }
0x52: {  	s26 =	simm.s32 $0x0;
	s13 =	sadd.s32 $0x10, s13;
	v10 =	vor.u32 v2, v9;
	[tilespmem:s6+$0x0] =	vst v6;
	v5 =	vadd.s32 v5, v7  }
0x53: {  	s6 =	sadd.s32 $0x10, s6;
	v6 =	vadd.s32 s26, v10;
	[tilespmem:s13+$0x0] =	vst v5;
	v5 =	vshll.u32 v5, $0x1  }
0x54: {  	v6 =	vadd.s32 v3, v6;
	[tilespmem:s6+$0x0] =	vst v5  }
0x55: {  	[tilespmem:s21], [sflag:$0x1] =	stream.indirect.gather [hbm4b:s7+s17], $0x40, s20, s17, $0xb8;
	[tilespmem:$0x1C380] =	vst v63  }
0x56: {  	s29 =	simm.s32 $0x16200  }
0x57: {  	[tilespmem:s29], [sflag:$0x5] =	stream.indirect.gather [hbm4b:s8+s17], $0x1, s22, s17, $0xb8;
	[tilespmem:$0x1C380] =	vst v63  }
0x58: {  	s30 =	simm.s32 $0x10;
	v5 =	vld.idx.msk [tilespmem:v8+s15+$0x0], $0xffff  }
0x59: {  	v7 =	vadd.s32 s30, v10;
	v6 =	vld.idx.msk [tilespmem:v6+s3+$0x0], $0xffff  }
0x5a: {  	v7 =	vadd.s32 v3, v7;
	_ =	sdelay $0x2  }
0x5b: {  	s31 =	simm.s32 $0x20  }
0x5c: {  	s25 =	simm.s32 $0x5F00;
	v8 =	vadd.s32 s31, v10;
	v6 =	vadd.s32 v5, v6  }
0x5d: {  	s6 =	simm.s32 $0x5B00;
	[tilespmem:s25+$0x0] =	vst v6;
	v13 =	vshll.u32 v6, $0x1;
	v6 =	vld.idx.msk [tilespmem:v7+s3+$0x0], $0xffff;
	v7 =	vadd.s32 v3, v8  }
0x5e: {  	s26 =	simm.s32 $0x30;
	[tilespmem:s6+$0x0] =	vst v13  }
.LBB2_12:
0x5f: {  	p1 =	sne.s32 s26, $0xF0  }
.Ltmp4:
0x60: {  	_ = 	snop;
	(pc) =	sbr.rel @p1 .LBB2_12-.Ltmp4, $4  }
0x61: {  	_ = 	snop  }
0x62: {  	v8 =	vadd.s32 s26, v10;
	s26 =	sadd.s32 $0x10, s26;
	s25 =	sadd.s32 $0x10, s25;
	v13 =	vadd.s32 v5, v6;
	v6 =	vld.idx.msk [tilespmem:v7+s3+$0x0], $0xffff  }
0x63: {  	s6 =	sadd.s32 $0x10, s6;
	v7 =	vadd.s32 v3, v8;
	[tilespmem:s25+$0x0] =	vst v13;
	v8 =	vshll.u32 v13, $0x1  }
0x64: {  	[tilespmem:s6+$0x0] =	vst v8  }
0x65: {  	_ =	sdelay $0x3  }
0x66: {  	v8 =	vld.idx.msk [tilespmem:v7+s3+$0x0], $0xffff;
	_ =	sdelay $0x1  }
0x67: {  	s26 =	sor.u32 $0x2, s0  }
0x68: {  	s13 =	sadd.s32 $0x10, s25;
	v13 =	vmov s26;
	v6 =	vadd.s32 v5, v6  }
0x69: {  	s6 =	sadd.s32 $0x10, s6;
	v7 =	vshll.u32 v13, $0x8;
	[tilespmem:s13+$0x0] =	vst v6;
	v6 =	vshll.u32 v6, $0x1  }
0x6a: {  	s31 =	simm.s32 $0x0;
	s13 =	sadd.s32 $0x10, s13;
	[tilespmem:s6+$0x0] =	vst v6;
	v5 =	vadd.s32 v5, v8;
	v8 =	vor.u32 v2, v7  }
0x6b: {  	s6 =	sadd.s32 $0x10, s6;
	[tilespmem:s13+$0x0] =	vst v5;
	v5 =	vshll.u32 v5, $0x1;
	v6 =	vadd.s32 s31, v8  }
0x6c: {  	s30 =	simm.s32 $0x5B00;
	s31 =	simm.s32 $0xA200;
	[tilespmem:s6+$0x0] =	vst v5;
	v5 =	vadd.s32 v3, v6  }
0x6d: {  	[tilespmem:s31], [sflag:$0x2] =	stream.indirect.gather [hbm4b:s7+s17], $0x40, s30, s17, $0xb8;
	[tilespmem:$0x1C380] =	vst v63  }
0x6e: {  	s25 =	simm.s32 $0x16300;
	s13 =	simm.s32 $0x5F00  }
0x6f: {  	[tilespmem:s25], [sflag:$0x6] =	stream.indirect.gather [hbm4b:s8+s17], $0x1, s13, s17, $0xb8;
	[tilespmem:$0x1C380] =	vst v63  }
0x70: {  	s30 =	simm.s32 $0x10;
	v6 =	vld.idx.msk [tilespmem:v13+s15+$0x0], $0xffff  }
0x71: {  	v13 =	vadd.s32 s30, v8;
	v5 =	vld.idx.msk [tilespmem:v5+s3+$0x0], $0xffff  }
0x72: {  	v13 =	vadd.s32 v3, v13;
	_ =	sdelay $0x2  }
0x73: {  	s31 =	simm.s32 $0x20  }
0x74: {  	s29 =	simm.s32 $0x6000;
	v14 =	vadd.s32 s31, v8;
	v5 =	vadd.s32 v6, v5  }
0x75: {  	s6 =	simm.s32 $0x5C00;
	[tilespmem:s29+$0x0] =	vst v5;
	v15 =	vshll.u32 v5, $0x1;
	v5 =	vld.idx.msk [tilespmem:v13+s3+$0x0], $0xffff;
	v13 =	vadd.s32 v3, v14  }
0x76: {  	s25 =	simm.s32 $0x30;
	[tilespmem:s6+$0x0] =	vst v15  }
.LBB2_14:
0x77: {  	p1 =	sne.s32 s25, $0xF0  }
.Ltmp5:
0x78: {  	_ = 	snop;
	(pc) =	sbr.rel @p1 .LBB2_14-.Ltmp5, $4  }
0x79: {  	_ = 	snop  }
0x7a: {  	v14 =	vadd.s32 s25, v8;
	s25 =	sadd.s32 $0x10, s25;
	s29 =	sadd.s32 $0x10, s29;
	v15 =	vadd.s32 v6, v5;
	v5 =	vld.idx.msk [tilespmem:v13+s3+$0x0], $0xffff  }
0x7b: {  	s6 =	sadd.s32 $0x10, s6;
	v13 =	vadd.s32 v3, v14;
	[tilespmem:s29+$0x0] =	vst v15;
	v14 =	vshll.u32 v15, $0x1  }
0x7c: {  	[tilespmem:s6+$0x0] =	vst v14  }
0x7d: {  	_ =	sdelay $0x3  }
0x7e: {  	v13 =	vld.idx.msk [tilespmem:v13+s3+$0x0], $0xffff;
	_ =	sdelay $0x1  }
0x7f: {  	s25 =	sor.u32 $0x3, s0  }
0x80: {  	s31 =	sadd.s32 $0x10, s29;
	v14 =	vmov s25;
	v5 =	vadd.s32 v6, v5  }
0x81: {  	s6 =	sadd.s32 $0x10, s6;
	[tilespmem:s31+$0x0] =	vst v5;
	v15 =	vshll.u32 v5, $0x1;
	v5 =	vshll.u32 v14, $0x8  }
0x82: {  	s13 =	simm.s32 $0x0;
	s0 =	sadd.s32 $0x10, s31;
	[tilespmem:s6+$0x0] =	vst v15;
	v13 =	vadd.s32 v6, v13;
	v6 =	vor.u32 v2, v5  }
0x83: {  	s6 =	sadd.s32 $0x10, s6;
	[tilespmem:s0+$0x0] =	vst v13;
	v13 =	vshll.u32 v13, $0x1;
	v15 =	vadd.s32 s13, v6  }
0x84: {  	s30 =	simm.s32 $0x5C00;
	s31 =	simm.s32 $0xE200;
	[tilespmem:s6+$0x0] =	vst v13;
	v15 =	vadd.s32 v3, v15  }
0x85: {  	[tilespmem:s31], [sflag:$0x3] =	stream.indirect.gather [hbm4b:s7+s17], $0x40, s30, s17, $0xb8;
	[tilespmem:$0x1C380] =	vst v63  }
0x86: {  	s13 =	simm.s32 $0x16400;
	s6 =	simm.s32 $0x6000  }
0x87: {  	[tilespmem:s13], [sflag:$0x7] =	stream.indirect.gather [hbm4b:s8+s17], $0x1, s6, s17, $0xb8;
	[tilespmem:$0x1C380] =	vst v63  }
0x88: {  	s30 =	simm.s32 $0x10;
	v13 =	vld.idx.msk [tilespmem:v14+s15+$0x0], $0xffff  }
0x89: {  	v14 =	vld.idx.msk [tilespmem:v15+s3+$0x0], $0xffff;
	v15 =	vadd.s32 s30, v6  }
0x8a: {  	v15 =	vadd.s32 v3, v15;
	_ =	sdelay $0x2  }
0x8b: {  	s31 =	simm.s32 $0x20  }
0x8c: {  	s0 =	simm.s32 $0x6100;
	v16 =	vadd.s32 s31, v6;
	v14 =	vadd.s32 v13, v14  }
0x8d: {  	s6 =	simm.s32 $0x5D00;
	[tilespmem:s0+$0x0] =	vst v14;
	v17 =	vshll.u32 v14, $0x1;
	v14 =	vld.idx.msk [tilespmem:v15+s3+$0x0], $0xffff;
	v15 =	vadd.s32 v3, v16  }
0x8e: {  	s29 =	simm.s32 $0x30;
	[tilespmem:s6+$0x0] =	vst v17  }
.LBB2_16:
0x8f: {  	p1 =	sne.s32 s29, $0xF0  }
.Ltmp6:
0x90: {  	_ = 	snop;
	(pc) =	sbr.rel @p1 .LBB2_16-.Ltmp6, $4  }
0x91: {  	_ = 	snop  }
0x92: {  	v16 =	vadd.s32 s29, v6;
	s29 =	sadd.s32 $0x10, s29;
	s0 =	sadd.s32 $0x10, s0;
	v17 =	vadd.s32 v13, v14;
	v14 =	vld.idx.msk [tilespmem:v15+s3+$0x0], $0xffff  }
0x93: {  	s6 =	sadd.s32 $0x10, s6;
	v15 =	vadd.s32 v3, v16;
	[tilespmem:s0+$0x0] =	vst v17;
	v16 =	vshll.u32 v17, $0x1  }
0x94: {  	[tilespmem:s6+$0x0] =	vst v16  }
0x95: {  	_ =	sdelay $0x3  }
0x96: {  	v15 =	vld.idx.msk [tilespmem:v15+s3+$0x0], $0xffff;
	_ =	sdelay $0x2  }
0x97: {  	s0 =	sadd.s32 $0x10, s0;
	v14 =	vadd.s32 v13, v14  }
0x98: {  	s6 =	sadd.s32 $0x10, s6;
	[tilespmem:s0+$0x0] =	vst v14;
	v14 =	vshll.u32 v14, $0x1  }
0x99: {  	s0 =	sadd.s32 $0x10, s0;
	[tilespmem:s6+$0x0] =	vst v14;
	v13 =	vadd.s32 v13, v15  }
0x9a: {  	s31 =	sadd.s32 $0x10, s6;
	[tilespmem:s0+$0x0] =	vst v13;
	v13 =	vshll.u32 v13, $0x1  }
0x9b: {  	s13 =	simm.s32 $0x12200;
	s6 =	simm.s32 $0x5D00;
	[tilespmem:s31+$0x0] =	vst v13  }
0x9c: {  	[tilespmem:s13], [sflag:$0x4] =	stream.indirect.gather [hbm4b:s7+s17], $0x40, s6, s17, $0xb8;
	[tilespmem:$0x1C380] =	vst v63  }
0x9d: {  	s29 =	simm.s32 $0x0  }
0x9e: {  	[tilespmem:s1], [sflag:$0x8] =	stream.indirect.gather [hbm4b:s8+s17], $0x1, s16, s17, $0xb8;
	[tilespmem:$0x1C380] =	vst v63  }
0x9f: {  	v13 =	vadd.s32 s29, v12;
	_ =	swait.ge [sflag:s9], $0x4000  }
0xa0: {  	v13 =	vadd.s32 v3, v13;
	[sflag:s9] =	ssyncset.done $0x0  }
0xa1: {  	[sflag:s9] =	ssyncadd.s32 $0xFFFFC000  }
0xa2: {  	_ =	swait.ge [sflag:s10], $0x100  }
0xa3: {  	[sflag:s10] =	ssyncset.done $0x0  }
0xa4: {  	s30 =	simm.s32 $0x10;
	[sflag:s10] =	ssyncadd.s32 $0xFFFFFF00  }
0xa5: {  	v14 =	vadd.s32 s30, v12;
	s31 =	simm.s32 $0x16200;
	v15 =	vld.idx.msk [tilespmem:v13+s19+$0x0], $0xffff  }
0xa6: {  	v13 =	vadd.s32 v3, v14;
	v14 =	vld [tilespmem:s31+$0x0];
	_ =	sdelay $0x3  }
0xa7: {  	s13 =	simm.s32 $0x20  }
0xa8: {  	s6 =	simm.s32 $0x16210;
	v13 =	vld.idx.msk [tilespmem:v13+s19+$0x0], $0xffff;
	v16 =	vmul.f32 v15, v14;
	v15 =	vadd.s32 s13, v12  }
0xa9: {  	s0 =	simm.s32 $0x1B600;
	v14 =	vld [tilespmem:s6+$0x0];
	v15 =	vadd.s32 v3, v15  }
0xaa: {  	s13 =	simm.s32 $0x30;
	[tilespmem:s0+$0x0] =	vst.add.f32.msk $0xffff, v16  }
.LBB2_18:
0xab: {  	p1 =	sne.s32 s13, $0xF0  }
.Ltmp7:
0xac: {  	_ = 	snop;
	(pc) =	sbr.rel @p1 .LBB2_18-.Ltmp7, $4  }
0xad: {  	_ = 	snop  }
0xae: {  	v16 =	vadd.s32 s13, v12;
	s13 =	sadd.s32 $0x10, s13;
	s6 =	sadd.s32 $0x10, s6;
	v17 =	vmul.f32 v13, v14;
	v13 =	vld.idx.msk [tilespmem:v15+s19+$0x0], $0xffff  }
0xaf: {  	s0 =	sadd.s32 $0x10, s0;
	v15 =	vadd.s32 v3, v16;
	v14 =	vld [tilespmem:s6+$0x0]  }
0xb0: {  	[tilespmem:s0+$0x0] =	vst.add.f32.msk $0xffff, v17  }
0xb1: {  	_ =	sdelay $0x3  }
0xb2: {  	v12 =	vld.idx.msk [tilespmem:v15+s19+$0x0], $0xffff;
	s6 =	sadd.s32 $0x10, s6  }
0xb3: {  	v15 =	vld [tilespmem:s6+$0x0];
	_ =	sdelay $0x3  }
0xb4: {  	s29 =	simm.s32 $0x0;
	s13 =	simm.s32 $0x1;
	v13 =	vmul.f32 v13, v14  }
0xb5: {  	s0 =	sadd.s32 $0x10, s0;
	v14 =	vmov s29;
	v12 =	vmul.f32 v12, v15;
	v15 =	vmov s13;
	s13 =	simm.s32 $0x3  }
0xb6: {  	v14 =	vand.u32 $0xFC, v14;
	[tilespmem:s0+$0x0] =	vst.add.f32.msk $0xffff, v13;
	s0 =	sadd.s32 $0x10, s0;
	v15 =	vand.u32 $0xFD, v15;
	v16 =	vmov s13;
	s13 =	sshll.u32 s24, $0x8  }
0xb7: {  	v14 =	vbroadcast v14, $0x0;
	v13 =	vbroadcast v15, $0x0;
	v15 =	vand.u32 $0xFF, v16;
	[tilespmem:s0+$0x0] =	vst.add.f32.msk $0xffff, v12;
	s13 =	sand.u32 $0x3FFFFF00, s13  }
0xb8: {  	v12 =	vbroadcast v15, $0x0;
	v15 =	vld [tilespmem:s13+$0x1B700]  }
0xb9: {  	s31 =	simm.s32 $0x0;
	v16 =	vor.u32 v11, v14;
	v14 =	vld [tilespmem:s13+$0x1B710]  }
0xba: {  	v21 =	vld [tilespmem:s31+$0x62D0]  }
0xbb: {  	v25 =	vld [tilespmem:s31+$0x6240]  }
0xbc: {  	v33 =	vld [tilespmem:s31+$0x6250]  }
0xbd: {  	v38 =	vld [tilespmem:s31+$0x6260];
	v17 =	vor.u32 v11, v13  }
0xbe: {  	s6 =	simm.s32 $0x2;
	v13 =	vld [tilespmem:s13+$0x1B720]  }
0xbf: {  	v19 =	vmov s6;
	v18 =	vor.u32 v11, v12;
	v12 =	vld [tilespmem:s13+$0x1B730]  }
0xc0: {  	v22 =	vld.idx.msk [tilespmem:v16+s19+$0x0], $0xffff;
	v16 =	vand.u32 $0xFE, v19  }
0xc1: {  	v19 =	vld [tilespmem:s31+$0x6200];
	v16 =	vbroadcast v16, $0x0  }
0xc2: {  	v23 =	vld.idx.msk [tilespmem:v17+s19+$0x0], $0xffff  }
0xc3: {  	s6 =	simm.s32 $0x5;
	s13 =	simm.s32 $0x4;
	v17 =	vld [tilespmem:s31+$0x62C0];
	v16 =	vor.u32 v11, v16  }
0xc4: {  	v24 =	vmov s6;
	v20 =	vmov s13;
	s13 =	simm.s32 $0x6;
	v18 =	vld.idx.msk [tilespmem:v18+s19+$0x0], $0xffff  }
0xc5: {  	v24 =	vand.u32 $0xFD, v24;
	v27 =	vld [tilespmem:s31+$0x62E0];
	v20 =	vand.u32 $0xFC, v20;
	v26 =	vmov s13  }
0xc6: {  	v24 =	vbroadcast v24, $0x0;
	v29 =	vld [tilespmem:s31+$0x62F0];
	v20 =	vbroadcast v20, $0x0;
	v26 =	vand.u32 $0xFE, v26  }
0xc7: {  	v35 =	vld [tilespmem:s31+$0x6290];
	v26 =	vbroadcast v26, $0x0;
	v25 =	vmul.f32 v25, v23  }
0xc8: {  	v33 =	vmul.f32 v33, v23;
	v38 =	vmul.f32 v38, v23;
	v30 =	vld.idx.msk [tilespmem:v16+s19+$0x0], $0xffff  }
0xc9: {  	v28 =	vmul.f32 v17, v18;
	v17 =	vmul.f32 v19, v22;
	v19 =	vld [tilespmem:s31+$0x6280]  }
0xca: {  	v41 =	vld [tilespmem:s31+$0x62A0];
	v21 =	vmul.f32 v21, v18;
	v27 =	vmul.f32 v27, v18  }
0xcb: {  	v16 =	vor.u32 v11, v20;
	v29 =	vmul.f32 v29, v18;
	v20 =	vmul.f32 $5.000000000e-01, v17  }
0xcc: {  	v31 =	vmul.f32 $5.000000000e-01, v28;
	v34 =	vmul.f32 $5.000000000e-01, v21  }
0xcd: {  	v32 =	vld [tilespmem:s31+$0x6210];
	v54 =	vmul.f32 $5.000000000e-01, v27;
	v36 =	vsub.f32 v15, v20;
	v20 =	vmul.f32 $5.000000000e-01, v25  }
0xce: {  	v37 =	vld [tilespmem:s31+$0x6220];
	v31 =	vsub.f32 v15, v31;
	v40 =	vmul.f32 v19, v30;
	v19 =	vmul.f32 $5.000000000e-01, v29  }
0xcf: {  	v42 =	vld [tilespmem:s31+$0x6230];
	v55 =	vmul.f32 v35, v30;
	v41 =	vmul.f32 v41, v30  }
0xd0: {  	v43 =	vld [tilespmem:s31+$0x6270];
	v18 =	vmul.f32 v31, v28;
	v31 =	vsub.f32 v14, v34;
	v39 =	vsub.f32 v15, v20  }
0xd1: {  	v44 =	vld [tilespmem:s31+$0x62B0];
	v56 =	vmul.f32 $5.000000000e-01, v33;
	v34 =	vsub.f32 v13, v54;
	v19 =	vsub.f32 v12, v19  }
0xd2: {  	[tilespmem:s31+$0x166C0] =	vst.add.f32.msk $0xffff, v28;
	v28 =	vmul.f32 $5.000000000e-01, v55;
	v59 =	vmul.f32 $5.000000000e-01, v41;
	v20 =	vadd.f32 $0.0e+00, v18  }
0xd3: {  	[tilespmem:s31+$0x16640] =	vst.add.f32.msk $0xffff, v25;
	v31 =	vmul.f32 v31, v21;
	v18 =	vor.u32 v11, v24;
	v24 =	vmul.f32 $5.000000000e-01, v40  }
0xd4: {  	[tilespmem:s31+$0x166D0] =	vst.add.f32.msk $0xffff, v21;
	v34 =	vmul.f32 v34, v27;
	v21 =	vmul.f32 v37, v22  }
0xd5: {  	[tilespmem:s31+$0x166E0] =	vst.add.f32.msk $0xffff, v27;
	v25 =	vmul.f32 v39, v25;
	v27 =	vsub.f32 v14, v56;
	v57 =	vmul.f32 v19, v29  }
0xd6: {  	[tilespmem:s31+$0x166F0] =	vst.add.f32.msk $0xffff, v29;
	v19 =	vor.u32 v11, v26;
	v29 =	vmul.f32 v36, v17;
	v31 =	vadd.f32 v31, v20  }
0xd7: {  	v28 =	vsub.f32 v14, v28;
	v35 =	vsub.f32 v13, v59;
	v20 =	vmul.f32 v32, v22  }
0xd8: {  	v24 =	vsub.f32 v15, v24;
	v60 =	vmul.f32 $5.000000000e-01, v21;
	v31 =	vadd.f32 v34, v31  }
0xd9: {  	[tilespmem:s31+$0x16650] =	vst.add.f32.msk $0xffff, v33;
	v61 =	vadd.f32 $0.0e+00, v25;
	v25 =	vmul.f32 v42, v22;
	v22 =	vmul.f32 v44, v30  }
0xda: {  	[tilespmem:s31+$0x16660] =	vst.add.f32.msk $0xffff, v38;
	v62 =	vmul.f32 v28, v55;
	v26 =	vmul.f32 $5.000000000e-01, v20;
	v31 =	vadd.f32 v57, v31  }
0xdb: {  	s30 =	simm.s32 $0x1A630;
	[tilespmem:s31+$0x16680] =	vst.add.f32.msk $0xffff, v40;
	v30 =	vadd.f32 $0.0e+00, v29;
	v58 =	vmul.f32 v24, v40;
	v24 =	vmul.f32 v43, v23  }
0xdc: {  	v23 =	vmul.f32 v27, v33;
	v26 =	vsub.f32 v14, v26;
	[tilespmem:s30+$0x0] =	vst.add.f32.msk $0xffff, v31;
	v31 =	vmul.f32 $5.000000000e-01, v38  }
0xdd: {  	[tilespmem:s31+$0x16690] =	vst.add.f32.msk $0xffff, v55;
	v28 =	vsub.f32 v13, v60;
	v32 =	vmul.f32 $5.000000000e-01, v22;
	v29 =	vmul.f32 $5.000000000e-01, v25  }
0xde: {  	[tilespmem:s31+$0x166A0] =	vst.add.f32.msk $0xffff, v41;
	v34 =	vadd.f32 $0.0e+00, v58;
	v26 =	vmul.f32 v26, v20;
	v63 =	vsub.f32 v13, v31  }
0xdf: {  	v33 =	vmul.f32 v35, v41;
	[tilespmem:s31+$0x166B0] =	vst.add.f32.msk $0xffff, v22;
	v27 =	vmul.f32 $5.000000000e-01, v24;
	v23 =	vadd.f32 v23, v61  }
0xe0: {  	s6 =	simm.s32 $0x8;
	s0 =	simm.s32 $0x1A630;
	s13 =	simm.s32 $0x7;
	[tilespmem:s31+$0x16670] =	vst.add.f32.msk $0xffff, v24;
	v31 =	vadd.f32 v62, v34;
	v30 =	vadd.f32 v26, v30;
	v26 =	vmul.f32 v63, v38  }
.LBB2_20:
0xe1: {  	p1 =	slt.u32 s6, $0xFC;
	v34 =	vmov s13;
	[tilespmem:s31+$0x16600] =	vst.add.f32.msk $0xffff, v17;
	v17 =	vmul.f32 v28, v21;
	v27 =	vsub.f32 v12, v27  }
0xe2: {  	v28 =	vand.u32 $0xFF, v34;
	[tilespmem:s31+$0x16610] =	vst.add.f32.msk $0xffff, v20;
	v20 =	vsub.f32 v12, v29;
	v29 =	vsub.f32 v12, v32  }
0xe3: {  	v28 =	vbroadcast v28, $0x0;
	[tilespmem:s31+$0x16620] =	vst.add.f32.msk $0xffff, v21;
	v21 =	vadd.f32 v26, v23;
	v26 =	vadd.f32 v33, v31  }
0xe4: {  	v17 =	vadd.f32 v17, v30;
	v23 =	vmul.f32 v27, v24;
	[tilespmem:s31+$0x16630] =	vst.add.f32.msk $0xffff, v25;
	v24 =	vmul.f32 v29, v22  }
0xe5: {  	v20 =	vmul.f32 v20, v25;
	v22 =	vld.idx.msk [tilespmem:v16+s19+$0x0], $0xffff;
	v16 =	vor.u32 v11, v28  }
0xe6: {  	v23 =	vadd.f32 v23, v21;
	v25 =	vld.idx.msk [tilespmem:v18+s19+$0x0], $0xffff;
	v18 =	vadd.f32 v24, v26  }
0xe7: {  	v17 =	vadd.f32 v20, v17;
	v26 =	vld.idx.msk [tilespmem:v19+s19+$0x0], $0xffff  }
0xe8: {  	[tilespmem:s30+$0xFFFFFFF0] =	vst.add.f32.msk $0xffff, v18  }
0xe9: {  	s29 =	sadd.s32 $0x400, s29;
	[tilespmem:s30+$0xFFFFFFD0] =	vst.add.f32.msk $0xffff, v17  }
0xea: {  	s31 =	sshra.s32 s29, $0x2;
	v18 =	vld.idx.msk [tilespmem:v16+s19+$0x0], $0xffff  }
0xeb: {  	v16 =	vld [tilespmem:s31+$0x62C0]  }
0xec: {  	v17 =	vld [tilespmem:s31+$0x6200]  }
0xed: {  	s13 =	sadd.s32 $0x1, s6;
	v19 =	vmov s6;
	v20 =	vld [tilespmem:s31+$0x62D0]  }
0xee: {  	v21 =	vmov s13;
	s13 =	sadd.s32 $0x2, s6;
	v19 =	vand.u32 $0xFC, v19;
	v24 =	vld [tilespmem:s31+$0x6240]  }
0xef: {  	v21 =	vand.u32 $0xFD, v21;
	v27 =	vmov s13;
	v19 =	vbroadcast v19, $0x0;
	v28 =	vld [tilespmem:s31+$0x62E0]  }
0xf0: {  	v21 =	vbroadcast v21, $0x0;
	v27 =	vand.u32 $0xFE, v27;
	v29 =	vmul.f32 v16, v18;
	v30 =	vld [tilespmem:s31+$0x62F0]  }
0xf1: {  	v27 =	vbroadcast v27, $0x0;
	v17 =	vmul.f32 v17, v22;
	v31 =	vld [tilespmem:s31+$0x6280]  }
0xf2: {  	v32 =	vld [tilespmem:s31+$0x6210];
	v33 =	vmul.f32 $5.000000000e-01, v29;
	v34 =	vmul.f32 v20, v18  }
0xf3: {  	v16 =	vor.u32 v11, v19;
	v19 =	vmul.f32 $5.000000000e-01, v17;
	v24 =	vmul.f32 v24, v25;
	v20 =	vld [tilespmem:s31+$0x6250]  }
0xf4: {  	v35 =	vld [tilespmem:s31+$0x6290];
	v33 =	vsub.f32 v15, v33;
	v36 =	vmul.f32 $5.000000000e-01, v34;
	v28 =	vmul.f32 v28, v18  }
0xf5: {  	v37 =	vsub.f32 v15, v19;
	v38 =	vld [tilespmem:s31+$0x6220];
	v19 =	vmul.f32 $5.000000000e-01, v24;
	v30 =	vmul.f32 v30, v18  }
0xf6: {  	v39 =	vld [tilespmem:s31+$0x6260];
	v18 =	vmul.f32 v33, v29;
	v33 =	vsub.f32 v14, v36;
	v36 =	vmul.f32 $5.000000000e-01, v28  }
0xf7: {  	v31 =	vmul.f32 v31, v26;
	v40 =	vsub.f32 v15, v19;
	v41 =	vld [tilespmem:s31+$0x62A0];
	v19 =	vmul.f32 $5.000000000e-01, v30  }
0xf8: {  	v42 =	vld [tilespmem:s31+$0x6230];
	v43 =	vadd.f32 $0.0e+00, v18;
	v33 =	vmul.f32 v33, v34;
	v36 =	vsub.f32 v13, v36  }
0xf9: {  	v18 =	vor.u32 v11, v21;
	v44 =	vmul.f32 v20, v25;
	v21 =	vmul.f32 $5.000000000e-01, v31;
	v45 =	vld [tilespmem:s31+$0x6270]  }
0xfa: {  	v19 =	vsub.f32 v12, v19;
	v46 =	vld [tilespmem:s31+$0x62B0];
	v33 =	vadd.f32 v33, v43;
	v36 =	vmul.f32 v36, v28  }
0xfb: {  	v20 =	vmul.f32 v32, v22;
	v35 =	vmul.f32 v35, v26;
	v32 =	vsub.f32 v15, v21;
	[tilespmem:s31+$0x16640] =	vst.add.f32.msk $0xffff, v24  }
0xfc: {  	v43 =	vmul.f32 $5.000000000e-01, v44;
	[tilespmem:s31+$0x166C0] =	vst.add.f32.msk $0xffff, v29;
	v21 =	vadd.f32 v36, v33;
	v29 =	vmul.f32 v19, v30  }
0xfd: {  	v19 =	vor.u32 v11, v27;
	v27 =	vmul.f32 $5.000000000e-01, v20;
	v33 =	vmul.f32 $5.000000000e-01, v35;
	[tilespmem:s31+$0x166D0] =	vst.add.f32.msk $0xffff, v34  }
0xfe: {  	v36 =	vmul.f32 v41, v26;
	v34 =	vmul.f32 v39, v25;
	[tilespmem:s31+$0x166E0] =	vst.add.f32.msk $0xffff, v28;
	v28 =	vadd.f32 v29, v21  }
0xff: {  	s30 =	sadd.s32 $0x40, s30;
	v24 =	vmul.f32 v40, v24;
	v21 =	vmul.f32 v38, v22;
	v29 =	vsub.f32 v14, v43;
	[tilespmem:s31+$0x166F0] =	vst.add.f32.msk $0xffff, v30  }
0x100: {  	v32 =	vmul.f32 v32, v31;
	v33 =	vsub.f32 v14, v33;
	v30 =	vmul.f32 v37, v17;
	[tilespmem:s30+$0x0] =	vst.add.f32.msk $0xffff, v28  }
0x101: {  	v27 =	vsub.f32 v14, v27;
	v37 =	vmul.f32 $5.000000000e-01, v36;
	v28 =	vmul.f32 $5.000000000e-01, v34;
	[tilespmem:s31+$0x16650] =	vst.add.f32.msk $0xffff, v44  }
0x102: {  	v39 =	vadd.f32 $0.0e+00, v24;
	v24 =	vmul.f32 v45, v25;
	v38 =	vmul.f32 $5.000000000e-01, v21;
	[tilespmem:s31+$0x16660] =	vst.add.f32.msk $0xffff, v34  }
0x103: {  	v25 =	vmul.f32 v42, v22;
	v40 =	vadd.f32 $0.0e+00, v32;
	v22 =	vmul.f32 v46, v26;
	[tilespmem:s0+$0xFFFFFFE0] =	vst.add.f32.msk $0xffff, v23;
	s0 =	smov.u32 s30  }
.Ltmp8:
0x104: {  	v26 =	vadd.f32 $0.0e+00, v30;
	v30 =	vmul.f32 v33, v35;
	v23 =	vmul.f32 v29, v44;
	[tilespmem:s31+$0x16670] =	vst.add.f32.msk $0xffff, v24;
	(pc) =	sbr.rel @p1 .LBB2_20-.Ltmp8, $4  }
0x105: {  	v33 =	vmul.f32 v27, v20;
	v37 =	vsub.f32 v13, v37;
	v41 =	vsub.f32 v13, v28;
	[tilespmem:s31+$0x16680] =	vst.add.f32.msk $0xffff, v31  }
0x106: {  	v27 =	vmul.f32 $5.000000000e-01, v24;
	v32 =	vmul.f32 $5.000000000e-01, v22;
	v28 =	vsub.f32 v13, v38;
	[tilespmem:s31+$0x16690] =	vst.add.f32.msk $0xffff, v35  }
0x107: {  	v29 =	vmul.f32 $5.000000000e-01, v25;
	v23 =	vadd.f32 v23, v39;
	v31 =	vadd.f32 v30, v40;
	[tilespmem:s31+$0x166A0] =	vst.add.f32.msk $0xffff, v36  }
0x108: {  	s13 =	sadd.s32 $0x3, s6;
	s6 =	sadd.s32 $0x4, s6;
	v30 =	vadd.f32 v33, v26;
	v26 =	vmul.f32 v41, v34;
	v33 =	vmul.f32 v37, v36;
	[tilespmem:s31+$0x166B0] =	vst.add.f32.msk $0xffff, v22  }
0x109: {  	[tilespmem:s31+$0x16600] =	vst.add.f32.msk $0xffff, v17  }
0x10a: {  	[tilespmem:s31+$0x16610] =	vst.add.f32.msk $0xffff, v20  }
0x10b: {  	[tilespmem:s31+$0x16620] =	vst.add.f32.msk $0xffff, v21  }
0x10c: {  	[tilespmem:s31+$0x16630] =	vst.add.f32.msk $0xffff, v25  }
0x10d: {  	v16 =	vld.idx.msk [tilespmem:v16+s19+$0x0], $0xffff;
	s6 =	sadd.s32 $0x400, s29  }
0x10e: {  	v19 =	vld.idx.msk [tilespmem:v19+s19+$0x0], $0xffff;
	s6 =	sshra.s32 s6, $0x2  }
0x10f: {  	v47 =	vld [tilespmem:s6+$0x62C0]  }
0x110: {  	v48 =	vld [tilespmem:s6+$0x6200]  }
0x111: {  	v50 =	vld [tilespmem:s6+$0x6240]  }
0x112: {  	v34 =	vmov s13;
	v53 =	vld [tilespmem:s6+$0x6280]  }
0x113: {  	v43 =	vsub.f32 v12, v32;
	v42 =	vand.u32 $0xFF, v34;
	v55 =	vld [tilespmem:s6+$0x6210]  }
0x114: {  	v45 =	vmul.f32 v28, v21;
	v17 =	vbroadcast v42, $0x0;
	v57 =	vld [tilespmem:s6+$0x6250]  }
0x115: {  	v46 =	vsub.f32 v12, v29;
	v31 =	vadd.f32 v33, v31;
	v20 =	vmul.f32 v43, v22;
	v59 =	vld [tilespmem:s6+$0x6290]  }
0x116: {  	v27 =	vsub.f32 v12, v27;
	v11 =	vor.u32 v11, v17;
	v17 =	vld.idx.msk [tilespmem:v18+s19+$0x0], $0xffff  }
0x117: {  	v61 =	vld [tilespmem:s6+$0x6220];
	v44 =	vadd.f32 v20, v31;
	v18 =	vadd.f32 v45, v30;
	v20 =	vmul.f32 v46, v25  }
0x118: {  	v62 =	vld [tilespmem:s6+$0x6260]  }
0x119: {  	v24 =	vmul.f32 v27, v24;
	v40 =	vld [tilespmem:s6+$0x6270];
	v18 =	vadd.f32 v20, v18;
	v22 =	vmul.f32 v53, v19  }
0x11a: {  	v23 =	vadd.f32 v26, v23;
	v38 =	vld [tilespmem:s6+$0x6230];
	v30 =	vmul.f32 v55, v16;
	v26 =	vmul.f32 v59, v19  }
0x11b: {  	[tilespmem:s30+$0xFFFFFFD0] =	vst.add.f32.msk $0xffff, v18;
	v18 =	vmul.f32 v48, v16;
	v28 =	vmul.f32 v50, v17  }
0x11c: {  	v11 =	vld.idx.msk [tilespmem:v11+s19+$0x0], $0xffff;
	v32 =	vmul.f32 v57, v17;
	v39 =	vmul.f32 $5.000000000e-01, v22  }
0x11d: {  	v49 =	vld [tilespmem:s6+$0x62D0];
	v23 =	vadd.f32 v24, v23;
	v48 =	vmul.f32 $5.000000000e-01, v26;
	v24 =	vmul.f32 v62, v17  }
0x11e: {  	v51 =	vld [tilespmem:s6+$0x62E0];
	v50 =	vmul.f32 v61, v16;
	v17 =	vmul.f32 v40, v17  }
0x11f: {  	v52 =	vld [tilespmem:s6+$0x62F0];
	v16 =	vmul.f32 v38, v16;
	v56 =	vmul.f32 $5.000000000e-01, v18  }
0x120: {  	v37 =	vld [tilespmem:s6+$0x62A0];
	v60 =	vmul.f32 $5.000000000e-01, v28;
	v41 =	vmul.f32 $5.000000000e-01, v32  }
0x121: {  	v45 =	vld [tilespmem:s6+$0x62B0];
	v53 =	vmul.f32 $5.000000000e-01, v24;
	v21 =	vmul.f32 v47, v11  }
0x122: {  	v55 =	vmul.f32 $5.000000000e-01, v50;
	v34 =	vsub.f32 v15, v60;
	v60 =	vmul.f32 $5.000000000e-01, v16  }
0x123: {  	v25 =	vmul.f32 v49, v11;
	v54 =	vmul.f32 $5.000000000e-01, v21  }
0x124: {  	v31 =	vsub.f32 v15, v56;
	v20 =	vmul.f32 v51, v11;
	v11 =	vmul.f32 v52, v11  }
0x125: {  	[tilespmem:s30+$0xFFFFFFF0] =	vst.add.f32.msk $0xffff, v44;
	v47 =	vmul.f32 $5.000000000e-01, v30;
	v58 =	vmul.f32 $5.000000000e-01, v25;
	v27 =	vsub.f32 v15, v54  }
0x126: {  	[tilespmem:s0+$0xFFFFFFE0] =	vst.add.f32.msk $0xffff, v23;
	v49 =	vmul.f32 v37, v19;
	v51 =	vsub.f32 v14, v41;
	v19 =	vmul.f32 v45, v19  }
0x127: {  	[tilespmem:s6+$0x16680] =	vst.add.f32.msk $0xffff, v22;
	v35 =	vmul.f32 $5.000000000e-01, v20;
	v33 =	vsub.f32 v14, v58;
	v27 =	vmul.f32 v27, v21  }
0x128: {  	[tilespmem:s6+$0x16640] =	vst.add.f32.msk $0xffff, v28;
	v52 =	vsub.f32 v14, v48;
	v28 =	vmul.f32 v34, v28;
	v36 =	vmul.f32 $5.000000000e-01, v11  }
0x129: {  	[tilespmem:s6+$0x16690] =	vst.add.f32.msk $0xffff, v26;
	v35 =	vsub.f32 v13, v35;
	v33 =	vmul.f32 v33, v25;
	v27 =	vadd.f32 $0.0e+00, v27  }
0x12a: {  	[tilespmem:s6+$0x16610] =	vst.add.f32.msk $0xffff, v30;
	v62 =	vsub.f32 v12, v60;
	v56 =	vmul.f32 v51, v32;
	v57 =	vmul.f32 v52, v26  }
0x12b: {  	[tilespmem:s6+$0x16600] =	vst.add.f32.msk $0xffff, v18;
	v44 =	vsub.f32 v12, v36;
	v63 =	vmul.f32 v35, v20;
	v27 =	vadd.f32 v33, v27  }
0x12c: {  	[tilespmem:s6+$0x16650] =	vst.add.f32.msk $0xffff, v32;
	v59 =	vmul.f32 $5.000000000e-01, v19;
	v28 =	vadd.f32 $0.0e+00, v28;
	v15 =	vsub.f32 v15, v39  }
0x12d: {  	[tilespmem:s6+$0x166C0] =	vst.add.f32.msk $0xffff, v21;
	v14 =	vsub.f32 v14, v47;
	v46 =	vmul.f32 v44, v11;
	v27 =	vadd.f32 v63, v27  }
0x12e: {  	[tilespmem:s6+$0x166D0] =	vst.add.f32.msk $0xffff, v25;
	v54 =	vmul.f32 $5.000000000e-01, v49;
	v61 =	vsub.f32 v12, v59;
	v15 =	vmul.f32 v15, v22  }
0x12f: {  	[tilespmem:s6+$0x166F0] =	vst.add.f32.msk $0xffff, v11;
	v23 =	vadd.f32 v56, v28;
	v11 =	vmul.f32 v31, v18;
	v27 =	vadd.f32 v46, v27  }
0x130: {  	s31 =	sadd.s32 $0x40, s30;
	[tilespmem:s6+$0x166E0] =	vst.add.f32.msk $0xffff, v20;
	v58 =	vmul.f32 $5.000000000e-01, v17;
	v21 =	vsub.f32 v13, v53;
	v15 =	vadd.f32 $0.0e+00, v15  }
0x131: {  	v14 =	vmul.f32 v14, v30;
	v11 =	vadd.f32 $0.0e+00, v11;
	[tilespmem:s31+$0x0] =	vst.add.f32.msk $0xffff, v27;
	v27 =	vsub.f32 v13, v54  }
0x132: {  	[tilespmem:s6+$0x16660] =	vst.add.f32.msk $0xffff, v24;
	v12 =	vsub.f32 v12, v58;
	v21 =	vmul.f32 v21, v24;
	v13 =	vsub.f32 v13, v55  }
0x133: {  	[tilespmem:s6+$0x16670] =	vst.add.f32.msk $0xffff, v17;
	v15 =	vadd.f32 v57, v15;
	v11 =	vadd.f32 v14, v11;
	v14 =	vmul.f32 v27, v49  }
0x134: {  	[tilespmem:s6+$0x16620] =	vst.add.f32.msk $0xffff, v50;
	v12 =	vmul.f32 v12, v17;
	v63 =	vadd.f32 v21, v23;
	v13 =	vmul.f32 v13, v50  }
0x135: {  	[tilespmem:s6+$0x16630] =	vst.add.f32.msk $0xffff, v16;
	v14 =	vadd.f32 v14, v15;
	v15 =	vmul.f32 v61, v19  }
0x136: {  	[tilespmem:s6+$0x166A0] =	vst.add.f32.msk $0xffff, v49;
	v12 =	vadd.f32 v12, v63;
	v11 =	vadd.f32 v13, v11;
	v13 =	vmul.f32 v62, v16  }
0x137: {  	[tilespmem:s6+$0x166B0] =	vst.add.f32.msk $0xffff, v19;
	v14 =	vadd.f32 v15, v14  }
0x138: {  	[tilespmem:s31+$0xFFFFFFE0] =	vst.add.f32.msk $0xffff, v12;
	v11 =	vadd.f32 v13, v11  }
0x139: {  	[tilespmem:s31+$0xFFFFFFF0] =	vst.add.f32.msk $0xffff, v14  }
0x13a: {  	s13 =	simm.s32 $0x0;
	[tilespmem:s31+$0xFFFFFFD0] =	vst.add.f32.msk $0xffff, v11  }
0x13b: {  	v11 =	vadd.s32 s13, v10;
	_ =	swait.ge [sflag:s12], $0x4000  }
0x13c: {  	v11 =	vadd.s32 v3, v11;
	[sflag:s12] =	ssyncset.done $0x0  }
0x13d: {  	[sflag:s12] =	ssyncadd.s32 $0xFFFFC000  }
0x13e: {  	_ =	swait.ge [sflag:s2], $0x100  }
0x13f: {  	[sflag:s2] =	ssyncset.done $0x0  }
0x140: {  	s29 =	simm.s32 $0x10;
	[sflag:s2] =	ssyncadd.s32 $0xFFFFFF00  }
0x141: {  	s30 =	simm.s32 $0x16300;
	v12 =	vadd.s32 s29, v10;
	v13 =	vld.idx.msk [tilespmem:v11+s19+$0x0], $0xffff  }
0x142: {  	v11 =	vadd.s32 v3, v12;
	v12 =	vld [tilespmem:s30+$0x0];
	_ =	sdelay $0x3  }
0x143: {  	s31 =	simm.s32 $0x20  }
0x144: {  	s6 =	simm.s32 $0x16310;
	v11 =	vld.idx.msk [tilespmem:v11+s19+$0x0], $0xffff;
	v14 =	vmul.f32 v13, v12;
	v13 =	vadd.s32 s31, v10  }
0x145: {  	s0 =	simm.s32 $0x1B600;
	v12 =	vld [tilespmem:s6+$0x0];
	v13 =	vadd.s32 v3, v13  }
0x146: {  	s13 =	simm.s32 $0x30;
	[tilespmem:s0+$0x0] =	vst.add.f32.msk $0xffff, v14  }
.LBB2_22:
0x147: {  	p1 =	sne.s32 s13, $0xF0  }
.Ltmp9:
0x148: {  	_ = 	snop;
	(pc) =	sbr.rel @p1 .LBB2_22-.Ltmp9, $4  }
0x149: {  	_ = 	snop  }
0x14a: {  	v14 =	vadd.s32 s13, v10;
	s13 =	sadd.s32 $0x10, s13;
	s6 =	sadd.s32 $0x10, s6;
	v15 =	vmul.f32 v11, v12;
	v11 =	vld.idx.msk [tilespmem:v13+s19+$0x0], $0xffff  }
0x14b: {  	s0 =	sadd.s32 $0x10, s0;
	v13 =	vadd.s32 v3, v14;
	v12 =	vld [tilespmem:s6+$0x0]  }
0x14c: {  	[tilespmem:s0+$0x0] =	vst.add.f32.msk $0xffff, v15  }
0x14d: {  	_ =	sdelay $0x3  }
0x14e: {  	v10 =	vld.idx.msk [tilespmem:v13+s19+$0x0], $0xffff;
	s6 =	sadd.s32 $0x10, s6  }
0x14f: {  	v13 =	vld [tilespmem:s6+$0x0];
	_ =	sdelay $0x3  }
0x150: {  	s29 =	simm.s32 $0x0;
	s31 =	simm.s32 $0x1;
	v11 =	vmul.f32 v11, v12  }
0x151: {  	s13 =	simm.s32 $0x3;
	s0 =	sadd.s32 $0x10, s0;
	v12 =	vmov s29;
	v10 =	vmul.f32 v10, v13;
	v13 =	vmov s31  }
0x152: {  	v14 =	vmov s13;
	v12 =	vand.u32 $0xFC, v12;
	[tilespmem:s0+$0x0] =	vst.add.f32.msk $0xffff, v11;
	s0 =	sadd.s32 $0x10, s0;
	s31 =	sshll.u32 s28, $0x6;
	v13 =	vand.u32 $0xFD, v13  }
0x153: {  	v12 =	vbroadcast v12, $0x0;
	s13 =	sand.u32 $0x3FFFFFC0, s31;
	v11 =	vbroadcast v13, $0x0;
	v13 =	vand.u32 $0xFF, v14;
	[tilespmem:s0+$0x0] =	vst.add.f32.msk $0xffff, v10  }
0x154: {  	v10 =	vbroadcast v13, $0x0;
	v13 =	vld [tilespmem:s13+$0x1B700]  }
0x155: {  	s30 =	simm.s32 $0x0;
	v14 =	vor.u32 v9, v12;
	v12 =	vld [tilespmem:s13+$0x1B710]  }
0x156: {  	v19 =	vld [tilespmem:s30+$0xA2D0]  }
0x157: {  	v23 =	vld [tilespmem:s30+$0xA240]  }
0x158: {  	v31 =	vld [tilespmem:s30+$0xA250];
	v15 =	vor.u32 v9, v11  }
0x159: {  	s31 =	simm.s32 $0x2;
	v11 =	vld [tilespmem:s13+$0x1B720]  }
0x15a: {  	v17 =	vmov s31;
	v16 =	vor.u32 v9, v10;
	v10 =	vld [tilespmem:s13+$0x1B730]  }
0x15b: {  	v20 =	vld.idx.msk [tilespmem:v14+s19+$0x0], $0xffff;
	v14 =	vand.u32 $0xFE, v17  }
0x15c: {  	v17 =	vld [tilespmem:s30+$0xA200];
	v14 =	vbroadcast v14, $0x0  }
0x15d: {  	v21 =	vld.idx.msk [tilespmem:v15+s19+$0x0], $0xffff  }
0x15e: {  	s6 =	simm.s32 $0x4;
	v15 =	vld [tilespmem:s30+$0xA2C0];
	v14 =	vor.u32 v9, v14  }
0x15f: {  	v18 =	vmov s6;
	s31 =	simm.s32 $0x6;
	s13 =	simm.s32 $0x5;
	v16 =	vld.idx.msk [tilespmem:v16+s19+$0x0], $0xffff  }
0x160: {  	v18 =	vand.u32 $0xFC, v18;
	v24 =	vmov s31;
	v36 =	vld [tilespmem:s30+$0xA260];
	v22 =	vmov s13  }
0x161: {  	v18 =	vbroadcast v18, $0x0;
	v25 =	vld [tilespmem:s30+$0xA2E0];
	v24 =	vand.u32 $0xFE, v24;
	v22 =	vand.u32 $0xFD, v22  }
0x162: {  	v27 =	vld [tilespmem:s30+$0xA2F0];
	v24 =	vbroadcast v24, $0x0;
	v22 =	vbroadcast v22, $0x0  }
0x163: {  	v23 =	vmul.f32 v23, v21;
	v31 =	vmul.f32 v31, v21;
	v28 =	vld.idx.msk [tilespmem:v14+s19+$0x0], $0xffff  }
0x164: {  	v26 =	vmul.f32 v15, v16;
	v15 =	vmul.f32 v17, v20;
	v17 =	vld [tilespmem:s30+$0xA280]  }
0x165: {  	v39 =	vld [tilespmem:s30+$0xA2A0];
	v36 =	vmul.f32 v36, v21;
	v19 =	vmul.f32 v19, v16  }
0x166: {  	v25 =	vmul.f32 v25, v16;
	v29 =	vmul.f32 $5.000000000e-01, v26  }
0x167: {  	v14 =	vor.u32 v9, v18;
	v27 =	vmul.f32 v27, v16;
	v18 =	vmul.f32 $5.000000000e-01, v15  }
0x168: {  	v30 =	vld [tilespmem:s30+$0xA210];
	v32 =	vmul.f32 $5.000000000e-01, v19;
	v56 =	vmul.f32 $5.000000000e-01, v25;
	v29 =	vsub.f32 v13, v29  }
0x169: {  	v33 =	vld [tilespmem:s30+$0xA290];
	v34 =	vsub.f32 v13, v18;
	v18 =	vmul.f32 $5.000000000e-01, v23;
	v38 =	vmul.f32 v17, v28  }
0x16a: {  	v35 =	vld [tilespmem:s30+$0xA220];
	v17 =	vmul.f32 $5.000000000e-01, v27;
	v39 =	vmul.f32 v39, v28  }
0x16b: {  	v40 =	vld [tilespmem:s30+$0xA230];
	v16 =	vmul.f32 v29, v26;
	v29 =	vsub.f32 v12, v32;
	v37 =	vsub.f32 v13, v18  }
0x16c: {  	v42 =	vld [tilespmem:s30+$0xA2B0];
	v57 =	vmul.f32 $5.000000000e-01, v31;
	v32 =	vsub.f32 v11, v56;
	v17 =	vsub.f32 v10, v17  }
0x16d: {  	[tilespmem:s30+$0x16640] =	vst.add.f32.msk $0xffff, v23;
	v60 =	vmul.f32 $5.000000000e-01, v39;
	v18 =	vadd.f32 $0.0e+00, v16;
	v29 =	vmul.f32 v29, v19  }
0x16e: {  	[tilespmem:s30+$0x166D0] =	vst.add.f32.msk $0xffff, v19;
	v16 =	vor.u32 v9, v22;
	v22 =	vmul.f32 $5.000000000e-01, v38;
	v32 =	vmul.f32 v32, v25  }
0x16f: {  	[tilespmem:s30+$0x166E0] =	vst.add.f32.msk $0xffff, v25;
	v19 =	vmul.f32 v35, v20;
	v23 =	vmul.f32 v37, v23;
	v25 =	vsub.f32 v12, v57  }
0x170: {  	[tilespmem:s30+$0x166F0] =	vst.add.f32.msk $0xffff, v27;
	v58 =	vmul.f32 v17, v27;
	v17 =	vor.u32 v9, v24;
	v27 =	vmul.f32 v34, v15  }
0x171: {  	v41 =	vld [tilespmem:s30+$0xA270];
	v29 =	vadd.f32 v29, v18;
	v18 =	vmul.f32 v30, v20;
	v22 =	vsub.f32 v13, v22  }
0x172: {  	v30 =	vmul.f32 v33, v28;
	v61 =	vmul.f32 $5.000000000e-01, v19;
	v62 =	vadd.f32 $0.0e+00, v23  }
0x173: {  	[tilespmem:s30+$0x16650] =	vst.add.f32.msk $0xffff, v31;
	v23 =	vmul.f32 v40, v20;
	v20 =	vmul.f32 v42, v28;
	v29 =	vadd.f32 v32, v29  }
0x174: {  	[tilespmem:s30+$0x166C0] =	vst.add.f32.msk $0xffff, v26;
	v33 =	vsub.f32 v11, v60;
	v28 =	vadd.f32 $0.0e+00, v27;
	v26 =	vmul.f32 $5.000000000e-01, v30  }
0x175: {  	[tilespmem:s30+$0x16660] =	vst.add.f32.msk $0xffff, v36;
	v24 =	vmul.f32 $5.000000000e-01, v18;
	v59 =	vmul.f32 v22, v38;
	v29 =	vadd.f32 v58, v29  }
0x176: {  	s28 =	simm.s32 $0x1A630;
	[tilespmem:s30+$0x16680] =	vst.add.f32.msk $0xffff, v38;
	v22 =	vmul.f32 v41, v21;
	v21 =	vmul.f32 v25, v31;
	v26 =	vsub.f32 v12, v26  }
0x177: {  	v27 =	vmul.f32 $5.000000000e-01, v23;
	v24 =	vsub.f32 v12, v24;
	[tilespmem:s28+$0x0] =	vst.add.f32.msk $0xffff, v29;
	v29 =	vmul.f32 $5.000000000e-01, v36  }
0x178: {  	[tilespmem:s30+$0x166A0] =	vst.add.f32.msk $0xffff, v39;
	v32 =	vadd.f32 $0.0e+00, v59;
	v25 =	vmul.f32 $5.000000000e-01, v22;
	v31 =	vmul.f32 v26, v30  }
0x179: {  	[tilespmem:s30+$0x16690] =	vst.add.f32.msk $0xffff, v30;
	v21 =	vadd.f32 v21, v62;
	v24 =	vmul.f32 v24, v18;
	v63 =	vsub.f32 v11, v29  }
0x17a: {  	[tilespmem:s30+$0x166B0] =	vst.add.f32.msk $0xffff, v20;
	v26 =	vsub.f32 v11, v61;
	v30 =	vmul.f32 $5.000000000e-01, v20;
	v29 =	vadd.f32 v31, v32  }
0x17b: {  	s6 =	simm.s32 $0x8;
	s0 =	simm.s32 $0x1A630;
	s13 =	simm.s32 $0x7;
	[tilespmem:s30+$0x16670] =	vst.add.f32.msk $0xffff, v22;
	v28 =	vadd.f32 v24, v28;
	v31 =	vmul.f32 v33, v39;
	v24 =	vmul.f32 v63, v36  }
.LBB2_24:
0x17c: {  	p1 =	slt.u32 s6, $0xFC;
	v32 =	vmov s13;
	[tilespmem:s30+$0x16600] =	vst.add.f32.msk $0xffff, v15;
	v15 =	vmul.f32 v26, v19;
	v25 =	vsub.f32 v10, v25  }
0x17d: {  	v26 =	vand.u32 $0xFF, v32;
	[tilespmem:s30+$0x16610] =	vst.add.f32.msk $0xffff, v18;
	v18 =	vsub.f32 v10, v27;
	v27 =	vsub.f32 v10, v30  }
0x17e: {  	v26 =	vbroadcast v26, $0x0;
	[tilespmem:s30+$0x16620] =	vst.add.f32.msk $0xffff, v19;
	v19 =	vadd.f32 v24, v21;
	v24 =	vadd.f32 v31, v29  }
0x17f: {  	v15 =	vadd.f32 v15, v28;
	v21 =	vmul.f32 v25, v22;
	[tilespmem:s30+$0x16630] =	vst.add.f32.msk $0xffff, v23;
	v22 =	vmul.f32 v27, v20  }
0x180: {  	v18 =	vmul.f32 v18, v23;
	v20 =	vld.idx.msk [tilespmem:v14+s19+$0x0], $0xffff;
	v14 =	vor.u32 v9, v26  }
0x181: {  	v21 =	vadd.f32 v21, v19;
	v23 =	vld.idx.msk [tilespmem:v16+s19+$0x0], $0xffff;
	v16 =	vadd.f32 v22, v24  }
0x182: {  	v15 =	vadd.f32 v18, v15;
	v24 =	vld.idx.msk [tilespmem:v17+s19+$0x0], $0xffff  }
0x183: {  	[tilespmem:s28+$0xFFFFFFF0] =	vst.add.f32.msk $0xffff, v16  }
0x184: {  	s29 =	sadd.s32 $0x400, s29;
	[tilespmem:s28+$0xFFFFFFD0] =	vst.add.f32.msk $0xffff, v15  }
0x185: {  	s30 =	sshra.s32 s29, $0x2;
	v16 =	vld.idx.msk [tilespmem:v14+s19+$0x0], $0xffff  }
0x186: {  	v14 =	vld [tilespmem:s30+$0xA2C0]  }
0x187: {  	v15 =	vld [tilespmem:s30+$0xA200]  }
0x188: {  	s13 =	sadd.s32 $0x1, s6;
	v17 =	vmov s6;
	v18 =	vld [tilespmem:s30+$0xA2D0]  }
0x189: {  	v19 =	vmov s13;
	s13 =	sadd.s32 $0x2, s6;
	v17 =	vand.u32 $0xFC, v17;
	v22 =	vld [tilespmem:s30+$0xA240]  }
0x18a: {  	v19 =	vand.u32 $0xFD, v19;
	v25 =	vmov s13;
	v17 =	vbroadcast v17, $0x0;
	v26 =	vld [tilespmem:s30+$0xA2E0]  }
0x18b: {  	v19 =	vbroadcast v19, $0x0;
	v25 =	vand.u32 $0xFE, v25;
	v27 =	vmul.f32 v14, v16;
	v28 =	vld [tilespmem:s30+$0xA2F0]  }
0x18c: {  	v25 =	vbroadcast v25, $0x0;
	v15 =	vmul.f32 v15, v20;
	v29 =	vld [tilespmem:s30+$0xA280]  }
0x18d: {  	v30 =	vld [tilespmem:s30+$0xA210];
	v31 =	vmul.f32 $5.000000000e-01, v27;
	v32 =	vmul.f32 v18, v16  }
0x18e: {  	v14 =	vor.u32 v9, v17;
	v17 =	vmul.f32 $5.000000000e-01, v15;
	v22 =	vmul.f32 v22, v23;
	v18 =	vld [tilespmem:s30+$0xA250]  }
0x18f: {  	v33 =	vld [tilespmem:s30+$0xA290];
	v31 =	vsub.f32 v13, v31;
	v34 =	vmul.f32 $5.000000000e-01, v32;
	v26 =	vmul.f32 v26, v16  }
0x190: {  	v35 =	vsub.f32 v13, v17;
	v36 =	vld [tilespmem:s30+$0xA220];
	v17 =	vmul.f32 $5.000000000e-01, v22;
	v28 =	vmul.f32 v28, v16  }
0x191: {  	v37 =	vld [tilespmem:s30+$0xA260];
	v16 =	vmul.f32 v31, v27;
	v31 =	vsub.f32 v12, v34;
	v34 =	vmul.f32 $5.000000000e-01, v26  }
0x192: {  	v29 =	vmul.f32 v29, v24;
	v38 =	vsub.f32 v13, v17;
	v39 =	vld [tilespmem:s30+$0xA2A0];
	v17 =	vmul.f32 $5.000000000e-01, v28  }
0x193: {  	v40 =	vld [tilespmem:s30+$0xA230];
	v41 =	vadd.f32 $0.0e+00, v16;
	v31 =	vmul.f32 v31, v32;
	v34 =	vsub.f32 v11, v34  }
0x194: {  	v16 =	vor.u32 v9, v19;
	v42 =	vmul.f32 v18, v23;
	v19 =	vmul.f32 $5.000000000e-01, v29;
	v43 =	vld [tilespmem:s30+$0xA270]  }
0x195: {  	v17 =	vsub.f32 v10, v17;
	v44 =	vld [tilespmem:s30+$0xA2B0];
	v31 =	vadd.f32 v31, v41;
	v34 =	vmul.f32 v34, v26  }
0x196: {  	v18 =	vmul.f32 v30, v20;
	v33 =	vmul.f32 v33, v24;
	v30 =	vsub.f32 v13, v19;
	[tilespmem:s30+$0x16640] =	vst.add.f32.msk $0xffff, v22  }
0x197: {  	v41 =	vmul.f32 $5.000000000e-01, v42;
	[tilespmem:s30+$0x166C0] =	vst.add.f32.msk $0xffff, v27;
	v19 =	vadd.f32 v34, v31;
	v27 =	vmul.f32 v17, v28  }
0x198: {  	v17 =	vor.u32 v9, v25;
	v25 =	vmul.f32 $5.000000000e-01, v18;
	v31 =	vmul.f32 $5.000000000e-01, v33;
	[tilespmem:s30+$0x166D0] =	vst.add.f32.msk $0xffff, v32  }
0x199: {  	v34 =	vmul.f32 v39, v24;
	v32 =	vmul.f32 v37, v23;
	[tilespmem:s30+$0x166E0] =	vst.add.f32.msk $0xffff, v26;
	v26 =	vadd.f32 v27, v19  }
0x19a: {  	s28 =	sadd.s32 $0x40, s28;
	v22 =	vmul.f32 v38, v22;
	v19 =	vmul.f32 v36, v20;
	v27 =	vsub.f32 v12, v41;
	[tilespmem:s30+$0x166F0] =	vst.add.f32.msk $0xffff, v28  }
0x19b: {  	v30 =	vmul.f32 v30, v29;
	v31 =	vsub.f32 v12, v31;
	v28 =	vmul.f32 v35, v15;
	[tilespmem:s28+$0x0] =	vst.add.f32.msk $0xffff, v26  }
0x19c: {  	v25 =	vsub.f32 v12, v25;
	v35 =	vmul.f32 $5.000000000e-01, v34;
	v26 =	vmul.f32 $5.000000000e-01, v32;
	[tilespmem:s30+$0x16650] =	vst.add.f32.msk $0xffff, v42  }
0x19d: {  	v37 =	vadd.f32 $0.0e+00, v22;
	v22 =	vmul.f32 v43, v23;
	v36 =	vmul.f32 $5.000000000e-01, v19;
	[tilespmem:s30+$0x16660] =	vst.add.f32.msk $0xffff, v32  }
0x19e: {  	v23 =	vmul.f32 v40, v20;
	v38 =	vadd.f32 $0.0e+00, v30;
	v20 =	vmul.f32 v44, v24;
	[tilespmem:s0+$0xFFFFFFE0] =	vst.add.f32.msk $0xffff, v21;
	s0 =	smov.u32 s28  }
.Ltmp10:
0x19f: {  	v24 =	vadd.f32 $0.0e+00, v28;
	v28 =	vmul.f32 v31, v33;
	v21 =	vmul.f32 v27, v42;
	[tilespmem:s30+$0x16670] =	vst.add.f32.msk $0xffff, v22;
	(pc) =	sbr.rel @p1 .LBB2_24-.Ltmp10, $4  }
0x1a0: {  	v31 =	vmul.f32 v25, v18;
	v35 =	vsub.f32 v11, v35;
	v39 =	vsub.f32 v11, v26;
	[tilespmem:s30+$0x16680] =	vst.add.f32.msk $0xffff, v29  }
0x1a1: {  	v25 =	vmul.f32 $5.000000000e-01, v22;
	v30 =	vmul.f32 $5.000000000e-01, v20;
	v26 =	vsub.f32 v11, v36;
	[tilespmem:s30+$0x16690] =	vst.add.f32.msk $0xffff, v33  }
0x1a2: {  	v27 =	vmul.f32 $5.000000000e-01, v23;
	v21 =	vadd.f32 v21, v37;
	v29 =	vadd.f32 v28, v38;
	[tilespmem:s30+$0x166A0] =	vst.add.f32.msk $0xffff, v34  }
0x1a3: {  	s13 =	sadd.s32 $0x3, s6;
	s6 =	sadd.s32 $0x4, s6;
	v28 =	vadd.f32 v31, v24;
	v24 =	vmul.f32 v39, v32;
	v31 =	vmul.f32 v35, v34;
	[tilespmem:s30+$0x166B0] =	vst.add.f32.msk $0xffff, v20  }
0x1a4: {  	[tilespmem:s30+$0x16600] =	vst.add.f32.msk $0xffff, v15  }
0x1a5: {  	[tilespmem:s30+$0x16610] =	vst.add.f32.msk $0xffff, v18  }
0x1a6: {  	[tilespmem:s30+$0x16620] =	vst.add.f32.msk $0xffff, v19  }
0x1a7: {  	[tilespmem:s30+$0x16630] =	vst.add.f32.msk $0xffff, v23  }
0x1a8: {  	v14 =	vld.idx.msk [tilespmem:v14+s19+$0x0], $0xffff;
	s6 =	sadd.s32 $0x400, s29  }
0x1a9: {  	v17 =	vld.idx.msk [tilespmem:v17+s19+$0x0], $0xffff;
	s6 =	sshra.s32 s6, $0x2  }
0x1aa: {  	v45 =	vld [tilespmem:s6+$0xA2C0]  }
0x1ab: {  	v46 =	vld [tilespmem:s6+$0xA200]  }
0x1ac: {  	v48 =	vld [tilespmem:s6+$0xA240]  }
0x1ad: {  	v32 =	vmov s13;
	v51 =	vld [tilespmem:s6+$0xA280]  }
0x1ae: {  	v41 =	vsub.f32 v10, v30;
	v40 =	vand.u32 $0xFF, v32;
	v53 =	vld [tilespmem:s6+$0xA210]  }
0x1af: {  	v43 =	vmul.f32 v26, v19;
	v15 =	vbroadcast v40, $0x0;
	v57 =	vld [tilespmem:s6+$0xA290]  }
0x1b0: {  	v44 =	vsub.f32 v10, v27;
	v29 =	vadd.f32 v31, v29;
	v18 =	vmul.f32 v41, v20;
	v59 =	vld [tilespmem:s6+$0xA220]  }
0x1b1: {  	v25 =	vsub.f32 v10, v25;
	v36 =	vld [tilespmem:s6+$0xA230];
	v9 =	vor.u32 v9, v15  }
0x1b2: {  	v15 =	vld.idx.msk [tilespmem:v16+s19+$0x0], $0xffff;
	v42 =	vadd.f32 v18, v29;
	v16 =	vadd.f32 v43, v28;
	v18 =	vmul.f32 v44, v23  }
0x1b3: {  	v55 =	vld [tilespmem:s6+$0xA250]  }
0x1b4: {  	v22 =	vmul.f32 v25, v22;
	v60 =	vld [tilespmem:s6+$0xA260];
	v16 =	vadd.f32 v18, v16  }
0x1b5: {  	v38 =	vld [tilespmem:s6+$0xA270];
	v20 =	vmul.f32 v51, v17;
	v28 =	vmul.f32 v53, v14  }
0x1b6: {  	v21 =	vadd.f32 v24, v21;
	v24 =	vmul.f32 v57, v17;
	[tilespmem:s28+$0xFFFFFFD0] =	vst.add.f32.msk $0xffff, v16;
	v16 =	vmul.f32 v46, v14  }
0x1b7: {  	v46 =	vmul.f32 v59, v14;
	v14 =	vmul.f32 v36, v14;
	v9 =	vld.idx.msk [tilespmem:v9+s19+$0x0], $0xffff  }
0x1b8: {  	v26 =	vmul.f32 v48, v15;
	v30 =	vmul.f32 v55, v15  }
0x1b9: {  	v47 =	vld [tilespmem:s6+$0xA2D0];
	v37 =	vmul.f32 $5.000000000e-01, v20;
	v43 =	vmul.f32 $5.000000000e-01, v28  }
0x1ba: {  	v21 =	vadd.f32 v22, v21;
	v44 =	vmul.f32 $5.000000000e-01, v24;
	v22 =	vmul.f32 v60, v15  }
0x1bb: {  	v49 =	vld [tilespmem:s6+$0xA2E0];
	v15 =	vmul.f32 v38, v15;
	v54 =	vmul.f32 $5.000000000e-01, v16  }
0x1bc: {  	v50 =	vld [tilespmem:s6+$0xA2F0];
	v57 =	vmul.f32 $5.000000000e-01, v14;
	v19 =	vmul.f32 v45, v9  }
0x1bd: {  	[tilespmem:s28+$0xFFFFFFF0] =	vst.add.f32.msk $0xffff, v42;
	v58 =	vmul.f32 $5.000000000e-01, v26;
	v39 =	vmul.f32 $5.000000000e-01, v30;
	v42 =	vsub.f32 v13, v37  }
0x1be: {  	v35 =	vld [tilespmem:s6+$0xA2A0];
	v48 =	vsub.f32 v12, v44;
	v23 =	vmul.f32 v47, v9;
	v52 =	vmul.f32 $5.000000000e-01, v19  }
0x1bf: {  	v55 =	vmul.f32 $5.000000000e-01, v15;
	v29 =	vsub.f32 v13, v54;
	v60 =	vsub.f32 v10, v57  }
0x1c0: {  	v63 =	vld [tilespmem:s6+$0xA2B0];
	v18 =	vmul.f32 v49, v9;
	v56 =	vmul.f32 $5.000000000e-01, v23;
	v25 =	vsub.f32 v13, v52  }
0x1c1: {  	[tilespmem:s0+$0xFFFFFFE0] =	vst.add.f32.msk $0xffff, v21;
	v32 =	vsub.f32 v13, v58;
	v54 =	vmul.f32 v48, v24;
	v9 =	vmul.f32 v50, v9  }
0x1c2: {  	[tilespmem:s6+$0x16680] =	vst.add.f32.msk $0xffff, v20;
	v33 =	vmul.f32 $5.000000000e-01, v18;
	v31 =	vsub.f32 v12, v56;
	v25 =	vmul.f32 v25, v19  }
0x1c3: {  	[tilespmem:s6+$0x16690] =	vst.add.f32.msk $0xffff, v24;
	v45 =	vmul.f32 v35, v17;
	v47 =	vsub.f32 v12, v39;
	v34 =	vmul.f32 $5.000000000e-01, v9  }
0x1c4: {  	[tilespmem:s6+$0x16610] =	vst.add.f32.msk $0xffff, v28;
	v33 =	vsub.f32 v11, v33;
	v31 =	vmul.f32 v31, v23;
	v25 =	vadd.f32 $0.0e+00, v25  }
0x1c5: {  	[tilespmem:s6+$0x16640] =	vst.add.f32.msk $0xffff, v26;
	v49 =	vsub.f32 v12, v43;
	v50 =	vmul.f32 $5.000000000e-01, v22;
	v26 =	vmul.f32 v32, v26  }
0x1c6: {  	[tilespmem:s6+$0x16600] =	vst.add.f32.msk $0xffff, v16;
	v62 =	vsub.f32 v10, v34;
	v61 =	vmul.f32 v33, v18;
	v25 =	vadd.f32 v31, v25  }
0x1c7: {  	[tilespmem:s6+$0x16620] =	vst.add.f32.msk $0xffff, v46;
	v17 =	vmul.f32 v63, v17;
	v53 =	vmul.f32 v47, v30;
	v26 =	vadd.f32 $0.0e+00, v26  }
0x1c8: {  	[tilespmem:s6+$0x166C0] =	vst.add.f32.msk $0xffff, v19;
	v13 =	vmul.f32 v42, v20;
	v41 =	vmul.f32 v62, v9;
	v25 =	vadd.f32 v61, v25  }
0x1c9: {  	[tilespmem:s6+$0x166D0] =	vst.add.f32.msk $0xffff, v23;
	v51 =	vmul.f32 $5.000000000e-01, v45;
	v56 =	vmul.f32 $5.000000000e-01, v17;
	v21 =	vadd.f32 v53, v26  }
0x1ca: {  	[tilespmem:s6+$0x166E0] =	vst.add.f32.msk $0xffff, v18;
	v52 =	vmul.f32 $5.000000000e-01, v46;
	v13 =	vadd.f32 $0.0e+00, v13;
	v25 =	vadd.f32 v41, v25  }
0x1cb: {  	s31 =	sadd.s32 $0x40, s28;
	[tilespmem:s6+$0x166F0] =	vst.add.f32.msk $0xffff, v9;
	v9 =	vmul.f32 v29, v16;
	v19 =	vsub.f32 v11, v50;
	v59 =	vsub.f32 v10, v56  }
0x1cc: {  	v12 =	vmul.f32 v49, v28;
	v10 =	vsub.f32 v10, v55;
	[tilespmem:s31+$0x0] =	vst.add.f32.msk $0xffff, v25;
	v25 =	vsub.f32 v11, v51  }
0x1cd: {  	[tilespmem:s6+$0x16630] =	vst.add.f32.msk $0xffff, v14;
	v9 =	vadd.f32 $0.0e+00, v9;
	v19 =	vmul.f32 v19, v22;
	v11 =	vsub.f32 v11, v52  }
0x1ce: {  	[tilespmem:s6+$0x16650] =	vst.add.f32.msk $0xffff, v30;
	v13 =	vadd.f32 v54, v13;
	v10 =	vmul.f32 v10, v15;
	v58 =	vmul.f32 v25, v45  }
0x1cf: {  	[tilespmem:s6+$0x16660] =	vst.add.f32.msk $0xffff, v22;
	v9 =	vadd.f32 v12, v9;
	v62 =	vadd.f32 v19, v21;
	v11 =	vmul.f32 v11, v46  }
0x1d0: {  	[tilespmem:s6+$0x16670] =	vst.add.f32.msk $0xffff, v15;
	v61 =	vmul.f32 v59, v17;
	v12 =	vadd.f32 v58, v13  }
0x1d1: {  	[tilespmem:s6+$0x166A0] =	vst.add.f32.msk $0xffff, v45;
	v10 =	vadd.f32 v10, v62;
	v9 =	vadd.f32 v11, v9;
	v11 =	vmul.f32 v60, v14  }
0x1d2: {  	[tilespmem:s6+$0x166B0] =	vst.add.f32.msk $0xffff, v17;
	v12 =	vadd.f32 v61, v12  }
0x1d3: {  	[tilespmem:s31+$0xFFFFFFE0] =	vst.add.f32.msk $0xffff, v10;
	v9 =	vadd.f32 v11, v9  }
0x1d4: {  	[tilespmem:s31+$0xFFFFFFF0] =	vst.add.f32.msk $0xffff, v12  }
0x1d5: {  	s28 =	simm.s32 $0x0;
	[tilespmem:s31+$0xFFFFFFD0] =	vst.add.f32.msk $0xffff, v9  }
0x1d6: {  	v9 =	vadd.s32 s28, v8;
	_ =	swait.ge [sflag:s4], $0x4000  }
0x1d7: {  	v9 =	vadd.s32 v3, v9;
	[sflag:s4] =	ssyncset.done $0x0  }
0x1d8: {  	[sflag:s4] =	ssyncadd.s32 $0xFFFFC000  }
0x1d9: {  	_ =	swait.ge [sflag:s5], $0x100  }
0x1da: {  	[sflag:s5] =	ssyncset.done $0x0  }
0x1db: {  	s29 =	simm.s32 $0x10;
	[sflag:s5] =	ssyncadd.s32 $0xFFFFFF00  }
0x1dc: {  	s30 =	simm.s32 $0x16400;
	v10 =	vadd.s32 s29, v8;
	v11 =	vld.idx.msk [tilespmem:v9+s19+$0x0], $0xffff  }
0x1dd: {  	v9 =	vadd.s32 v3, v10;
	v10 =	vld [tilespmem:s30+$0x0];
	_ =	sdelay $0x3  }
0x1de: {  	s31 =	simm.s32 $0x20  }
0x1df: {  	s6 =	simm.s32 $0x16410;
	v9 =	vld.idx.msk [tilespmem:v9+s19+$0x0], $0xffff;
	v63 =	vmul.f32 v11, v10;
	v11 =	vadd.s32 s31, v8  }
0x1e0: {  	s0 =	simm.s32 $0x1B600;
	v10 =	vld [tilespmem:s6+$0x0];
	v11 =	vadd.s32 v3, v11  }
0x1e1: {  	s13 =	simm.s32 $0x30;
	[tilespmem:s0+$0x0] =	vst.add.f32.msk $0xffff, v63  }
.LBB2_26:
0x1e2: {  	p1 =	sne.s32 s13, $0xF0  }
.Ltmp11:
0x1e3: {  	_ = 	snop;
	(pc) =	sbr.rel @p1 .LBB2_26-.Ltmp11, $4  }
0x1e4: {  	_ = 	snop  }
0x1e5: {  	v12 =	vadd.s32 s13, v8;
	s13 =	sadd.s32 $0x10, s13;
	s6 =	sadd.s32 $0x10, s6;
	v13 =	vmul.f32 v9, v10;
	v9 =	vld.idx.msk [tilespmem:v11+s19+$0x0], $0xffff  }
0x1e6: {  	s0 =	sadd.s32 $0x10, s0;
	v11 =	vadd.s32 v3, v12;
	v10 =	vld [tilespmem:s6+$0x0]  }
0x1e7: {  	[tilespmem:s0+$0x0] =	vst.add.f32.msk $0xffff, v13  }
0x1e8: {  	_ =	sdelay $0x3  }
0x1e9: {  	v8 =	vld.idx.msk [tilespmem:v11+s19+$0x0], $0xffff;
	s6 =	sadd.s32 $0x10, s6  }
0x1ea: {  	v11 =	vld [tilespmem:s6+$0x0];
	_ =	sdelay $0x2  }
0x1eb: {  	s28 =	simm.s32 $0x0  }
0x1ec: {  	s13 =	simm.s32 $0x1;
	v9 =	vmul.f32 v9, v10;
	v10 =	vmov s28  }
0x1ed: {  	s30 =	simm.s32 $0x3;
	s0 =	sadd.s32 $0x10, s0;
	v10 =	vand.u32 $0xFC, v10;
	v8 =	vmul.f32 v8, v11;
	v11 =	vmov s13  }
0x1ee: {  	s31 =	sshll.u32 s26, $0x6;
	v12 =	vmov s30;
	v10 =	vbroadcast v10, $0x0;
	[tilespmem:s0+$0x0] =	vst.add.f32.msk $0xffff, v9;
	s0 =	sadd.s32 $0x10, s0;
	v11 =	vand.u32 $0xFD, v11  }
0x1ef: {  	s6 =	sand.u32 $0x3FFFFFC0, s31;
	v9 =	vbroadcast v11, $0x0;
	v11 =	vand.u32 $0xFF, v12;
	[tilespmem:s0+$0x0] =	vst.add.f32.msk $0xffff, v8  }
0x1f0: {  	v12 =	vor.u32 v7, v10;
	v8 =	vbroadcast v11, $0x0;
	v11 =	vld [tilespmem:s6+$0x1B700]  }
0x1f1: {  	s29 =	simm.s32 $0x0;
	v10 =	vld [tilespmem:s6+$0x1B710]  }
0x1f2: {  	v17 =	vld [tilespmem:s29+$0xE2D0];
	v13 =	vor.u32 v7, v9  }
0x1f3: {  	s13 =	simm.s32 $0x2;
	v21 =	vld [tilespmem:s29+$0xE240]  }
0x1f4: {  	v15 =	vmov s13;
	v29 =	vld [tilespmem:s29+$0xE250];
	v14 =	vor.u32 v7, v8  }
0x1f5: {  	v18 =	vld.idx.msk [tilespmem:v12+s19+$0x0], $0xffff;
	v12 =	vand.u32 $0xFE, v15  }
0x1f6: {  	v15 =	vld [tilespmem:s29+$0xE200];
	v12 =	vbroadcast v12, $0x0  }
0x1f7: {  	v19 =	vld.idx.msk [tilespmem:v13+s19+$0x0], $0xffff  }
0x1f8: {  	v13 =	vld [tilespmem:s29+$0xE2C0];
	v12 =	vor.u32 v7, v12  }
0x1f9: {  	s26 =	simm.s32 $0x4;
	s30 =	simm.s32 $0x5;
	v14 =	vld.idx.msk [tilespmem:v14+s19+$0x0], $0xffff  }
0x1fa: {  	v16 =	vmov s26;
	s31 =	simm.s32 $0x6;
	v20 =	vmov s30;
	v34 =	vld [tilespmem:s29+$0xE260]  }
0x1fb: {  	v16 =	vand.u32 $0xFC, v16;
	v22 =	vmov s31;
	v20 =	vand.u32 $0xFD, v20;
	v23 =	vld [tilespmem:s29+$0xE2E0]  }
0x1fc: {  	v16 =	vbroadcast v16, $0x0;
	v22 =	vand.u32 $0xFE, v22;
	v20 =	vbroadcast v20, $0x0;
	v25 =	vld [tilespmem:s29+$0xE2F0]  }
0x1fd: {  	v22 =	vbroadcast v22, $0x0;
	v21 =	vmul.f32 v21, v19;
	v26 =	vld.idx.msk [tilespmem:v12+s19+$0x0], $0xffff  }
0x1fe: {  	v24 =	vmul.f32 v13, v14;
	v13 =	vmul.f32 v15, v18;
	v15 =	vld [tilespmem:s29+$0xE280]  }
0x1ff: {  	v28 =	vld [tilespmem:s29+$0xE210];
	v29 =	vmul.f32 v29, v19;
	v34 =	vmul.f32 v34, v19  }
0x200: {  	v37 =	vld [tilespmem:s29+$0xE2A0];
	v17 =	vmul.f32 v17, v14;
	v27 =	vmul.f32 $5.000000000e-01, v24  }
0x201: {  	v9 =	vld [tilespmem:s6+$0x1B720];
	v12 =	vor.u32 v7, v16;
	v23 =	vmul.f32 v23, v14;
	v16 =	vmul.f32 $5.000000000e-01, v13  }
0x202: {  	v33 =	vld [tilespmem:s29+$0xE220];
	v25 =	vmul.f32 v25, v14;
	v30 =	vmul.f32 $5.000000000e-01, v17;
	v27 =	vsub.f32 v11, v27  }
0x203: {  	v8 =	vld [tilespmem:s6+$0x1B730];
	v32 =	vsub.f32 v11, v16;
	v16 =	vmul.f32 $5.000000000e-01, v21;
	v36 =	vmul.f32 v15, v26  }
0x204: {  	v31 =	vld [tilespmem:s29+$0xE290];
	v14 =	vmul.f32 v27, v24;
	v27 =	vsub.f32 v10, v30;
	v30 =	vmul.f32 $5.000000000e-01, v23  }
0x205: {  	v38 =	vld [tilespmem:s29+$0xE230];
	v15 =	vmul.f32 $5.000000000e-01, v25;
	v37 =	vmul.f32 v37, v26;
	v35 =	vsub.f32 v11, v16  }
0x206: {  	v40 =	vld [tilespmem:s29+$0xE2B0];
	v16 =	vadd.f32 $0.0e+00, v14;
	v27 =	vmul.f32 v27, v17;
	v30 =	vsub.f32 v9, v30  }
0x207: {  	[tilespmem:s29+$0x166D0] =	vst.add.f32.msk $0xffff, v17;
	v14 =	vor.u32 v7, v20;
	v20 =	vmul.f32 $5.000000000e-01, v36;
	v17 =	vmul.f32 v33, v18  }
0x208: {  	[tilespmem:s29+$0x16640] =	vst.add.f32.msk $0xffff, v21;
	v15 =	vsub.f32 v8, v15;
	v21 =	vmul.f32 v35, v21;
	v30 =	vmul.f32 v30, v23  }
0x209: {  	v27 =	vadd.f32 v27, v16;
	v16 =	vmul.f32 v28, v18;
	v28 =	vmul.f32 v31, v26  }
0x20a: {  	v39 =	vld [tilespmem:s29+$0xE270];
	v20 =	vsub.f32 v11, v20;
	v31 =	vmul.f32 $5.000000000e-01, v29;
	v61 =	vmul.f32 $5.000000000e-01, v17  }
0x20b: {  	[tilespmem:s29+$0x16650] =	vst.add.f32.msk $0xffff, v29;
	v62 =	vadd.f32 $0.0e+00, v21;
	v21 =	vmul.f32 v38, v18;
	v18 =	vmul.f32 v40, v26  }
0x20c: {  	[tilespmem:s29+$0x166C0] =	vst.add.f32.msk $0xffff, v24;
	v27 =	vadd.f32 v30, v27;
	v30 =	vmul.f32 v15, v25;
	v15 =	vor.u32 v7, v22  }
0x20d: {  	[tilespmem:s29+$0x166E0] =	vst.add.f32.msk $0xffff, v23;
	v22 =	vmul.f32 $5.000000000e-01, v16;
	v24 =	vmul.f32 $5.000000000e-01, v28;
	v23 =	vsub.f32 v10, v31  }
0x20e: {  	[tilespmem:s29+$0x166F0] =	vst.add.f32.msk $0xffff, v25;
	v25 =	vmul.f32 v32, v13;
	v31 =	vmul.f32 $5.000000000e-01, v37;
	v27 =	vadd.f32 v30, v27  }
0x20f: {  	[tilespmem:s29+$0x16660] =	vst.add.f32.msk $0xffff, v34;
	v30 =	vmul.f32 v20, v36;
	v24 =	vsub.f32 v10, v24;
	v22 =	vsub.f32 v10, v22  }
0x210: {  	s26 =	simm.s32 $0x1A630;
	[tilespmem:s29+$0x16680] =	vst.add.f32.msk $0xffff, v36;
	v20 =	vmul.f32 v39, v19;
	v26 =	vadd.f32 $0.0e+00, v25;
	v19 =	vmul.f32 v23, v29  }
0x211: {  	v31 =	vsub.f32 v9, v31;
	v25 =	vmul.f32 $5.000000000e-01, v21;
	[tilespmem:s26+$0x0] =	vst.add.f32.msk $0xffff, v27;
	v27 =	vmul.f32 $5.000000000e-01, v34  }
0x212: {  	[tilespmem:s29+$0x166A0] =	vst.add.f32.msk $0xffff, v37;
	v30 =	vadd.f32 $0.0e+00, v30;
	v29 =	vmul.f32 v24, v28;
	v22 =	vmul.f32 v22, v16  }
0x213: {  	[tilespmem:s29+$0x16690] =	vst.add.f32.msk $0xffff, v28;
	v24 =	vsub.f32 v9, v61;
	v23 =	vmul.f32 $5.000000000e-01, v20;
	v63 =	vsub.f32 v9, v27  }
0x214: {  	[tilespmem:s29+$0x166B0] =	vst.add.f32.msk $0xffff, v18;
	v28 =	vmul.f32 $5.000000000e-01, v18;
	v19 =	vadd.f32 v19, v62;
	v27 =	vadd.f32 v29, v30  }
0x215: {  	s13 =	simm.s32 $0x7;
	s0 =	simm.s32 $0x1A630;
	s6 =	simm.s32 $0x8;
	[tilespmem:s29+$0x16670] =	vst.add.f32.msk $0xffff, v20;
	v26 =	vadd.f32 v22, v26;
	v29 =	vmul.f32 v31, v37;
	v22 =	vmul.f32 v63, v34  }
.LBB2_28:
0x216: {  	p1 =	slt.u32 s6, $0xFC;
	v30 =	vmov s13;
	[tilespmem:s29+$0x16600] =	vst.add.f32.msk $0xffff, v13;
	v13 =	vmul.f32 v24, v17;
	v23 =	vsub.f32 v8, v23  }
0x217: {  	v24 =	vand.u32 $0xFF, v30;
	[tilespmem:s29+$0x16610] =	vst.add.f32.msk $0xffff, v16;
	v16 =	vsub.f32 v8, v25;
	v25 =	vsub.f32 v8, v28  }
0x218: {  	v24 =	vbroadcast v24, $0x0;
	[tilespmem:s29+$0x16620] =	vst.add.f32.msk $0xffff, v17;
	v17 =	vadd.f32 v22, v19;
	v22 =	vadd.f32 v29, v27  }
0x219: {  	v13 =	vadd.f32 v13, v26;
	v19 =	vmul.f32 v23, v20;
	[tilespmem:s29+$0x16630] =	vst.add.f32.msk $0xffff, v21;
	v20 =	vmul.f32 v25, v18  }
0x21a: {  	v16 =	vmul.f32 v16, v21;
	v18 =	vld.idx.msk [tilespmem:v12+s19+$0x0], $0xffff;
	v12 =	vor.u32 v7, v24  }
0x21b: {  	v19 =	vadd.f32 v19, v17;
	v21 =	vld.idx.msk [tilespmem:v14+s19+$0x0], $0xffff;
	v14 =	vadd.f32 v20, v22  }
0x21c: {  	v13 =	vadd.f32 v16, v13;
	v22 =	vld.idx.msk [tilespmem:v15+s19+$0x0], $0xffff  }
0x21d: {  	[tilespmem:s26+$0xFFFFFFF0] =	vst.add.f32.msk $0xffff, v14  }
0x21e: {  	s28 =	sadd.s32 $0x400, s28;
	[tilespmem:s26+$0xFFFFFFD0] =	vst.add.f32.msk $0xffff, v13  }
0x21f: {  	s29 =	sshra.s32 s28, $0x2;
	v14 =	vld.idx.msk [tilespmem:v12+s19+$0x0], $0xffff  }
0x220: {  	v12 =	vld [tilespmem:s29+$0xE2C0]  }
0x221: {  	v13 =	vld [tilespmem:s29+$0xE200]  }
0x222: {  	s13 =	sadd.s32 $0x1, s6;
	v15 =	vmov s6;
	v16 =	vld [tilespmem:s29+$0xE2D0]  }
0x223: {  	v17 =	vmov s13;
	s13 =	sadd.s32 $0x2, s6;
	v15 =	vand.u32 $0xFC, v15;
	v20 =	vld [tilespmem:s29+$0xE240]  }
0x224: {  	v17 =	vand.u32 $0xFD, v17;
	v23 =	vmov s13;
	v15 =	vbroadcast v15, $0x0;
	v24 =	vld [tilespmem:s29+$0xE2E0]  }
0x225: {  	v17 =	vbroadcast v17, $0x0;
	v23 =	vand.u32 $0xFE, v23;
	v25 =	vmul.f32 v12, v14;
	v26 =	vld [tilespmem:s29+$0xE2F0]  }
0x226: {  	v23 =	vbroadcast v23, $0x0;
	v13 =	vmul.f32 v13, v18;
	v27 =	vld [tilespmem:s29+$0xE280]  }
0x227: {  	v28 =	vld [tilespmem:s29+$0xE210];
	v29 =	vmul.f32 $5.000000000e-01, v25;
	v30 =	vmul.f32 v16, v14  }
0x228: {  	v12 =	vor.u32 v7, v15;
	v15 =	vmul.f32 $5.000000000e-01, v13;
	v20 =	vmul.f32 v20, v21;
	v16 =	vld [tilespmem:s29+$0xE250]  }
0x229: {  	v31 =	vld [tilespmem:s29+$0xE290];
	v29 =	vsub.f32 v11, v29;
	v32 =	vmul.f32 $5.000000000e-01, v30;
	v24 =	vmul.f32 v24, v14  }
0x22a: {  	v33 =	vsub.f32 v11, v15;
	v34 =	vld [tilespmem:s29+$0xE220];
	v15 =	vmul.f32 $5.000000000e-01, v20;
	v26 =	vmul.f32 v26, v14  }
0x22b: {  	v35 =	vld [tilespmem:s29+$0xE260];
	v14 =	vmul.f32 v29, v25;
	v29 =	vsub.f32 v10, v32;
	v32 =	vmul.f32 $5.000000000e-01, v24  }
0x22c: {  	v27 =	vmul.f32 v27, v22;
	v36 =	vsub.f32 v11, v15;
	v37 =	vld [tilespmem:s29+$0xE2A0];
	v15 =	vmul.f32 $5.000000000e-01, v26  }
0x22d: {  	v38 =	vld [tilespmem:s29+$0xE230];
	v39 =	vadd.f32 $0.0e+00, v14;
	v29 =	vmul.f32 v29, v30;
	v32 =	vsub.f32 v9, v32  }
0x22e: {  	v14 =	vor.u32 v7, v17;
	v40 =	vmul.f32 v16, v21;
	v17 =	vmul.f32 $5.000000000e-01, v27;
	v41 =	vld [tilespmem:s29+$0xE270]  }
0x22f: {  	v15 =	vsub.f32 v8, v15;
	v42 =	vld [tilespmem:s29+$0xE2B0];
	v29 =	vadd.f32 v29, v39;
	v32 =	vmul.f32 v32, v24  }
0x230: {  	v16 =	vmul.f32 v28, v18;
	v31 =	vmul.f32 v31, v22;
	v28 =	vsub.f32 v11, v17;
	[tilespmem:s29+$0x16640] =	vst.add.f32.msk $0xffff, v20  }
0x231: {  	v39 =	vmul.f32 $5.000000000e-01, v40;
	[tilespmem:s29+$0x166C0] =	vst.add.f32.msk $0xffff, v25;
	v17 =	vadd.f32 v32, v29;
	v25 =	vmul.f32 v15, v26  }
0x232: {  	v15 =	vor.u32 v7, v23;
	v23 =	vmul.f32 $5.000000000e-01, v16;
	v29 =	vmul.f32 $5.000000000e-01, v31;
	[tilespmem:s29+$0x166D0] =	vst.add.f32.msk $0xffff, v30  }
0x233: {  	v32 =	vmul.f32 v37, v22;
	v30 =	vmul.f32 v35, v21;
	[tilespmem:s29+$0x166E0] =	vst.add.f32.msk $0xffff, v24;
	v24 =	vadd.f32 v25, v17  }
0x234: {  	s26 =	sadd.s32 $0x40, s26;
	v20 =	vmul.f32 v36, v20;
	v17 =	vmul.f32 v34, v18;
	v25 =	vsub.f32 v10, v39;
	[tilespmem:s29+$0x166F0] =	vst.add.f32.msk $0xffff, v26  }
0x235: {  	v28 =	vmul.f32 v28, v27;
	v29 =	vsub.f32 v10, v29;
	v26 =	vmul.f32 v33, v13;
	[tilespmem:s26+$0x0] =	vst.add.f32.msk $0xffff, v24  }
0x236: {  	v23 =	vsub.f32 v10, v23;
	v33 =	vmul.f32 $5.000000000e-01, v32;
	v24 =	vmul.f32 $5.000000000e-01, v30;
	[tilespmem:s29+$0x16650] =	vst.add.f32.msk $0xffff, v40  }
0x237: {  	v35 =	vadd.f32 $0.0e+00, v20;
	v20 =	vmul.f32 v41, v21;
	v34 =	vmul.f32 $5.000000000e-01, v17;
	[tilespmem:s29+$0x16660] =	vst.add.f32.msk $0xffff, v30  }
0x238: {  	v21 =	vmul.f32 v38, v18;
	v36 =	vadd.f32 $0.0e+00, v28;
	v18 =	vmul.f32 v42, v22;
	[tilespmem:s0+$0xFFFFFFE0] =	vst.add.f32.msk $0xffff, v19;
	s0 =	smov.u32 s26  }
.Ltmp12:
0x239: {  	v22 =	vadd.f32 $0.0e+00, v26;
	v26 =	vmul.f32 v29, v31;
	v19 =	vmul.f32 v25, v40;
	[tilespmem:s29+$0x16670] =	vst.add.f32.msk $0xffff, v20;
	(pc) =	sbr.rel @p1 .LBB2_28-.Ltmp12, $4  }
0x23a: {  	v29 =	vmul.f32 v23, v16;
	v33 =	vsub.f32 v9, v33;
	v37 =	vsub.f32 v9, v24;
	[tilespmem:s29+$0x16680] =	vst.add.f32.msk $0xffff, v27  }
0x23b: {  	v23 =	vmul.f32 $5.000000000e-01, v20;
	v28 =	vmul.f32 $5.000000000e-01, v18;
	v24 =	vsub.f32 v9, v34;
	[tilespmem:s29+$0x16690] =	vst.add.f32.msk $0xffff, v31  }
0x23c: {  	v25 =	vmul.f32 $5.000000000e-01, v21;
	v19 =	vadd.f32 v19, v35;
	v27 =	vadd.f32 v26, v36;
	[tilespmem:s29+$0x166A0] =	vst.add.f32.msk $0xffff, v32  }
0x23d: {  	s13 =	sadd.s32 $0x3, s6;
	s6 =	sadd.s32 $0x4, s6;
	v26 =	vadd.f32 v29, v22;
	v22 =	vmul.f32 v37, v30;
	v29 =	vmul.f32 v33, v32;
	[tilespmem:s29+$0x166B0] =	vst.add.f32.msk $0xffff, v18  }
0x23e: {  	[tilespmem:s29+$0x16600] =	vst.add.f32.msk $0xffff, v13  }
0x23f: {  	[tilespmem:s29+$0x16610] =	vst.add.f32.msk $0xffff, v16  }
0x240: {  	[tilespmem:s29+$0x16620] =	vst.add.f32.msk $0xffff, v17  }
0x241: {  	[tilespmem:s29+$0x16630] =	vst.add.f32.msk $0xffff, v21  }
0x242: {  	v12 =	vld.idx.msk [tilespmem:v12+s19+$0x0], $0xffff;
	s6 =	sadd.s32 $0x400, s28  }
0x243: {  	v15 =	vld.idx.msk [tilespmem:v15+s19+$0x0], $0xffff;
	s6 =	sshra.s32 s6, $0x2  }
0x244: {  	v51 =	vld [tilespmem:s6+$0xE2C0]  }
0x245: {  	v52 =	vld [tilespmem:s6+$0xE200]  }
0x246: {  	v54 =	vld [tilespmem:s6+$0xE240]  }
0x247: {  	v57 =	vld [tilespmem:s6+$0xE280]  }
0x248: {  	v59 =	vld [tilespmem:s6+$0xE210]  }
0x249: {  	v30 =	vmov s13;
	v63 =	vld [tilespmem:s6+$0xE290]  }
0x24a: {  	v47 =	vsub.f32 v8, v28;
	v46 =	vand.u32 $0xFF, v30;
	v41 =	vld [tilespmem:s6+$0xE220]  }
0x24b: {  	v49 =	vmul.f32 v24, v17;
	v13 =	vbroadcast v46, $0x0;
	v33 =	vld [tilespmem:s6+$0xE2A0]  }
0x24c: {  	v50 =	vsub.f32 v8, v25;
	v27 =	vadd.f32 v29, v27;
	v16 =	vmul.f32 v47, v18;
	v34 =	vld [tilespmem:s6+$0xE230]  }
0x24d: {  	v23 =	vsub.f32 v8, v23;
	v45 =	vld [tilespmem:s6+$0xE2B0];
	v7 =	vor.u32 v7, v13  }
0x24e: {  	v13 =	vld.idx.msk [tilespmem:v14+s19+$0x0], $0xffff;
	v48 =	vadd.f32 v16, v27;
	v14 =	vadd.f32 v49, v26;
	v16 =	vmul.f32 v50, v21  }
0x24f: {  	v20 =	vmul.f32 v23, v20;
	v61 =	vld [tilespmem:s6+$0xE250]  }
0x250: {  	v42 =	vld [tilespmem:s6+$0xE260];
	v14 =	vadd.f32 v16, v14;
	v18 =	vmul.f32 v57, v15;
	v26 =	vmul.f32 v59, v12  }
0x251: {  	v19 =	vadd.f32 v22, v19;
	v36 =	vld [tilespmem:s6+$0xE270];
	v22 =	vmul.f32 v63, v15;
	v49 =	vmul.f32 v33, v15  }
0x252: {  	v50 =	vmul.f32 v41, v12;
	v15 =	vmul.f32 v45, v15;
	[tilespmem:s26+$0xFFFFFFD0] =	vst.add.f32.msk $0xffff, v14  }
0x253: {  	v14 =	vmul.f32 v52, v12;
	v12 =	vmul.f32 v34, v12;
	v7 =	vld.idx.msk [tilespmem:v7+s19+$0x0], $0xffff  }
0x254: {  	v24 =	vmul.f32 v54, v13;
	v28 =	vmul.f32 v61, v13  }
0x255: {  	v53 =	vld [tilespmem:s6+$0xE2D0];
	v35 =	vmul.f32 $5.000000000e-01, v18;
	v47 =	vmul.f32 $5.000000000e-01, v26  }
0x256: {  	v19 =	vadd.f32 v20, v19;
	[tilespmem:s26+$0xFFFFFFF0] =	vst.add.f32.msk $0xffff, v48;
	v48 =	vmul.f32 $5.000000000e-01, v22;
	v20 =	vmul.f32 v42, v13  }
0x257: {  	v55 =	vld [tilespmem:s6+$0xE2E0];
	v54 =	vmul.f32 $5.000000000e-01, v49;
	v13 =	vmul.f32 v36, v13  }
0x258: {  	v56 =	vld [tilespmem:s6+$0xE2F0];
	v59 =	vmul.f32 $5.000000000e-01, v15;
	v17 =	vmul.f32 v51, v7  }
0x259: {  	v60 =	vmul.f32 $5.000000000e-01, v14;
	v40 =	vmul.f32 $5.000000000e-01, v24  }
0x25a: {  	v21 =	vmul.f32 v53, v7;
	v58 =	vmul.f32 $5.000000000e-01, v17  }
0x25b: {  	v37 =	vmul.f32 $5.000000000e-01, v28;
	v52 =	vsub.f32 v10, v48;
	v61 =	vsub.f32 v8, v59  }
0x25c: {  	v16 =	vmul.f32 v55, v7;
	v62 =	vmul.f32 $5.000000000e-01, v21;
	v23 =	vsub.f32 v11, v58  }
0x25d: {  	[tilespmem:s0+$0xFFFFFFE0] =	vst.add.f32.msk $0xffff, v19;
	v27 =	vsub.f32 v11, v60;
	v60 =	vmul.f32 $5.000000000e-01, v12;
	v7 =	vmul.f32 v56, v7  }
0x25e: {  	[tilespmem:s6+$0x16680] =	vst.add.f32.msk $0xffff, v18;
	v31 =	vmul.f32 $5.000000000e-01, v16;
	v29 =	vsub.f32 v10, v62;
	v23 =	vmul.f32 v23, v17  }
0x25f: {  	[tilespmem:s6+$0x16690] =	vst.add.f32.msk $0xffff, v22;
	v30 =	vsub.f32 v11, v40;
	v57 =	vmul.f32 v52, v22;
	v32 =	vmul.f32 $5.000000000e-01, v7  }
0x260: {  	[tilespmem:s6+$0x166A0] =	vst.add.f32.msk $0xffff, v49;
	v31 =	vsub.f32 v9, v31;
	v29 =	vmul.f32 v29, v21;
	v23 =	vadd.f32 $0.0e+00, v23  }
0x261: {  	[tilespmem:s6+$0x16640] =	vst.add.f32.msk $0xffff, v24;
	v51 =	vsub.f32 v10, v37;
	v53 =	vmul.f32 $5.000000000e-01, v20;
	v24 =	vmul.f32 v30, v24  }
0x262: {  	[tilespmem:s6+$0x166B0] =	vst.add.f32.msk $0xffff, v15;
	v44 =	vsub.f32 v8, v32;
	v43 =	vmul.f32 v31, v16;
	v23 =	vadd.f32 v29, v23  }
0x263: {  	[tilespmem:s6+$0x16610] =	vst.add.f32.msk $0xffff, v26;
	v55 =	vmul.f32 $5.000000000e-01, v50;
	v56 =	vmul.f32 v51, v28;
	v11 =	vsub.f32 v11, v35  }
0x264: {  	[tilespmem:s6+$0x166C0] =	vst.add.f32.msk $0xffff, v17;
	v24 =	vadd.f32 $0.0e+00, v24;
	v46 =	vmul.f32 v44, v7;
	v23 =	vadd.f32 v43, v23  }
0x265: {  	[tilespmem:s6+$0x166D0] =	vst.add.f32.msk $0xffff, v21;
	v10 =	vsub.f32 v10, v47;
	v62 =	vsub.f32 v8, v60;
	v11 =	vmul.f32 v11, v18  }
0x266: {  	[tilespmem:s6+$0x166F0] =	vst.add.f32.msk $0xffff, v7;
	v19 =	vadd.f32 v56, v24;
	v7 =	vmul.f32 v27, v14;
	v23 =	vadd.f32 v46, v23  }
0x267: {  	s26 =	sadd.s32 $0x40, s26;
	[tilespmem:s6+$0x166E0] =	vst.add.f32.msk $0xffff, v16;
	v58 =	vmul.f32 $5.000000000e-01, v13;
	v17 =	vsub.f32 v9, v53;
	v11 =	vadd.f32 $0.0e+00, v11  }
0x268: {  	v10 =	vmul.f32 v10, v26;
	v7 =	vadd.f32 $0.0e+00, v7;
	[tilespmem:s26+$0x0] =	vst.add.f32.msk $0xffff, v23;
	v23 =	vsub.f32 v9, v54  }
0x269: {  	[tilespmem:s6+$0x16620] =	vst.add.f32.msk $0xffff, v50;
	v8 =	vsub.f32 v8, v58;
	v17 =	vmul.f32 v17, v20;
	v9 =	vsub.f32 v9, v55  }
0x26a: {  	[tilespmem:s6+$0x16600] =	vst.add.f32.msk $0xffff, v14;
	v11 =	vadd.f32 v57, v11;
	v7 =	vadd.f32 v10, v7;
	v10 =	vmul.f32 v23, v49  }
0x26b: {  	[tilespmem:s6+$0x16630] =	vst.add.f32.msk $0xffff, v12;
	v8 =	vmul.f32 v8, v13;
	v63 =	vadd.f32 v17, v19;
	v9 =	vmul.f32 v9, v50  }
0x26c: {  	[tilespmem:s6+$0x16650] =	vst.add.f32.msk $0xffff, v28;
	v10 =	vadd.f32 v10, v11;
	v11 =	vmul.f32 v61, v15  }
0x26d: {  	[tilespmem:s6+$0x16660] =	vst.add.f32.msk $0xffff, v20;
	v8 =	vadd.f32 v8, v63;
	v7 =	vadd.f32 v9, v7;
	v9 =	vmul.f32 v62, v12  }
0x26e: {  	[tilespmem:s6+$0x16670] =	vst.add.f32.msk $0xffff, v13;
	v10 =	vadd.f32 v11, v10  }
0x26f: {  	[tilespmem:s26+$0xFFFFFFE0] =	vst.add.f32.msk $0xffff, v8;
	v7 =	vadd.f32 v9, v7  }
0x270: {  	[tilespmem:s26+$0xFFFFFFF0] =	vst.add.f32.msk $0xffff, v10  }
0x271: {  	s28 =	simm.s32 $0x0;
	[tilespmem:s26+$0xFFFFFFD0] =	vst.add.f32.msk $0xffff, v7  }
0x272: {  	v7 =	vadd.s32 s28, v6;
	_ =	swait.ge [sflag:s11], $0x4000  }
0x273: {  	v7 =	vadd.s32 v3, v7;
	[sflag:s11] =	ssyncset.done $0x0  }
0x274: {  	[sflag:s11] =	ssyncadd.s32 $0xFFFFC000  }
0x275: {  	_ =	swait.ge [sflag:s18], $0x100  }
0x276: {  	[sflag:s18] =	ssyncset.done $0x0  }
0x277: {  	s29 =	simm.s32 $0x10;
	[sflag:s18] =	ssyncadd.s32 $0xFFFFFF00  }
0x278: {  	s30 =	simm.s32 $0x16500;
	v8 =	vadd.s32 s29, v6;
	v9 =	vld.idx.msk [tilespmem:v7+s19+$0x0], $0xffff  }
0x279: {  	v7 =	vadd.s32 v3, v8;
	v8 =	vld [tilespmem:s30+$0x0];
	_ =	sdelay $0x3  }
0x27a: {  	s31 =	simm.s32 $0x20  }
0x27b: {  	s6 =	simm.s32 $0x16510;
	v7 =	vld.idx.msk [tilespmem:v7+s19+$0x0], $0xffff;
	v10 =	vmul.f32 v9, v8;
	v9 =	vadd.s32 s31, v6  }
0x27c: {  	s0 =	simm.s32 $0x1B600;
	v8 =	vld [tilespmem:s6+$0x0];
	v9 =	vadd.s32 v3, v9  }
0x27d: {  	s13 =	simm.s32 $0x30;
	[tilespmem:s0+$0x0] =	vst.add.f32.msk $0xffff, v10  }
.LBB2_30:
0x27e: {  	p1 =	sne.s32 s13, $0xF0  }
.Ltmp13:
0x27f: {  	_ = 	snop;
	(pc) =	sbr.rel @p1 .LBB2_30-.Ltmp13, $4  }
0x280: {  	_ = 	snop  }
0x281: {  	v10 =	vadd.s32 s13, v6;
	s13 =	sadd.s32 $0x10, s13;
	s6 =	sadd.s32 $0x10, s6;
	v11 =	vmul.f32 v7, v8;
	v7 =	vld.idx.msk [tilespmem:v9+s19+$0x0], $0xffff  }
0x282: {  	s0 =	sadd.s32 $0x10, s0;
	v9 =	vadd.s32 v3, v10;
	v8 =	vld [tilespmem:s6+$0x0]  }
0x283: {  	[tilespmem:s0+$0x0] =	vst.add.f32.msk $0xffff, v11  }
0x284: {  	_ =	sdelay $0x3  }
0x285: {  	v6 =	vld.idx.msk [tilespmem:v9+s19+$0x0], $0xffff;
	s6 =	sadd.s32 $0x10, s6  }
0x286: {  	v9 =	vld [tilespmem:s6+$0x0];
	_ =	sdelay $0x2  }
0x287: {  	s26 =	simm.s32 $0x0  }
0x288: {  	s29 =	simm.s32 $0x1;
	v7 =	vmul.f32 v7, v8;
	v8 =	vmov s26  }
0x289: {  	s30 =	simm.s32 $0x3;
	s0 =	sadd.s32 $0x10, s0;
	v8 =	vand.u32 $0xFC, v8;
	v6 =	vmul.f32 v6, v9;
	v9 =	vmov s29  }
0x28a: {  	s31 =	sshll.u32 s25, $0x6;
	v10 =	vmov s30;
	v8 =	vbroadcast v8, $0x0;
	[tilespmem:s0+$0x0] =	vst.add.f32.msk $0xffff, v7;
	s0 =	sadd.s32 $0x10, s0;
	v9 =	vand.u32 $0xFD, v9  }
0x28b: {  	s13 =	sand.u32 $0x3FFFFFC0, s31;
	v7 =	vbroadcast v9, $0x0;
	v9 =	vand.u32 $0xFF, v10;
	[tilespmem:s0+$0x0] =	vst.add.f32.msk $0xffff, v6  }
0x28c: {  	v10 =	vor.u32 v5, v8;
	v6 =	vbroadcast v9, $0x0;
	v9 =	vld [tilespmem:s13+$0x1B700]  }
0x28d: {  	s28 =	simm.s32 $0x0;
	v8 =	vld [tilespmem:s13+$0x1B710]  }
0x28e: {  	v15 =	vld [tilespmem:s28+$0x122D0];
	v11 =	vor.u32 v5, v7  }
0x28f: {  	s25 =	simm.s32 $0x2;
	v19 =	vld [tilespmem:s28+$0x12240]  }
0x290: {  	v13 =	vmov s25;
	v27 =	vld [tilespmem:s28+$0x12250];
	v12 =	vor.u32 v5, v6  }
0x291: {  	v16 =	vld.idx.msk [tilespmem:v10+s19+$0x0], $0xffff;
	v10 =	vand.u32 $0xFE, v13  }
0x292: {  	v13 =	vld [tilespmem:s28+$0x12200];
	v10 =	vbroadcast v10, $0x0  }
0x293: {  	v17 =	vld.idx.msk [tilespmem:v11+s19+$0x0], $0xffff  }
0x294: {  	v11 =	vld [tilespmem:s28+$0x122C0];
	v10 =	vor.u32 v5, v10  }
0x295: {  	s30 =	simm.s32 $0x5;
	s31 =	simm.s32 $0x6;
	v12 =	vld.idx.msk [tilespmem:v12+s19+$0x0], $0xffff  }
0x296: {  	v18 =	vmov s30;
	v20 =	vmov s31;
	s29 =	simm.s32 $0x4;
	v32 =	vld [tilespmem:s28+$0x12260]  }
0x297: {  	v18 =	vand.u32 $0xFD, v18;
	v20 =	vand.u32 $0xFE, v20;
	v14 =	vmov s29;
	v21 =	vld [tilespmem:s28+$0x122E0]  }
0x298: {  	v18 =	vbroadcast v18, $0x0;
	v20 =	vbroadcast v20, $0x0;
	v14 =	vand.u32 $0xFC, v14;
	v23 =	vld [tilespmem:s28+$0x122F0]  }
0x299: {  	v14 =	vbroadcast v14, $0x0;
	v19 =	vmul.f32 v19, v17;
	v24 =	vld.idx.msk [tilespmem:v10+s19+$0x0], $0xffff  }
0x29a: {  	v22 =	vmul.f32 v11, v12;
	v11 =	vmul.f32 v13, v16;
	v13 =	vld [tilespmem:s28+$0x12280]  }
0x29b: {  	v26 =	vld [tilespmem:s28+$0x12210];
	v27 =	vmul.f32 v27, v17;
	v32 =	vmul.f32 v32, v17  }
0x29c: {  	v35 =	vld [tilespmem:s28+$0x122A0];
	v15 =	vmul.f32 v15, v12;
	v25 =	vmul.f32 $5.000000000e-01, v22  }
0x29d: {  	v7 =	vld [tilespmem:s13+$0x1B720];
	v10 =	vor.u32 v5, v14;
	v21 =	vmul.f32 v21, v12;
	v14 =	vmul.f32 $5.000000000e-01, v11  }
0x29e: {  	v31 =	vld [tilespmem:s28+$0x12220];
	v23 =	vmul.f32 v23, v12;
	v28 =	vmul.f32 $5.000000000e-01, v15;
	v25 =	vsub.f32 v9, v25  }
0x29f: {  	v6 =	vld [tilespmem:s13+$0x1B730];
	v30 =	vsub.f32 v9, v14;
	v14 =	vmul.f32 $5.000000000e-01, v19;
	v34 =	vmul.f32 v13, v24  }
0x2a0: {  	v29 =	vld [tilespmem:s28+$0x12290];
	v12 =	vmul.f32 v25, v22;
	v25 =	vsub.f32 v8, v28;
	v28 =	vmul.f32 $5.000000000e-01, v21  }
0x2a1: {  	v36 =	vld [tilespmem:s28+$0x12230];
	v13 =	vmul.f32 $5.000000000e-01, v23;
	v35 =	vmul.f32 v35, v24;
	v33 =	vsub.f32 v9, v14  }
0x2a2: {  	v38 =	vld [tilespmem:s28+$0x122B0];
	v14 =	vadd.f32 $0.0e+00, v12;
	v25 =	vmul.f32 v25, v15;
	v28 =	vsub.f32 v7, v28  }
0x2a3: {  	[tilespmem:s28+$0x166D0] =	vst.add.f32.msk $0xffff, v15;
	v12 =	vor.u32 v5, v18;
	v18 =	vmul.f32 $5.000000000e-01, v34;
	v15 =	vmul.f32 v31, v16  }
0x2a4: {  	[tilespmem:s28+$0x16640] =	vst.add.f32.msk $0xffff, v19;
	v13 =	vsub.f32 v6, v13;
	v19 =	vmul.f32 v33, v19;
	v28 =	vmul.f32 v28, v21  }
0x2a5: {  	v25 =	vadd.f32 v25, v14;
	v14 =	vmul.f32 v26, v16;
	v26 =	vmul.f32 v29, v24  }
0x2a6: {  	v37 =	vld [tilespmem:s28+$0x12270];
	v18 =	vsub.f32 v9, v18;
	v29 =	vmul.f32 $5.000000000e-01, v27;
	v61 =	vmul.f32 $5.000000000e-01, v15  }
0x2a7: {  	[tilespmem:s28+$0x16650] =	vst.add.f32.msk $0xffff, v27;
	v62 =	vadd.f32 $0.0e+00, v19;
	v19 =	vmul.f32 v36, v16;
	v16 =	vmul.f32 v38, v24  }
0x2a8: {  	[tilespmem:s28+$0x166C0] =	vst.add.f32.msk $0xffff, v22;
	v25 =	vadd.f32 v28, v25;
	v28 =	vmul.f32 v13, v23;
	v13 =	vor.u32 v5, v20  }
0x2a9: {  	[tilespmem:s28+$0x166E0] =	vst.add.f32.msk $0xffff, v21;
	v20 =	vmul.f32 $5.000000000e-01, v14;
	v22 =	vmul.f32 $5.000000000e-01, v26;
	v21 =	vsub.f32 v8, v29  }
0x2aa: {  	[tilespmem:s28+$0x166F0] =	vst.add.f32.msk $0xffff, v23;
	v23 =	vmul.f32 v30, v11;
	v29 =	vmul.f32 $5.000000000e-01, v35;
	v25 =	vadd.f32 v28, v25  }
0x2ab: {  	[tilespmem:s28+$0x16660] =	vst.add.f32.msk $0xffff, v32;
	v28 =	vmul.f32 v18, v34;
	v22 =	vsub.f32 v8, v22;
	v20 =	vsub.f32 v8, v20  }
0x2ac: {  	s25 =	simm.s32 $0x1A630;
	[tilespmem:s28+$0x16680] =	vst.add.f32.msk $0xffff, v34;
	v18 =	vmul.f32 v37, v17;
	v24 =	vadd.f32 $0.0e+00, v23;
	v17 =	vmul.f32 v21, v27  }
0x2ad: {  	v29 =	vsub.f32 v7, v29;
	v23 =	vmul.f32 $5.000000000e-01, v19;
	[tilespmem:s25+$0x0] =	vst.add.f32.msk $0xffff, v25;
	v25 =	vmul.f32 $5.000000000e-01, v32  }
0x2ae: {  	[tilespmem:s28+$0x166A0] =	vst.add.f32.msk $0xffff, v35;
	v28 =	vadd.f32 $0.0e+00, v28;
	v27 =	vmul.f32 v22, v26;
	v20 =	vmul.f32 v20, v14  }
0x2af: {  	[tilespmem:s28+$0x16690] =	vst.add.f32.msk $0xffff, v26;
	v22 =	vsub.f32 v7, v61;
	v21 =	vmul.f32 $5.000000000e-01, v18;
	v63 =	vsub.f32 v7, v25  }
0x2b0: {  	[tilespmem:s28+$0x166B0] =	vst.add.f32.msk $0xffff, v16;
	v26 =	vmul.f32 $5.000000000e-01, v16;
	v17 =	vadd.f32 v17, v62;
	v25 =	vadd.f32 v27, v28  }
0x2b1: {  	s6 =	simm.s32 $0x8;
	s0 =	simm.s32 $0x1A630;
	s13 =	simm.s32 $0x7;
	[tilespmem:s28+$0x16670] =	vst.add.f32.msk $0xffff, v18;
	v24 =	vadd.f32 v20, v24;
	v27 =	vmul.f32 v29, v35;
	v20 =	vmul.f32 v63, v32  }
.LBB2_32:
0x2b2: {  	p1 =	slt.u32 s6, $0xFC;
	v28 =	vmov s13;
	[tilespmem:s28+$0x16600] =	vst.add.f32.msk $0xffff, v11;
	v11 =	vmul.f32 v22, v15;
	v21 =	vsub.f32 v6, v21  }
0x2b3: {  	v22 =	vand.u32 $0xFF, v28;
	[tilespmem:s28+$0x16610] =	vst.add.f32.msk $0xffff, v14;
	v14 =	vsub.f32 v6, v23;
	v23 =	vsub.f32 v6, v26  }
0x2b4: {  	v22 =	vbroadcast v22, $0x0;
	[tilespmem:s28+$0x16620] =	vst.add.f32.msk $0xffff, v15;
	v15 =	vadd.f32 v20, v17;
	v20 =	vadd.f32 v27, v25  }
0x2b5: {  	v11 =	vadd.f32 v11, v24;
	v17 =	vmul.f32 v21, v18;
	[tilespmem:s28+$0x16630] =	vst.add.f32.msk $0xffff, v19;
	v18 =	vmul.f32 v23, v16  }
0x2b6: {  	v14 =	vmul.f32 v14, v19;
	v16 =	vld.idx.msk [tilespmem:v10+s19+$0x0], $0xffff;
	v10 =	vor.u32 v5, v22  }
0x2b7: {  	v17 =	vadd.f32 v17, v15;
	v19 =	vld.idx.msk [tilespmem:v12+s19+$0x0], $0xffff;
	v12 =	vadd.f32 v18, v20  }
0x2b8: {  	v11 =	vadd.f32 v14, v11;
	v20 =	vld.idx.msk [tilespmem:v13+s19+$0x0], $0xffff  }
0x2b9: {  	[tilespmem:s25+$0xFFFFFFF0] =	vst.add.f32.msk $0xffff, v12  }
0x2ba: {  	s26 =	sadd.s32 $0x400, s26;
	[tilespmem:s25+$0xFFFFFFD0] =	vst.add.f32.msk $0xffff, v11  }
0x2bb: {  	s28 =	sshra.s32 s26, $0x2;
	v12 =	vld.idx.msk [tilespmem:v10+s19+$0x0], $0xffff  }
0x2bc: {  	v10 =	vld [tilespmem:s28+$0x122C0]  }
0x2bd: {  	v11 =	vld [tilespmem:s28+$0x12200]  }
0x2be: {  	s13 =	sadd.s32 $0x1, s6;
	v13 =	vmov s6;
	v14 =	vld [tilespmem:s28+$0x122D0]  }
0x2bf: {  	v15 =	vmov s13;
	s13 =	sadd.s32 $0x2, s6;
	v13 =	vand.u32 $0xFC, v13;
	v18 =	vld [tilespmem:s28+$0x12240]  }
0x2c0: {  	v15 =	vand.u32 $0xFD, v15;
	v21 =	vmov s13;
	v13 =	vbroadcast v13, $0x0;
	v22 =	vld [tilespmem:s28+$0x122E0]  }
0x2c1: {  	v15 =	vbroadcast v15, $0x0;
	v21 =	vand.u32 $0xFE, v21;
	v23 =	vmul.f32 v10, v12;
	v24 =	vld [tilespmem:s28+$0x122F0]  }
0x2c2: {  	v21 =	vbroadcast v21, $0x0;
	v11 =	vmul.f32 v11, v16;
	v25 =	vld [tilespmem:s28+$0x12280]  }
0x2c3: {  	v26 =	vld [tilespmem:s28+$0x12210];
	v27 =	vmul.f32 $5.000000000e-01, v23;
	v28 =	vmul.f32 v14, v12  }
0x2c4: {  	v10 =	vor.u32 v5, v13;
	v13 =	vmul.f32 $5.000000000e-01, v11;
	v18 =	vmul.f32 v18, v19;
	v14 =	vld [tilespmem:s28+$0x12250]  }
0x2c5: {  	v29 =	vld [tilespmem:s28+$0x12290];
	v27 =	vsub.f32 v9, v27;
	v30 =	vmul.f32 $5.000000000e-01, v28;
	v22 =	vmul.f32 v22, v12  }
0x2c6: {  	v31 =	vsub.f32 v9, v13;
	v32 =	vld [tilespmem:s28+$0x12220];
	v13 =	vmul.f32 $5.000000000e-01, v18;
	v24 =	vmul.f32 v24, v12  }
0x2c7: {  	v33 =	vld [tilespmem:s28+$0x12260];
	v12 =	vmul.f32 v27, v23;
	v27 =	vsub.f32 v8, v30;
	v30 =	vmul.f32 $5.000000000e-01, v22  }
0x2c8: {  	v25 =	vmul.f32 v25, v20;
	v34 =	vsub.f32 v9, v13;
	v35 =	vld [tilespmem:s28+$0x122A0];
	v13 =	vmul.f32 $5.000000000e-01, v24  }
0x2c9: {  	v36 =	vld [tilespmem:s28+$0x12230];
	v37 =	vadd.f32 $0.0e+00, v12;
	v27 =	vmul.f32 v27, v28;
	v30 =	vsub.f32 v7, v30  }
0x2ca: {  	v12 =	vor.u32 v5, v15;
	v38 =	vmul.f32 v14, v19;
	v15 =	vmul.f32 $5.000000000e-01, v25;
	v39 =	vld [tilespmem:s28+$0x12270]  }
0x2cb: {  	v13 =	vsub.f32 v6, v13;
	v40 =	vld [tilespmem:s28+$0x122B0];
	v27 =	vadd.f32 v27, v37;
	v30 =	vmul.f32 v30, v22  }
0x2cc: {  	v14 =	vmul.f32 v26, v16;
	v29 =	vmul.f32 v29, v20;
	v26 =	vsub.f32 v9, v15;
	[tilespmem:s28+$0x16640] =	vst.add.f32.msk $0xffff, v18  }
0x2cd: {  	v37 =	vmul.f32 $5.000000000e-01, v38;
	[tilespmem:s28+$0x166C0] =	vst.add.f32.msk $0xffff, v23;
	v15 =	vadd.f32 v30, v27;
	v23 =	vmul.f32 v13, v24  }
0x2ce: {  	v13 =	vor.u32 v5, v21;
	v21 =	vmul.f32 $5.000000000e-01, v14;
	v27 =	vmul.f32 $5.000000000e-01, v29;
	[tilespmem:s28+$0x166D0] =	vst.add.f32.msk $0xffff, v28  }
0x2cf: {  	v30 =	vmul.f32 v35, v20;
	v28 =	vmul.f32 v33, v19;
	[tilespmem:s28+$0x166E0] =	vst.add.f32.msk $0xffff, v22;
	v22 =	vadd.f32 v23, v15  }
0x2d0: {  	s25 =	sadd.s32 $0x40, s25;
	v18 =	vmul.f32 v34, v18;
	v15 =	vmul.f32 v32, v16;
	v23 =	vsub.f32 v8, v37;
	[tilespmem:s28+$0x166F0] =	vst.add.f32.msk $0xffff, v24  }
0x2d1: {  	v26 =	vmul.f32 v26, v25;
	v27 =	vsub.f32 v8, v27;
	v24 =	vmul.f32 v31, v11;
	[tilespmem:s25+$0x0] =	vst.add.f32.msk $0xffff, v22  }
0x2d2: {  	v21 =	vsub.f32 v8, v21;
	v31 =	vmul.f32 $5.000000000e-01, v30;
	v22 =	vmul.f32 $5.000000000e-01, v28;
	[tilespmem:s28+$0x16650] =	vst.add.f32.msk $0xffff, v38  }
0x2d3: {  	v33 =	vadd.f32 $0.0e+00, v18;
	v18 =	vmul.f32 v39, v19;
	v32 =	vmul.f32 $5.000000000e-01, v15;
	[tilespmem:s28+$0x16660] =	vst.add.f32.msk $0xffff, v28  }
0x2d4: {  	v19 =	vmul.f32 v36, v16;
	v34 =	vadd.f32 $0.0e+00, v26;
	v16 =	vmul.f32 v40, v20;
	[tilespmem:s0+$0xFFFFFFE0] =	vst.add.f32.msk $0xffff, v17;
	s0 =	smov.u32 s25  }
.Ltmp14:
0x2d5: {  	v20 =	vadd.f32 $0.0e+00, v24;
	v24 =	vmul.f32 v27, v29;
	v17 =	vmul.f32 v23, v38;
	[tilespmem:s28+$0x16670] =	vst.add.f32.msk $0xffff, v18;
	(pc) =	sbr.rel @p1 .LBB2_32-.Ltmp14, $4  }
0x2d6: {  	v27 =	vmul.f32 v21, v14;
	v31 =	vsub.f32 v7, v31;
	v35 =	vsub.f32 v7, v22;
	[tilespmem:s28+$0x16680] =	vst.add.f32.msk $0xffff, v25  }
0x2d7: {  	v21 =	vmul.f32 $5.000000000e-01, v18;
	v26 =	vmul.f32 $5.000000000e-01, v16;
	v22 =	vsub.f32 v7, v32;
	[tilespmem:s28+$0x16690] =	vst.add.f32.msk $0xffff, v29  }
0x2d8: {  	v23 =	vmul.f32 $5.000000000e-01, v19;
	v17 =	vadd.f32 v17, v33;
	v25 =	vadd.f32 v24, v34;
	[tilespmem:s28+$0x166A0] =	vst.add.f32.msk $0xffff, v30  }
0x2d9: {  	s13 =	sadd.s32 $0x3, s6;
	s6 =	sadd.s32 $0x4, s6;
	v24 =	vadd.f32 v27, v20;
	v20 =	vmul.f32 v35, v28;
	v27 =	vmul.f32 v31, v30;
	[tilespmem:s28+$0x166B0] =	vst.add.f32.msk $0xffff, v16  }
0x2da: {  	[tilespmem:s28+$0x16600] =	vst.add.f32.msk $0xffff, v11  }
0x2db: {  	[tilespmem:s28+$0x16610] =	vst.add.f32.msk $0xffff, v14  }
0x2dc: {  	[tilespmem:s28+$0x16620] =	vst.add.f32.msk $0xffff, v15  }
0x2dd: {  	[tilespmem:s28+$0x16630] =	vst.add.f32.msk $0xffff, v19  }
0x2de: {  	v10 =	vld.idx.msk [tilespmem:v10+s19+$0x0], $0xffff;
	s6 =	sadd.s32 $0x400, s26  }
0x2df: {  	v13 =	vld.idx.msk [tilespmem:v13+s19+$0x0], $0xffff;
	s6 =	sshra.s32 s6, $0x2  }
0x2e0: {  	v51 =	vld [tilespmem:s6+$0x122C0]  }
0x2e1: {  	v52 =	vld [tilespmem:s6+$0x12200]  }
0x2e2: {  	v54 =	vld [tilespmem:s6+$0x12240]  }
0x2e3: {  	v57 =	vld [tilespmem:s6+$0x12280]  }
0x2e4: {  	v59 =	vld [tilespmem:s6+$0x12210]  }
0x2e5: {  	v28 =	vmov s13;
	v63 =	vld [tilespmem:s6+$0x12290]  }
0x2e6: {  	v47 =	vsub.f32 v6, v26;
	v46 =	vand.u32 $0xFF, v28;
	v37 =	vld [tilespmem:s6+$0x12220]  }
0x2e7: {  	v49 =	vmul.f32 v22, v15;
	v11 =	vbroadcast v46, $0x0;
	v31 =	vld [tilespmem:s6+$0x122A0]  }
0x2e8: {  	v50 =	vsub.f32 v6, v23;
	v25 =	vadd.f32 v27, v25;
	v14 =	vmul.f32 v47, v16;
	v32 =	vld [tilespmem:s6+$0x12230]  }
0x2e9: {  	v21 =	vsub.f32 v6, v21;
	v41 =	vld [tilespmem:s6+$0x122B0];
	v5 =	vor.u32 v5, v11  }
0x2ea: {  	v11 =	vld.idx.msk [tilespmem:v12+s19+$0x0], $0xffff;
	v48 =	vadd.f32 v14, v25;
	v12 =	vadd.f32 v49, v24;
	v14 =	vmul.f32 v50, v19  }
0x2eb: {  	v18 =	vmul.f32 v21, v18;
	v61 =	vld [tilespmem:s6+$0x12250]  }
0x2ec: {  	v38 =	vld [tilespmem:s6+$0x12260];
	v12 =	vadd.f32 v14, v12;
	v16 =	vmul.f32 v57, v13;
	v24 =	vmul.f32 v59, v10  }
0x2ed: {  	v17 =	vadd.f32 v20, v17;
	v34 =	vld [tilespmem:s6+$0x12270];
	v20 =	vmul.f32 v63, v13;
	v46 =	vmul.f32 v31, v13  }
0x2ee: {  	v47 =	vmul.f32 v37, v10;
	v13 =	vmul.f32 v41, v13;
	[tilespmem:s25+$0xFFFFFFD0] =	vst.add.f32.msk $0xffff, v12  }
0x2ef: {  	v12 =	vmul.f32 v52, v10;
	v10 =	vmul.f32 v32, v10;
	v5 =	vld.idx.msk [tilespmem:v5+s19+$0x0], $0xffff  }
0x2f0: {  	v22 =	vmul.f32 v54, v11;
	v26 =	vmul.f32 v61, v11  }
0x2f1: {  	v53 =	vld [tilespmem:s6+$0x122D0];
	v33 =	vmul.f32 $5.000000000e-01, v16;
	v44 =	vmul.f32 $5.000000000e-01, v24  }
0x2f2: {  	v17 =	vadd.f32 v18, v17;
	v45 =	vmul.f32 $5.000000000e-01, v20;
	v18 =	vmul.f32 v38, v11  }
0x2f3: {  	v55 =	vld [tilespmem:s6+$0x122E0];
	v52 =	vmul.f32 $5.000000000e-01, v46;
	v11 =	vmul.f32 v34, v11  }
0x2f4: {  	v56 =	vld [tilespmem:s6+$0x122F0];
	v57 =	vmul.f32 $5.000000000e-01, v13;
	v15 =	vmul.f32 v51, v5  }
0x2f5: {  	v60 =	vmul.f32 $5.000000000e-01, v12;
	v36 =	vmul.f32 $5.000000000e-01, v22  }
0x2f6: {  	v19 =	vmul.f32 v53, v5;
	v58 =	vmul.f32 $5.000000000e-01, v15  }
0x2f7: {  	v35 =	vmul.f32 $5.000000000e-01, v26;
	v43 =	vsub.f32 v9, v33;
	v49 =	vsub.f32 v8, v45  }
0x2f8: {  	[tilespmem:s25+$0xFFFFFFF0] =	vst.add.f32.msk $0xffff, v48;
	v14 =	vmul.f32 v55, v5;
	v62 =	vmul.f32 $5.000000000e-01, v19;
	v21 =	vsub.f32 v9, v58  }
0x2f9: {  	[tilespmem:s0+$0xFFFFFFE0] =	vst.add.f32.msk $0xffff, v17;
	v50 =	vsub.f32 v8, v44;
	v25 =	vsub.f32 v9, v60;
	v5 =	vmul.f32 v56, v5  }
0x2fa: {  	[tilespmem:s6+$0x16680] =	vst.add.f32.msk $0xffff, v16;
	v29 =	vmul.f32 $5.000000000e-01, v14;
	v27 =	vsub.f32 v8, v62;
	v21 =	vmul.f32 v21, v15  }
0x2fb: {  	[tilespmem:s6+$0x16690] =	vst.add.f32.msk $0xffff, v20;
	v60 =	vsub.f32 v6, v57;
	v28 =	vsub.f32 v9, v36;
	v30 =	vmul.f32 $5.000000000e-01, v5  }
0x2fc: {  	[tilespmem:s6+$0x166A0] =	vst.add.f32.msk $0xffff, v46;
	v29 =	vsub.f32 v7, v29;
	v27 =	vmul.f32 v27, v19;
	v21 =	vadd.f32 $0.0e+00, v21  }
0x2fd: {  	[tilespmem:s6+$0x16640] =	vst.add.f32.msk $0xffff, v22;
	v48 =	vsub.f32 v8, v35;
	v51 =	vmul.f32 $5.000000000e-01, v18;
	v22 =	vmul.f32 v28, v22  }
0x2fe: {  	[tilespmem:s6+$0x166B0] =	vst.add.f32.msk $0xffff, v13;
	v40 =	vsub.f32 v6, v30;
	v39 =	vmul.f32 v29, v14;
	v21 =	vadd.f32 v27, v21  }
0x2ff: {  	[tilespmem:s6+$0x16610] =	vst.add.f32.msk $0xffff, v24;
	v53 =	vmul.f32 $5.000000000e-01, v47;
	v54 =	vmul.f32 v48, v26;
	v22 =	vadd.f32 $0.0e+00, v22  }
0x300: {  	[tilespmem:s6+$0x166C0] =	vst.add.f32.msk $0xffff, v15;
	v9 =	vmul.f32 v43, v16;
	v42 =	vmul.f32 v40, v5;
	v21 =	vadd.f32 v39, v21  }
0x301: {  	v55 =	vmul.f32 v49, v20;
	[tilespmem:s6+$0x166D0] =	vst.add.f32.msk $0xffff, v19;
	v58 =	vmul.f32 $5.000000000e-01, v10;
	v17 =	vadd.f32 v54, v22  }
0x302: {  	v56 =	vmul.f32 $5.000000000e-01, v11;
	[tilespmem:s6+$0x166E0] =	vst.add.f32.msk $0xffff, v14;
	v9 =	vadd.f32 $0.0e+00, v9;
	v21 =	vadd.f32 v42, v21  }
0x303: {  	s31 =	sadd.s32 $0x40, s25;
	[tilespmem:s6+$0x166F0] =	vst.add.f32.msk $0xffff, v5;
	v5 =	vmul.f32 v25, v12;
	v15 =	vsub.f32 v7, v51;
	v61 =	vsub.f32 v6, v58  }
0x304: {  	v8 =	vmul.f32 v50, v24;
	v6 =	vsub.f32 v6, v56;
	[tilespmem:s31+$0x0] =	vst.add.f32.msk $0xffff, v21;
	v21 =	vsub.f32 v7, v52  }
0x305: {  	[tilespmem:s6+$0x16620] =	vst.add.f32.msk $0xffff, v47;
	v5 =	vadd.f32 $0.0e+00, v5;
	v15 =	vmul.f32 v15, v18;
	v7 =	vsub.f32 v7, v53  }
0x306: {  	[tilespmem:s6+$0x16600] =	vst.add.f32.msk $0xffff, v12;
	v9 =	vadd.f32 v55, v9;
	v6 =	vmul.f32 v6, v11;
	v59 =	vmul.f32 v21, v46  }
0x307: {  	s24 =	sadd.s32 $0x1, s24;
	[tilespmem:s6+$0x16630] =	vst.add.f32.msk $0xffff, v10;
	v5 =	vadd.f32 v8, v5;
	v63 =	vadd.f32 v15, v17;
	v7 =	vmul.f32 v7, v47  }
0x308: {  	p1 =	sne.s32 s24, $0xB;
	[tilespmem:s6+$0x16650] =	vst.add.f32.msk $0xffff, v26;
	v62 =	vmul.f32 v60, v13;
	v8 =	vadd.f32 v59, v9  }
.Ltmp15:
0x309: {  	[tilespmem:s6+$0x16660] =	vst.add.f32.msk $0xffff, v18;
	v6 =	vadd.f32 v6, v63;
	v5 =	vadd.f32 v7, v5;
	v7 =	vmul.f32 v61, v10;
	(pc) =	sbr.rel @p1 .LBB2_9-.Ltmp15, $4  }
0x30a: {  	[tilespmem:s6+$0x16670] =	vst.add.f32.msk $0xffff, v11;
	v8 =	vadd.f32 v62, v8  }
0x30b: {  	[tilespmem:s31+$0xFFFFFFE0] =	vst.add.f32.msk $0xffff, v6;
	v5 =	vadd.f32 v7, v5  }
0x30c: {  	[tilespmem:s31+$0xFFFFFFF0] =	vst.add.f32.msk $0xffff, v8  }
0x30d: {  	[tilespmem:s31+$0xFFFFFFD0] =	vst.add.f32.msk $0xffff, v5  }
0x30e: {  	s0 =	simm.s32 $0x0;
	v5 =	vor.u32 $0x2C00, v0  }
0x30f: {  	v7 =	vor.u32 s0, v5;
	_ =	sdelay $0x3  }
0x310: {  	v6 =	vld.idx.msk [tilespmem:v4+s15+$0x0], $0xffff  }
0x311: {  	s31 =	simm.s32 $0x10;
	v7 =	vld.idx.msk [tilespmem:v7+s3+$0x0], $0xffff  }
0x312: {  	v8 =	vor.u32 s31, v5;
	_ =	sdelay $0x3  }
0x313: {  	s6 =	simm.s32 $0x5E00;
	s13 =	simm.s32 $0x20;
	v7 =	vadd.s32 v6, v7  }
0x314: {  	s0 =	simm.s32 $0x5A00;
	[tilespmem:s6+$0x0] =	vst v7;
	v9 =	vshll.u32 v7, $0x1;
	v7 =	vld.idx.msk [tilespmem:v8+s3+$0x0], $0xffff;
	v8 =	vor.u32 s13, v5  }
0x315: {  	s24 =	simm.s32 $0x30;
	[tilespmem:s0+$0x0] =	vst v9  }
.LBB2_35:
0x316: {  	p1 =	sne.s32 s24, $0xF0  }
.Ltmp16:
0x317: {  	_ = 	snop;
	(pc) =	sbr.rel @p1 .LBB2_35-.Ltmp16, $4  }
0x318: {  	_ = 	snop  }
0x319: {  	s6 =	sadd.s32 $0x10, s6;
	s13 =	smov.u32 s24;
	s24 =	sadd.s32 $0x10, s24;
	v9 =	vadd.s32 v6, v7;
	v7 =	vld.idx.msk [tilespmem:v8+s3+$0x0], $0xffff  }
0x31a: {  	s0 =	sadd.s32 $0x10, s0;
	v8 =	vor.u32 s13, v5;
	[tilespmem:s6+$0x0] =	vst v9;
	v9 =	vshll.u32 v9, $0x1  }
0x31b: {  	[tilespmem:s0+$0x0] =	vst v9  }
0x31c: {  	_ =	sdelay $0x3  }
0x31d: {  	v8 =	vld.idx.msk [tilespmem:v8+s3+$0x0], $0xffff;
	_ =	sdelay $0x2  }
0x31e: {  	s6 =	sadd.s32 $0x10, s6;
	v7 =	vadd.s32 v6, v7  }
0x31f: {  	s0 =	sadd.s32 $0x10, s0;
	[tilespmem:s6+$0x0] =	vst v7;
	v7 =	vshll.u32 v7, $0x1  }
0x320: {  	s6 =	sadd.s32 $0x10, s6;
	[tilespmem:s0+$0x0] =	vst v7;
	v6 =	vadd.s32 v6, v8  }
0x321: {  	s0 =	sadd.s32 $0x10, s0;
	[tilespmem:s6+$0x0] =	vst v6;
	v6 =	vshll.u32 v6, $0x1  }
0x322: {  	[tilespmem:s0+$0x0] =	vst v6  }
0x323: {  	[tilespmem:s21], [sflag:$0x1] =	stream.indirect.gather [hbm4b:s7+s17], $0x40, s20, s17, $0xb8;
	[tilespmem:$0x1C380] =	vst v63  }
0x324: {  	s26 =	simm.s32 $0x16200  }
0x325: {  	[tilespmem:s26], [sflag:$0x5] =	stream.indirect.gather [hbm4b:s8+s17], $0x1, s22, s17, $0xb8;
	[tilespmem:$0x1C380] =	vst v63  }
0x326: {  	s28 =	simm.s32 $0x0;
	_ =	swait.ge [sflag:s9], $0x4000  }
0x327: {  	v6 =	vor.u32 s28, v5;
	[sflag:s9] =	ssyncset.done $0x0  }
0x328: {  	s29 =	simm.s32 $0x10;
	[sflag:s9] =	ssyncadd.s32 $0xFFFFC000  }
0x329: {  	v7 =	vor.u32 s29, v5;
	_ =	swait.ge [sflag:s10], $0x100  }
0x32a: {  	[sflag:s10] =	ssyncset.done $0x0  }
0x32b: {  	[sflag:s10] =	ssyncadd.s32 $0xFFFFFF00  }
0x32c: {  	v6 =	vld.idx.msk [tilespmem:v6+s19+$0x0], $0xffff  }
0x32d: {  	s30 =	simm.s32 $0x20;
	v8 =	vld [tilespmem:s26+$0x0]  }
0x32e: {  	s31 =	simm.s32 $0x16210;
	v9 =	vld.idx.msk [tilespmem:v7+s19+$0x0], $0xffff;
	v7 =	vor.u32 s30, v5  }
0x32f: {  	v10 =	vld [tilespmem:s31+$0x0];
	_ =	sdelay $0x2  }
0x330: {  	v6 =	vmul.f32 v6, v8  }
0x331: {  	s0 =	simm.s32 $0x1B600;
	v7 =	vld.idx.msk [tilespmem:v7+s19+$0x0], $0xffff  }
0x332: {  	s24 =	simm.s32 $0x16220;
	s6 =	simm.s32 $0x30;
	[tilespmem:s0+$0x0] =	vst.add.f32.msk $0xffff, v6;
	v6 =	vmul.f32 v9, v10  }
.LBB2_37:
0x333: {  	v8 =	vor.u32 s6, v5;
	p1 =	sne.s32 s6, $0xF0;
	s6 =	sadd.s32 $0x10, s6;
	v9 =	vld [tilespmem:s24+$0x0];
	s0 =	sadd.s32 $0x10, s0  }
.Ltmp17:
0x334: {  	[tilespmem:s0+$0x0] =	vst.add.f32.msk $0xffff, v6;
	(pc) =	sbr.rel @p1 .LBB2_37-.Ltmp17, $2  }
0x335: {  	_ =	sdelay $0x2  }
0x336: {  	s24 =	sadd.s32 $0x10, s24;
	v6 =	vmul.f32 v7, v9;
	v7 =	vld.idx.msk [tilespmem:v8+s19+$0x0], $0xffff  }
0x337: {  	v5 =	vld [tilespmem:s24+$0x0];
	_ =	sdelay $0x3  }
0x338: {  	s24 =	simm.s32 $0x0  }
0x339: {  	s6 =	simm.s32 $0x1;
	s0 =	sadd.s32 $0x10, s0;
	v8 =	vmov s24;
	v5 =	vmul.f32 v7, v5  }
0x33a: {  	s31 =	simm.s32 $0x3;
	[tilespmem:s0+$0x0] =	vst.add.f32.msk $0xffff, v6;
	s0 =	sadd.s32 $0x10, s0;
	v7 =	vand.u32 $0xFC, v8;
	v8 =	vmov s6  }
0x33b: {  	v9 =	vmov s31;
	v7 =	vor.u32 $0x2C00, v7;
	v8 =	vand.u32 $0xFD, v8;
	[tilespmem:s0+$0x0] =	vst.add.f32.msk $0xffff, v5  }
0x33c: {  	v10 =	vbroadcast v7, $0x0;
	v6 =	vor.u32 $0x2C00, v8;
	v7 =	vand.u32 $0xFF, v9;
	v8 =	vld [tilespmem:$0x1C200]  }
0x33d: {  	v5 =	vor.u32 $0x2C00, v7;
	v7 =	vld [tilespmem:$0x1C210]  }
0x33e: {  	s26 =	simm.s32 $0x0;
	v9 =	vbroadcast v6, $0x0;
	v6 =	vld [tilespmem:$0x1C220]  }
0x33f: {  	v14 =	vld [tilespmem:s26+$0x6200];
	v11 =	vbroadcast v5, $0x0  }
0x340: {  	v19 =	vld [tilespmem:s26+$0x6240]  }
0x341: {  	s13 =	simm.s32 $0x2;
	v26 =	vld [tilespmem:s26+$0x6250]  }
0x342: {  	v12 =	vmov s13;
	v15 =	vld.idx.msk [tilespmem:v10+s19+$0x0], $0xffff  }
0x343: {  	v10 =	vand.u32 $0xFE, v12;
	v12 =	vld [tilespmem:s26+$0x62C0]  }
0x344: {  	s30 =	simm.s32 $0x5;
	v16 =	vld.idx.msk [tilespmem:v9+s19+$0x0], $0xffff  }
0x345: {  	s25 =	simm.s32 $0x4;
	v9 =	vor.u32 $0x2C00, v10;
	v10 =	vmov s30;
	v13 =	vld.idx.msk [tilespmem:v11+s19+$0x0], $0xffff  }
0x346: {  	v17 =	vld [tilespmem:s26+$0x62D0];
	v11 =	vbroadcast v9, $0x0;
	v9 =	vmov s25;
	v10 =	vand.u32 $0xFD, v10  }
0x347: {  	v20 =	vld [tilespmem:s26+$0x62E0];
	v9 =	vand.u32 $0xFC, v9;
	v10 =	vor.u32 $0x2C00, v10  }
0x348: {  	s31 =	simm.s32 $0x6;
	v31 =	vld [tilespmem:s26+$0x6260];
	v9 =	vor.u32 $0x2C00, v9;
	v10 =	vbroadcast v10, $0x0  }
0x349: {  	v18 =	vmov s31;
	v22 =	vld [tilespmem:s26+$0x62F0];
	v9 =	vbroadcast v9, $0x0;
	v19 =	vmul.f32 v19, v16  }
0x34a: {  	v18 =	vand.u32 $0xFE, v18;
	v28 =	vld [tilespmem:s26+$0x6290];
	v26 =	vmul.f32 v26, v16;
	v21 =	vmul.f32 v12, v13  }
0x34b: {  	v18 =	vor.u32 $0x2C00, v18;
	v12 =	vmul.f32 v14, v15;
	v14 =	vld [tilespmem:s26+$0x6280];
	v17 =	vmul.f32 v17, v13  }
0x34c: {  	v23 =	vld.idx.msk [tilespmem:v11+s19+$0x0], $0xffff;
	v11 =	vbroadcast v18, $0x0;
	v18 =	vmul.f32 $5.000000000e-01, v21  }
0x34d: {  	v33 =	vld [tilespmem:s26+$0x62A0];
	v31 =	vmul.f32 v31, v16;
	v20 =	vmul.f32 v20, v13  }
0x34e: {  	v22 =	vmul.f32 v22, v13;
	v27 =	vmul.f32 $5.000000000e-01, v17;
	v18 =	vsub.f32 v8, v18  }
0x34f: {  	v5 =	vld [tilespmem:$0x1C230];
	v29 =	vmul.f32 $5.000000000e-01, v19;
	v25 =	vmul.f32 $5.000000000e-01, v12  }
0x350: {  	v24 =	vld [tilespmem:s26+$0x6210];
	v13 =	vmul.f32 v18, v21;
	v18 =	vsub.f32 v7, v27;
	v27 =	vmul.f32 $5.000000000e-01, v20  }
0x351: {  	v30 =	vld [tilespmem:s26+$0x6220];
	v25 =	vsub.f32 v8, v25;
	v32 =	vmul.f32 v14, v23;
	v14 =	vmul.f32 $5.000000000e-01, v22  }
0x352: {  	v34 =	vld [tilespmem:s26+$0x6230];
	v28 =	vmul.f32 v28, v23;
	v33 =	vmul.f32 v33, v23;
	v27 =	vsub.f32 v6, v27  }
0x353: {  	v36 =	vld [tilespmem:s26+$0x6270];
	v13 =	vadd.f32 $0.0e+00, v13;
	v18 =	vmul.f32 v18, v17;
	v35 =	vmul.f32 $5.000000000e-01, v32  }
0x354: {  	v37 =	vld [tilespmem:s26+$0x62B0];
	v14 =	vsub.f32 v5, v14;
	v58 =	vmul.f32 $5.000000000e-01, v28;
	v27 =	vmul.f32 v27, v20  }
0x355: {  	[tilespmem:s26+$0x16640] =	vst.add.f32.msk $0xffff, v19;
	v18 =	vadd.f32 v18, v13;
	v13 =	vmul.f32 v24, v15;
	v24 =	vmul.f32 $5.000000000e-01, v26  }
0x356: {  	[tilespmem:s26+$0x166E0] =	vst.add.f32.msk $0xffff, v20;
	v29 =	vsub.f32 v8, v29;
	v20 =	vmul.f32 v25, v12;
	v25 =	vmul.f32 $5.000000000e-01, v31  }
0x357: {  	[tilespmem:s26+$0x16650] =	vst.add.f32.msk $0xffff, v26;
	v14 =	vmul.f32 v14, v22;
	v18 =	vadd.f32 v27, v18;
	v27 =	vsub.f32 v8, v35  }
0x358: {  	[tilespmem:s26+$0x166C0] =	vst.add.f32.msk $0xffff, v21;
	v21 =	vmul.f32 $5.000000000e-01, v13;
	v62 =	vadd.f32 $0.0e+00, v20;
	v25 =	vsub.f32 v6, v25  }
0x359: {  	[tilespmem:s26+$0x166D0] =	vst.add.f32.msk $0xffff, v17;
	v17 =	vadd.f32 v14, v18;
	v14 =	vmul.f32 v30, v15;
	v18 =	vmul.f32 v29, v19  }
0x35a: {  	[tilespmem:s26+$0x166F0] =	vst.add.f32.msk $0xffff, v22;
	v19 =	vsub.f32 v7, v24;
	v22 =	vmul.f32 v27, v32;
	v24 =	vsub.f32 v7, v58  }
0x35b: {  	[tilespmem:s26+$0x16660] =	vst.add.f32.msk $0xffff, v31;
	v21 =	vsub.f32 v7, v21;
	v27 =	vmul.f32 $5.000000000e-01, v33;
	v59 =	vmul.f32 $5.000000000e-01, v14  }
0x35c: {  	s25 =	simm.s32 $0x1A630;
	[tilespmem:s26+$0x16680] =	vst.add.f32.msk $0xffff, v32;
	v60 =	vadd.f32 $0.0e+00, v18;
	v18 =	vmul.f32 v36, v16;
	v16 =	vmul.f32 v34, v15  }
0x35d: {  	[tilespmem:s25+$0x0] =	vst.add.f32.msk $0xffff, v17;
	v61 =	vadd.f32 $0.0e+00, v22;
	v17 =	vmul.f32 v37, v23;
	v19 =	vmul.f32 v19, v26  }
0x35e: {  	[tilespmem:s26+$0x16690] =	vst.add.f32.msk $0xffff, v28;
	v26 =	vmul.f32 v24, v28;
	v63 =	vmul.f32 v21, v13;
	v27 =	vsub.f32 v6, v27  }
0x35f: {  	[tilespmem:s26+$0x166A0] =	vst.add.f32.msk $0xffff, v33;
	v15 =	vsub.f32 v6, v59;
	v24 =	vmul.f32 $5.000000000e-01, v18;
	v22 =	vmul.f32 $5.000000000e-01, v17  }
0x360: {  	s29 =	simm.s32 $0x8;
	s28 =	simm.s32 $0x1A630;
	[tilespmem:s26+$0x16670] =	vst.add.f32.msk $0xffff, v18;
	v20 =	vmul.f32 $5.000000000e-01, v16;
	v23 =	vadd.f32 v19, v60;
	v21 =	vadd.f32 v26, v61  }
0x361: {  	s13 =	simm.s32 $0x9;
	s6 =	simm.s32 $0x7;
	s0 =	simm.s32 $0x0;
	v19 =	vadd.f32 v63, v62;
	v26 =	vmul.f32 v25, v31;
	v25 =	vmul.f32 v27, v33;
	[tilespmem:s26+$0x166B0] =	vst.add.f32.msk $0xffff, v17  }
.LBB2_39:
0x362: {  	p1 =	slt.u32 s29, $0xFC;
	v27 =	vmov s6;
	[tilespmem:s26+$0x16600] =	vst.add.f32.msk $0xffff, v12;
	v12 =	vmul.f32 v15, v14;
	v15 =	vsub.f32 v5, v24  }
0x363: {  	v24 =	vand.u32 $0xFF, v27;
	[tilespmem:s26+$0x16610] =	vst.add.f32.msk $0xffff, v13;
	v13 =	vsub.f32 v5, v20;
	v20 =	vsub.f32 v5, v22  }
0x364: {  	v21 =	vadd.f32 v25, v21;
	v22 =	vor.u32 $0x2C00, v24;
	[tilespmem:s26+$0x16620] =	vst.add.f32.msk $0xffff, v14;
	v14 =	vadd.f32 v26, v23  }
0x365: {  	v12 =	vadd.f32 v12, v19;
	v18 =	vmul.f32 v15, v18;
	v22 =	vbroadcast v22, $0x0;
	[tilespmem:s26+$0x16630] =	vst.add.f32.msk $0xffff, v16  }
0x366: {  	v15 =	vld.idx.msk [tilespmem:v9+s19+$0x0], $0xffff;
	v9 =	vmul.f32 v13, v16;
	v13 =	vmul.f32 v20, v17  }
0x367: {  	v16 =	vld.idx.msk [tilespmem:v10+s19+$0x0], $0xffff;
	v10 =	vadd.f32 v18, v14  }
0x368: {  	v17 =	vld.idx.msk [tilespmem:v11+s19+$0x0], $0xffff;
	v19 =	vadd.f32 v9, v12;
	v9 =	vadd.f32 v13, v21  }
0x369: {  	[tilespmem:s25+$0xFFFFFFE0] =	vst.add.f32.msk $0xffff, v10  }
0x36a: {  	s0 =	sadd.s32 $0x400, s0;
	[tilespmem:s25+$0xFFFFFFF0] =	vst.add.f32.msk $0xffff, v9  }
0x36b: {  	s26 =	sshra.s32 s0, $0x2;
	v13 =	vld.idx.msk [tilespmem:v22+s19+$0x0], $0xffff  }
0x36c: {  	v11 =	vld [tilespmem:s26+$0x62C0]  }
0x36d: {  	s6 =	sadd.s32 $0x1, s29;
	v9 =	vmov s29;
	v12 =	vld [tilespmem:s26+$0x6200]  }
0x36e: {  	v10 =	vmov s6;
	s6 =	sadd.s32 $0x2, s29;
	v9 =	vand.u32 $0xFC, v9;
	v14 =	vld [tilespmem:s26+$0x62D0]  }
0x36f: {  	v10 =	vand.u32 $0xFD, v10;
	v18 =	vmov s6;
	v9 =	vor.u32 $0x2C00, v9;
	v20 =	vld [tilespmem:s26+$0x6240]  }
0x370: {  	v10 =	vor.u32 $0x2C00, v10;
	v18 =	vand.u32 $0xFE, v18;
	v9 =	vbroadcast v9, $0x0;
	v21 =	vld [tilespmem:s26+$0x62E0]  }
0x371: {  	v10 =	vbroadcast v10, $0x0;
	v18 =	vor.u32 $0x2C00, v18;
	v22 =	vmul.f32 v11, v13;
	v23 =	vld [tilespmem:s26+$0x62F0]  }
0x372: {  	v11 =	vbroadcast v18, $0x0;
	v12 =	vmul.f32 v12, v15;
	v18 =	vld [tilespmem:s26+$0x6280]  }
0x373: {  	v24 =	vld [tilespmem:s26+$0x6210];
	v25 =	vmul.f32 $5.000000000e-01, v22;
	v14 =	vmul.f32 v14, v13  }
0x374: {  	v26 =	vmul.f32 $5.000000000e-01, v12;
	v20 =	vmul.f32 v20, v16;
	v27 =	vld [tilespmem:s26+$0x6250]  }
0x375: {  	v28 =	vld [tilespmem:s26+$0x6290];
	v25 =	vsub.f32 v8, v25;
	v29 =	vmul.f32 $5.000000000e-01, v14;
	v21 =	vmul.f32 v21, v13  }
0x376: {  	v26 =	vsub.f32 v8, v26;
	v30 =	vld [tilespmem:s26+$0x6220];
	v31 =	vmul.f32 $5.000000000e-01, v20;
	v23 =	vmul.f32 v23, v13  }
0x377: {  	v32 =	vld [tilespmem:s26+$0x6260];
	v13 =	vmul.f32 v25, v22;
	v25 =	vsub.f32 v7, v29;
	v29 =	vmul.f32 $5.000000000e-01, v21  }
0x378: {  	v33 =	vmul.f32 v18, v17;
	v31 =	vsub.f32 v8, v31;
	v18 =	vld [tilespmem:s26+$0x62A0];
	v34 =	vmul.f32 $5.000000000e-01, v23  }
0x379: {  	v35 =	vld [tilespmem:s26+$0x6230];
	v13 =	vadd.f32 $0.0e+00, v13;
	v25 =	vmul.f32 v25, v14;
	v29 =	vsub.f32 v6, v29  }
0x37a: {  	v27 =	vmul.f32 v27, v16;
	v37 =	vmul.f32 $5.000000000e-01, v33;
	v36 =	vld [tilespmem:s26+$0x6270]  }
0x37b: {  	v34 =	vsub.f32 v5, v34;
	v38 =	vld [tilespmem:s26+$0x62B0];
	v25 =	vadd.f32 v25, v13;
	v29 =	vmul.f32 v29, v21  }
0x37c: {  	v28 =	vmul.f32 v28, v17;
	v13 =	vmul.f32 v24, v15;
	v24 =	vsub.f32 v8, v37;
	[tilespmem:s26+$0x16640] =	vst.add.f32.msk $0xffff, v20  }
0x37d: {  	v37 =	vmul.f32 $5.000000000e-01, v27;
	[tilespmem:s26+$0x166C0] =	vst.add.f32.msk $0xffff, v22;
	v22 =	vadd.f32 v29, v25;
	v25 =	vmul.f32 v34, v23  }
0x37e: {  	v29 =	vmul.f32 $5.000000000e-01, v13;
	v34 =	vmul.f32 $5.000000000e-01, v28;
	[tilespmem:s26+$0x166D0] =	vst.add.f32.msk $0xffff, v14  }
0x37f: {  	v32 =	vmul.f32 v32, v16;
	v39 =	vmul.f32 v18, v17;
	[tilespmem:s26+$0x166E0] =	vst.add.f32.msk $0xffff, v21;
	v18 =	vadd.f32 v25, v22  }
0x380: {  	s25 =	sadd.s32 $0x40, s25;
	v20 =	vmul.f32 v31, v20;
	v14 =	vmul.f32 v30, v15;
	v21 =	vsub.f32 v7, v37;
	[tilespmem:s26+$0x166F0] =	vst.add.f32.msk $0xffff, v23  }
0x381: {  	v22 =	vmul.f32 v26, v12;
	v23 =	vmul.f32 v24, v33;
	v24 =	vsub.f32 v7, v34;
	[tilespmem:s25+$0x0] =	vst.add.f32.msk $0xffff, v18  }
0x382: {  	v25 =	vsub.f32 v7, v29;
	v26 =	vmul.f32 $5.000000000e-01, v32;
	v29 =	vmul.f32 $5.000000000e-01, v39;
	[tilespmem:s26+$0x16650] =	vst.add.f32.msk $0xffff, v27  }
0x383: {  	v31 =	vadd.f32 $0.0e+00, v20;
	v30 =	vmul.f32 $5.000000000e-01, v14;
	v18 =	vmul.f32 v36, v16;
	[tilespmem:s26+$0x16660] =	vst.add.f32.msk $0xffff, v32  }
0x384: {  	v17 =	vmul.f32 v38, v17;
	v16 =	vmul.f32 v35, v15;
	v34 =	vadd.f32 $0.0e+00, v23;
	[tilespmem:s28+$0xFFFFFFD0] =	vst.add.f32.msk $0xffff, v19;
	s28 =	smov.u32 s25  }
.Ltmp18:
0x385: {  	v21 =	vmul.f32 v21, v27;
	v27 =	vmul.f32 v24, v28;
	v19 =	vadd.f32 $0.0e+00, v22;
	[tilespmem:s26+$0x16670] =	vst.add.f32.msk $0xffff, v18;
	(pc) =	sbr.rel @p1 .LBB2_39-.Ltmp18, $4  }
0x386: {  	v25 =	vmul.f32 v25, v13;
	v26 =	vsub.f32 v6, v26;
	v29 =	vsub.f32 v6, v29;
	[tilespmem:s26+$0x16680] =	vst.add.f32.msk $0xffff, v33  }
0x387: {  	v15 =	vsub.f32 v6, v30;
	v24 =	vmul.f32 $5.000000000e-01, v18;
	v22 =	vmul.f32 $5.000000000e-01, v17;
	[tilespmem:s26+$0x16690] =	vst.add.f32.msk $0xffff, v28  }
0x388: {  	v20 =	vmul.f32 $5.000000000e-01, v16;
	v23 =	vadd.f32 v21, v31;
	v21 =	vadd.f32 v27, v34;
	[tilespmem:s26+$0x166A0] =	vst.add.f32.msk $0xffff, v39  }
0x389: {  	s6 =	sadd.s32 $0x3, s29;
	s29 =	sadd.s32 $0x4, s29;
	v26 =	vmul.f32 v26, v32;
	v19 =	vadd.f32 v25, v19;
	v25 =	vmul.f32 v29, v39;
	[tilespmem:s26+$0x166B0] =	vst.add.f32.msk $0xffff, v17  }
0x38a: {  	_ = 	snop  }
0x38b: {  	[tilespmem:s26+$0x16600] =	vst.add.f32.msk $0xffff, v12  }
0x38c: {  	[tilespmem:s26+$0x16610] =	vst.add.f32.msk $0xffff, v13  }
0x38d: {  	[tilespmem:s26+$0x16620] =	vst.add.f32.msk $0xffff, v14  }
0x38e: {  	v9 =	vld.idx.msk [tilespmem:v9+s19+$0x0], $0xffff  }
0x38f: {  	v10 =	vld.idx.msk [tilespmem:v10+s19+$0x0], $0xffff;
	s0 =	sadd.s32 $0x400, s0  }
0x390: {  	v11 =	vld.idx.msk [tilespmem:v11+s19+$0x0], $0xffff;
	s0 =	sshra.s32 s0, $0x2  }
0x391: {  	v41 =	vld [tilespmem:s0+$0x6200]  }
0x392: {  	v45 =	vld [tilespmem:s0+$0x6240]  }
0x393: {  	v49 =	vld [tilespmem:s0+$0x6280]  }
0x394: {  	v50 =	vld [tilespmem:s0+$0x6210]  }
0x395: {  	v53 =	vld [tilespmem:s0+$0x6250]  }
0x396: {  	v54 =	vld [tilespmem:s0+$0x6290]  }
0x397: {  	v36 =	vsub.f32 v5, v24;
	v55 =	vld [tilespmem:s0+$0x6220]  }
0x398: {  	v27 =	vmov s6;
	v37 =	vsub.f32 v5, v22;
	v44 =	vsub.f32 v5, v20;
	v28 =	vld [tilespmem:s0+$0x6260]  }
0x399: {  	v43 =	vmul.f32 v15, v14;
	v27 =	vand.u32 $0xFF, v27;
	v13 =	vmul.f32 v36, v18;
	v30 =	vld [tilespmem:s0+$0x62A0]  }
0x39a: {  	v35 =	vor.u32 $0x2C00, v27;
	v17 =	vmul.f32 v37, v17;
	v15 =	vmul.f32 v44, v16;
	v32 =	vld [tilespmem:s0+$0x6230]  }
0x39b: {  	v21 =	vadd.f32 v25, v21;
	v57 =	vld [tilespmem:s0+$0x6270];
	v12 =	vbroadcast v35, $0x0;
	v48 =	vmul.f32 v41, v9  }
0x39c: {  	v14 =	vadd.f32 v43, v19;
	v34 =	vld [tilespmem:s0+$0x62B0];
	v20 =	vmul.f32 v45, v10;
	v19 =	vmul.f32 v49, v11  }
0x39d: {  	v39 =	vadd.f32 v17, v21;
	v25 =	vmul.f32 v53, v10;
	v21 =	vmul.f32 v50, v9  }
0x39e: {  	v23 =	vadd.f32 v26, v23;
	v26 =	vmul.f32 v54, v11;
	v28 =	vmul.f32 v28, v10  }
0x39f: {  	v61 =	vmul.f32 v30, v11;
	v62 =	vmul.f32 v55, v9  }
0x3a0: {  	v38 =	vld [tilespmem:s0+$0x62C0];
	v10 =	vmul.f32 v57, v10;
	v9 =	vmul.f32 v32, v9  }
0x3a1: {  	v40 =	vld [tilespmem:s0+$0x62D0];
	v11 =	vmul.f32 v34, v11;
	v52 =	vmul.f32 $5.000000000e-01, v48  }
0x3a2: {  	v42 =	vld [tilespmem:s0+$0x62E0];
	v29 =	vmul.f32 $5.000000000e-01, v20;
	v33 =	vmul.f32 $5.000000000e-01, v19  }
0x3a3: {  	v46 =	vld [tilespmem:s0+$0x62F0];
	v13 =	vadd.f32 v13, v23;
	v35 =	vmul.f32 $5.000000000e-01, v25;
	v59 =	vmul.f32 $5.000000000e-01, v21  }
0x3a4: {  	v14 =	vadd.f32 v15, v14;
	v12 =	vld.idx.msk [tilespmem:v12+s19+$0x0], $0xffff;
	v60 =	vmul.f32 $5.000000000e-01, v26;
	v36 =	vmul.f32 $5.000000000e-01, v61  }
0x3a5: {  	[tilespmem:s25+$0xFFFFFFF0] =	vst.add.f32.msk $0xffff, v39;
	v27 =	vmul.f32 $5.000000000e-01, v62;
	v39 =	vmul.f32 $5.000000000e-01, v10;
	v29 =	vsub.f32 v8, v29  }
0x3a6: {  	v41 =	vmul.f32 $5.000000000e-01, v9;
	v15 =	vsub.f32 v8, v52;
	v30 =	vsub.f32 v7, v35  }
0x3a7: {  	[tilespmem:s26+$0x16630] =	vst.add.f32.msk $0xffff, v16;
	v35 =	vmul.f32 $5.000000000e-01, v28;
	v63 =	vmul.f32 v29, v20  }
0x3a8: {  	[tilespmem:s25+$0xFFFFFFE0] =	vst.add.f32.msk $0xffff, v13;
	v15 =	vmul.f32 v15, v48;
	v37 =	vmul.f32 v30, v25  }
0x3a9: {  	[tilespmem:s28+$0xFFFFFFD0] =	vst.add.f32.msk $0xffff, v14;
	v44 =	vsub.f32 v5, v39;
	v18 =	vmul.f32 v38, v12;
	v17 =	vmul.f32 v40, v12  }
0x3aa: {  	[tilespmem:s0+$0x16640] =	vst.add.f32.msk $0xffff, v20;
	v14 =	vsub.f32 v5, v41;
	v13 =	vmul.f32 v42, v12;
	v12 =	vmul.f32 v46, v12  }
0x3ab: {  	[tilespmem:s0+$0x16650] =	vst.add.f32.msk $0xffff, v25;
	v38 =	vsub.f32 v6, v36;
	v47 =	vmul.f32 $5.000000000e-01, v18;
	v51 =	vmul.f32 $5.000000000e-01, v17  }
0x3ac: {  	[tilespmem:s0+$0x16660] =	vst.add.f32.msk $0xffff, v28;
	v15 =	vadd.f32 $0.0e+00, v15;
	v56 =	vmul.f32 $5.000000000e-01, v13;
	v31 =	vmul.f32 $5.000000000e-01, v12  }
0x3ad: {  	[tilespmem:s0+$0x16670] =	vst.add.f32.msk $0xffff, v10;
	v10 =	vmul.f32 v44, v10;
	v23 =	vsub.f32 v8, v47;
	v24 =	vsub.f32 v7, v51  }
0x3ae: {  	[tilespmem:s0+$0x16680] =	vst.add.f32.msk $0xffff, v19;
	v45 =	vmul.f32 v14, v9;
	v22 =	vsub.f32 v6, v56;
	v31 =	vsub.f32 v5, v31  }
0x3af: {  	[tilespmem:s0+$0x16690] =	vst.add.f32.msk $0xffff, v26;
	v40 =	vmul.f32 $5.000000000e-01, v11;
	v8 =	vsub.f32 v8, v33;
	v33 =	vsub.f32 v7, v60  }
0x3b0: {  	[tilespmem:s0+$0x166A0] =	vst.add.f32.msk $0xffff, v61;
	v7 =	vsub.f32 v7, v59;
	v23 =	vmul.f32 v23, v18;
	v24 =	vmul.f32 v24, v17  }
0x3b1: {  	[tilespmem:s0+$0x166C0] =	vst.add.f32.msk $0xffff, v18;
	v5 =	vsub.f32 v5, v40;
	v22 =	vmul.f32 v22, v13;
	v58 =	vmul.f32 v31, v12  }
0x3b2: {  	[tilespmem:s0+$0x166E0] =	vst.add.f32.msk $0xffff, v13;
	v8 =	vmul.f32 v8, v19;
	v13 =	vadd.f32 $0.0e+00, v63;
	v18 =	vsub.f32 v6, v35  }
0x3b3: {  	[tilespmem:s0+$0x166F0] =	vst.add.f32.msk $0xffff, v12;
	v12 =	vmul.f32 v33, v26;
	v7 =	vmul.f32 v7, v21;
	v6 =	vsub.f32 v6, v27  }
0x3b4: {  	[tilespmem:s0+$0x166B0] =	vst.add.f32.msk $0xffff, v11;
	v8 =	vadd.f32 $0.0e+00, v8;
	v13 =	vadd.f32 v37, v13;
	v42 =	vmul.f32 v18, v28  }
0x3b5: {  	[tilespmem:s0+$0x16600] =	vst.add.f32.msk $0xffff, v48;
	v23 =	vadd.f32 $0.0e+00, v23;
	v7 =	vadd.f32 v7, v15;
	v6 =	vmul.f32 v6, v62  }
0x3b6: {  	[tilespmem:s0+$0x16610] =	vst.add.f32.msk $0xffff, v21;
	v43 =	vmul.f32 v38, v61;
	v8 =	vadd.f32 v12, v8;
	v12 =	vadd.f32 v42, v13  }
0x3b7: {  	[tilespmem:s0+$0x16620] =	vst.add.f32.msk $0xffff, v62;
	v11 =	vmul.f32 v5, v11;
	v23 =	vadd.f32 v24, v23;
	v7 =	vadd.f32 v6, v7  }
0x3b8: {  	[tilespmem:s0+$0x16630] =	vst.add.f32.msk $0xffff, v9;
	v6 =	vor.u32 s24, v0;
	v8 =	vadd.f32 v43, v8;
	v10 =	vadd.f32 v10, v12  }
0x3b9: {  	s26 =	sadd.s32 $0x40, s25;
	[tilespmem:s0+$0x166D0] =	vst.add.f32.msk $0xffff, v17;
	v5 =	vshll.u32 v6, $0x6;
	v22 =	vadd.f32 v22, v23;
	v7 =	vadd.f32 v45, v7  }
0x3ba: {  	v9 =	vor.u32 $0x1, v5;
	v8 =	vadd.f32 v11, v8;
	[tilespmem:s26+$0xFFFFFFE0] =	vst.add.f32.msk $0xffff, v10  }
0x3bb: {  	v22 =	vadd.f32 v58, v22;
	[tilespmem:s26+$0xFFFFFFD0] =	vst.add.f32.msk $0xffff, v7  }
0x3bc: {  	[tilespmem:s26+$0xFFFFFFF0] =	vst.add.f32.msk $0xffff, v8;
	v8 =	vor.u32 $0x2, v5  }
0x3bd: {  	[tilespmem:s26+$0x0] =	vst.add.f32.msk $0xffff, v22  }
0x3be: {  	v10 =	vor.u32 $0x3, v5;
	v7 =	vld.idx.msk [tilespmem:v5+s14+$0x0], $0xffff  }
0x3bf: {  	v9 =	vld.idx.msk [tilespmem:v9+s14+$0x0], $0xffff  }
0x3c0: {  	v11 =	vor.u32 $0x4, v5  }
0x3c1: {  	v8 =	vld.idx.msk [tilespmem:v8+s14+$0x0], $0xffff  }
0x3c2: {  	v46 =	vor.u32 $0x5, v5  }
0x3c3: {  	v10 =	vld.idx.msk [tilespmem:v10+s14+$0x0], $0xffff  }
0x3c4: {  	v47 =	vor.u32 $0x6, v5;
	v7 =	vmul.f32 v7, v7;
	v9 =	vmul.f32 v9, v9  }
0x3c5: {  	v11 =	vld.idx.msk [tilespmem:v11+s14+$0x0], $0xffff  }
0x3c6: {  	v48 =	vor.u32 $0x7, v5;
	v7 =	vadd.f32 v9, v7;
	v8 =	vmul.f32 v8, v8  }
0x3c7: {  	v9 =	vld.idx.msk [tilespmem:v46+s14+$0x0], $0xffff  }
0x3c8: {  	v49 =	vor.u32 $0x8, v5;
	v7 =	vadd.f32 v8, v7;
	v8 =	vmul.f32 v10, v10  }
0x3c9: {  	v10 =	vld.idx.msk [tilespmem:v47+s14+$0x0], $0xffff  }
0x3ca: {  	v50 =	vor.u32 $0x9, v5;
	v7 =	vadd.f32 v8, v7;
	v8 =	vmul.f32 v11, v11  }
0x3cb: {  	v11 =	vld.idx.msk [tilespmem:v48+s14+$0x0], $0xffff  }
0x3cc: {  	v51 =	vor.u32 $0xA, v5;
	v7 =	vadd.f32 v8, v7;
	v8 =	vmul.f32 v9, v9  }
0x3cd: {  	v9 =	vld.idx.msk [tilespmem:v49+s14+$0x0], $0xffff  }
0x3ce: {  	v52 =	vor.u32 $0xB, v5;
	v7 =	vadd.f32 v8, v7;
	v8 =	vmul.f32 v10, v10  }
0x3cf: {  	v10 =	vld.idx.msk [tilespmem:v50+s14+$0x0], $0xffff  }
0x3d0: {  	v53 =	vor.u32 $0xC, v5;
	v7 =	vadd.f32 v8, v7;
	v8 =	vmul.f32 v11, v11  }
0x3d1: {  	v11 =	vld.idx.msk [tilespmem:v51+s14+$0x0], $0xffff  }
0x3d2: {  	v54 =	vor.u32 $0xD, v5;
	v7 =	vadd.f32 v8, v7;
	v8 =	vmul.f32 v9, v9  }
0x3d3: {  	v9 =	vld.idx.msk [tilespmem:v52+s14+$0x0], $0xffff  }
0x3d4: {  	v55 =	vor.u32 $0xE, v5;
	v7 =	vadd.f32 v8, v7;
	v8 =	vmul.f32 v10, v10  }
0x3d5: {  	v10 =	vld.idx.msk [tilespmem:v53+s14+$0x0], $0xffff  }
0x3d6: {  	v56 =	vor.u32 $0xF, v5;
	v7 =	vadd.f32 v8, v7;
	v8 =	vmul.f32 v11, v11  }
0x3d7: {  	v11 =	vld.idx.msk [tilespmem:v54+s14+$0x0], $0xffff  }
0x3d8: {  	v57 =	vor.u32 $0x10, v5;
	v7 =	vadd.f32 v8, v7;
	v8 =	vmul.f32 v9, v9  }
0x3d9: {  	v9 =	vld.idx.msk [tilespmem:v55+s14+$0x0], $0xffff  }
0x3da: {  	v58 =	vor.u32 $0x11, v5;
	v7 =	vadd.f32 v8, v7;
	v8 =	vmul.f32 v10, v10  }
0x3db: {  	v10 =	vld.idx.msk [tilespmem:v56+s14+$0x0], $0xffff  }
0x3dc: {  	v59 =	vor.u32 $0x12, v5;
	v7 =	vadd.f32 v8, v7;
	v8 =	vmul.f32 v11, v11  }
0x3dd: {  	v11 =	vld.idx.msk [tilespmem:v57+s14+$0x0], $0xffff  }
0x3de: {  	v60 =	vor.u32 $0x13, v5;
	v7 =	vadd.f32 v8, v7;
	v8 =	vmul.f32 v9, v9  }
0x3df: {  	v9 =	vld.idx.msk [tilespmem:v58+s14+$0x0], $0xffff  }
0x3e0: {  	v61 =	vor.u32 $0x14, v5;
	v7 =	vadd.f32 v8, v7;
	v8 =	vmul.f32 v10, v10  }
0x3e1: {  	v10 =	vld.idx.msk [tilespmem:v59+s14+$0x0], $0xffff  }
0x3e2: {  	v62 =	vor.u32 $0x15, v5;
	v7 =	vadd.f32 v8, v7;
	v8 =	vmul.f32 v11, v11  }
0x3e3: {  	v11 =	vld.idx.msk [tilespmem:v60+s14+$0x0], $0xffff  }
0x3e4: {  	v63 =	vor.u32 $0x16, v5;
	v7 =	vadd.f32 v8, v7;
	v8 =	vmul.f32 v9, v9  }
0x3e5: {  	v9 =	vld.idx.msk [tilespmem:v61+s14+$0x0], $0xffff  }
0x3e6: {  	v16 =	vor.u32 $0x17, v5;
	v7 =	vadd.f32 v8, v7;
	v8 =	vmul.f32 v10, v10  }
0x3e7: {  	v10 =	vld.idx.msk [tilespmem:v62+s14+$0x0], $0xffff  }
0x3e8: {  	v17 =	vor.u32 $0x18, v5;
	v7 =	vadd.f32 v8, v7;
	v8 =	vmul.f32 v11, v11  }
0x3e9: {  	v11 =	vld.idx.msk [tilespmem:v63+s14+$0x0], $0xffff  }
0x3ea: {  	v18 =	vor.u32 $0x19, v5;
	v7 =	vadd.f32 v8, v7;
	v8 =	vmul.f32 v9, v9  }
0x3eb: {  	v9 =	vld.idx.msk [tilespmem:v16+s14+$0x0], $0xffff  }
0x3ec: {  	v19 =	vor.u32 $0x1A, v5;
	v7 =	vadd.f32 v8, v7;
	v8 =	vmul.f32 v10, v10  }
0x3ed: {  	v10 =	vld.idx.msk [tilespmem:v17+s14+$0x0], $0xffff  }
0x3ee: {  	v20 =	vor.u32 $0x1B, v5;
	v7 =	vadd.f32 v8, v7;
	v8 =	vmul.f32 v11, v11  }
0x3ef: {  	v11 =	vld.idx.msk [tilespmem:v18+s14+$0x0], $0xffff  }
0x3f0: {  	v21 =	vor.u32 $0x1C, v5;
	v7 =	vadd.f32 v8, v7;
	v8 =	vmul.f32 v9, v9  }
0x3f1: {  	v9 =	vld.idx.msk [tilespmem:v19+s14+$0x0], $0xffff  }
0x3f2: {  	v22 =	vor.u32 $0x1D, v5;
	v7 =	vadd.f32 v8, v7;
	v8 =	vmul.f32 v10, v10  }
0x3f3: {  	v10 =	vld.idx.msk [tilespmem:v20+s14+$0x0], $0xffff  }
0x3f4: {  	v23 =	vor.u32 $0x1E, v5;
	v7 =	vadd.f32 v8, v7;
	v8 =	vmul.f32 v11, v11  }
0x3f5: {  	v11 =	vld.idx.msk [tilespmem:v21+s14+$0x0], $0xffff  }
0x3f6: {  	v24 =	vor.u32 $0x1F, v5;
	v7 =	vadd.f32 v8, v7;
	v8 =	vmul.f32 v9, v9  }
0x3f7: {  	v9 =	vld.idx.msk [tilespmem:v22+s14+$0x0], $0xffff  }
0x3f8: {  	v25 =	vor.u32 $0x20, v5;
	v7 =	vadd.f32 v8, v7;
	v8 =	vmul.f32 v10, v10  }
0x3f9: {  	v10 =	vld.idx.msk [tilespmem:v23+s14+$0x0], $0xffff  }
0x3fa: {  	v26 =	vor.u32 $0x21, v5;
	v7 =	vadd.f32 v8, v7;
	v8 =	vmul.f32 v11, v11  }
0x3fb: {  	v11 =	vld.idx.msk [tilespmem:v24+s14+$0x0], $0xffff  }
0x3fc: {  	v27 =	vor.u32 $0x22, v5;
	v7 =	vadd.f32 v8, v7;
	v8 =	vmul.f32 v9, v9  }
0x3fd: {  	v9 =	vld.idx.msk [tilespmem:v25+s14+$0x0], $0xffff  }
0x3fe: {  	v28 =	vor.u32 $0x23, v5;
	v7 =	vadd.f32 v8, v7;
	v8 =	vmul.f32 v10, v10  }
0x3ff: {  	v10 =	vld.idx.msk [tilespmem:v26+s14+$0x0], $0xffff  }
0x400: {  	v29 =	vor.u32 $0x24, v5;
	v7 =	vadd.f32 v8, v7;
	v8 =	vmul.f32 v11, v11  }
0x401: {  	v11 =	vld.idx.msk [tilespmem:v27+s14+$0x0], $0xffff  }
0x402: {  	v30 =	vor.u32 $0x25, v5;
	v7 =	vadd.f32 v8, v7;
	v8 =	vmul.f32 v9, v9  }
0x403: {  	v9 =	vld.idx.msk [tilespmem:v28+s14+$0x0], $0xffff  }
0x404: {  	v31 =	vor.u32 $0x26, v5;
	v7 =	vadd.f32 v8, v7;
	v8 =	vmul.f32 v10, v10  }
0x405: {  	v10 =	vld.idx.msk [tilespmem:v29+s14+$0x0], $0xffff  }
0x406: {  	v32 =	vor.u32 $0x27, v5;
	v7 =	vadd.f32 v8, v7;
	v8 =	vmul.f32 v11, v11  }
0x407: {  	v11 =	vld.idx.msk [tilespmem:v30+s14+$0x0], $0xffff  }
0x408: {  	v33 =	vor.u32 $0x28, v5;
	v7 =	vadd.f32 v8, v7;
	v8 =	vmul.f32 v9, v9  }
0x409: {  	v9 =	vld.idx.msk [tilespmem:v31+s14+$0x0], $0xffff  }
0x40a: {  	v34 =	vor.u32 $0x29, v5;
	v7 =	vadd.f32 v8, v7;
	v8 =	vmul.f32 v10, v10  }
0x40b: {  	v10 =	vld.idx.msk [tilespmem:v32+s14+$0x0], $0xffff  }
0x40c: {  	v35 =	vor.u32 $0x2A, v5;
	v7 =	vadd.f32 v8, v7;
	v8 =	vmul.f32 v11, v11  }
0x40d: {  	v11 =	vld.idx.msk [tilespmem:v33+s14+$0x0], $0xffff  }
0x40e: {  	v36 =	vor.u32 $0x2B, v5;
	v7 =	vadd.f32 v8, v7;
	v8 =	vmul.f32 v9, v9  }
0x40f: {  	v9 =	vld.idx.msk [tilespmem:v34+s14+$0x0], $0xffff  }
0x410: {  	v37 =	vor.u32 $0x2C, v5;
	v7 =	vadd.f32 v8, v7;
	v8 =	vmul.f32 v10, v10  }
0x411: {  	v10 =	vld.idx.msk [tilespmem:v35+s14+$0x0], $0xffff  }
0x412: {  	v38 =	vor.u32 $0x2D, v5;
	v7 =	vadd.f32 v8, v7;
	v8 =	vmul.f32 v11, v11  }
0x413: {  	v11 =	vld.idx.msk [tilespmem:v36+s14+$0x0], $0xffff  }
0x414: {  	v39 =	vor.u32 $0x2E, v5;
	v7 =	vadd.f32 v8, v7;
	v8 =	vmul.f32 v9, v9  }
0x415: {  	v9 =	vld.idx.msk [tilespmem:v37+s14+$0x0], $0xffff  }
0x416: {  	v40 =	vor.u32 $0x2F, v5;
	v7 =	vadd.f32 v8, v7;
	v8 =	vmul.f32 v10, v10  }
0x417: {  	v10 =	vld.idx.msk [tilespmem:v38+s14+$0x0], $0xffff  }
0x418: {  	v41 =	vor.u32 $0x30, v5;
	v7 =	vadd.f32 v8, v7;
	v8 =	vmul.f32 v11, v11  }
0x419: {  	v11 =	vld.idx.msk [tilespmem:v39+s14+$0x0], $0xffff  }
0x41a: {  	v42 =	vor.u32 $0x31, v5;
	v7 =	vadd.f32 v8, v7;
	v8 =	vmul.f32 v9, v9  }
0x41b: {  	v9 =	vld.idx.msk [tilespmem:v40+s14+$0x0], $0xffff  }
0x41c: {  	v43 =	vor.u32 $0x32, v5;
	v7 =	vadd.f32 v8, v7;
	v8 =	vmul.f32 v10, v10  }
0x41d: {  	v6 =	vshll.u32 v6, $0x4;
	v10 =	vld.idx.msk [tilespmem:v41+s14+$0x0], $0xffff  }
0x41e: {  	v44 =	vor.u32 $0x33, v5;
	v7 =	vadd.f32 v8, v7;
	v8 =	vmul.f32 v11, v11  }
0x41f: {  	v45 =	vor.u32 $0x1, v6;
	v11 =	vld.idx.msk [tilespmem:v42+s14+$0x0], $0xffff  }
0x420: {  	v46 =	vor.u32 $0x34, v5;
	v7 =	vadd.f32 v8, v7;
	v8 =	vmul.f32 v9, v9  }
0x421: {  	v47 =	vor.u32 $0x2, v6;
	v9 =	vld.idx.msk [tilespmem:v43+s14+$0x0], $0xffff  }
0x422: {  	v48 =	vor.u32 $0x35, v5;
	v49 =	vld.idx.msk [tilespmem:v6+s23+$0x0], $0xffff;
	v7 =	vadd.f32 v8, v7;
	v8 =	vmul.f32 v10, v10  }
0x423: {  	v50 =	vor.u32 $0x3, v6;
	v10 =	vld.idx.msk [tilespmem:v44+s14+$0x0], $0xffff  }
0x424: {  	v14 =	vld.idx.msk [tilespmem:v45+s23+$0x0], $0xffff;
	v51 =	vor.u32 $0x36, v5;
	v7 =	vadd.f32 v8, v7;
	v8 =	vmul.f32 v11, v11  }
0x425: {  	v52 =	vor.u32 $0x4, v6;
	v11 =	vld.idx.msk [tilespmem:v46+s14+$0x0], $0xffff  }
0x426: {  	v12 =	vld.idx.msk [tilespmem:v47+s23+$0x0], $0xffff;
	v53 =	vor.u32 $0x37, v5;
	v7 =	vadd.f32 v8, v7;
	v8 =	vmul.f32 v9, v9  }
0x427: {  	v54 =	vor.u32 $0x5, v6;
	v55 =	vor.u32 $0x38, v5;
	v9 =	vld.idx.msk [tilespmem:v48+s14+$0x0], $0xffff  }
0x428: {  	v13 =	vld.idx.msk [tilespmem:v50+s23+$0x0], $0xffff;
	v7 =	vadd.f32 v8, v7;
	v8 =	vmul.f32 v10, v10;
	v10 =	vadd.f32 $0.0e+00, v49  }
0x429: {  	v56 =	vor.u32 $0x6, v6;
	v57 =	vor.u32 $0x39, v5;
	v18 =	vld.idx.msk [tilespmem:v51+s14+$0x0], $0xffff  }
0x42a: {  	v15 =	vld.idx.msk [tilespmem:v52+s23+$0x0], $0xffff;
	v7 =	vadd.f32 v8, v7;
	v8 =	vmul.f32 v11, v11;
	v10 =	vadd.f32 v14, v10  }
0x42b: {  	v58 =	vld.idx.msk [tilespmem:v53+s14+$0x0], $0xffff;
	v59 =	vor.u32 $0x3A, v5;
	v11 =	vor.u32 $0x7, v6  }
0x42c: {  	v60 =	vld.idx.msk [tilespmem:v55+s14+$0x0], $0xffff;
	v7 =	vadd.f32 v8, v7;
	v8 =	vmul.f32 v9, v9;
	v9 =	vadd.f32 v12, v10  }
0x42d: {  	v61 =	vor.u32 $0x3B, v5;
	v16 =	vld.idx.msk [tilespmem:v54+s23+$0x0], $0xffff;
	v10 =	vor.u32 $0x8, v6  }
0x42e: {  	v63 =	vld.idx.msk [tilespmem:v57+s14+$0x0], $0xffff;
	v7 =	vadd.f32 v8, v7;
	v8 =	vmul.f32 v18, v18;
	v9 =	vadd.f32 v13, v9  }
0x42f: {  	v62 =	vor.u32 $0x9, v6;
	v17 =	vld.idx.msk [tilespmem:v56+s23+$0x0], $0xffff;
	v24 =	vor.u32 $0x3C, v5  }
0x430: {  	v26 =	vld.idx.msk [tilespmem:v59+s14+$0x0], $0xffff;
	v7 =	vadd.f32 v8, v7;
	v8 =	vmul.f32 v58, v58;
	v9 =	vadd.f32 v15, v9  }
0x431: {  	v25 =	vor.u32 $0xA, v6;
	v27 =	vor.u32 $0x3D, v5;
	v11 =	vld.idx.msk [tilespmem:v11+s23+$0x0], $0xffff  }
0x432: {  	v29 =	vld.idx.msk [tilespmem:v61+s14+$0x0], $0xffff;
	v7 =	vadd.f32 v8, v7;
	v8 =	vmul.f32 v60, v60;
	v9 =	vadd.f32 v16, v9  }
0x433: {  	v28 =	vor.u32 $0xB, v6;
	v30 =	vor.u32 $0x3E, v5;
	v10 =	vld.idx.msk [tilespmem:v10+s23+$0x0], $0xffff  }
0x434: {  	v32 =	vld.idx.msk [tilespmem:v24+s14+$0x0], $0xffff;
	v7 =	vadd.f32 v8, v7;
	v8 =	vmul.f32 v63, v63;
	v9 =	vadd.f32 v17, v9  }
0x435: {  	v5 =	vor.u32 $0x3F, v5;
	v31 =	vor.u32 $0xC, v6;
	v13 =	vld.idx.msk [tilespmem:v62+s23+$0x0], $0xffff  }
0x436: {  	v14 =	vld.idx.msk [tilespmem:v25+s23+$0x0], $0xffff;
	v7 =	vadd.f32 v8, v7;
	v8 =	vmul.f32 v26, v26;
	v9 =	vadd.f32 v11, v9  }
0x437: {  	v33 =	vor.u32 $0xD, v6;
	v11 =	vld.idx.msk [tilespmem:v27+s14+$0x0], $0xffff  }
0x438: {  	v12 =	vld.idx.msk [tilespmem:v28+s23+$0x0], $0xffff;
	v7 =	vadd.f32 v8, v7;
	v8 =	vmul.f32 v29, v29;
	v9 =	vadd.f32 v10, v9  }
0x439: {  	v34 =	vor.u32 $0xE, v6;
	v10 =	vld.idx.msk [tilespmem:v30+s14+$0x0], $0xffff  }
0x43a: {  	v5 =	vld.idx.msk [tilespmem:v5+s14+$0x0], $0xffff;
	v7 =	vadd.f32 v8, v7;
	v8 =	vmul.f32 v32, v32;
	v9 =	vadd.f32 v13, v9  }
0x43b: {  	v6 =	vor.u32 $0xF, v6;
	v17 =	vld.idx.msk [tilespmem:v31+s23+$0x0], $0xffff  }
0x43c: {  	v7 =	vadd.f32 v8, v7;
	v8 =	vmul.f32 v11, v11;
	v9 =	vadd.f32 v14, v9  }
0x43d: {  	v11 =	vld.idx.msk [tilespmem:v33+s23+$0x0], $0xffff  }
0x43e: {  	v7 =	vadd.f32 v8, v7;
	v8 =	vmul.f32 v10, v10;
	v9 =	vadd.f32 v12, v9  }
0x43f: {  	v10 =	vld.idx.msk [tilespmem:v34+s23+$0x0], $0xffff  }
0x440: {  	s29 =	simm.s32 $0x1B600;
	v5 =	vmul.f32 v5, v5;
	v6 =	vld.idx.msk [tilespmem:v6+s23+$0x0], $0xffff;
	v7 =	vadd.f32 v8, v7;
	v8 =	vadd.f32 v17, v9  }
0x441: {  	v9 =	vld [tilespmem:s29+$0x0]  }
0x442: {  	v5 =	vadd.f32 v5, v7;
	v7 =	vadd.f32 v11, v8;
	_ =	sdelay $0x1  }
0x443: {  	v7 =	vadd.f32 v10, v7;
	v5 =	vmul.f32 $5.000000000e-01, v5  }
0x444: {  	v8 =	vld [tilespmem:$0x1C270]  }
0x445: {  	s30 =	simm.s32 $0x10;
	v7 =	vadd.f32 v6, v7;
	v9 =	vadd.f32 v9, v5  }
0x446: {  	v6 =	vor.u32 s30, v0  }
0x447: {  	v5 =	vshll.u32 v6, $0x6;
	v7 =	vadd.f32 v9, v7  }
0x448: {  	v9 =	vor.u32 $0x1, v5  }
0x449: {  	v7 =	vadd.f32 v7, v8  }
0x44a: {  	s24 =	simm.s32 $0x1C280;
	v8 =	vor.u32 $0x2, v5  }
0x44b: {  	[tilespmem:s24+$0x0] =	vst v7  }
0x44c: {  	v10 =	vor.u32 $0x3, v5;
	v7 =	vld.idx.msk [tilespmem:v5+s14+$0x0], $0xffff  }
0x44d: {  	v9 =	vld.idx.msk [tilespmem:v9+s14+$0x0], $0xffff  }
0x44e: {  	v11 =	vor.u32 $0x4, v5  }
0x44f: {  	v8 =	vld.idx.msk [tilespmem:v8+s14+$0x0], $0xffff  }
0x450: {  	v35 =	vor.u32 $0x5, v5  }
0x451: {  	v10 =	vld.idx.msk [tilespmem:v10+s14+$0x0], $0xffff  }
0x452: {  	v36 =	vor.u32 $0x6, v5;
	v7 =	vmul.f32 v7, v7;
	v9 =	vmul.f32 v9, v9  }
0x453: {  	v11 =	vld.idx.msk [tilespmem:v11+s14+$0x0], $0xffff  }
0x454: {  	v37 =	vor.u32 $0x7, v5;
	v7 =	vadd.f32 v9, v7;
	v8 =	vmul.f32 v8, v8  }
0x455: {  	v9 =	vld.idx.msk [tilespmem:v35+s14+$0x0], $0xffff  }
0x456: {  	v38 =	vor.u32 $0x8, v5;
	v7 =	vadd.f32 v8, v7;
	v8 =	vmul.f32 v10, v10  }
0x457: {  	v10 =	vld.idx.msk [tilespmem:v36+s14+$0x0], $0xffff  }
0x458: {  	v39 =	vor.u32 $0x9, v5;
	v7 =	vadd.f32 v8, v7;
	v8 =	vmul.f32 v11, v11  }
0x459: {  	v11 =	vld.idx.msk [tilespmem:v37+s14+$0x0], $0xffff  }
0x45a: {  	v40 =	vor.u32 $0xA, v5;
	v7 =	vadd.f32 v8, v7;
	v8 =	vmul.f32 v9, v9  }
0x45b: {  	v9 =	vld.idx.msk [tilespmem:v38+s14+$0x0], $0xffff  }
0x45c: {  	v41 =	vor.u32 $0xB, v5;
	v7 =	vadd.f32 v8, v7;
	v8 =	vmul.f32 v10, v10  }
0x45d: {  	v10 =	vld.idx.msk [tilespmem:v39+s14+$0x0], $0xffff  }
0x45e: {  	v42 =	vor.u32 $0xC, v5;
	v7 =	vadd.f32 v8, v7;
	v8 =	vmul.f32 v11, v11  }
0x45f: {  	v11 =	vld.idx.msk [tilespmem:v40+s14+$0x0], $0xffff  }
0x460: {  	v43 =	vor.u32 $0xD, v5;
	v7 =	vadd.f32 v8, v7;
	v8 =	vmul.f32 v9, v9  }
0x461: {  	v9 =	vld.idx.msk [tilespmem:v41+s14+$0x0], $0xffff  }
0x462: {  	v44 =	vor.u32 $0xE, v5;
	v7 =	vadd.f32 v8, v7;
	v8 =	vmul.f32 v10, v10  }
0x463: {  	v10 =	vld.idx.msk [tilespmem:v42+s14+$0x0], $0xffff  }
0x464: {  	v45 =	vor.u32 $0xF, v5;
	v7 =	vadd.f32 v8, v7;
	v8 =	vmul.f32 v11, v11  }
0x465: {  	v11 =	vld.idx.msk [tilespmem:v43+s14+$0x0], $0xffff  }
0x466: {  	v46 =	vor.u32 $0x10, v5;
	v7 =	vadd.f32 v8, v7;
	v8 =	vmul.f32 v9, v9  }
0x467: {  	v9 =	vld.idx.msk [tilespmem:v44+s14+$0x0], $0xffff  }
0x468: {  	v47 =	vor.u32 $0x11, v5;
	v7 =	vadd.f32 v8, v7;
	v8 =	vmul.f32 v10, v10  }
0x469: {  	v10 =	vld.idx.msk [tilespmem:v45+s14+$0x0], $0xffff  }
0x46a: {  	v48 =	vor.u32 $0x12, v5;
	v7 =	vadd.f32 v8, v7;
	v8 =	vmul.f32 v11, v11  }
0x46b: {  	v11 =	vld.idx.msk [tilespmem:v46+s14+$0x0], $0xffff  }
0x46c: {  	v49 =	vor.u32 $0x13, v5;
	v7 =	vadd.f32 v8, v7;
	v8 =	vmul.f32 v9, v9  }
0x46d: {  	v9 =	vld.idx.msk [tilespmem:v47+s14+$0x0], $0xffff  }
0x46e: {  	v50 =	vor.u32 $0x14, v5;
	v7 =	vadd.f32 v8, v7;
	v8 =	vmul.f32 v10, v10  }
0x46f: {  	v10 =	vld.idx.msk [tilespmem:v48+s14+$0x0], $0xffff  }
0x470: {  	v51 =	vor.u32 $0x15, v5;
	v7 =	vadd.f32 v8, v7;
	v8 =	vmul.f32 v11, v11  }
0x471: {  	v11 =	vld.idx.msk [tilespmem:v49+s14+$0x0], $0xffff  }
0x472: {  	v52 =	vor.u32 $0x16, v5;
	v7 =	vadd.f32 v8, v7;
	v8 =	vmul.f32 v9, v9  }
0x473: {  	v9 =	vld.idx.msk [tilespmem:v50+s14+$0x0], $0xffff  }
0x474: {  	v53 =	vor.u32 $0x17, v5;
	v7 =	vadd.f32 v8, v7;
	v8 =	vmul.f32 v10, v10  }
0x475: {  	v10 =	vld.idx.msk [tilespmem:v51+s14+$0x0], $0xffff  }
0x476: {  	v54 =	vor.u32 $0x18, v5;
	v7 =	vadd.f32 v8, v7;
	v8 =	vmul.f32 v11, v11  }
0x477: {  	v11 =	vld.idx.msk [tilespmem:v52+s14+$0x0], $0xffff  }
0x478: {  	v55 =	vor.u32 $0x19, v5;
	v7 =	vadd.f32 v8, v7;
	v8 =	vmul.f32 v9, v9  }
0x479: {  	v9 =	vld.idx.msk [tilespmem:v53+s14+$0x0], $0xffff  }
0x47a: {  	v56 =	vor.u32 $0x1A, v5;
	v7 =	vadd.f32 v8, v7;
	v8 =	vmul.f32 v10, v10  }
0x47b: {  	v10 =	vld.idx.msk [tilespmem:v54+s14+$0x0], $0xffff  }
0x47c: {  	v57 =	vor.u32 $0x1B, v5;
	v7 =	vadd.f32 v8, v7;
	v8 =	vmul.f32 v11, v11  }
0x47d: {  	v11 =	vld.idx.msk [tilespmem:v55+s14+$0x0], $0xffff  }
0x47e: {  	v58 =	vor.u32 $0x1C, v5;
	v7 =	vadd.f32 v8, v7;
	v8 =	vmul.f32 v9, v9  }
0x47f: {  	v9 =	vld.idx.msk [tilespmem:v56+s14+$0x0], $0xffff  }
0x480: {  	v59 =	vor.u32 $0x1D, v5;
	v7 =	vadd.f32 v8, v7;
	v8 =	vmul.f32 v10, v10  }
0x481: {  	v10 =	vld.idx.msk [tilespmem:v57+s14+$0x0], $0xffff  }
0x482: {  	v60 =	vor.u32 $0x1E, v5;
	v7 =	vadd.f32 v8, v7;
	v8 =	vmul.f32 v11, v11  }
0x483: {  	v11 =	vld.idx.msk [tilespmem:v58+s14+$0x0], $0xffff  }
0x484: {  	v61 =	vor.u32 $0x1F, v5;
	v7 =	vadd.f32 v8, v7;
	v8 =	vmul.f32 v9, v9  }
0x485: {  	v9 =	vld.idx.msk [tilespmem:v59+s14+$0x0], $0xffff  }
0x486: {  	v62 =	vor.u32 $0x20, v5;
	v7 =	vadd.f32 v8, v7;
	v8 =	vmul.f32 v10, v10  }
0x487: {  	v10 =	vld.idx.msk [tilespmem:v60+s14+$0x0], $0xffff  }
0x488: {  	v63 =	vor.u32 $0x21, v5;
	v7 =	vadd.f32 v8, v7;
	v8 =	vmul.f32 v11, v11  }
0x489: {  	v11 =	vld.idx.msk [tilespmem:v61+s14+$0x0], $0xffff  }
0x48a: {  	v16 =	vor.u32 $0x22, v5;
	v7 =	vadd.f32 v8, v7;
	v8 =	vmul.f32 v9, v9  }
0x48b: {  	v9 =	vld.idx.msk [tilespmem:v62+s14+$0x0], $0xffff  }
0x48c: {  	v17 =	vor.u32 $0x23, v5;
	v7 =	vadd.f32 v8, v7;
	v8 =	vmul.f32 v10, v10  }
0x48d: {  	v10 =	vld.idx.msk [tilespmem:v63+s14+$0x0], $0xffff  }
0x48e: {  	v18 =	vor.u32 $0x24, v5;
	v7 =	vadd.f32 v8, v7;
	v8 =	vmul.f32 v11, v11  }
0x48f: {  	v11 =	vld.idx.msk [tilespmem:v16+s14+$0x0], $0xffff  }
0x490: {  	v19 =	vor.u32 $0x25, v5;
	v7 =	vadd.f32 v8, v7;
	v8 =	vmul.f32 v9, v9  }
0x491: {  	v9 =	vld.idx.msk [tilespmem:v17+s14+$0x0], $0xffff  }
0x492: {  	v20 =	vor.u32 $0x26, v5;
	v7 =	vadd.f32 v8, v7;
	v8 =	vmul.f32 v10, v10  }
0x493: {  	v10 =	vld.idx.msk [tilespmem:v18+s14+$0x0], $0xffff  }
0x494: {  	v21 =	vor.u32 $0x27, v5;
	v7 =	vadd.f32 v8, v7;
	v8 =	vmul.f32 v11, v11  }
0x495: {  	v11 =	vld.idx.msk [tilespmem:v19+s14+$0x0], $0xffff  }
0x496: {  	v22 =	vor.u32 $0x28, v5;
	v7 =	vadd.f32 v8, v7;
	v8 =	vmul.f32 v9, v9  }
0x497: {  	v9 =	vld.idx.msk [tilespmem:v20+s14+$0x0], $0xffff  }
0x498: {  	v23 =	vor.u32 $0x29, v5;
	v7 =	vadd.f32 v8, v7;
	v8 =	vmul.f32 v10, v10  }
0x499: {  	v10 =	vld.idx.msk [tilespmem:v21+s14+$0x0], $0xffff  }
0x49a: {  	v24 =	vor.u32 $0x2A, v5;
	v7 =	vadd.f32 v8, v7;
	v8 =	vmul.f32 v11, v11  }
0x49b: {  	v11 =	vld.idx.msk [tilespmem:v22+s14+$0x0], $0xffff  }
0x49c: {  	v25 =	vor.u32 $0x2B, v5;
	v7 =	vadd.f32 v8, v7;
	v8 =	vmul.f32 v9, v9  }
0x49d: {  	v9 =	vld.idx.msk [tilespmem:v23+s14+$0x0], $0xffff  }
0x49e: {  	v26 =	vor.u32 $0x2C, v5;
	v7 =	vadd.f32 v8, v7;
	v8 =	vmul.f32 v10, v10  }
0x49f: {  	v10 =	vld.idx.msk [tilespmem:v24+s14+$0x0], $0xffff  }
0x4a0: {  	v27 =	vor.u32 $0x2D, v5;
	v7 =	vadd.f32 v8, v7;
	v8 =	vmul.f32 v11, v11  }
0x4a1: {  	v11 =	vld.idx.msk [tilespmem:v25+s14+$0x0], $0xffff  }
0x4a2: {  	v28 =	vor.u32 $0x2E, v5;
	v7 =	vadd.f32 v8, v7;
	v8 =	vmul.f32 v9, v9  }
0x4a3: {  	v9 =	vld.idx.msk [tilespmem:v26+s14+$0x0], $0xffff  }
0x4a4: {  	v29 =	vor.u32 $0x2F, v5;
	v7 =	vadd.f32 v8, v7;
	v8 =	vmul.f32 v10, v10  }
0x4a5: {  	v10 =	vld.idx.msk [tilespmem:v27+s14+$0x0], $0xffff  }
0x4a6: {  	v30 =	vor.u32 $0x30, v5;
	v7 =	vadd.f32 v8, v7;
	v8 =	vmul.f32 v11, v11  }
0x4a7: {  	v11 =	vld.idx.msk [tilespmem:v28+s14+$0x0], $0xffff  }
0x4a8: {  	v31 =	vor.u32 $0x31, v5;
	v7 =	vadd.f32 v8, v7;
	v8 =	vmul.f32 v9, v9  }
0x4a9: {  	v9 =	vld.idx.msk [tilespmem:v29+s14+$0x0], $0xffff  }
0x4aa: {  	v32 =	vor.u32 $0x32, v5;
	v7 =	vadd.f32 v8, v7;
	v8 =	vmul.f32 v10, v10  }
0x4ab: {  	v6 =	vshll.u32 v6, $0x4;
	v10 =	vld.idx.msk [tilespmem:v30+s14+$0x0], $0xffff  }
0x4ac: {  	v33 =	vor.u32 $0x33, v5;
	v7 =	vadd.f32 v8, v7;
	v8 =	vmul.f32 v11, v11  }
0x4ad: {  	v34 =	vor.u32 $0x1, v6;
	v11 =	vld.idx.msk [tilespmem:v31+s14+$0x0], $0xffff  }
0x4ae: {  	v35 =	vor.u32 $0x34, v5;
	v7 =	vadd.f32 v8, v7;
	v8 =	vmul.f32 v9, v9  }
0x4af: {  	v36 =	vor.u32 $0x2, v6;
	v9 =	vld.idx.msk [tilespmem:v32+s14+$0x0], $0xffff  }
0x4b0: {  	v37 =	vor.u32 $0x35, v5;
	v38 =	vld.idx.msk [tilespmem:v6+s23+$0x0], $0xffff;
	v7 =	vadd.f32 v8, v7;
	v8 =	vmul.f32 v10, v10  }
0x4b1: {  	v39 =	vor.u32 $0x3, v6;
	v10 =	vld.idx.msk [tilespmem:v33+s14+$0x0], $0xffff  }
0x4b2: {  	v14 =	vld.idx.msk [tilespmem:v34+s23+$0x0], $0xffff;
	v40 =	vor.u32 $0x36, v5;
	v7 =	vadd.f32 v8, v7;
	v8 =	vmul.f32 v11, v11  }
0x4b3: {  	v41 =	vor.u32 $0x4, v6;
	v11 =	vld.idx.msk [tilespmem:v35+s14+$0x0], $0xffff  }
0x4b4: {  	v12 =	vld.idx.msk [tilespmem:v36+s23+$0x0], $0xffff;
	v42 =	vor.u32 $0x37, v5;
	v7 =	vadd.f32 v8, v7;
	v8 =	vmul.f32 v9, v9  }
0x4b5: {  	v43 =	vor.u32 $0x5, v6;
	v44 =	vor.u32 $0x38, v5;
	v9 =	vld.idx.msk [tilespmem:v37+s14+$0x0], $0xffff  }
0x4b6: {  	v13 =	vld.idx.msk [tilespmem:v39+s23+$0x0], $0xffff;
	v7 =	vadd.f32 v8, v7;
	v8 =	vmul.f32 v10, v10;
	v10 =	vadd.f32 $0.0e+00, v38  }
0x4b7: {  	v45 =	vor.u32 $0x6, v6;
	v46 =	vor.u32 $0x39, v5;
	v18 =	vld.idx.msk [tilespmem:v40+s14+$0x0], $0xffff  }
0x4b8: {  	v15 =	vld.idx.msk [tilespmem:v41+s23+$0x0], $0xffff;
	v7 =	vadd.f32 v8, v7;
	v8 =	vmul.f32 v11, v11;
	v10 =	vadd.f32 v14, v10  }
0x4b9: {  	v47 =	vld.idx.msk [tilespmem:v42+s14+$0x0], $0xffff;
	v48 =	vor.u32 $0x3A, v5;
	v11 =	vor.u32 $0x7, v6  }
0x4ba: {  	v49 =	vld.idx.msk [tilespmem:v44+s14+$0x0], $0xffff;
	v7 =	vadd.f32 v8, v7;
	v8 =	vmul.f32 v9, v9;
	v9 =	vadd.f32 v12, v10  }
0x4bb: {  	v50 =	vor.u32 $0x3B, v5;
	v16 =	vld.idx.msk [tilespmem:v43+s23+$0x0], $0xffff;
	v10 =	vor.u32 $0x8, v6  }
0x4bc: {  	v52 =	vld.idx.msk [tilespmem:v46+s14+$0x0], $0xffff;
	v7 =	vadd.f32 v8, v7;
	v8 =	vmul.f32 v18, v18;
	v9 =	vadd.f32 v13, v9  }
0x4bd: {  	v51 =	vor.u32 $0x9, v6;
	v53 =	vor.u32 $0x3C, v5;
	v17 =	vld.idx.msk [tilespmem:v45+s23+$0x0], $0xffff  }
0x4be: {  	v55 =	vld.idx.msk [tilespmem:v48+s14+$0x0], $0xffff;
	v7 =	vadd.f32 v8, v7;
	v8 =	vmul.f32 v47, v47;
	v9 =	vadd.f32 v15, v9  }
0x4bf: {  	v54 =	vor.u32 $0xA, v6;
	v56 =	vor.u32 $0x3D, v5;
	v11 =	vld.idx.msk [tilespmem:v11+s23+$0x0], $0xffff  }
0x4c0: {  	v58 =	vld.idx.msk [tilespmem:v50+s14+$0x0], $0xffff;
	v7 =	vadd.f32 v8, v7;
	v8 =	vmul.f32 v49, v49;
	v9 =	vadd.f32 v16, v9  }
0x4c1: {  	v57 =	vor.u32 $0xB, v6;
	v59 =	vor.u32 $0x3E, v5;
	v10 =	vld.idx.msk [tilespmem:v10+s23+$0x0], $0xffff  }
0x4c2: {  	v61 =	vld.idx.msk [tilespmem:v53+s14+$0x0], $0xffff;
	v7 =	vadd.f32 v8, v7;
	v8 =	vmul.f32 v52, v52;
	v9 =	vadd.f32 v17, v9  }
0x4c3: {  	v5 =	vor.u32 $0x3F, v5;
	v60 =	vor.u32 $0xC, v6;
	v13 =	vld.idx.msk [tilespmem:v51+s23+$0x0], $0xffff  }
0x4c4: {  	v14 =	vld.idx.msk [tilespmem:v54+s23+$0x0], $0xffff;
	v7 =	vadd.f32 v8, v7;
	v8 =	vmul.f32 v55, v55;
	v9 =	vadd.f32 v11, v9  }
0x4c5: {  	v62 =	vor.u32 $0xD, v6;
	v11 =	vld.idx.msk [tilespmem:v56+s14+$0x0], $0xffff  }
0x4c6: {  	v12 =	vld.idx.msk [tilespmem:v57+s23+$0x0], $0xffff;
	v7 =	vadd.f32 v8, v7;
	v8 =	vmul.f32 v58, v58;
	v9 =	vadd.f32 v10, v9  }
0x4c7: {  	v63 =	vor.u32 $0xE, v6;
	v10 =	vld.idx.msk [tilespmem:v59+s14+$0x0], $0xffff  }
0x4c8: {  	v5 =	vld.idx.msk [tilespmem:v5+s14+$0x0], $0xffff;
	v7 =	vadd.f32 v8, v7;
	v8 =	vmul.f32 v61, v61;
	v9 =	vadd.f32 v13, v9  }
0x4c9: {  	v6 =	vor.u32 $0xF, v6;
	v17 =	vld.idx.msk [tilespmem:v60+s23+$0x0], $0xffff  }
0x4ca: {  	v7 =	vadd.f32 v8, v7;
	v8 =	vmul.f32 v11, v11;
	v9 =	vadd.f32 v14, v9  }
0x4cb: {  	v11 =	vld.idx.msk [tilespmem:v62+s23+$0x0], $0xffff  }
0x4cc: {  	v7 =	vadd.f32 v8, v7;
	v8 =	vmul.f32 v10, v10;
	v9 =	vadd.f32 v12, v9  }
0x4cd: {  	v10 =	vld.idx.msk [tilespmem:v63+s23+$0x0], $0xffff  }
0x4ce: {  	s25 =	simm.s32 $0x1B610;
	v5 =	vmul.f32 v5, v5;
	v6 =	vld.idx.msk [tilespmem:v6+s23+$0x0], $0xffff;
	v7 =	vadd.f32 v8, v7;
	v8 =	vadd.f32 v17, v9  }
0x4cf: {  	v9 =	vld [tilespmem:s25+$0x0]  }
0x4d0: {  	v5 =	vadd.f32 v5, v7;
	v7 =	vadd.f32 v11, v8;
	_ =	sdelay $0x1  }
0x4d1: {  	v8 =	vadd.f32 v10, v7;
	v5 =	vmul.f32 $5.000000000e-01, v5  }
0x4d2: {  	v7 =	vld [tilespmem:$0x1C270]  }
0x4d3: {  	s31 =	simm.s32 $0x20;
	v8 =	vadd.f32 v6, v8;
	v9 =	vadd.f32 v9, v5  }
0x4d4: {  	s26 =	simm.s32 $0x30;
	v5 =	vor.u32 s31, v0  }
.LBB2_41:
0x4d5: {  	p1 =	sne.s32 s26, $0xF0;
	v6 =	vshll.u32 v5, $0x6;
	v8 =	vadd.f32 v9, v8  }
0x4d6: {  	v9 =	vor.u32 $0x1, v6  }
0x4d7: {  	v7 =	vadd.f32 v8, v7  }
0x4d8: {  	s24 =	sadd.s32 $0x10, s24;
	v8 =	vor.u32 $0x2, v6  }
0x4d9: {  	[tilespmem:s24+$0x0] =	vst v7  }
0x4da: {  	v10 =	vor.u32 $0x3, v6;
	v7 =	vld.idx.msk [tilespmem:v6+s14+$0x0], $0xffff  }
0x4db: {  	v9 =	vld.idx.msk [tilespmem:v9+s14+$0x0], $0xffff  }
0x4dc: {  	v11 =	vor.u32 $0x4, v6  }
0x4dd: {  	v8 =	vld.idx.msk [tilespmem:v8+s14+$0x0], $0xffff  }
0x4de: {  	v12 =	vor.u32 $0x5, v6  }
0x4df: {  	v10 =	vld.idx.msk [tilespmem:v10+s14+$0x0], $0xffff  }
0x4e0: {  	v13 =	vor.u32 $0x6, v6  }
0x4e1: {  	v7 =	vmul.f32 v7, v7;
	v9 =	vmul.f32 v9, v9;
	v11 =	vld.idx.msk [tilespmem:v11+s14+$0x0], $0xffff  }
0x4e2: {  	v14 =	vor.u32 $0x7, v6  }
0x4e3: {  	v7 =	vadd.f32 v9, v7;
	v8 =	vmul.f32 v8, v8;
	v9 =	vld.idx.msk [tilespmem:v12+s14+$0x0], $0xffff  }
0x4e4: {  	v12 =	vor.u32 $0x8, v6  }
0x4e5: {  	v7 =	vadd.f32 v8, v7;
	v8 =	vmul.f32 v10, v10;
	v10 =	vld.idx.msk [tilespmem:v13+s14+$0x0], $0xffff  }
0x4e6: {  	v13 =	vor.u32 $0x9, v6  }
0x4e7: {  	v7 =	vadd.f32 v8, v7;
	v8 =	vmul.f32 v11, v11;
	v11 =	vld.idx.msk [tilespmem:v14+s14+$0x0], $0xffff  }
0x4e8: {  	v14 =	vor.u32 $0xA, v6  }
0x4e9: {  	v7 =	vadd.f32 v8, v7;
	v8 =	vmul.f32 v9, v9;
	v9 =	vld.idx.msk [tilespmem:v12+s14+$0x0], $0xffff  }
0x4ea: {  	v12 =	vor.u32 $0xB, v6  }
0x4eb: {  	v7 =	vadd.f32 v8, v7;
	v8 =	vmul.f32 v10, v10;
	v10 =	vld.idx.msk [tilespmem:v13+s14+$0x0], $0xffff  }
0x4ec: {  	v13 =	vor.u32 $0xC, v6  }
0x4ed: {  	v7 =	vadd.f32 v8, v7;
	v8 =	vmul.f32 v11, v11;
	v11 =	vld.idx.msk [tilespmem:v14+s14+$0x0], $0xffff  }
0x4ee: {  	v14 =	vor.u32 $0xD, v6  }
0x4ef: {  	v7 =	vadd.f32 v8, v7;
	v8 =	vmul.f32 v9, v9;
	v9 =	vld.idx.msk [tilespmem:v12+s14+$0x0], $0xffff  }
0x4f0: {  	v12 =	vor.u32 $0xE, v6  }
0x4f1: {  	v7 =	vadd.f32 v8, v7;
	v8 =	vmul.f32 v10, v10;
	v10 =	vld.idx.msk [tilespmem:v13+s14+$0x0], $0xffff  }
0x4f2: {  	v13 =	vor.u32 $0xF, v6  }
0x4f3: {  	v7 =	vadd.f32 v8, v7;
	v8 =	vmul.f32 v11, v11;
	v11 =	vld.idx.msk [tilespmem:v14+s14+$0x0], $0xffff  }
0x4f4: {  	v14 =	vor.u32 $0x10, v6  }
0x4f5: {  	v7 =	vadd.f32 v8, v7;
	v8 =	vmul.f32 v9, v9;
	v9 =	vld.idx.msk [tilespmem:v12+s14+$0x0], $0xffff  }
0x4f6: {  	v12 =	vor.u32 $0x11, v6  }
0x4f7: {  	v7 =	vadd.f32 v8, v7;
	v8 =	vmul.f32 v10, v10;
	v10 =	vld.idx.msk [tilespmem:v13+s14+$0x0], $0xffff  }
0x4f8: {  	v13 =	vor.u32 $0x12, v6  }
0x4f9: {  	v7 =	vadd.f32 v8, v7;
	v8 =	vmul.f32 v11, v11;
	v11 =	vld.idx.msk [tilespmem:v14+s14+$0x0], $0xffff  }
0x4fa: {  	v14 =	vor.u32 $0x13, v6  }
0x4fb: {  	v7 =	vadd.f32 v8, v7;
	v8 =	vmul.f32 v9, v9;
	v9 =	vld.idx.msk [tilespmem:v12+s14+$0x0], $0xffff  }
0x4fc: {  	v12 =	vor.u32 $0x14, v6  }
0x4fd: {  	v7 =	vadd.f32 v8, v7;
	v8 =	vmul.f32 v10, v10;
	v10 =	vld.idx.msk [tilespmem:v13+s14+$0x0], $0xffff  }
0x4fe: {  	v13 =	vor.u32 $0x15, v6  }
0x4ff: {  	v7 =	vadd.f32 v8, v7;
	v8 =	vmul.f32 v11, v11;
	v11 =	vld.idx.msk [tilespmem:v14+s14+$0x0], $0xffff  }
0x500: {  	v14 =	vor.u32 $0x16, v6  }
0x501: {  	v7 =	vadd.f32 v8, v7;
	v8 =	vmul.f32 v9, v9;
	v9 =	vld.idx.msk [tilespmem:v12+s14+$0x0], $0xffff  }
0x502: {  	v12 =	vor.u32 $0x17, v6  }
0x503: {  	v7 =	vadd.f32 v8, v7;
	v8 =	vmul.f32 v10, v10;
	v10 =	vld.idx.msk [tilespmem:v13+s14+$0x0], $0xffff  }
0x504: {  	v13 =	vor.u32 $0x18, v6  }
0x505: {  	v7 =	vadd.f32 v8, v7;
	v8 =	vmul.f32 v11, v11;
	v11 =	vld.idx.msk [tilespmem:v14+s14+$0x0], $0xffff  }
0x506: {  	v14 =	vor.u32 $0x19, v6  }
0x507: {  	v7 =	vadd.f32 v8, v7;
	v8 =	vmul.f32 v9, v9;
	v9 =	vld.idx.msk [tilespmem:v12+s14+$0x0], $0xffff  }
0x508: {  	v12 =	vor.u32 $0x1A, v6  }
0x509: {  	v7 =	vadd.f32 v8, v7;
	v8 =	vmul.f32 v10, v10;
	v10 =	vld.idx.msk [tilespmem:v13+s14+$0x0], $0xffff  }
0x50a: {  	v13 =	vor.u32 $0x1B, v6  }
0x50b: {  	v7 =	vadd.f32 v8, v7;
	v8 =	vmul.f32 v11, v11;
	v11 =	vld.idx.msk [tilespmem:v14+s14+$0x0], $0xffff  }
0x50c: {  	v14 =	vor.u32 $0x1C, v6  }
0x50d: {  	v7 =	vadd.f32 v8, v7;
	v8 =	vmul.f32 v9, v9;
	v9 =	vld.idx.msk [tilespmem:v12+s14+$0x0], $0xffff  }
0x50e: {  	v12 =	vor.u32 $0x1D, v6  }
0x50f: {  	v7 =	vadd.f32 v8, v7;
	v8 =	vmul.f32 v10, v10;
	v10 =	vld.idx.msk [tilespmem:v13+s14+$0x0], $0xffff  }
0x510: {  	v13 =	vor.u32 $0x1E, v6  }
0x511: {  	v7 =	vadd.f32 v8, v7;
	v8 =	vmul.f32 v11, v11;
	v11 =	vld.idx.msk [tilespmem:v14+s14+$0x0], $0xffff  }
0x512: {  	v14 =	vor.u32 $0x1F, v6  }
0x513: {  	v7 =	vadd.f32 v8, v7;
	v8 =	vmul.f32 v9, v9;
	v9 =	vld.idx.msk [tilespmem:v12+s14+$0x0], $0xffff  }
0x514: {  	v12 =	vor.u32 $0x20, v6  }
0x515: {  	v7 =	vadd.f32 v8, v7;
	v8 =	vmul.f32 v10, v10;
	v10 =	vld.idx.msk [tilespmem:v13+s14+$0x0], $0xffff  }
0x516: {  	v13 =	vor.u32 $0x21, v6  }
0x517: {  	v7 =	vadd.f32 v8, v7;
	v8 =	vmul.f32 v11, v11;
	v11 =	vld.idx.msk [tilespmem:v14+s14+$0x0], $0xffff  }
0x518: {  	v14 =	vor.u32 $0x22, v6  }
0x519: {  	v7 =	vadd.f32 v8, v7;
	v8 =	vmul.f32 v9, v9;
	v9 =	vld.idx.msk [tilespmem:v12+s14+$0x0], $0xffff  }
0x51a: {  	v12 =	vor.u32 $0x23, v6  }
0x51b: {  	v7 =	vadd.f32 v8, v7;
	v8 =	vmul.f32 v10, v10;
	v10 =	vld.idx.msk [tilespmem:v13+s14+$0x0], $0xffff  }
0x51c: {  	v13 =	vor.u32 $0x24, v6  }
0x51d: {  	v7 =	vadd.f32 v8, v7;
	v8 =	vmul.f32 v11, v11;
	v11 =	vld.idx.msk [tilespmem:v14+s14+$0x0], $0xffff  }
0x51e: {  	v14 =	vor.u32 $0x25, v6  }
0x51f: {  	v7 =	vadd.f32 v8, v7;
	v8 =	vmul.f32 v9, v9;
	v9 =	vld.idx.msk [tilespmem:v12+s14+$0x0], $0xffff  }
0x520: {  	v12 =	vor.u32 $0x26, v6  }
0x521: {  	v7 =	vadd.f32 v8, v7;
	v8 =	vmul.f32 v10, v10;
	v10 =	vld.idx.msk [tilespmem:v13+s14+$0x0], $0xffff  }
0x522: {  	v13 =	vor.u32 $0x27, v6  }
0x523: {  	v7 =	vadd.f32 v8, v7;
	v8 =	vmul.f32 v11, v11;
	v11 =	vld.idx.msk [tilespmem:v14+s14+$0x0], $0xffff  }
0x524: {  	v14 =	vor.u32 $0x28, v6  }
0x525: {  	v7 =	vadd.f32 v8, v7;
	v8 =	vmul.f32 v9, v9;
	v9 =	vld.idx.msk [tilespmem:v12+s14+$0x0], $0xffff  }
0x526: {  	v12 =	vor.u32 $0x29, v6  }
0x527: {  	v7 =	vadd.f32 v8, v7;
	v8 =	vmul.f32 v10, v10;
	v10 =	vld.idx.msk [tilespmem:v13+s14+$0x0], $0xffff  }
0x528: {  	v13 =	vor.u32 $0x2A, v6  }
0x529: {  	v7 =	vadd.f32 v8, v7;
	v8 =	vmul.f32 v11, v11;
	v11 =	vld.idx.msk [tilespmem:v14+s14+$0x0], $0xffff  }
0x52a: {  	v14 =	vor.u32 $0x2B, v6  }
0x52b: {  	v7 =	vadd.f32 v8, v7;
	v8 =	vmul.f32 v9, v9;
	v9 =	vld.idx.msk [tilespmem:v12+s14+$0x0], $0xffff  }
0x52c: {  	v12 =	vor.u32 $0x2C, v6  }
0x52d: {  	v7 =	vadd.f32 v8, v7;
	v8 =	vmul.f32 v10, v10;
	v10 =	vld.idx.msk [tilespmem:v13+s14+$0x0], $0xffff  }
0x52e: {  	v13 =	vor.u32 $0x2D, v6  }
0x52f: {  	v7 =	vadd.f32 v8, v7;
	v8 =	vmul.f32 v11, v11;
	v11 =	vld.idx.msk [tilespmem:v14+s14+$0x0], $0xffff  }
0x530: {  	v14 =	vor.u32 $0x2E, v6  }
0x531: {  	v7 =	vadd.f32 v8, v7;
	v8 =	vmul.f32 v9, v9;
	v9 =	vld.idx.msk [tilespmem:v12+s14+$0x0], $0xffff  }
0x532: {  	v12 =	vor.u32 $0x2F, v6  }
0x533: {  	v7 =	vadd.f32 v8, v7;
	v8 =	vmul.f32 v10, v10;
	v10 =	vld.idx.msk [tilespmem:v13+s14+$0x0], $0xffff  }
0x534: {  	v13 =	vor.u32 $0x30, v6  }
0x535: {  	v7 =	vadd.f32 v8, v7;
	v8 =	vmul.f32 v11, v11;
	v11 =	vld.idx.msk [tilespmem:v14+s14+$0x0], $0xffff  }
0x536: {  	v14 =	vor.u32 $0x31, v6  }
0x537: {  	v7 =	vadd.f32 v8, v7;
	v8 =	vmul.f32 v9, v9;
	v9 =	vld.idx.msk [tilespmem:v12+s14+$0x0], $0xffff  }
0x538: {  	v12 =	vor.u32 $0x32, v6  }
0x539: {  	v5 =	vshll.u32 v5, $0x4;
	v7 =	vadd.f32 v8, v7;
	v8 =	vmul.f32 v10, v10;
	v10 =	vld.idx.msk [tilespmem:v13+s14+$0x0], $0xffff  }
0x53a: {  	v13 =	vor.u32 $0x33, v6  }
0x53b: {  	v7 =	vadd.f32 v8, v7;
	v8 =	vmul.f32 v11, v11;
	v11 =	vld.idx.msk [tilespmem:v14+s14+$0x0], $0xffff;
	v14 =	vor.u32 $0x1, v5  }
0x53c: {  	v15 =	vor.u32 $0x34, v6  }
0x53d: {  	v7 =	vadd.f32 v8, v7;
	v8 =	vmul.f32 v9, v9;
	v9 =	vld.idx.msk [tilespmem:v12+s14+$0x0], $0xffff;
	v12 =	vor.u32 $0x2, v5  }
0x53e: {  	v16 =	vor.u32 $0x35, v6;
	v17 =	vld.idx.msk [tilespmem:v5+s23+$0x0], $0xffff  }
0x53f: {  	v7 =	vadd.f32 v8, v7;
	v8 =	vmul.f32 v10, v10;
	v10 =	vld.idx.msk [tilespmem:v13+s14+$0x0], $0xffff;
	v13 =	vor.u32 $0x3, v5  }
0x540: {  	v18 =	vor.u32 $0x36, v6;
	v14 =	vld.idx.msk [tilespmem:v14+s23+$0x0], $0xffff  }
0x541: {  	v7 =	vadd.f32 v8, v7;
	v8 =	vmul.f32 v11, v11;
	v11 =	vld.idx.msk [tilespmem:v15+s14+$0x0], $0xffff;
	v15 =	vor.u32 $0x4, v5  }
0x542: {  	v19 =	vor.u32 $0x37, v6;
	v12 =	vld.idx.msk [tilespmem:v12+s23+$0x0], $0xffff  }
0x543: {  	v7 =	vadd.f32 v8, v7;
	v8 =	vmul.f32 v9, v9;
	v9 =	vld.idx.msk [tilespmem:v16+s14+$0x0], $0xffff;
	v16 =	vor.u32 $0x5, v5  }
0x544: {  	v20 =	vor.u32 $0x38, v6;
	v21 =	vor.u32 $0x6, v5;
	v13 =	vld.idx.msk [tilespmem:v13+s23+$0x0], $0xffff  }
0x545: {  	v17 =	vadd.f32 $0.0e+00, v17;
	v7 =	vadd.f32 v8, v7;
	v8 =	vmul.f32 v10, v10;
	v10 =	vld.idx.msk [tilespmem:v18+s14+$0x0], $0xffff  }
0x546: {  	v22 =	vor.u32 $0x7, v5;
	v18 =	vor.u32 $0x39, v6;
	v15 =	vld.idx.msk [tilespmem:v15+s23+$0x0], $0xffff  }
0x547: {  	v14 =	vadd.f32 v14, v17;
	v7 =	vadd.f32 v8, v7;
	v8 =	vmul.f32 v11, v11;
	v11 =	vld.idx.msk [tilespmem:v19+s14+$0x0], $0xffff  }
0x548: {  	v17 =	vor.u32 $0x3A, v6;
	v19 =	vor.u32 $0x8, v5;
	v16 =	vld.idx.msk [tilespmem:v16+s23+$0x0], $0xffff  }
0x549: {  	v12 =	vadd.f32 v12, v14;
	v7 =	vadd.f32 v8, v7;
	v8 =	vmul.f32 v9, v9;
	v9 =	vld.idx.msk [tilespmem:v20+s14+$0x0], $0xffff  }
0x54a: {  	v14 =	vor.u32 $0x3B, v6;
	v20 =	vld.idx.msk [tilespmem:v21+s23+$0x0], $0xffff;
	v21 =	vor.u32 $0x9, v5  }
0x54b: {  	v12 =	vadd.f32 v13, v12;
	v7 =	vadd.f32 v8, v7;
	v8 =	vmul.f32 v10, v10;
	v10 =	vld.idx.msk [tilespmem:v18+s14+$0x0], $0xffff  }
0x54c: {  	v13 =	vor.u32 $0x3C, v6;
	v18 =	vld.idx.msk [tilespmem:v22+s23+$0x0], $0xffff;
	v22 =	vor.u32 $0xA, v5  }
0x54d: {  	v12 =	vadd.f32 v15, v12;
	v7 =	vadd.f32 v8, v7;
	v8 =	vmul.f32 v11, v11;
	v11 =	vld.idx.msk [tilespmem:v17+s14+$0x0], $0xffff  }
0x54e: {  	v15 =	vor.u32 $0x3D, v6;
	v17 =	vld.idx.msk [tilespmem:v19+s23+$0x0], $0xffff;
	v19 =	vor.u32 $0xB, v5  }
0x54f: {  	v12 =	vadd.f32 v16, v12;
	v7 =	vadd.f32 v8, v7;
	v8 =	vmul.f32 v9, v9;
	v9 =	vld.idx.msk [tilespmem:v14+s14+$0x0], $0xffff  }
0x550: {  	v14 =	vor.u32 $0x3E, v6;
	v16 =	vld.idx.msk [tilespmem:v21+s23+$0x0], $0xffff;
	v21 =	vor.u32 $0xC, v5  }
0x551: {  	v12 =	vadd.f32 v20, v12;
	v7 =	vadd.f32 v8, v7;
	v8 =	vmul.f32 v10, v10;
	v10 =	vld.idx.msk [tilespmem:v13+s14+$0x0], $0xffff  }
0x552: {  	v6 =	vor.u32 $0x3F, v6;
	v13 =	vld.idx.msk [tilespmem:v22+s23+$0x0], $0xffff  }
0x553: {  	v12 =	vadd.f32 v18, v12;
	v7 =	vadd.f32 v8, v7;
	v8 =	vmul.f32 v11, v11;
	v11 =	vld.idx.msk [tilespmem:v15+s14+$0x0], $0xffff  }
0x554: {  	v18 =	vor.u32 $0xD, v5;
	v15 =	vld.idx.msk [tilespmem:v19+s23+$0x0], $0xffff  }
0x555: {  	v12 =	vadd.f32 v17, v12;
	v7 =	vadd.f32 v8, v7;
	v8 =	vmul.f32 v9, v9;
	v9 =	vld.idx.msk [tilespmem:v14+s14+$0x0], $0xffff  }
0x556: {  	v17 =	vor.u32 $0xE, v5;
	v14 =	vld.idx.msk [tilespmem:v21+s23+$0x0], $0xffff  }
0x557: {  	v7 =	vadd.f32 v8, v7;
	v8 =	vmul.f32 v10, v10;
	v10 =	vadd.f32 v16, v12;
	v6 =	vld.idx.msk [tilespmem:v6+s14+$0x0], $0xffff  }
0x558: {  	v5 =	vor.u32 $0xF, v5  }
0x559: {  	v7 =	vadd.f32 v8, v7;
	v8 =	vmul.f32 v11, v11;
	v10 =	vadd.f32 v13, v10;
	v11 =	vld.idx.msk [tilespmem:v18+s23+$0x0], $0xffff;
	_ =	sdelay $0x1  }
0x55a: {  	v7 =	vadd.f32 v8, v7;
	v8 =	vmul.f32 v9, v9;
	v9 =	vadd.f32 v15, v10;
	v10 =	vld.idx.msk [tilespmem:v17+s23+$0x0], $0xffff;
	_ =	sdelay $0x1  }
0x55b: {  	s25 =	sadd.s32 $0x10, s25;
	v7 =	vadd.f32 v8, v7;
	v6 =	vmul.f32 v6, v6;
	v8 =	vadd.f32 v14, v9;
	v5 =	vld.idx.msk [tilespmem:v5+s23+$0x0], $0xffff  }
0x55c: {  	v9 =	vld [tilespmem:s25+$0x0]  }
0x55d: {  	v6 =	vadd.f32 v6, v7;
	v7 =	vadd.f32 v11, v8  }
.Ltmp19:
0x55e: {  	(pc) =	sbr.rel @p1 .LBB2_41-.Ltmp19, $4  }
0x55f: {  	v8 =	vadd.f32 v10, v7;
	v6 =	vmul.f32 $5.000000000e-01, v6  }
0x560: {  	v7 =	vld [tilespmem:$0x1C270]  }
0x561: {  	v8 =	vadd.f32 v5, v8;
	v9 =	vadd.f32 v9, v6  }
0x562: {  	v5 =	vor.u32 s26, v0;
	s26 =	sadd.s32 $0x10, s26  }
0x563: {  	v6 =	vshll.u32 v5, $0x6;
	v8 =	vadd.f32 v9, v8  }
0x564: {  	v59 =	vor.u32 $0x1, v6  }
0x565: {  	v7 =	vadd.f32 v8, v7  }
0x566: {  	s24 =	sadd.s32 $0x10, s24;
	v60 =	vor.u32 $0x2, v6  }
0x567: {  	[tilespmem:s24+$0x0] =	vst v7  }
0x568: {  	v10 =	vor.u32 $0x3, v6;
	v7 =	vld.idx.msk [tilespmem:v6+s14+$0x0], $0xffff  }
0x569: {  	v9 =	vld.idx.msk [tilespmem:v59+s14+$0x0], $0xffff  }
0x56a: {  	v11 =	vor.u32 $0x4, v6  }
0x56b: {  	v8 =	vld.idx.msk [tilespmem:v60+s14+$0x0], $0xffff  }
0x56c: {  	v12 =	vor.u32 $0x5, v6  }
0x56d: {  	v10 =	vld.idx.msk [tilespmem:v10+s14+$0x0], $0xffff  }
0x56e: {  	v13 =	vor.u32 $0x6, v6;
	v7 =	vmul.f32 v7, v7;
	v9 =	vmul.f32 v9, v9  }
0x56f: {  	v11 =	vld.idx.msk [tilespmem:v11+s14+$0x0], $0xffff  }
0x570: {  	v14 =	vor.u32 $0x7, v6;
	v8 =	vmul.f32 v8, v8;
	v7 =	vadd.f32 v9, v7  }
0x571: {  	v61 =	vld.idx.msk [tilespmem:v12+s14+$0x0], $0xffff  }
0x572: {  	v62 =	vor.u32 $0x8, v6;
	v63 =	vmul.f32 v10, v10;
	v7 =	vadd.f32 v8, v7  }
0x573: {  	v16 =	vld.idx.msk [tilespmem:v13+s14+$0x0], $0xffff  }
0x574: {  	v17 =	vor.u32 $0x9, v6;
	v18 =	vmul.f32 v11, v11;
	v7 =	vadd.f32 v63, v7  }
0x575: {  	v19 =	vld.idx.msk [tilespmem:v14+s14+$0x0], $0xffff  }
0x576: {  	v20 =	vor.u32 $0xA, v6;
	v21 =	vmul.f32 v61, v61;
	v7 =	vadd.f32 v18, v7  }
0x577: {  	v22 =	vld.idx.msk [tilespmem:v62+s14+$0x0], $0xffff  }
0x578: {  	v23 =	vor.u32 $0xB, v6;
	v24 =	vmul.f32 v16, v16;
	v7 =	vadd.f32 v21, v7  }
0x579: {  	v25 =	vld.idx.msk [tilespmem:v17+s14+$0x0], $0xffff  }
0x57a: {  	v26 =	vor.u32 $0xC, v6;
	v27 =	vmul.f32 v19, v19;
	v7 =	vadd.f32 v24, v7  }
0x57b: {  	v28 =	vld.idx.msk [tilespmem:v20+s14+$0x0], $0xffff  }
0x57c: {  	v29 =	vor.u32 $0xD, v6;
	v30 =	vmul.f32 v22, v22;
	v7 =	vadd.f32 v27, v7  }
0x57d: {  	v31 =	vld.idx.msk [tilespmem:v23+s14+$0x0], $0xffff  }
0x57e: {  	v32 =	vor.u32 $0xE, v6;
	v33 =	vmul.f32 v25, v25;
	v7 =	vadd.f32 v30, v7  }
0x57f: {  	v34 =	vld.idx.msk [tilespmem:v26+s14+$0x0], $0xffff  }
0x580: {  	v35 =	vor.u32 $0xF, v6;
	v36 =	vmul.f32 v28, v28;
	v7 =	vadd.f32 v33, v7  }
0x581: {  	v37 =	vld.idx.msk [tilespmem:v29+s14+$0x0], $0xffff  }
0x582: {  	v38 =	vor.u32 $0x10, v6;
	v39 =	vmul.f32 v31, v31;
	v7 =	vadd.f32 v36, v7  }
0x583: {  	v40 =	vld.idx.msk [tilespmem:v32+s14+$0x0], $0xffff  }
0x584: {  	v41 =	vor.u32 $0x11, v6;
	v42 =	vmul.f32 v34, v34;
	v7 =	vadd.f32 v39, v7  }
0x585: {  	v43 =	vld.idx.msk [tilespmem:v35+s14+$0x0], $0xffff  }
0x586: {  	v44 =	vor.u32 $0x12, v6;
	v45 =	vmul.f32 v37, v37;
	v7 =	vadd.f32 v42, v7  }
0x587: {  	v46 =	vld.idx.msk [tilespmem:v38+s14+$0x0], $0xffff  }
0x588: {  	v47 =	vor.u32 $0x13, v6;
	v48 =	vmul.f32 v40, v40;
	v7 =	vadd.f32 v45, v7  }
0x589: {  	v49 =	vld.idx.msk [tilespmem:v41+s14+$0x0], $0xffff  }
0x58a: {  	v50 =	vor.u32 $0x14, v6;
	v51 =	vmul.f32 v43, v43;
	v7 =	vadd.f32 v48, v7  }
0x58b: {  	v52 =	vld.idx.msk [tilespmem:v44+s14+$0x0], $0xffff  }
0x58c: {  	v53 =	vor.u32 $0x15, v6;
	v54 =	vmul.f32 v46, v46;
	v7 =	vadd.f32 v51, v7  }
0x58d: {  	v55 =	vld.idx.msk [tilespmem:v47+s14+$0x0], $0xffff  }
0x58e: {  	v56 =	vor.u32 $0x16, v6;
	v57 =	vmul.f32 v49, v49;
	v7 =	vadd.f32 v54, v7  }
0x58f: {  	v58 =	vld.idx.msk [tilespmem:v50+s14+$0x0], $0xffff  }
0x590: {  	v59 =	vor.u32 $0x17, v6;
	v60 =	vmul.f32 v52, v52;
	v7 =	vadd.f32 v57, v7  }
0x591: {  	v61 =	vld.idx.msk [tilespmem:v53+s14+$0x0], $0xffff  }
0x592: {  	v62 =	vor.u32 $0x18, v6;
	v63 =	vmul.f32 v55, v55;
	v7 =	vadd.f32 v60, v7  }
0x593: {  	v16 =	vld.idx.msk [tilespmem:v56+s14+$0x0], $0xffff  }
0x594: {  	v17 =	vor.u32 $0x19, v6;
	v18 =	vmul.f32 v58, v58;
	v7 =	vadd.f32 v63, v7  }
0x595: {  	v19 =	vld.idx.msk [tilespmem:v59+s14+$0x0], $0xffff  }
0x596: {  	v20 =	vor.u32 $0x1A, v6;
	v21 =	vmul.f32 v61, v61;
	v7 =	vadd.f32 v18, v7  }
0x597: {  	v22 =	vld.idx.msk [tilespmem:v62+s14+$0x0], $0xffff  }
0x598: {  	v23 =	vor.u32 $0x1B, v6;
	v24 =	vmul.f32 v16, v16;
	v7 =	vadd.f32 v21, v7  }
0x599: {  	v25 =	vld.idx.msk [tilespmem:v17+s14+$0x0], $0xffff  }
0x59a: {  	v26 =	vor.u32 $0x1C, v6;
	v27 =	vmul.f32 v19, v19;
	v7 =	vadd.f32 v24, v7  }
0x59b: {  	v28 =	vld.idx.msk [tilespmem:v20+s14+$0x0], $0xffff  }
0x59c: {  	v29 =	vor.u32 $0x1D, v6;
	v30 =	vmul.f32 v22, v22;
	v7 =	vadd.f32 v27, v7  }
0x59d: {  	v31 =	vld.idx.msk [tilespmem:v23+s14+$0x0], $0xffff  }
0x59e: {  	v32 =	vor.u32 $0x1E, v6;
	v33 =	vmul.f32 v25, v25;
	v7 =	vadd.f32 v30, v7  }
0x59f: {  	v34 =	vld.idx.msk [tilespmem:v26+s14+$0x0], $0xffff  }
0x5a0: {  	v35 =	vor.u32 $0x1F, v6;
	v36 =	vmul.f32 v28, v28;
	v7 =	vadd.f32 v33, v7  }
0x5a1: {  	v37 =	vld.idx.msk [tilespmem:v29+s14+$0x0], $0xffff  }
0x5a2: {  	v38 =	vor.u32 $0x20, v6;
	v39 =	vmul.f32 v31, v31;
	v7 =	vadd.f32 v36, v7  }
0x5a3: {  	v40 =	vld.idx.msk [tilespmem:v32+s14+$0x0], $0xffff  }
0x5a4: {  	v41 =	vor.u32 $0x21, v6;
	v42 =	vmul.f32 v34, v34;
	v7 =	vadd.f32 v39, v7  }
0x5a5: {  	v43 =	vld.idx.msk [tilespmem:v35+s14+$0x0], $0xffff  }
0x5a6: {  	v44 =	vor.u32 $0x22, v6;
	v45 =	vmul.f32 v37, v37;
	v7 =	vadd.f32 v42, v7  }
0x5a7: {  	v46 =	vld.idx.msk [tilespmem:v38+s14+$0x0], $0xffff  }
0x5a8: {  	v47 =	vor.u32 $0x23, v6;
	v48 =	vmul.f32 v40, v40;
	v7 =	vadd.f32 v45, v7  }
0x5a9: {  	v49 =	vld.idx.msk [tilespmem:v41+s14+$0x0], $0xffff  }
0x5aa: {  	v50 =	vor.u32 $0x24, v6;
	v51 =	vmul.f32 v43, v43;
	v7 =	vadd.f32 v48, v7  }
0x5ab: {  	v52 =	vld.idx.msk [tilespmem:v44+s14+$0x0], $0xffff  }
0x5ac: {  	v53 =	vor.u32 $0x25, v6;
	v54 =	vmul.f32 v46, v46;
	v7 =	vadd.f32 v51, v7  }
0x5ad: {  	v55 =	vld.idx.msk [tilespmem:v47+s14+$0x0], $0xffff  }
0x5ae: {  	v56 =	vor.u32 $0x26, v6;
	v57 =	vmul.f32 v49, v49;
	v7 =	vadd.f32 v54, v7  }
0x5af: {  	v58 =	vld.idx.msk [tilespmem:v50+s14+$0x0], $0xffff  }
0x5b0: {  	v59 =	vor.u32 $0x27, v6;
	v60 =	vmul.f32 v52, v52;
	v7 =	vadd.f32 v57, v7  }
0x5b1: {  	v61 =	vld.idx.msk [tilespmem:v53+s14+$0x0], $0xffff  }
0x5b2: {  	v62 =	vor.u32 $0x28, v6;
	v63 =	vmul.f32 v55, v55;
	v7 =	vadd.f32 v60, v7  }
0x5b3: {  	v16 =	vld.idx.msk [tilespmem:v56+s14+$0x0], $0xffff  }
0x5b4: {  	v17 =	vor.u32 $0x29, v6;
	v18 =	vmul.f32 v58, v58;
	v7 =	vadd.f32 v63, v7  }
0x5b5: {  	v19 =	vld.idx.msk [tilespmem:v59+s14+$0x0], $0xffff  }
0x5b6: {  	v20 =	vor.u32 $0x2A, v6;
	v21 =	vmul.f32 v61, v61;
	v7 =	vadd.f32 v18, v7  }
0x5b7: {  	v22 =	vld.idx.msk [tilespmem:v62+s14+$0x0], $0xffff  }
0x5b8: {  	v23 =	vor.u32 $0x2B, v6;
	v24 =	vmul.f32 v16, v16;
	v7 =	vadd.f32 v21, v7  }
0x5b9: {  	v25 =	vld.idx.msk [tilespmem:v17+s14+$0x0], $0xffff  }
0x5ba: {  	v26 =	vor.u32 $0x2C, v6;
	v27 =	vmul.f32 v19, v19;
	v7 =	vadd.f32 v24, v7  }
0x5bb: {  	v28 =	vld.idx.msk [tilespmem:v20+s14+$0x0], $0xffff  }
0x5bc: {  	v29 =	vor.u32 $0x2D, v6;
	v30 =	vmul.f32 v22, v22;
	v7 =	vadd.f32 v27, v7  }
0x5bd: {  	v31 =	vld.idx.msk [tilespmem:v23+s14+$0x0], $0xffff  }
0x5be: {  	v32 =	vor.u32 $0x2E, v6;
	v33 =	vmul.f32 v25, v25;
	v7 =	vadd.f32 v30, v7  }
0x5bf: {  	v34 =	vld.idx.msk [tilespmem:v26+s14+$0x0], $0xffff  }
0x5c0: {  	v35 =	vor.u32 $0x2F, v6;
	v36 =	vmul.f32 v28, v28;
	v7 =	vadd.f32 v33, v7  }
0x5c1: {  	v37 =	vld.idx.msk [tilespmem:v29+s14+$0x0], $0xffff  }
0x5c2: {  	v38 =	vor.u32 $0x30, v6;
	v39 =	vmul.f32 v31, v31;
	v7 =	vadd.f32 v36, v7  }
0x5c3: {  	v40 =	vld.idx.msk [tilespmem:v32+s14+$0x0], $0xffff  }
0x5c4: {  	v41 =	vor.u32 $0x31, v6;
	v42 =	vmul.f32 v34, v34;
	v7 =	vadd.f32 v39, v7  }
0x5c5: {  	v43 =	vld.idx.msk [tilespmem:v35+s14+$0x0], $0xffff  }
0x5c6: {  	v44 =	vor.u32 $0x32, v6;
	v45 =	vmul.f32 v37, v37;
	v7 =	vadd.f32 v42, v7  }
0x5c7: {  	v5 =	vshll.u32 v5, $0x4;
	v46 =	vld.idx.msk [tilespmem:v38+s14+$0x0], $0xffff  }
0x5c8: {  	v47 =	vor.u32 $0x33, v6;
	v48 =	vmul.f32 v40, v40;
	v7 =	vadd.f32 v45, v7  }
0x5c9: {  	v50 =	vor.u32 $0x1, v5;
	v49 =	vld.idx.msk [tilespmem:v41+s14+$0x0], $0xffff  }
0x5ca: {  	v15 =	vor.u32 $0x34, v6;
	v51 =	vmul.f32 v43, v43;
	v7 =	vadd.f32 v48, v7  }
0x5cb: {  	v53 =	vor.u32 $0x2, v5;
	v52 =	vld.idx.msk [tilespmem:v44+s14+$0x0], $0xffff  }
0x5cc: {  	v17 =	vld.idx.msk [tilespmem:v5+s23+$0x0], $0xffff;
	v16 =	vor.u32 $0x35, v6;
	v54 =	vmul.f32 v46, v46;
	v7 =	vadd.f32 v51, v7  }
0x5cd: {  	v56 =	vor.u32 $0x3, v5;
	v55 =	vld.idx.msk [tilespmem:v47+s14+$0x0], $0xffff  }
0x5ce: {  	v14 =	vld.idx.msk [tilespmem:v50+s23+$0x0], $0xffff;
	v57 =	vmul.f32 v49, v49;
	v18 =	vor.u32 $0x36, v6;
	v7 =	vadd.f32 v54, v7  }
0x5cf: {  	v59 =	vor.u32 $0x4, v5;
	v58 =	vld.idx.msk [tilespmem:v15+s14+$0x0], $0xffff  }
0x5d0: {  	v12 =	vld.idx.msk [tilespmem:v53+s23+$0x0], $0xffff;
	v19 =	vor.u32 $0x37, v6;
	v60 =	vmul.f32 v52, v52;
	v7 =	vadd.f32 v57, v7  }
0x5d1: {  	v62 =	vor.u32 $0x5, v5;
	v61 =	vld.idx.msk [tilespmem:v16+s14+$0x0], $0xffff;
	v24 =	vadd.f32 $0.0e+00, v17  }
0x5d2: {  	v13 =	vld.idx.msk [tilespmem:v56+s23+$0x0], $0xffff;
	v20 =	vor.u32 $0x38, v6;
	v63 =	vmul.f32 v55, v55;
	v7 =	vadd.f32 v60, v7  }
0x5d3: {  	v25 =	vor.u32 $0x6, v5;
	v18 =	vld.idx.msk [tilespmem:v18+s14+$0x0], $0xffff;
	v10 =	vadd.f32 v14, v24  }
0x5d4: {  	v15 =	vld.idx.msk [tilespmem:v59+s23+$0x0], $0xffff;
	v26 =	vmul.f32 v58, v58;
	v21 =	vor.u32 $0x39, v6;
	v7 =	vadd.f32 v63, v7  }
0x5d5: {  	v29 =	vor.u32 $0x3A, v6;
	v28 =	vld.idx.msk [tilespmem:v19+s14+$0x0], $0xffff;
	v31 =	vadd.f32 v12, v10  }
0x5d6: {  	v16 =	vld.idx.msk [tilespmem:v62+s23+$0x0], $0xffff;
	v27 =	vor.u32 $0x7, v5;
	v30 =	vmul.f32 v61, v61;
	v7 =	vadd.f32 v26, v7  }
0x5d7: {  	v32 =	vor.u32 $0x8, v5;
	v33 =	vld.idx.msk [tilespmem:v20+s14+$0x0], $0xffff;
	v9 =	vadd.f32 v13, v31  }
0x5d8: {  	v34 =	vor.u32 $0x3B, v6;
	v17 =	vld.idx.msk [tilespmem:v25+s23+$0x0], $0xffff;
	v35 =	vmul.f32 v18, v18;
	v7 =	vadd.f32 v30, v7  }
0x5d9: {  	v38 =	vor.u32 $0x3C, v6;
	v37 =	vld.idx.msk [tilespmem:v21+s14+$0x0], $0xffff;
	v9 =	vadd.f32 v15, v9  }
0x5da: {  	v41 =	vld.idx.msk [tilespmem:v29+s14+$0x0], $0xffff;
	v36 =	vor.u32 $0x9, v5;
	v39 =	vmul.f32 v28, v28;
	v7 =	vadd.f32 v35, v7  }
0x5db: {  	v40 =	vor.u32 $0xA, v5;
	v11 =	vld.idx.msk [tilespmem:v27+s23+$0x0], $0xffff;
	v9 =	vadd.f32 v16, v9  }
0x5dc: {  	v10 =	vld.idx.msk [tilespmem:v32+s23+$0x0], $0xffff;
	v43 =	vmul.f32 v33, v33;
	v42 =	vor.u32 $0x3D, v6;
	v7 =	vadd.f32 v39, v7  }
0x5dd: {  	v44 =	vor.u32 $0xB, v5;
	v46 =	vor.u32 $0x3E, v6;
	v45 =	vld.idx.msk [tilespmem:v34+s14+$0x0], $0xffff  }
0x5de: {  	v49 =	vld.idx.msk [tilespmem:v38+s14+$0x0], $0xffff;
	v47 =	vmul.f32 v37, v37;
	v9 =	vadd.f32 v17, v9;
	v7 =	vadd.f32 v43, v7  }
0x5df: {  	v50 =	vmul.f32 v41, v41;
	v6 =	vor.u32 $0x3F, v6;
	v13 =	vld.idx.msk [tilespmem:v36+s23+$0x0], $0xffff  }
0x5e0: {  	v14 =	vld.idx.msk [tilespmem:v40+s23+$0x0], $0xffff;
	v9 =	vadd.f32 v11, v9;
	v48 =	vor.u32 $0xC, v5;
	v7 =	vadd.f32 v47, v7  }
0x5e1: {  	v52 =	vor.u32 $0xD, v5;
	v51 =	vld.idx.msk [tilespmem:v42+s14+$0x0], $0xffff  }
0x5e2: {  	v12 =	vld.idx.msk [tilespmem:v44+s23+$0x0], $0xffff;
	v9 =	vadd.f32 v10, v9;
	v53 =	vmul.f32 v45, v45;
	v7 =	vadd.f32 v50, v7  }
0x5e3: {  	v55 =	vor.u32 $0xE, v5;
	v54 =	vld.idx.msk [tilespmem:v46+s14+$0x0], $0xffff  }
0x5e4: {  	v56 =	vmul.f32 v49, v49;
	v6 =	vld.idx.msk [tilespmem:v6+s14+$0x0], $0xffff;
	v9 =	vadd.f32 v13, v9;
	v7 =	vadd.f32 v53, v7  }
0x5e5: {  	v5 =	vor.u32 $0xF, v5;
	v17 =	vld.idx.msk [tilespmem:v48+s23+$0x0], $0xffff  }
0x5e6: {  	v9 =	vadd.f32 v14, v9;
	v57 =	vmul.f32 v51, v51;
	v7 =	vadd.f32 v56, v7  }
0x5e7: {  	v58 =	vld.idx.msk [tilespmem:v52+s23+$0x0], $0xffff  }
0x5e8: {  	v9 =	vadd.f32 v12, v9;
	v59 =	vmul.f32 v54, v54;
	v7 =	vadd.f32 v57, v7  }
0x5e9: {  	s0 =	sadd.s32 $0x10, s25;
	v60 =	vld.idx.msk [tilespmem:v55+s23+$0x0], $0xffff  }
0x5ea: {  	v62 =	vld [tilespmem:s0+$0x0];
	v6 =	vmul.f32 v6, v6;
	v61 =	vadd.f32 v17, v9;
	v7 =	vadd.f32 v59, v7  }
0x5eb: {  	v5 =	vld.idx.msk [tilespmem:v5+s23+$0x0], $0xffff  }
0x5ec: {  	v6 =	vadd.f32 v6, v7;
	v7 =	vadd.f32 v58, v61;
	_ =	sdelay $0x1  }
0x5ed: {  	v7 =	vadd.f32 v60, v7;
	v6 =	vmul.f32 $5.000000000e-01, v6  }
0x5ee: {  	v63 =	vld [tilespmem:$0x1C270]  }
0x5ef: {  	v5 =	vadd.f32 v5, v7;
	v6 =	vadd.f32 v62, v6;
	_ =	sdelay $0x1  }
0x5f0: {  	v5 =	vadd.f32 v6, v5;
	_ =	sdelay $0x1  }
0x5f1: {  	s30 =	rddreg [dreg:$0x1];
	v5 =	vadd.f32 v5, v63  }
0x5f2: {  	s6 =	rddreg [dreg:$0xa];
	s29 =	sadd.s32 $0x10, s24  }
.Ltmp20:
0x5f3: {  	s31 =	simm.s32 $0x1C280;
	s0 =	sadd.s32 s30, s6;
	[tilespmem:s29+$0x0] =	vst v5;
	(pc) =	sbr.rel @p0 .LBB2_2-.Ltmp20, $4  }
0x5f4: {  	[hbm4b:s0+s3] =	stream.linear.scatter [tilespmem:s31], [sflag:$0x9], $0x100, $0x38;
	[tilespmem:$0x1C380] =	vst v63  }
0x5f5: {  	_ =	swait.ge [sflag:s13], $0x100  }
0x5f6: {  	[sflag:s13] =	ssyncset.done $0x0  }
0x5f7: {  	p1 =	por $0x0, $0x0;
	s0 =	simm.s32 $0x20;
	[sflag:s13] =	ssyncadd.s32 $0xFFFFFF00  }
0x5f8: {  	s6 =	rddreg [dreg:$0x9]  }
0x5f9: {  	s0 =	rddreg [dreg:$0x8];
	s6 =	sadd.s32 $0x1, s6  }
0x5fa: {  	p0 =	sne.s32 s6, s0  }
.Ltmp21:
0x5fb: {  	_ = 	snop;
	(pc) =	sbr.rel @p0 .LBB2_1-.Ltmp21, $1  }
0x5fc: {  	_ =	sdelay $0x3  }
0x5fd: {  	_ =	sfence.sel $0x180000  }
0x5fe: {  	[bflag:$0x0] =	sbarrier.arrive $0xFFFF  }
0x5ff: {  	_ =	strace $0x90000047  }
0x600: {  	s0 =	stileid.u32;
	[bflag:$0x2] =	sbarrier.arrive $0xFFFF  }
0x601: {  	p0 =	sne.s32 s0, $0x0;
	s0 =	rddreg [dreg:$0x2]  }
0x602: {  	s0 =	sadd.s32 @!p0 $0x100000, s0  }
0x603: {  	[sflag:s0] =	ssyncadd.tile.s32 @!p0 $0x1;
	_ =	shalt  }
.Lfunc_end2:
_tile_overlayer_lowered:
.L_overlay_start_2:
0x604: {  	(tag) =	ssettag $0x2  }
0x605: {  	s0 =	rddreg [dreg:$0x0];
	s2 =	stileid.u32  }
0x606: {  	s1 =	rddreg [dreg:$0x1];
	p0 =	sne.s32 s2, $0x0  }
0x607: {  	s3 =	rddreg [dreg:$0x2];
	[bflag:$0x3] =	sbarrier.arrive $0xFFFF;
	s2 =	simm.s32 @!p0 $0x1C09  }
0x608: {  	[timem:s3], [sflag:s2] =	dma.local @!p0 [hbm:s0], s1  }
0x609: {  	s0 =	simm.s32 @!p0 $0x9  }
0x60a: {  	_ =	swait.ge @!p0 [sflag:s0], s1  }
0x60b: {  	s1 =	ssub.s32 @!p0 $0x0, s1;
	[sflag:s0] =	ssyncset.done @!p0 $0x0  }
0x60c: {  	[sflag:s0] =	ssyncadd.s32 @!p0 s1  }
0x60d: {  	[bflag:$0x3] =	sbarrier.arrive $0xFFFF  }
0x60e: {  	_ =	shalt  }

</sc_bundles>
